<compile_context>
chip_gen: v7x
topology: tpu7x:2x2x1
jax: 0.10.2.dev20260603
libtpu: 0.0.44.dev20260713+nightly
codegen_flags: <defaults>
</compile_context>

<pallas_src>
import functools

import jax
import jax.numpy as jnp
import numpy as np
from jax import lax
from jax.experimental import pallas as pl
from jax.experimental.pallas import tpu as pltpu
from jax.experimental.pallas import tpu_sc as plsc

N_NODES = 10000
IN_DIM = 128
NUM_HEADS = 8
HEAD_DIM = 16
HD = NUM_HEADS * HEAD_DIM
N_EDGES = 320000
HPC = NUM_HEADS // 2
CW = HPC * HEAD_DIM
KVW = 2 * CW
ROW = 80
CHUNK = 80
N_CORES = 2
N_SUBCORES = 16
EDGES_PER_TILE = N_EDGES // N_SUBCORES
N_CHUNKS = EDGES_PER_TILE // CHUNK
ACC_ROWS = 10240
ROWS_PER_SUB = ACC_ROWS // N_SUBCORES
NBUF = 3


def _qkv_body(h_ref, wq_ref, wk_ref, wv_ref, q_ref, kv_ref):
    hb = h_ref[...]
    q_ref[...] = jnp.dot(hb, wq_ref[...][0], preferred_element_type=jnp.float32)
    kb = jnp.dot(hb, wk_ref[...][0], preferred_element_type=jnp.float32)
    vb = jnp.dot(hb, wv_ref[...][0], preferred_element_type=jnp.float32)
    kv_ref[...] = jnp.concatenate([kb, vb], axis=1)


def _qkv(h, WQ, WK, WV):
    blk = 1000
    nb = N_NODES // blk
    w_spec = pl.BlockSpec((1, IN_DIM, CW), lambda i, c: (c, 0, 0))
    return pl.pallas_call(
        _qkv_body,
        grid=(nb, N_CORES),
        in_specs=[pl.BlockSpec((blk, IN_DIM), lambda i, c: (i, 0)),
                  w_spec, w_spec, w_spec],
        out_specs=[
            pl.BlockSpec((blk, CW), lambda i, c: (c * nb + i, 0)),
            pl.BlockSpec((blk, KVW), lambda i, c: (c * nb + i, 0)),
        ],
        out_shape=[
            jax.ShapeDtypeStruct((N_CORES * N_NODES, CW), jnp.float32),
            jax.ShapeDtypeStruct((N_CORES * N_NODES, KVW), jnp.float32),
        ],
    )(h, WQ, WK, WV)


def _edge_body(q_hbm, kv_hbm, ei_hbm, out_hbm,
               ebuf, didx, gsidx, gdidx, kvbuf, qbuf, wvbuf,
               zerobuf, accum, sem_g, sem_s):
    cid = lax.axis_index("c")
    sid = lax.axis_index("s")
    node_off = cid * N_NODES

    zeros16 = jnp.zeros((16,), jnp.float32)

    def _zrow(r, _):
        for c in range(ROW // 16):
            zerobuf[r, pl.ds(c * 16, 16)] = zeros16
        return 0
    lax.fori_loop(0, CHUNK, _zrow, 0)

    base = sid * ROWS_PER_SUB
    for b in range(ROWS_PER_SUB // CHUNK):
        pltpu.sync_copy(zerobuf, accum.at[pl.ds(base + b * CHUNK, CHUNK)])
    plsc.subcore_barrier()

    edge_base = sid * EDGES_PER_TILE
    iota16 = lax.iota(jnp.int32, 16)

    def _start_gathers(i, b):
        off = edge_base + i * CHUNK
        pltpu.sync_copy(ei_hbm.at[:, pl.ds(off, CHUNK)], ebuf[b])
        for j in range(CHUNK // 16):
            sl = pl.ds(j * 16, 16)
            s_v = ebuf[b][0, sl]
            d_v = ebuf[b][1, sl]
            gsidx[b][sl] = s_v + node_off
            gdidx[b][sl] = d_v + node_off
            didx[b][sl] = d_v
        pltpu.async_copy(kv_hbm.at[gsidx[b]], kvbuf[b], sem_g[b])
        pltpu.async_copy(q_hbm.at[gdidx[b]], qbuf[b], sem_g[b])

    def _wait_gathers(b):
        pltpu.make_async_copy(kv_hbm.at[gsidx[b]], kvbuf[b], sem_g[b]).wait()
        pltpu.make_async_copy(q_hbm.at[gdidx[b]], qbuf[b], sem_g[b]).wait()

    lanesel = [(iota16 // 4) == hh for hh in range(1, HPC)]

    def _compute(b):
        def _edge(e2, _):
            for u in range(4):
                e = 4 * e2 + u
                raws = []
                for hh in range(HPC):
                    cb = hh * HEAD_DIM
                    kvv = kvbuf[b][e, pl.ds(cb, 16)]
                    qvv = qbuf[b][e, pl.ds(cb, 16)]
                    raws.append(jnp.sum(kvv * qvv))
                comb = jnp.full((16,), raws[0], jnp.float32)
                for hh in range(1, HPC):
                    comb = jnp.where(lanesel[hh - 1],
                                     jnp.full((16,), raws[hh], jnp.float32), comb)
                s_all = jnp.exp(jnp.clip(comb, -5.0, 5.0))
                wvbuf[b][e, pl.ds(CW, 16)] = s_all
                for hh in range(HPC):
                    cb = hh * HEAD_DIM
                    sh = jnp.full((16,), s_all[4 * hh], jnp.float32)
                    vv = kvbuf[b][e, pl.ds(CW + cb, 16)]
                    wvbuf[b][e, pl.ds(cb, 16)] = vv * sh
            return 0

        lax.fori_loop(0, CHUNK // 4, _edge, 0)

    def _wait_scatter(b):
        pltpu.make_async_copy(wvbuf[b], accum.at[didx[b]], sem_s[b]).wait()

    def _issue_scatter(b):
        pltpu.async_copy(wvbuf[b], accum.at[didx[b]], sem_s[b], add=True)

    _start_gathers(0, 0)
    _start_gathers(1, 1)

    NSUP = N_CHUNKS // NBUF

    def _super(t, _):
        i0 = t * NBUF
        for b in range(NBUF):
            _wait_gathers(b)
            _compute(b)
            _issue_scatter(b)
            bj = (b + 2) % NBUF
            if b == 0:
                @pl.when(t > 0)
                def _():
                    _wait_scatter(bj)
                _start_gathers(i0 + 2, bj)
            elif b == NBUF - 1:
                @pl.when(t < NSUP - 1)
                def _():
                    _wait_scatter(bj)
                    _start_gathers(i0 + b + 2, bj)
            else:
                _wait_scatter(bj)
                _start_gathers(i0 + b + 2, bj)
        return 0

    lax.fori_loop(0, NSUP, _super, 0)
    _wait_gathers(0)
    _compute(0)
    _issue_scatter(0)
    for b in range(NBUF):
        _wait_scatter(b)
    plsc.subcore_barrier()

    for b in range(5):
        rs = pl.ds(base + b * 128, 128)
        pltpu.sync_copy(accum.at[rs], out_hbm.at[cid, rs])


def _edges(q2, kv2, ei32):
    mesh = plsc.VectorSubcoreMesh(core_axis_name="c", subcore_axis_name="s")
    idx_t = pltpu.VMEM((CHUNK,), jnp.int32)
    f = functools.partial(
        pl.kernel,
        out_type=jax.ShapeDtypeStruct((N_CORES, ACC_ROWS, ROW), jnp.float32),
        mesh=mesh,
        compiler_params=pltpu.CompilerParams(
            needs_layout_passes=False, use_tc_tiling_on_sc=False),
        scratch_types=[
            [pltpu.VMEM((2, CHUNK), jnp.int32)] * NBUF,
            [idx_t] * NBUF,
            [idx_t] * NBUF,
            [idx_t] * NBUF,
            [pltpu.VMEM((CHUNK, KVW), jnp.float32)] * NBUF,
            [pltpu.VMEM((CHUNK, CW), jnp.float32)] * NBUF,
            [pltpu.VMEM((CHUNK, ROW), jnp.float32)] * NBUF,
            pltpu.VMEM((CHUNK, ROW), jnp.float32),
            pltpu.VMEM_SHARED((ACC_ROWS, ROW), jnp.float32),
            [pltpu.SemaphoreType.DMA] * NBUF,
            [pltpu.SemaphoreType.DMA] * NBUF,
        ],
    )(_edge_body)
    return f(q2, kv2, ei32)


def _comb_body(p0_ref, p1_ref, b_ref, o_ref):
    bm = b_ref[...]
    s0 = p0_ref[...][0]
    s1 = p1_ref[...][0]
    z0 = jnp.dot(s0[:, CW:CW + 16], bm, preferred_element_type=jnp.float32)
    z1 = jnp.dot(s1[:, CW:CW + 16], bm, preferred_element_type=jnp.float32)
    o_ref[...] = jnp.concatenate([s0[:, :CW] / z0, s1[:, :CW] / z1], axis=1)


def _combine(partials):
    blk = 1000
    bm_np = np.zeros((16, CW), np.float32)
    for hh in range(HPC):
        bm_np[4 * hh, HEAD_DIM * hh:HEAD_DIM * (hh + 1)] = 1.0
    bmat = jnp.asarray(bm_np)
    return pl.pallas_call(
        _comb_body,
        grid=(N_NODES // blk,),
        in_specs=[
            pl.BlockSpec((1, blk, ROW), lambda i: (0, i, 0)),
            pl.BlockSpec((1, blk, ROW), lambda i: (1, i, 0)),
            pl.BlockSpec((16, CW), lambda i: (0, 0)),
        ],
        out_specs=pl.BlockSpec((blk, HD), lambda i: (i, 0)),
        out_shape=jax.ShapeDtypeStruct((N_NODES, HD), jnp.float32),
    )(partials, partials, bmat)


def kernel(h, edge_index, WQ, WK, WV):
    ei32 = edge_index.astype(jnp.int32)
    wq = (WQ * 0.25).reshape(IN_DIM, N_CORES, CW).transpose(1, 0, 2)
    wk = WK.reshape(IN_DIM, N_CORES, CW).transpose(1, 0, 2)
    wv = WV.reshape(IN_DIM, N_CORES, CW).transpose(1, 0, 2)
    q2, kv2 = _qkv(h, wq, wk, wv)
    partials = _edges(q2, kv2, ei32)
    out = _combine(partials)
    return out.reshape(N_NODES, NUM_HEADS, HEAD_DIM)

# --- scband reference (transcript-rebuilt; emitter-appended) ---
"""Pipeline reference for scband-multi-head-attention-layer-85504208928874 (READ-ONLY COPY).

The authoritative reference and input builder live on the scoring server;
editing this copy changes nothing except your own understanding.
"""

import jax, jax.numpy as jnp
import numpy as np

NUM_HEADS = 8
OUT_DIM = 16
IN_DIM = 128
N_NODES = 10000
N_EDGES = 320000


def setup_inputs(seed: int = 0) -> dict:
    key = jax.random.key(seed)
    k1, k2, k3, k4, k5 = jax.random.split(key, 5)
    h = jax.random.normal(k1, (N_NODES, IN_DIM), dtype=jnp.float32)
    edge_index = jax.random.randint(k2, (2, N_EDGES), 0, N_NODES, dtype=jnp.int64)
    scale = 1.0 / np.sqrt(IN_DIM)
    WQ = jax.random.normal(k3, (IN_DIM, NUM_HEADS * OUT_DIM), dtype=jnp.float32) * scale
    WK = jax.random.normal(k4, (IN_DIM, NUM_HEADS * OUT_DIM), dtype=jnp.float32) * scale
    WV = jax.random.normal(k5, (IN_DIM, NUM_HEADS * OUT_DIM), dtype=jnp.float32) * scale
    return {"h": h, "edge_index": edge_index, "WQ": WQ, "WK": WK, "WV": WV}


def reference(h, edge_index, WQ, WK, WV):
    N = h.shape[0]
    # Linear projections (use_bias=False)
    Q_h = (h @ WQ).reshape(N, NUM_HEADS, OUT_DIM)
    K_h = (h @ WK).reshape(N, NUM_HEADS, OUT_DIM)
    V_h = (h @ WV).reshape(N, NUM_HEADS, OUT_DIM)
    src = edge_index[0]
    dst = edge_index[1]
    # src_dot_dst('K_h', 'Q_h', 'score'): per-edge dot product, keepdim
    score = jnp.sum(K_h[src] * Q_h[dst], axis=-1, keepdims=True)  # [E, H, 1]
    # scaled_exp('score', sqrt(out_dim)) with clamp(-5, 5)
    score = jnp.exp(jnp.clip(score / np.sqrt(OUT_DIM), -5.0, 5.0))
    # u_mul_e('V_h','score') summed onto dst -> wV ; copy_e('score') summed onto dst -> z
    wV = jnp.zeros((N, NUM_HEADS, OUT_DIM), dtype=h.dtype).at[dst].add(V_h[src] * score)
    z = jnp.zeros((N, NUM_HEADS, 1), dtype=h.dtype).at[dst].add(score)
    head_out = wV / z
    return head_out

if __name__ == "__main__":
    import jax
    _d = setup_inputs()
    print(jax.jit(kernel)(*tuple(_d.values())))

</pallas_src>

<mosaic_0001>
#map = affine_map<(d0, d1) -> (0, 0)>
#map1 = affine_map<(d0, d1) -> (0, 0, 0)>
module attributes {stable_mosaic.version = 14 : i64} {
  func.func @_edge_body(%arg0: i32, %arg1: i32, %arg2: memref<20000x64xf32, #tpu.memory_space<hbm>>, %arg3: memref<20000x128xf32, #tpu.memory_space<hbm>>, %arg4: memref<2x320000xi32, #tpu.memory_space<hbm>>, %arg5: memref<2x10240x80xf32, #tpu.memory_space<hbm>>, %arg6: memref<2x80xi32, #tpu.memory_space<vmem>>, %arg7: memref<2x80xi32, #tpu.memory_space<vmem>>, %arg8: memref<2x80xi32, #tpu.memory_space<vmem>>, %arg9: memref<80xi32, #tpu.memory_space<vmem>>, %arg10: memref<80xi32, #tpu.memory_space<vmem>>, %arg11: memref<80xi32, #tpu.memory_space<vmem>>, %arg12: memref<80xi32, #tpu.memory_space<vmem>>, %arg13: memref<80xi32, #tpu.memory_space<vmem>>, %arg14: memref<80xi32, #tpu.memory_space<vmem>>, %arg15: memref<80xi32, #tpu.memory_space<vmem>>, %arg16: memref<80xi32, #tpu.memory_space<vmem>>, %arg17: memref<80xi32, #tpu.memory_space<vmem>>, %arg18: memref<80x128xf32, #tpu.memory_space<vmem>>, %arg19: memref<80x128xf32, #tpu.memory_space<vmem>>, %arg20: memref<80x128xf32, #tpu.memory_space<vmem>>, %arg21: memref<80x64xf32, #tpu.memory_space<vmem>>, %arg22: memref<80x64xf32, #tpu.memory_space<vmem>>, %arg23: memref<80x64xf32, #tpu.memory_space<vmem>>, %arg24: memref<80x80xf32, #tpu.memory_space<vmem>>, %arg25: memref<80x80xf32, #tpu.memory_space<vmem>>, %arg26: memref<80x80xf32, #tpu.memory_space<vmem>>, %arg27: memref<80x80xf32, #tpu.memory_space<vmem>>, %arg28: memref<10240x80xf32, #tpu.memory_space<vmem_shared>>, %arg29: memref<!tpu.dma_semaphore, #tpu.memory_space<semaphore_mem>>, %arg30: memref<!tpu.dma_semaphore, #tpu.memory_space<semaphore_mem>>, %arg31: memref<!tpu.dma_semaphore, #tpu.memory_space<semaphore_mem>>, %arg32: memref<!tpu.dma_semaphore, #tpu.memory_space<semaphore_mem>>, %arg33: memref<!tpu.dma_semaphore, #tpu.memory_space<semaphore_mem>>, %arg34: memref<!tpu.dma_semaphore, #tpu.memory_space<semaphore_mem>>) attributes {dimension_semantics = [#tpu.dimension_semantics<core_parallel>, #tpu.dimension_semantics<subcore_parallel>], iteration_bounds = array<i64: 2, 16>, scalar_prefetch = 0 : i64, scratch_operands = 29 : i64, tpu.core_type = #tpu.core_type<sc_vector_subcore>, window_params = [{transform_indices = #map}, {transform_indices = #map}, {transform_indices = #map}, {transform_indices = #map1}]} {
    %mul3A = arith.constant 10000 : i32
    %mul3A_0 = arith.muli %arg0, %mul3A : i32
    %broadcast_in_dim3A = arith.constant 0.000000e+00 : f32
    %broadcast_in_dim3A_1 = vector.broadcast %broadcast_in_dim3A : f32 to vector<16xf32>
    %scan3A = arith.constant 0 : i32
    %scan3A_2 = arith.constant 0 : i32
    %scan3A_3 = arith.constant 80 : i32
    %scan3A_4 = arith.addi %scan3A_2, %scan3A_3 : i32
    %scan3A_5 = arith.constant 1 : i32
    %scan3A_6 = scf.for %scan3A_355 = %scan3A_2 to %scan3A_4 step %scan3A_5 iter_args(%scan3A_356 = %scan3A) -> (i32)  : i32 {
      %swap3A_357 = arith.index_cast %scan3A_355 : i32 to index
      %swap3A_358 = arith.constant 0 : index
      %swap3A_359 = tpu.vector_load %arg27[%swap3A_357, %swap3A_358] {strides = array<i32>} : memref<80x80xf32, #tpu.memory_space<vmem>>, vector<16xf32>,
      tpu.vector_store %arg27[%swap3A_357, %swap3A_358], %broadcast_in_dim3A_1 {strides = array<i32>} : memref<80x80xf32, #tpu.memory_space<vmem>>, vector<16xf32>,
      %swap3A_360 = arith.index_cast %scan3A_355 : i32 to index
      %swap3A_361 = arith.constant 16 : index
      %swap3A_362 = tpu.vector_load %arg27[%swap3A_360, %swap3A_361] {strides = array<i32>} : memref<80x80xf32, #tpu.memory_space<vmem>>, vector<16xf32>,
      tpu.vector_store %arg27[%swap3A_360, %swap3A_361], %broadcast_in_dim3A_1 {strides = array<i32>} : memref<80x80xf32, #tpu.memory_space<vmem>>, vector<16xf32>,
      %swap3A_363 = arith.index_cast %scan3A_355 : i32 to index
      %swap3A_364 = arith.constant 32 : index
      %swap3A_365 = tpu.vector_load %arg27[%swap3A_363, %swap3A_364] {strides = array<i32>} : memref<80x80xf32, #tpu.memory_space<vmem>>, vector<16xf32>,
      tpu.vector_store %arg27[%swap3A_363, %swap3A_364], %broadcast_in_dim3A_1 {strides = array<i32>} : memref<80x80xf32, #tpu.memory_space<vmem>>, vector<16xf32>,
      %swap3A_366 = arith.index_cast %scan3A_355 : i32 to index
      %swap3A_367 = arith.constant 48 : index
      %swap3A_368 = tpu.vector_load %arg27[%swap3A_366, %swap3A_367] {strides = array<i32>} : memref<80x80xf32, #tpu.memory_space<vmem>>, vector<16xf32>,
      tpu.vector_store %arg27[%swap3A_366, %swap3A_367], %broadcast_in_dim3A_1 {strides = array<i32>} : memref<80x80xf32, #tpu.memory_space<vmem>>, vector<16xf32>,
      %swap3A_369 = arith.index_cast %scan3A_355 : i32 to index
      %swap3A_370 = arith.constant 64 : index
      %swap3A_371 = tpu.vector_load %arg27[%swap3A_369, %swap3A_370] {strides = array<i32>} : memref<80x80xf32, #tpu.memory_space<vmem>>, vector<16xf32>,
      tpu.vector_store %arg27[%swap3A_369, %swap3A_370], %broadcast_in_dim3A_1 {strides = array<i32>} : memref<80x80xf32, #tpu.memory_space<vmem>>, vector<16xf32>,
      %scan3A_372 = arith.constant 0 : i32
      scf.yield %scan3A_372 : i32
    }
    %scan3A_7 = arith.constant 80 : i32
    %mul3A_8 = arith.constant 640 : i32
    %mul3A_9 = arith.muli %arg1, %mul3A_8 : i32
    %add3A = arith.constant 0 : i32
    %add3A_10 = arith.addi %mul3A_9, %add3A : i32
    "tpu.region"() ({
      %run_scoped3A = tpu.sem_alloc : memref<!tpu.dma_semaphore, #tpu.memory_space<semaphore_mem>>
      %dma_start3A_355 = arith.constant 0 : i32
      %dma_start3A_356 = tpu.memref_slice %arg28[%add3A_10, %dma_start3A_355] : memref<10240x80xf32, #tpu.memory_space<vmem_shared>> -> memref<80x80xf32, #tpu.memory_space<vmem_shared>>
      %dma_start3A_357 = arith.constant 0 : i32
      %dma_start3A_358 = tpu.memref_slice %arg28[%add3A_10, %dma_start3A_357] : memref<10240x80xf32, #tpu.memory_space<vmem_shared>> -> memref<80x80xf32, #tpu.memory_space<vmem_shared>>
      tpu.enqueue_dma source(%arg27 : memref<80x80xf32, #tpu.memory_space<vmem>>) target(%dma_start3A_358 : memref<80x80xf32, #tpu.memory_space<vmem_shared>>) target_semaphore(%run_scoped3A : memref<!tpu.dma_semaphore, #tpu.memory_space<semaphore_mem>>)
      %dma_wait3A_359 = arith.constant 0 : i32
      %dma_wait3A_360 = tpu.memref_slice %arg28[%add3A_10, %dma_wait3A_359] : memref<10240x80xf32, #tpu.memory_space<vmem_shared>> -> memref<80x80xf32, #tpu.memory_space<vmem_shared>>
      %dma_wait3A_361 = arith.constant 0 : i32
      %dma_wait3A_362 = tpu.memref_slice %arg28[%add3A_10, %dma_wait3A_361] : memref<10240x80xf32, #tpu.memory_space<vmem_shared>> -> memref<80x80xf32, #tpu.memory_space<vmem_shared>>
      tpu.wait_dma2 semaphore(%run_scoped3A : memref<!tpu.dma_semaphore, #tpu.memory_space<semaphore_mem>>) src(%arg27 : memref<80x80xf32, #tpu.memory_space<vmem>>) dst(%dma_wait3A_362 : memref<80x80xf32, #tpu.memory_space<vmem_shared>>)
      tpu.yield
    }) : () -> ()
    %add3A_11 = arith.constant 80 : i32
    %add3A_12 = arith.addi %mul3A_9, %add3A_11 : i32
    "tpu.region"() ({
      %run_scoped3A = tpu.sem_alloc : memref<!tpu.dma_semaphore, #tpu.memory_space<semaphore_mem>>
      %dma_start3A_355 = arith.constant 0 : i32
      %dma_start3A_356 = tpu.memref_slice %arg28[%add3A_12, %dma_start3A_355] : memref<10240x80xf32, #tpu.memory_space<vmem_shared>> -> memref<80x80xf32, #tpu.memory_space<vmem_shared>>
      %dma_start3A_357 = arith.constant 0 : i32
      %dma_start3A_358 = tpu.memref_slice %arg28[%add3A_12, %dma_start3A_357] : memref<10240x80xf32, #tpu.memory_space<vmem_shared>> -> memref<80x80xf32, #tpu.memory_space<vmem_shared>>
      tpu.enqueue_dma source(%arg27 : memref<80x80xf32, #tpu.memory_space<vmem>>) target(%dma_start3A_358 : memref<80x80xf32, #tpu.memory_space<vmem_shared>>) target_semaphore(%run_scoped3A : memref<!tpu.dma_semaphore, #tpu.memory_space<semaphore_mem>>)
      %dma_wait3A_359 = arith.constant 0 : i32
      %dma_wait3A_360 = tpu.memref_slice %arg28[%add3A_12, %dma_wait3A_359] : memref<10240x80xf32, #tpu.memory_space<vmem_shared>> -> memref<80x80xf32, #tpu.memory_space<vmem_shared>>
      %dma_wait3A_361 = arith.constant 0 : i32
      %dma_wait3A_362 = tpu.memref_slice %arg28[%add3A_12, %dma_wait3A_361] : memref<10240x80xf32, #tpu.memory_space<vmem_shared>> -> memref<80x80xf32, #tpu.memory_space<vmem_shared>>
      tpu.wait_dma2 semaphore(%run_scoped3A : memref<!tpu.dma_semaphore, #tpu.memory_space<semaphore_mem>>) src(%arg27 : memref<80x80xf32, #tpu.memory_space<vmem>>) dst(%dma_wait3A_362 : memref<80x80xf32, #tpu.memory_space<vmem_shared>>)
      tpu.yield
    }) : () -> ()
    %add3A_13 = arith.constant 160 : i32
    %add3A_14 = arith.addi %mul3A_9, %add3A_13 : i32
    "tpu.region"() ({
      %run_scoped3A = tpu.sem_alloc : memref<!tpu.dma_semaphore, #tpu.memory_space<semaphore_mem>>
      %dma_start3A_355 = arith.constant 0 : i32
      %dma_start3A_356 = tpu.memref_slice %arg28[%add3A_14, %dma_start3A_355] : memref<10240x80xf32, #tpu.memory_space<vmem_shared>> -> memref<80x80xf32, #tpu.memory_space<vmem_shared>>
      %dma_start3A_357 = arith.constant 0 : i32
      %dma_start3A_358 = tpu.memref_slice %arg28[%add3A_14, %dma_start3A_357] : memref<10240x80xf32, #tpu.memory_space<vmem_shared>> -> memref<80x80xf32, #tpu.memory_space<vmem_shared>>
      tpu.enqueue_dma source(%arg27 : memref<80x80xf32, #tpu.memory_space<vmem>>) target(%dma_start3A_358 : memref<80x80xf32, #tpu.memory_space<vmem_shared>>) target_semaphore(%run_scoped3A : memref<!tpu.dma_semaphore, #tpu.memory_space<semaphore_mem>>)
      %dma_wait3A_359 = arith.constant 0 : i32
      %dma_wait3A_360 = tpu.memref_slice %arg28[%add3A_14, %dma_wait3A_359] : memref<10240x80xf32, #tpu.memory_space<vmem_shared>> -> memref<80x80xf32, #tpu.memory_space<vmem_shared>>
      %dma_wait3A_361 = arith.constant 0 : i32
      %dma_wait3A_362 = tpu.memref_slice %arg28[%add3A_14, %dma_wait3A_361] : memref<10240x80xf32, #tpu.memory_space<vmem_shared>> -> memref<80x80xf32, #tpu.memory_space<vmem_shared>>
      tpu.wait_dma2 semaphore(%run_scoped3A : memref<!tpu.dma_semaphore, #tpu.memory_space<semaphore_mem>>) src(%arg27 : memref<80x80xf32, #tpu.memory_space<vmem>>) dst(%dma_wait3A_362 : memref<80x80xf32, #tpu.memory_space<vmem_shared>>)
      tpu.yield
    }) : () -> ()
    %add3A_15 = arith.constant 240 : i32
    %add3A_16 = arith.addi %mul3A_9, %add3A_15 : i32
    "tpu.region"() ({
      %run_scoped3A = tpu.sem_alloc : memref<!tpu.dma_semaphore, #tpu.memory_space<semaphore_mem>>
      %dma_start3A_355 = arith.constant 0 : i32
      %dma_start3A_356 = tpu.memref_slice %arg28[%add3A_16, %dma_start3A_355] : memref<10240x80xf32, #tpu.memory_space<vmem_shared>> -> memref<80x80xf32, #tpu.memory_space<vmem_shared>>
      %dma_start3A_357 = arith.constant 0 : i32
      %dma_start3A_358 = tpu.memref_slice %arg28[%add3A_16, %dma_start3A_357] : memref<10240x80xf32, #tpu.memory_space<vmem_shared>> -> memref<80x80xf32, #tpu.memory_space<vmem_shared>>
      tpu.enqueue_dma source(%arg27 : memref<80x80xf32, #tpu.memory_space<vmem>>) target(%dma_start3A_358 : memref<80x80xf32, #tpu.memory_space<vmem_shared>>) target_semaphore(%run_scoped3A : memref<!tpu.dma_semaphore, #tpu.memory_space<semaphore_mem>>)
      %dma_wait3A_359 = arith.constant 0 : i32
      %dma_wait3A_360 = tpu.memref_slice %arg28[%add3A_16, %dma_wait3A_359] : memref<10240x80xf32, #tpu.memory_space<vmem_shared>> -> memref<80x80xf32, #tpu.memory_space<vmem_shared>>
      %dma_wait3A_361 = arith.constant 0 : i32
      %dma_wait3A_362 = tpu.memref_slice %arg28[%add3A_16, %dma_wait3A_361] : memref<10240x80xf32, #tpu.memory_space<vmem_shared>> -> memref<80x80xf32, #tpu.memory_space<vmem_shared>>
      tpu.wait_dma2 semaphore(%run_scoped3A : memref<!tpu.dma_semaphore, #tpu.memory_space<semaphore_mem>>) src(%arg27 : memref<80x80xf32, #tpu.memory_space<vmem>>) dst(%dma_wait3A_362 : memref<80x80xf32, #tpu.memory_space<vmem_shared>>)
      tpu.yield
    }) : () -> ()
    %add3A_17 = arith.constant 320 : i32
    %add3A_18 = arith.addi %mul3A_9, %add3A_17 : i32
    "tpu.region"() ({
      %run_scoped3A = tpu.sem_alloc : memref<!tpu.dma_semaphore, #tpu.memory_space<semaphore_mem>>
      %dma_start3A_355 = arith.constant 0 : i32
      %dma_start3A_356 = tpu.memref_slice %arg28[%add3A_18, %dma_start3A_355] : memref<10240x80xf32, #tpu.memory_space<vmem_shared>> -> memref<80x80xf32, #tpu.memory_space<vmem_shared>>
      %dma_start3A_357 = arith.constant 0 : i32
      %dma_start3A_358 = tpu.memref_slice %arg28[%add3A_18, %dma_start3A_357] : memref<10240x80xf32, #tpu.memory_space<vmem_shared>> -> memref<80x80xf32, #tpu.memory_space<vmem_shared>>
      tpu.enqueue_dma source(%arg27 : memref<80x80xf32, #tpu.memory_space<vmem>>) target(%dma_start3A_358 : memref<80x80xf32, #tpu.memory_space<vmem_shared>>) target_semaphore(%run_scoped3A : memref<!tpu.dma_semaphore, #tpu.memory_space<semaphore_mem>>)
      %dma_wait3A_359 = arith.constant 0 : i32
      %dma_wait3A_360 = tpu.memref_slice %arg28[%add3A_18, %dma_wait3A_359] : memref<10240x80xf32, #tpu.memory_space<vmem_shared>> -> memref<80x80xf32, #tpu.memory_space<vmem_shared>>
      %dma_wait3A_361 = arith.constant 0 : i32
      %dma_wait3A_362 = tpu.memref_slice %arg28[%add3A_18, %dma_wait3A_361] : memref<10240x80xf32, #tpu.memory_space<vmem_shared>> -> memref<80x80xf32, #tpu.memory_space<vmem_shared>>
      tpu.wait_dma2 semaphore(%run_scoped3A : memref<!tpu.dma_semaphore, #tpu.memory_space<semaphore_mem>>) src(%arg27 : memref<80x80xf32, #tpu.memory_space<vmem>>) dst(%dma_wait3A_362 : memref<80x80xf32, #tpu.memory_space<vmem_shared>>)
      tpu.yield
    }) : () -> ()
    %add3A_19 = arith.constant 400 : i32
    %add3A_20 = arith.addi %mul3A_9, %add3A_19 : i32
    "tpu.region"() ({
      %run_scoped3A = tpu.sem_alloc : memref<!tpu.dma_semaphore, #tpu.memory_space<semaphore_mem>>
      %dma_start3A_355 = arith.constant 0 : i32
      %dma_start3A_356 = tpu.memref_slice %arg28[%add3A_20, %dma_start3A_355] : memref<10240x80xf32, #tpu.memory_space<vmem_shared>> -> memref<80x80xf32, #tpu.memory_space<vmem_shared>>
      %dma_start3A_357 = arith.constant 0 : i32
      %dma_start3A_358 = tpu.memref_slice %arg28[%add3A_20, %dma_start3A_357] : memref<10240x80xf32, #tpu.memory_space<vmem_shared>> -> memref<80x80xf32, #tpu.memory_space<vmem_shared>>
      tpu.enqueue_dma source(%arg27 : memref<80x80xf32, #tpu.memory_space<vmem>>) target(%dma_start3A_358 : memref<80x80xf32, #tpu.memory_space<vmem_shared>>) target_semaphore(%run_scoped3A : memref<!tpu.dma_semaphore, #tpu.memory_space<semaphore_mem>>)
      %dma_wait3A_359 = arith.constant 0 : i32
      %dma_wait3A_360 = tpu.memref_slice %arg28[%add3A_20, %dma_wait3A_359] : memref<10240x80xf32, #tpu.memory_space<vmem_shared>> -> memref<80x80xf32, #tpu.memory_space<vmem_shared>>
      %dma_wait3A_361 = arith.constant 0 : i32
      %dma_wait3A_362 = tpu.memref_slice %arg28[%add3A_20, %dma_wait3A_361] : memref<10240x80xf32, #tpu.memory_space<vmem_shared>> -> memref<80x80xf32, #tpu.memory_space<vmem_shared>>
      tpu.wait_dma2 semaphore(%run_scoped3A : memref<!tpu.dma_semaphore, #tpu.memory_space<semaphore_mem>>) src(%arg27 : memref<80x80xf32, #tpu.memory_space<vmem>>) dst(%dma_wait3A_362 : memref<80x80xf32, #tpu.memory_space<vmem_shared>>)
      tpu.yield
    }) : () -> ()
    %add3A_21 = arith.constant 480 : i32
    %add3A_22 = arith.addi %mul3A_9, %add3A_21 : i32
    "tpu.region"() ({
      %run_scoped3A = tpu.sem_alloc : memref<!tpu.dma_semaphore, #tpu.memory_space<semaphore_mem>>
      %dma_start3A_355 = arith.constant 0 : i32
      %dma_start3A_356 = tpu.memref_slice %arg28[%add3A_22, %dma_start3A_355] : memref<10240x80xf32, #tpu.memory_space<vmem_shared>> -> memref<80x80xf32, #tpu.memory_space<vmem_shared>>
      %dma_start3A_357 = arith.constant 0 : i32
      %dma_start3A_358 = tpu.memref_slice %arg28[%add3A_22, %dma_start3A_357] : memref<10240x80xf32, #tpu.memory_space<vmem_shared>> -> memref<80x80xf32, #tpu.memory_space<vmem_shared>>
      tpu.enqueue_dma source(%arg27 : memref<80x80xf32, #tpu.memory_space<vmem>>) target(%dma_start3A_358 : memref<80x80xf32, #tpu.memory_space<vmem_shared>>) target_semaphore(%run_scoped3A : memref<!tpu.dma_semaphore, #tpu.memory_space<semaphore_mem>>)
      %dma_wait3A_359 = arith.constant 0 : i32
      %dma_wait3A_360 = tpu.memref_slice %arg28[%add3A_22, %dma_wait3A_359] : memref<10240x80xf32, #tpu.memory_space<vmem_shared>> -> memref<80x80xf32, #tpu.memory_space<vmem_shared>>
      %dma_wait3A_361 = arith.constant 0 : i32
      %dma_wait3A_362 = tpu.memref_slice %arg28[%add3A_22, %dma_wait3A_361] : memref<10240x80xf32, #tpu.memory_space<vmem_shared>> -> memref<80x80xf32, #tpu.memory_space<vmem_shared>>
      tpu.wait_dma2 semaphore(%run_scoped3A : memref<!tpu.dma_semaphore, #tpu.memory_space<semaphore_mem>>) src(%arg27 : memref<80x80xf32, #tpu.memory_space<vmem>>) dst(%dma_wait3A_362 : memref<80x80xf32, #tpu.memory_space<vmem_shared>>)
      tpu.yield
    }) : () -> ()
    %add3A_23 = arith.constant 560 : i32
    %add3A_24 = arith.addi %mul3A_9, %add3A_23 : i32
    "tpu.region"() ({
      %run_scoped3A = tpu.sem_alloc : memref<!tpu.dma_semaphore, #tpu.memory_space<semaphore_mem>>
      %dma_start3A_355 = arith.constant 0 : i32
      %dma_start3A_356 = tpu.memref_slice %arg28[%add3A_24, %dma_start3A_355] : memref<10240x80xf32, #tpu.memory_space<vmem_shared>> -> memref<80x80xf32, #tpu.memory_space<vmem_shared>>
      %dma_start3A_357 = arith.constant 0 : i32
      %dma_start3A_358 = tpu.memref_slice %arg28[%add3A_24, %dma_start3A_357] : memref<10240x80xf32, #tpu.memory_space<vmem_shared>> -> memref<80x80xf32, #tpu.memory_space<vmem_shared>>
      tpu.enqueue_dma source(%arg27 : memref<80x80xf32, #tpu.memory_space<vmem>>) target(%dma_start3A_358 : memref<80x80xf32, #tpu.memory_space<vmem_shared>>) target_semaphore(%run_scoped3A : memref<!tpu.dma_semaphore, #tpu.memory_space<semaphore_mem>>)
      %dma_wait3A_359 = arith.constant 0 : i32
      %dma_wait3A_360 = tpu.memref_slice %arg28[%add3A_24, %dma_wait3A_359] : memref<10240x80xf32, #tpu.memory_space<vmem_shared>> -> memref<80x80xf32, #tpu.memory_space<vmem_shared>>
      %dma_wait3A_361 = arith.constant 0 : i32
      %dma_wait3A_362 = tpu.memref_slice %arg28[%add3A_24, %dma_wait3A_361] : memref<10240x80xf32, #tpu.memory_space<vmem_shared>> -> memref<80x80xf32, #tpu.memory_space<vmem_shared>>
      tpu.wait_dma2 semaphore(%run_scoped3A : memref<!tpu.dma_semaphore, #tpu.memory_space<semaphore_mem>>) src(%arg27 : memref<80x80xf32, #tpu.memory_space<vmem>>) dst(%dma_wait3A_362 : memref<80x80xf32, #tpu.memory_space<vmem_shared>>)
      tpu.yield
    }) : () -> ()
    %barrier3A = arith.constant 0 : index
    tpu.barrier barrier_id(%barrier3A)
    %mul3A_25 = arith.constant 20000 : i32
    %mul3A_26 = arith.muli %arg1, %mul3A_25 : i32
    %iota3A = tpu.iota {dimensions = array<i32: 0>} : vector<16xi32>
    %jit3A = arith.constant 4 : i32
    %div3A = vector.broadcast %jit3A : i32 to vector<16xi32>
    %div3A_27 = arith.divsi %iota3A, %div3A : vector<16xi32>
    %sign3A = arith.constant 0 : i32
    %sign3A_28 = vector.broadcast %sign3A : i32 to vector<16xi32>
    %sign3A_29 = arith.cmpi sgt, %iota3A, %sign3A_28 : vector<16xi32>
    %sign3A_30 = arith.extui %sign3A_29 : vector<16xi1> to vector<16xi32>
    %sign3A_31 = arith.constant 0 : i32
    %sign3A_32 = vector.broadcast %sign3A_31 : i32 to vector<16xi32>
    %sign3A_33 = arith.cmpi slt, %iota3A, %sign3A_32 : vector<16xi32>
    %sign3A_34 = arith.extui %sign3A_33 : vector<16xi1> to vector<16xi32>
    %sign3A_35 = arith.subi %sign3A_30, %sign3A_34 : vector<16xi32>
    %sign3A_36 = arith.constant 0 : i32
    %sign3A_37 = arith.cmpi sgt, %jit3A, %sign3A_36 : i32
    %sign3A_38 = arith.extui %sign3A_37 : i1 to i32
    %sign3A_39 = arith.constant 0 : i32
    %sign3A_40 = arith.cmpi slt, %jit3A, %sign3A_39 : i32
    %sign3A_41 = arith.extui %sign3A_40 : i1 to i32
    %sign3A_42 = arith.subi %sign3A_38, %sign3A_41 : i32
    %ne3A = vector.broadcast %sign3A_42 : i32 to vector<16xi32>
    %ne3A_43 = arith.cmpi ne, %sign3A_35, %ne3A : vector<16xi32>
    %rem3A = vector.broadcast %jit3A : i32 to vector<16xi32>
    %rem3A_44 = arith.remsi %iota3A, %rem3A : vector<16xi32>
    %ne3A_45 = arith.constant 0 : i32
    %ne3A_46 = vector.broadcast %ne3A_45 : i32 to vector<16xi32>
    %ne3A_47 = arith.cmpi ne, %rem3A_44, %ne3A_46 : vector<16xi32>
    %and3A = arith.andi %ne3A_43, %ne3A_47 : vector<16xi1>
    %sub3A = arith.constant 1 : i32
    %sub3A_48 = vector.broadcast %sub3A : i32 to vector<16xi32>
    %sub3A_49 = arith.subi %div3A_27, %sub3A_48 : vector<16xi32>
    %select_n3A = arith.select %and3A, %sub3A_49, %div3A_27 : vector<16xi1>, vector<16xi32>
    %eq3A = arith.constant 1 : i32
    %eq3A_50 = vector.broadcast %eq3A : i32 to vector<16xi32>
    %eq3A_51 = arith.cmpi eq, %select_n3A, %eq3A_50 : vector<16xi32>
    %jit3A_52 = arith.constant 4 : i32
    %div3A_53 = vector.broadcast %jit3A_52 : i32 to vector<16xi32>
    %div3A_54 = arith.divsi %iota3A, %div3A_53 : vector<16xi32>
    %sign3A_55 = arith.constant 0 : i32
    %sign3A_56 = vector.broadcast %sign3A_55 : i32 to vector<16xi32>
    %sign3A_57 = arith.cmpi sgt, %iota3A, %sign3A_56 : vector<16xi32>
    %sign3A_58 = arith.extui %sign3A_57 : vector<16xi1> to vector<16xi32>
    %sign3A_59 = arith.constant 0 : i32
    %sign3A_60 = vector.broadcast %sign3A_59 : i32 to vector<16xi32>
    %sign3A_61 = arith.cmpi slt, %iota3A, %sign3A_60 : vector<16xi32>
    %sign3A_62 = arith.extui %sign3A_61 : vector<16xi1> to vector<16xi32>
    %sign3A_63 = arith.subi %sign3A_58, %sign3A_62 : vector<16xi32>
    %sign3A_64 = arith.constant 0 : i32
    %sign3A_65 = arith.cmpi sgt, %jit3A_52, %sign3A_64 : i32
    %sign3A_66 = arith.extui %sign3A_65 : i1 to i32
    %sign3A_67 = arith.constant 0 : i32
    %sign3A_68 = arith.cmpi slt, %jit3A_52, %sign3A_67 : i32
    %sign3A_69 = arith.extui %sign3A_68 : i1 to i32
    %sign3A_70 = arith.subi %sign3A_66, %sign3A_69 : i32
    %ne3A_71 = vector.broadcast %sign3A_70 : i32 to vector<16xi32>
    %ne3A_72 = arith.cmpi ne, %sign3A_63, %ne3A_71 : vector<16xi32>
    %rem3A_73 = vector.broadcast %jit3A_52 : i32 to vector<16xi32>
    %rem3A_74 = arith.remsi %iota3A, %rem3A_73 : vector<16xi32>
    %ne3A_75 = arith.constant 0 : i32
    %ne3A_76 = vector.broadcast %ne3A_75 : i32 to vector<16xi32>
    %ne3A_77 = arith.cmpi ne, %rem3A_74, %ne3A_76 : vector<16xi32>
    %and3A_78 = arith.andi %ne3A_72, %ne3A_77 : vector<16xi1>
    %sub3A_79 = arith.constant 1 : i32
    %sub3A_80 = vector.broadcast %sub3A_79 : i32 to vector<16xi32>
    %sub3A_81 = arith.subi %div3A_54, %sub3A_80 : vector<16xi32>
    %select_n3A_82 = arith.select %and3A_78, %sub3A_81, %div3A_54 : vector<16xi1>, vector<16xi32>
    %eq3A_83 = arith.constant 2 : i32
    %eq3A_84 = vector.broadcast %eq3A_83 : i32 to vector<16xi32>
    %eq3A_85 = arith.cmpi eq, %select_n3A_82, %eq3A_84 : vector<16xi32>
    %jit3A_86 = arith.constant 4 : i32
    %div3A_87 = vector.broadcast %jit3A_86 : i32 to vector<16xi32>
    %div3A_88 = arith.divsi %iota3A, %div3A_87 : vector<16xi32>
    %sign3A_89 = arith.constant 0 : i32
    %sign3A_90 = vector.broadcast %sign3A_89 : i32 to vector<16xi32>
    %sign3A_91 = arith.cmpi sgt, %iota3A, %sign3A_90 : vector<16xi32>
    %sign3A_92 = arith.extui %sign3A_91 : vector<16xi1> to vector<16xi32>
    %sign3A_93 = arith.constant 0 : i32
    %sign3A_94 = vector.broadcast %sign3A_93 : i32 to vector<16xi32>
    %sign3A_95 = arith.cmpi slt, %iota3A, %sign3A_94 : vector<16xi32>
    %sign3A_96 = arith.extui %sign3A_95 : vector<16xi1> to vector<16xi32>
    %sign3A_97 = arith.subi %sign3A_92, %sign3A_96 : vector<16xi32>
    %sign3A_98 = arith.constant 0 : i32
    %sign3A_99 = arith.cmpi sgt, %jit3A_86, %sign3A_98 : i32
    %sign3A_100 = arith.extui %sign3A_99 : i1 to i32
    %sign3A_101 = arith.constant 0 : i32
    %sign3A_102 = arith.cmpi slt, %jit3A_86, %sign3A_101 : i32
    %sign3A_103 = arith.extui %sign3A_102 : i1 to i32
    %sign3A_104 = arith.subi %sign3A_100, %sign3A_103 : i32
    %ne3A_105 = vector.broadcast %sign3A_104 : i32 to vector<16xi32>
    %ne3A_106 = arith.cmpi ne, %sign3A_97, %ne3A_105 : vector<16xi32>
    %rem3A_107 = vector.broadcast %jit3A_86 : i32 to vector<16xi32>
    %rem3A_108 = arith.remsi %iota3A, %rem3A_107 : vector<16xi32>
    %ne3A_109 = arith.constant 0 : i32
    %ne3A_110 = vector.broadcast %ne3A_109 : i32 to vector<16xi32>
    %ne3A_111 = arith.cmpi ne, %rem3A_108, %ne3A_110 : vector<16xi32>
    %and3A_112 = arith.andi %ne3A_106, %ne3A_111 : vector<16xi1>
    %sub3A_113 = arith.constant 1 : i32
    %sub3A_114 = vector.broadcast %sub3A_113 : i32 to vector<16xi32>
    %sub3A_115 = arith.subi %div3A_88, %sub3A_114 : vector<16xi32>
    %select_n3A_116 = arith.select %and3A_112, %sub3A_115, %div3A_88 : vector<16xi1>, vector<16xi32>
    %eq3A_117 = arith.constant 3 : i32
    %eq3A_118 = vector.broadcast %eq3A_117 : i32 to vector<16xi32>
    %eq3A_119 = arith.cmpi eq, %select_n3A_116, %eq3A_118 : vector<16xi32>
    %add3A_120 = arith.constant 0 : i32
    %add3A_121 = arith.addi %mul3A_26, %add3A_120 : i32
    "tpu.region"() ({
      %run_scoped3A = tpu.sem_alloc : memref<!tpu.dma_semaphore, #tpu.memory_space<semaphore_mem>>
      %dma_start3A_355 = arith.constant 0 : i32
      %dma_start3A_356 = tpu.memref_slice %arg4[%dma_start3A_355, %add3A_121] : memref<2x320000xi32, #tpu.memory_space<hbm>> -> memref<2x80xi32, #tpu.memory_space<hbm>>
      %dma_start3A_357 = arith.constant 0 : i32
      %dma_start3A_358 = tpu.memref_slice %arg4[%dma_start3A_357, %add3A_121] : memref<2x320000xi32, #tpu.memory_space<hbm>> -> memref<2x80xi32, #tpu.memory_space<hbm>>
      tpu.enqueue_dma source(%dma_start3A_358 : memref<2x80xi32, #tpu.memory_space<hbm>>) target(%arg6 : memref<2x80xi32, #tpu.memory_space<vmem>>) target_semaphore(%run_scoped3A : memref<!tpu.dma_semaphore, #tpu.memory_space<semaphore_mem>>)
      %dma_wait3A_359 = arith.constant 0 : i32
      %dma_wait3A_360 = tpu.memref_slice %arg4[%dma_wait3A_359, %add3A_121] : memref<2x320000xi32, #tpu.memory_space<hbm>> -> memref<2x80xi32, #tpu.memory_space<hbm>>
      %dma_wait3A_361 = arith.constant 0 : i32
      %dma_wait3A_362 = tpu.memref_slice %arg4[%dma_wait3A_361, %add3A_121] : memref<2x320000xi32, #tpu.memory_space<hbm>> -> memref<2x80xi32, #tpu.memory_space<hbm>>
      tpu.wait_dma2 semaphore(%run_scoped3A : memref<!tpu.dma_semaphore, #tpu.memory_space<semaphore_mem>>) src(%dma_wait3A_362 : memref<2x80xi32, #tpu.memory_space<hbm>>) dst(%arg6 : memref<2x80xi32, #tpu.memory_space<vmem>>)
      tpu.yield
    }) : () -> ()
    %get3A = arith.constant 0 : i32
    %get3A_122 = arith.index_cast %get3A : i32 to index
    %get3A_123 = arith.constant 0 : index
    %get3A_124 = tpu.vector_load %arg6[%get3A_122, %get3A_123] {strides = array<i32>} : memref<2x80xi32, #tpu.memory_space<vmem>>, vector<16xi32>,
    %get3A_125 = arith.constant 1 : i32
    %get3A_126 = arith.index_cast %get3A_125 : i32 to index
    %get3A_127 = arith.constant 0 : index
    %get3A_128 = tpu.vector_load %arg6[%get3A_126, %get3A_127] {strides = array<i32>} : memref<2x80xi32, #tpu.memory_space<vmem>>, vector<16xi32>,
    %add3A_129 = vector.broadcast %mul3A_0 : i32 to vector<16xi32>
    %add3A_130 = arith.addi %get3A_124, %add3A_129 : vector<16xi32>
    %swap3A = arith.constant 0 : index
    %swap3A_131 = tpu.vector_load %arg12[%swap3A] {strides = array<i32>} : memref<80xi32, #tpu.memory_space<vmem>>, vector<16xi32>,
    tpu.vector_store %arg12[%swap3A], %add3A_130 {strides = array<i32>} : memref<80xi32, #tpu.memory_space<vmem>>, vector<16xi32>,
    %add3A_132 = vector.broadcast %mul3A_0 : i32 to vector<16xi32>
    %add3A_133 = arith.addi %get3A_128, %add3A_132 : vector<16xi32>
    %swap3A_134 = arith.constant 0 : index
    %swap3A_135 = tpu.vector_load %arg15[%swap3A_134] {strides = array<i32>} : memref<80xi32, #tpu.memory_space<vmem>>, vector<16xi32>,
    tpu.vector_store %arg15[%swap3A_134], %add3A_133 {strides = array<i32>} : memref<80xi32, #tpu.memory_space<vmem>>, vector<16xi32>,
    %swap3A_136 = arith.constant 0 : index
    %swap3A_137 = tpu.vector_load %arg9[%swap3A_136] {strides = array<i32>} : memref<80xi32, #tpu.memory_space<vmem>>, vector<16xi32>,
    tpu.vector_store %arg9[%swap3A_136], %get3A_128 {strides = array<i32>} : memref<80xi32, #tpu.memory_space<vmem>>, vector<16xi32>,
    %get3A_138 = arith.constant 0 : i32
    %get3A_139 = arith.index_cast %get3A_138 : i32 to index
    %get3A_140 = arith.constant 16 : index
    %get3A_141 = tpu.vector_load %arg6[%get3A_139, %get3A_140] {strides = array<i32>} : memref<2x80xi32, #tpu.memory_space<vmem>>, vector<16xi32>,
    %get3A_142 = arith.constant 1 : i32
    %get3A_143 = arith.index_cast %get3A_142 : i32 to index
    %get3A_144 = arith.constant 16 : index
    %get3A_145 = tpu.vector_load %arg6[%get3A_143, %get3A_144] {strides = array<i32>} : memref<2x80xi32, #tpu.memory_space<vmem>>, vector<16xi32>,
    %add3A_146 = vector.broadcast %mul3A_0 : i32 to vector<16xi32>
    %add3A_147 = arith.addi %get3A_141, %add3A_146 : vector<16xi32>
    %swap3A_148 = arith.constant 16 : index
    %swap3A_149 = tpu.vector_load %arg12[%swap3A_148] {strides = array<i32>} : memref<80xi32, #tpu.memory_space<vmem>>, vector<16xi32>,
    tpu.vector_store %arg12[%swap3A_148], %add3A_147 {strides = array<i32>} : memref<80xi32, #tpu.memory_space<vmem>>, vector<16xi32>,
    %add3A_150 = vector.broadcast %mul3A_0 : i32 to vector<16xi32>
    %add3A_151 = arith.addi %get3A_145, %add3A_150 : vector<16xi32>
    %swap3A_152 = arith.constant 16 : index
    %swap3A_153 = tpu.vector_load %arg15[%swap3A_152] {strides = array<i32>} : memref<80xi32, #tpu.memory_space<vmem>>, vector<16xi32>,
    tpu.vector_store %arg15[%swap3A_152], %add3A_151 {strides = array<i32>} : memref<80xi32, #tpu.memory_space<vmem>>, vector<16xi32>,
    %swap3A_154 = arith.constant 16 : index
    %swap3A_155 = tpu.vector_load %arg9[%swap3A_154] {strides = array<i32>} : memref<80xi32, #tpu.memory_space<vmem>>, vector<16xi32>,
    tpu.vector_store %arg9[%swap3A_154], %get3A_145 {strides = array<i32>} : memref<80xi32, #tpu.memory_space<vmem>>, vector<16xi32>,
    %get3A_156 = arith.constant 0 : i32
    %get3A_157 = arith.index_cast %get3A_156 : i32 to index
    %get3A_158 = arith.constant 32 : index
    %get3A_159 = tpu.vector_load %arg6[%get3A_157, %get3A_158] {strides = array<i32>} : memref<2x80xi32, #tpu.memory_space<vmem>>, vector<16xi32>,
    %get3A_160 = arith.constant 1 : i32
    %get3A_161 = arith.index_cast %get3A_160 : i32 to index
    %get3A_162 = arith.constant 32 : index
    %get3A_163 = tpu.vector_load %arg6[%get3A_161, %get3A_162] {strides = array<i32>} : memref<2x80xi32, #tpu.memory_space<vmem>>, vector<16xi32>,
    %add3A_164 = vector.broadcast %mul3A_0 : i32 to vector<16xi32>
    %add3A_165 = arith.addi %get3A_159, %add3A_164 : vector<16xi32>
    %swap3A_166 = arith.constant 32 : index
    %swap3A_167 = tpu.vector_load %arg12[%swap3A_166] {strides = array<i32>} : memref<80xi32, #tpu.memory_space<vmem>>, vector<16xi32>,
    tpu.vector_store %arg12[%swap3A_166], %add3A_165 {strides = array<i32>} : memref<80xi32, #tpu.memory_space<vmem>>, vector<16xi32>,
    %add3A_168 = vector.broadcast %mul3A_0 : i32 to vector<16xi32>
    %add3A_169 = arith.addi %get3A_163, %add3A_168 : vector<16xi32>
    %swap3A_170 = arith.constant 32 : index
    %swap3A_171 = tpu.vector_load %arg15[%swap3A_170] {strides = array<i32>} : memref<80xi32, #tpu.memory_space<vmem>>, vector<16xi32>,
    tpu.vector_store %arg15[%swap3A_170], %add3A_169 {strides = array<i32>} : memref<80xi32, #tpu.memory_space<vmem>>, vector<16xi32>,
    %swap3A_172 = arith.constant 32 : index
    %swap3A_173 = tpu.vector_load %arg9[%swap3A_172] {strides = array<i32>} : memref<80xi32, #tpu.memory_space<vmem>>, vector<16xi32>,
    tpu.vector_store %arg9[%swap3A_172], %get3A_163 {strides = array<i32>} : memref<80xi32, #tpu.memory_space<vmem>>, vector<16xi32>,
    %get3A_174 = arith.constant 0 : i32
    %get3A_175 = arith.index_cast %get3A_174 : i32 to index
    %get3A_176 = arith.constant 48 : index
    %get3A_177 = tpu.vector_load %arg6[%get3A_175, %get3A_176] {strides = array<i32>} : memref<2x80xi32, #tpu.memory_space<vmem>>, vector<16xi32>,
    %get3A_178 = arith.constant 1 : i32
    %get3A_179 = arith.index_cast %get3A_178 : i32 to index
    %get3A_180 = arith.constant 48 : index
    %get3A_181 = tpu.vector_load %arg6[%get3A_179, %get3A_180] {strides = array<i32>} : memref<2x80xi32, #tpu.memory_space<vmem>>, vector<16xi32>,
    %add3A_182 = vector.broadcast %mul3A_0 : i32 to vector<16xi32>
    %add3A_183 = arith.addi %get3A_177, %add3A_182 : vector<16xi32>
    %swap3A_184 = arith.constant 48 : index
    %swap3A_185 = tpu.vector_load %arg12[%swap3A_184] {strides = array<i32>} : memref<80xi32, #tpu.memory_space<vmem>>, vector<16xi32>,
    tpu.vector_store %arg12[%swap3A_184], %add3A_183 {strides = array<i32>} : memref<80xi32, #tpu.memory_space<vmem>>, vector<16xi32>,
    %add3A_186 = vector.broadcast %mul3A_0 : i32 to vector<16xi32>
    %add3A_187 = arith.addi %get3A_181, %add3A_186 : vector<16xi32>
    %swap3A_188 = arith.constant 48 : index
    %swap3A_189 = tpu.vector_load %arg15[%swap3A_188] {strides = array<i32>} : memref<80xi32, #tpu.memory_space<vmem>>, vector<16xi32>,
    tpu.vector_store %arg15[%swap3A_188], %add3A_187 {strides = array<i32>} : memref<80xi32, #tpu.memory_space<vmem>>, vector<16xi32>,
    %swap3A_190 = arith.constant 48 : index
    %swap3A_191 = tpu.vector_load %arg9[%swap3A_190] {strides = array<i32>} : memref<80xi32, #tpu.memory_space<vmem>>, vector<16xi32>,
    tpu.vector_store %arg9[%swap3A_190], %get3A_181 {strides = array<i32>} : memref<80xi32, #tpu.memory_space<vmem>>, vector<16xi32>,
    %get3A_192 = arith.constant 0 : i32
    %get3A_193 = arith.index_cast %get3A_192 : i32 to index
    %get3A_194 = arith.constant 64 : index
    %get3A_195 = tpu.vector_load %arg6[%get3A_193, %get3A_194] {strides = array<i32>} : memref<2x80xi32, #tpu.memory_space<vmem>>, vector<16xi32>,
    %get3A_196 = arith.constant 1 : i32
    %get3A_197 = arith.index_cast %get3A_196 : i32 to index
    %get3A_198 = arith.constant 64 : index
    %get3A_199 = tpu.vector_load %arg6[%get3A_197, %get3A_198] {strides = array<i32>} : memref<2x80xi32, #tpu.memory_space<vmem>>, vector<16xi32>,
    %add3A_200 = vector.broadcast %mul3A_0 : i32 to vector<16xi32>
    %add3A_201 = arith.addi %get3A_195, %add3A_200 : vector<16xi32>
    %swap3A_202 = arith.constant 64 : index
    %swap3A_203 = tpu.vector_load %arg12[%swap3A_202] {strides = array<i32>} : memref<80xi32, #tpu.memory_space<vmem>>, vector<16xi32>,
    tpu.vector_store %arg12[%swap3A_202], %add3A_201 {strides = array<i32>} : memref<80xi32, #tpu.memory_space<vmem>>, vector<16xi32>,
    %add3A_204 = vector.broadcast %mul3A_0 : i32 to vector<16xi32>
    %add3A_205 = arith.addi %get3A_199, %add3A_204 : vector<16xi32>
    %swap3A_206 = arith.constant 64 : index
    %swap3A_207 = tpu.vector_load %arg15[%swap3A_206] {strides = array<i32>} : memref<80xi32, #tpu.memory_space<vmem>>, vector<16xi32>,
    tpu.vector_store %arg15[%swap3A_206], %add3A_205 {strides = array<i32>} : memref<80xi32, #tpu.memory_space<vmem>>, vector<16xi32>,
    %swap3A_208 = arith.constant 64 : index
    %swap3A_209 = tpu.vector_load %arg9[%swap3A_208] {strides = array<i32>} : memref<80xi32, #tpu.memory_space<vmem>>, vector<16xi32>,
    tpu.vector_store %arg9[%swap3A_208], %get3A_199 {strides = array<i32>} : memref<80xi32, #tpu.memory_space<vmem>>, vector<16xi32>,
    %dma_start3A = arith.constant 0 : i32
    %dma_start3A_210 = arith.constant 0 : i32
    %dma_start3A_211 = tpu.memref_slice %arg3[%dma_start3A, %dma_start3A_210] : memref<20000x128xf32, #tpu.memory_space<hbm>> -> memref<20000x128xf32, #tpu.memory_space<hbm>>
    tpu.enqueue_indirect_dma source(%dma_start3A_211 : memref<20000x128xf32, #tpu.memory_space<hbm>>) target(%arg18 : memref<80x128xf32, #tpu.memory_space<vmem>>) offsets(%arg12 : memref<80xi32, #tpu.memory_space<vmem>>) semaphore(%arg29 : memref<!tpu.dma_semaphore, #tpu.memory_space<semaphore_mem>>)
    %dma_start3A_212 = arith.constant 0 : i32
    %dma_start3A_213 = arith.constant 0 : i32
    %dma_start3A_214 = tpu.memref_slice %arg2[%dma_start3A_212, %dma_start3A_213] : memref<20000x64xf32, #tpu.memory_space<hbm>> -> memref<20000x64xf32, #tpu.memory_space<hbm>>
    tpu.enqueue_indirect_dma source(%dma_start3A_214 : memref<20000x64xf32, #tpu.memory_space<hbm>>) target(%arg21 : memref<80x64xf32, #tpu.memory_space<vmem>>) offsets(%arg15 : memref<80xi32, #tpu.memory_space<vmem>>) semaphore(%arg29 : memref<!tpu.dma_semaphore, #tpu.memory_space<semaphore_mem>>)
    %add3A_215 = arith.constant 80 : i32
    %add3A_216 = arith.addi %mul3A_26, %add3A_215 : i32
    "tpu.region"() ({
      %run_scoped3A = tpu.sem_alloc : memref<!tpu.dma_semaphore, #tpu.memory_space<semaphore_mem>>
      %dma_start3A_355 = arith.constant 0 : i32
      %dma_start3A_356 = tpu.memref_slice %arg4[%dma_start3A_355, %add3A_216] : memref<2x320000xi32, #tpu.memory_space<hbm>> -> memref<2x80xi32, #tpu.memory_space<hbm>>
      %dma_start3A_357 = arith.constant 0 : i32
      %dma_start3A_358 = tpu.memref_slice %arg4[%dma_start3A_357, %add3A_216] : memref<2x320000xi32, #tpu.memory_space<hbm>> -> memref<2x80xi32, #tpu.memory_space<hbm>>
      tpu.enqueue_dma source(%dma_start3A_358 : memref<2x80xi32, #tpu.memory_space<hbm>>) target(%arg7 : memref<2x80xi32, #tpu.memory_space<vmem>>) target_semaphore(%run_scoped3A : memref<!tpu.dma_semaphore, #tpu.memory_space<semaphore_mem>>)
      %dma_wait3A_359 = arith.constant 0 : i32
      %dma_wait3A_360 = tpu.memref_slice %arg4[%dma_wait3A_359, %add3A_216] : memref<2x320000xi32, #tpu.memory_space<hbm>> -> memref<2x80xi32, #tpu.memory_space<hbm>>
      %dma_wait3A_361 = arith.constant 0 : i32
      %dma_wait3A_362 = tpu.memref_slice %arg4[%dma_wait3A_361, %add3A_216] : memref<2x320000xi32, #tpu.memory_space<hbm>> -> memref<2x80xi32, #tpu.memory_space<hbm>>
      tpu.wait_dma2 semaphore(%run_scoped3A : memref<!tpu.dma_semaphore, #tpu.memory_space<semaphore_mem>>) src(%dma_wait3A_362 : memref<2x80xi32, #tpu.memory_space<hbm>>) dst(%arg7 : memref<2x80xi32, #tpu.memory_space<vmem>>)
      tpu.yield
    }) : () -> ()
    %get3A_217 = arith.constant 0 : i32
    %get3A_218 = arith.index_cast %get3A_217 : i32 to index
    %get3A_219 = arith.constant 0 : index
    %get3A_220 = tpu.vector_load %arg7[%get3A_218, %get3A_219] {strides = array<i32>} : memref<2x80xi32, #tpu.memory_space<vmem>>, vector<16xi32>,
    %get3A_221 = arith.constant 1 : i32
    %get3A_222 = arith.index_cast %get3A_221 : i32 to index
    %get3A_223 = arith.constant 0 : index
    %get3A_224 = tpu.vector_load %arg7[%get3A_222, %get3A_223] {strides = array<i32>} : memref<2x80xi32, #tpu.memory_space<vmem>>, vector<16xi32>,
    %add3A_225 = vector.broadcast %mul3A_0 : i32 to vector<16xi32>
    %add3A_226 = arith.addi %get3A_220, %add3A_225 : vector<16xi32>
    %swap3A_227 = arith.constant 0 : index
    %swap3A_228 = tpu.vector_load %arg13[%swap3A_227] {strides = array<i32>} : memref<80xi32, #tpu.memory_space<vmem>>, vector<16xi32>,
    tpu.vector_store %arg13[%swap3A_227], %add3A_226 {strides = array<i32>} : memref<80xi32, #tpu.memory_space<vmem>>, vector<16xi32>,
    %add3A_229 = vector.broadcast %mul3A_0 : i32 to vector<16xi32>
    %add3A_230 = arith.addi %get3A_224, %add3A_229 : vector<16xi32>
    %swap3A_231 = arith.constant 0 : index
    %swap3A_232 = tpu.vector_load %arg16[%swap3A_231] {strides = array<i32>} : memref<80xi32, #tpu.memory_space<vmem>>, vector<16xi32>,
    tpu.vector_store %arg16[%swap3A_231], %add3A_230 {strides = array<i32>} : memref<80xi32, #tpu.memory_space<vmem>>, vector<16xi32>,
    %swap3A_233 = arith.constant 0 : index
    %swap3A_234 = tpu.vector_load %arg10[%swap3A_233] {strides = array<i32>} : memref<80xi32, #tpu.memory_space<vmem>>, vector<16xi32>,
    tpu.vector_store %arg10[%swap3A_233], %get3A_224 {strides = array<i32>} : memref<80xi32, #tpu.memory_space<vmem>>, vector<16xi32>,
    %get3A_235 = arith.constant 0 : i32
    %get3A_236 = arith.index_cast %get3A_235 : i32 to index
    %get3A_237 = arith.constant 16 : index
    %get3A_238 = tpu.vector_load %arg7[%get3A_236, %get3A_237] {strides = array<i32>} : memref<2x80xi32, #tpu.memory_space<vmem>>, vector<16xi32>,
    %get3A_239 = arith.constant 1 : i32
    %get3A_240 = arith.index_cast %get3A_239 : i32 to index
    %get3A_241 = arith.constant 16 : index
    %get3A_242 = tpu.vector_load %arg7[%get3A_240, %get3A_241] {strides = array<i32>} : memref<2x80xi32, #tpu.memory_space<vmem>>, vector<16xi32>,
    %add3A_243 = vector.broadcast %mul3A_0 : i32 to vector<16xi32>
    %add3A_244 = arith.addi %get3A_238, %add3A_243 : vector<16xi32>
    %swap3A_245 = arith.constant 16 : index
    %swap3A_246 = tpu.vector_load %arg13[%swap3A_245] {strides = array<i32>} : memref<80xi32, #tpu.memory_space<vmem>>, vector<16xi32>,
    tpu.vector_store %arg13[%swap3A_245], %add3A_244 {strides = array<i32>} : memref<80xi32, #tpu.memory_space<vmem>>, vector<16xi32>,
    %add3A_247 = vector.broadcast %mul3A_0 : i32 to vector<16xi32>
    %add3A_248 = arith.addi %get3A_242, %add3A_247 : vector<16xi32>
    %swap3A_249 = arith.constant 16 : index
    %swap3A_250 = tpu.vector_load %arg16[%swap3A_249] {strides = array<i32>} : memref<80xi32, #tpu.memory_space<vmem>>, vector<16xi32>,
    tpu.vector_store %arg16[%swap3A_249], %add3A_248 {strides = array<i32>} : memref<80xi32, #tpu.memory_space<vmem>>, vector<16xi32>,
    %swap3A_251 = arith.constant 16 : index
    %swap3A_252 = tpu.vector_load %arg10[%swap3A_251] {strides = array<i32>} : memref<80xi32, #tpu.memory_space<vmem>>, vector<16xi32>,
    tpu.vector_store %arg10[%swap3A_251], %get3A_242 {strides = array<i32>} : memref<80xi32, #tpu.memory_space<vmem>>, vector<16xi32>,
    %get3A_253 = arith.constant 0 : i32
    %get3A_254 = arith.index_cast %get3A_253 : i32 to index
    %get3A_255 = arith.constant 32 : index
    %get3A_256 = tpu.vector_load %arg7[%get3A_254, %get3A_255] {strides = array<i32>} : memref<2x80xi32, #tpu.memory_space<vmem>>, vector<16xi32>,
    %get3A_257 = arith.constant 1 : i32
    %get3A_258 = arith.index_cast %get3A_257 : i32 to index
    %get3A_259 = arith.constant 32 : index
    %get3A_260 = tpu.vector_load %arg7[%get3A_258, %get3A_259] {strides = array<i32>} : memref<2x80xi32, #tpu.memory_space<vmem>>, vector<16xi32>,
    %add3A_261 = vector.broadcast %mul3A_0 : i32 to vector<16xi32>
    %add3A_262 = arith.addi %get3A_256, %add3A_261 : vector<16xi32>
    %swap3A_263 = arith.constant 32 : index
    %swap3A_264 = tpu.vector_load %arg13[%swap3A_263] {strides = array<i32>} : memref<80xi32, #tpu.memory_space<vmem>>, vector<16xi32>,
    tpu.vector_store %arg13[%swap3A_263], %add3A_262 {strides = array<i32>} : memref<80xi32, #tpu.memory_space<vmem>>, vector<16xi32>,
    %add3A_265 = vector.broadcast %mul3A_0 : i32 to vector<16xi32>
    %add3A_266 = arith.addi %get3A_260, %add3A_265 : vector<16xi32>
    %swap3A_267 = arith.constant 32 : index
    %swap3A_268 = tpu.vector_load %arg16[%swap3A_267] {strides = array<i32>} : memref<80xi32, #tpu.memory_space<vmem>>, vector<16xi32>,
    tpu.vector_store %arg16[%swap3A_267], %add3A_266 {strides = array<i32>} : memref<80xi32, #tpu.memory_space<vmem>>, vector<16xi32>,
    %swap3A_269 = arith.constant 32 : index
    %swap3A_270 = tpu.vector_load %arg10[%swap3A_269] {strides = array<i32>} : memref<80xi32, #tpu.memory_space<vmem>>, vector<16xi32>,
    tpu.vector_store %arg10[%swap3A_269], %get3A_260 {strides = array<i32>} : memref<80xi32, #tpu.memory_space<vmem>>, vector<16xi32>,
    %get3A_271 = arith.constant 0 : i32
    %get3A_272 = arith.index_cast %get3A_271 : i32 to index
    %get3A_273 = arith.constant 48 : index
    %get3A_274 = tpu.vector_load %arg7[%get3A_272, %get3A_273] {strides = array<i32>} : memref<2x80xi32, #tpu.memory_space<vmem>>, vector<16xi32>,
    %get3A_275 = arith.constant 1 : i32
    %get3A_276 = arith.index_cast %get3A_275 : i32 to index
    %get3A_277 = arith.constant 48 : index
    %get3A_278 = tpu.vector_load %arg7[%get3A_276, %get3A_277] {strides = array<i32>} : memref<2x80xi32, #tpu.memory_space<vmem>>, vector<16xi32>,
    %add3A_279 = vector.broadcast %mul3A_0 : i32 to vector<16xi32>
    %add3A_280 = arith.addi %get3A_274, %add3A_279 : vector<16xi32>
    %swap3A_281 = arith.constant 48 : index
    %swap3A_282 = tpu.vector_load %arg13[%swap3A_281] {strides = array<i32>} : memref<80xi32, #tpu.memory_space<vmem>>, vector<16xi32>,
    tpu.vector_store %arg13[%swap3A_281], %add3A_280 {strides = array<i32>} : memref<80xi32, #tpu.memory_space<vmem>>, vector<16xi32>,
    %add3A_283 = vector.broadcast %mul3A_0 : i32 to vector<16xi32>
    %add3A_284 = arith.addi %get3A_278, %add3A_283 : vector<16xi32>
    %swap3A_285 = arith.constant 48 : index
    %swap3A_286 = tpu.vector_load %arg16[%swap3A_285] {strides = array<i32>} : memref<80xi32, #tpu.memory_space<vmem>>, vector<16xi32>,
    tpu.vector_store %arg16[%swap3A_285], %add3A_284 {strides = array<i32>} : memref<80xi32, #tpu.memory_space<vmem>>, vector<16xi32>,
    %swap3A_287 = arith.constant 48 : index
    %swap3A_288 = tpu.vector_load %arg10[%swap3A_287] {strides = array<i32>} : memref<80xi32, #tpu.memory_space<vmem>>, vector<16xi32>,
    tpu.vector_store %arg10[%swap3A_287], %get3A_278 {strides = array<i32>} : memref<80xi32, #tpu.memory_space<vmem>>, vector<16xi32>,
    %get3A_289 = arith.constant 0 : i32
    %get3A_290 = arith.index_cast %get3A_289 : i32 to index
    %get3A_291 = arith.constant 64 : index
    %get3A_292 = tpu.vector_load %arg7[%get3A_290, %get3A_291] {strides = array<i32>} : memref<2x80xi32, #tpu.memory_space<vmem>>, vector<16xi32>,
    %get3A_293 = arith.constant 1 : i32
    %get3A_294 = arith.index_cast %get3A_293 : i32 to index
    %get3A_295 = arith.constant 64 : index
    %get3A_296 = tpu.vector_load %arg7[%get3A_294, %get3A_295] {strides = array<i32>} : memref<2x80xi32, #tpu.memory_space<vmem>>, vector<16xi32>,
    %add3A_297 = vector.broadcast %mul3A_0 : i32 to vector<16xi32>
    %add3A_298 = arith.addi %get3A_292, %add3A_297 : vector<16xi32>
    %swap3A_299 = arith.constant 64 : index
    %swap3A_300 = tpu.vector_load %arg13[%swap3A_299] {strides = array<i32>} : memref<80xi32, #tpu.memory_space<vmem>>, vector<16xi32>,
    tpu.vector_store %arg13[%swap3A_299], %add3A_298 {strides = array<i32>} : memref<80xi32, #tpu.memory_space<vmem>>, vector<16xi32>,
    %add3A_301 = vector.broadcast %mul3A_0 : i32 to vector<16xi32>
    %add3A_302 = arith.addi %get3A_296, %add3A_301 : vector<16xi32>
    %swap3A_303 = arith.constant 64 : index
    %swap3A_304 = tpu.vector_load %arg16[%swap3A_303] {strides = array<i32>} : memref<80xi32, #tpu.memory_space<vmem>>, vector<16xi32>,
    tpu.vector_store %arg16[%swap3A_303], %add3A_302 {strides = array<i32>} : memref<80xi32, #tpu.memory_space<vmem>>, vector<16xi32>,
    %swap3A_305 = arith.constant 64 : index
    %swap3A_306 = tpu.vector_load %arg10[%swap3A_305] {strides = array<i32>} : memref<80xi32, #tpu.memory_space<vmem>>, vector<16xi32>,
    tpu.vector_store %arg10[%swap3A_305], %get3A_296 {strides = array<i32>} : memref<80xi32, #tpu.memory_space<vmem>>, vector<16xi32>,
    %dma_start3A_307 = arith.constant 0 : i32
    %dma_start3A_308 = arith.constant 0 : i32
    %dma_start3A_309 = tpu.memref_slice %arg3[%dma_start3A_307, %dma_start3A_308] : memref<20000x128xf32, #tpu.memory_space<hbm>> -> memref<20000x128xf32, #tpu.memory_space<hbm>>
    tpu.enqueue_indirect_dma source(%dma_start3A_309 : memref<20000x128xf32, #tpu.memory_space<hbm>>) target(%arg19 : memref<80x128xf32, #tpu.memory_space<vmem>>) offsets(%arg13 : memref<80xi32, #tpu.memory_space<vmem>>) semaphore(%arg30 : memref<!tpu.dma_semaphore, #tpu.memory_space<semaphore_mem>>)
    %dma_start3A_310 = arith.constant 0 : i32
    %dma_start3A_311 = arith.constant 0 : i32
    %dma_start3A_312 = tpu.memref_slice %arg2[%dma_start3A_310, %dma_start3A_311] : memref<20000x64xf32, #tpu.memory_space<hbm>> -> memref<20000x64xf32, #tpu.memory_space<hbm>>
    tpu.enqueue_indirect_dma source(%dma_start3A_312 : memref<20000x64xf32, #tpu.memory_space<hbm>>) target(%arg22 : memref<80x64xf32, #tpu.memory_space<vmem>>) offsets(%arg16 : memref<80xi32, #tpu.memory_space<vmem>>) semaphore(%arg30 : memref<!tpu.dma_semaphore, #tpu.memory_space<semaphore_mem>>)
    %scan3A_313 = arith.constant 0 : i32
    %scan3A_314 = arith.constant 0 : i32
    %scan3A_315 = arith.constant 83 : i32
    %scan3A_316 = arith.addi %scan3A_314, %scan3A_315 : i32
    %scan3A_317 = arith.constant 1 : i32
    %scan3A_318 = scf.for %scan3A_355 = %scan3A_314 to %scan3A_316 step %scan3A_317 iter_args(%scan3A_356 = %scan3A_313) -> (i32)  : i32 {
      %mul3A_357 = arith.constant 3 : i32
      %mul3A_358 = arith.muli %scan3A_355, %mul3A_357 : i32
      %dma_wait3A_359 = arith.constant 0 : i32
      %dma_wait3A_360 = arith.constant 0 : i32
      %dma_wait3A_361 = tpu.memref_slice %arg3[%dma_wait3A_359, %dma_wait3A_360] : memref<20000x128xf32, #tpu.memory_space<hbm>> -> memref<20000x128xf32, #tpu.memory_space<hbm>>
      tpu.wait_indirect_dma semaphore(%arg29 : memref<!tpu.dma_semaphore, #tpu.memory_space<semaphore_mem>>) src(%dma_wait3A_361 : memref<20000x128xf32, #tpu.memory_space<hbm>>) dst(%arg18 : memref<80x128xf32, #tpu.memory_space<vmem>>)
      %dma_wait3A_362 = arith.constant 0 : i32
      %dma_wait3A_363 = arith.constant 0 : i32
      %dma_wait3A_364 = tpu.memref_slice %arg2[%dma_wait3A_362, %dma_wait3A_363] : memref<20000x64xf32, #tpu.memory_space<hbm>> -> memref<20000x64xf32, #tpu.memory_space<hbm>>
      tpu.wait_indirect_dma semaphore(%arg29 : memref<!tpu.dma_semaphore, #tpu.memory_space<semaphore_mem>>) src(%dma_wait3A_364 : memref<20000x64xf32, #tpu.memory_space<hbm>>) dst(%arg21 : memref<80x64xf32, #tpu.memory_space<vmem>>)
      %scan3A_365 = arith.constant 0 : i32
      %scan3A_366 = arith.constant 0 : i32
      %scan3A_367 = arith.constant 20 : i32
      %scan3A_368 = arith.addi %scan3A_366, %scan3A_367 : i32
      %scan3A_369 = arith.constant 1 : i32
      %scan3A_370 = scf.for %scan3A_621 = %scan3A_366 to %scan3A_368 step %scan3A_369 iter_args(%scan3A_622 = %scan3A_365) -> (i32)  : i32 {
        %mul3A_623 = arith.constant 4 : i32
        %mul3A_624 = arith.muli %mul3A_623, %scan3A_621 : i32
        %add3A_625 = arith.constant 0 : i32
        %add3A_626 = arith.addi %mul3A_624, %add3A_625 : i32
        %get3A_627 = arith.index_cast %add3A_626 : i32 to index
        %get3A_628 = arith.constant 0 : index
        %get3A_629 = tpu.vector_load %arg18[%get3A_627, %get3A_628] {strides = array<i32>} : memref<80x128xf32, #tpu.memory_space<vmem>>, vector<16xf32>,
        %get3A_630 = arith.index_cast %add3A_626 : i32 to index
        %get3A_631 = arith.constant 0 : index
        %get3A_632 = tpu.vector_load %arg21[%get3A_630, %get3A_631] {strides = array<i32>} : memref<80x64xf32, #tpu.memory_space<vmem>>, vector<16xf32>,
        %mul3A_633 = arith.mulf %get3A_629, %get3A_632 : vector<16xf32>
        %reduce_sum3A = arith.constant true
        %reduce_sum3A_634 = vector.broadcast %reduce_sum3A : i1 to vector<16xi1>
        %reduce_sum3A_635 = tpu.scan <sum>, %mul3A_633 masked %reduce_sum3A_634 : vector<16xf32>, vector<16xi1> -> vector<16xf32>
        %reduce_sum3A_636 = vector.extract %reduce_sum3A_635[15] : f32 from vector<16xf32>
        %get3A_637 = arith.index_cast %add3A_626 : i32 to index
        %get3A_638 = arith.constant 16 : index
        %get3A_639 = tpu.vector_load %arg18[%get3A_637, %get3A_638] {strides = array<i32>} : memref<80x128xf32, #tpu.memory_space<vmem>>, vector<16xf32>,
        %get3A_640 = arith.index_cast %add3A_626 : i32 to index
        %get3A_641 = arith.constant 16 : index
        %get3A_642 = tpu.vector_load %arg21[%get3A_640, %get3A_641] {strides = array<i32>} : memref<80x64xf32, #tpu.memory_space<vmem>>, vector<16xf32>,
        %mul3A_643 = arith.mulf %get3A_639, %get3A_642 : vector<16xf32>
        %reduce_sum3A_644 = arith.constant true
        %reduce_sum3A_645 = vector.broadcast %reduce_sum3A_644 : i1 to vector<16xi1>
        %reduce_sum3A_646 = tpu.scan <sum>, %mul3A_643 masked %reduce_sum3A_645 : vector<16xf32>, vector<16xi1> -> vector<16xf32>
        %reduce_sum3A_647 = vector.extract %reduce_sum3A_646[15] : f32 from vector<16xf32>
        %get3A_648 = arith.index_cast %add3A_626 : i32 to index
        %get3A_649 = arith.constant 32 : index
        %get3A_650 = tpu.vector_load %arg18[%get3A_648, %get3A_649] {strides = array<i32>} : memref<80x128xf32, #tpu.memory_space<vmem>>, vector<16xf32>,
        %get3A_651 = arith.index_cast %add3A_626 : i32 to index
        %get3A_652 = arith.constant 32 : index
        %get3A_653 = tpu.vector_load %arg21[%get3A_651, %get3A_652] {strides = array<i32>} : memref<80x64xf32, #tpu.memory_space<vmem>>, vector<16xf32>,
        %mul3A_654 = arith.mulf %get3A_650, %get3A_653 : vector<16xf32>
        %reduce_sum3A_655 = arith.constant true
        %reduce_sum3A_656 = vector.broadcast %reduce_sum3A_655 : i1 to vector<16xi1>
        %reduce_sum3A_657 = tpu.scan <sum>, %mul3A_654 masked %reduce_sum3A_656 : vector<16xf32>, vector<16xi1> -> vector<16xf32>
        %reduce_sum3A_658 = vector.extract %reduce_sum3A_657[15] : f32 from vector<16xf32>
        %get3A_659 = arith.index_cast %add3A_626 : i32 to index
        %get3A_660 = arith.constant 48 : index
        %get3A_661 = tpu.vector_load %arg18[%get3A_659, %get3A_660] {strides = array<i32>} : memref<80x128xf32, #tpu.memory_space<vmem>>, vector<16xf32>,
        %get3A_662 = arith.index_cast %add3A_626 : i32 to index
        %get3A_663 = arith.constant 48 : index
        %get3A_664 = tpu.vector_load %arg21[%get3A_662, %get3A_663] {strides = array<i32>} : memref<80x64xf32, #tpu.memory_space<vmem>>, vector<16xf32>,
        %mul3A_665 = arith.mulf %get3A_661, %get3A_664 : vector<16xf32>
        %reduce_sum3A_666 = arith.constant true
        %reduce_sum3A_667 = vector.broadcast %reduce_sum3A_666 : i1 to vector<16xi1>
        %reduce_sum3A_668 = tpu.scan <sum>, %mul3A_665 masked %reduce_sum3A_667 : vector<16xf32>, vector<16xi1> -> vector<16xf32>
        %reduce_sum3A_669 = vector.extract %reduce_sum3A_668[15] : f32 from vector<16xf32>
        %broadcast_in_dim3A_670 = vector.broadcast %reduce_sum3A_636 : f32 to vector<16xf32>
        %broadcast_in_dim3A_671 = vector.broadcast %reduce_sum3A_647 : f32 to vector<16xf32>
        %select_n3A_672 = arith.select %eq3A_51, %broadcast_in_dim3A_671, %broadcast_in_dim3A_670 : vector<16xi1>, vector<16xf32>
        %broadcast_in_dim3A_673 = vector.broadcast %reduce_sum3A_658 : f32 to vector<16xf32>
        %select_n3A_674 = arith.select %eq3A_85, %broadcast_in_dim3A_673, %select_n3A_672 : vector<16xi1>, vector<16xf32>
        %broadcast_in_dim3A_675 = vector.broadcast %reduce_sum3A_669 : f32 to vector<16xf32>
        %select_n3A_676 = arith.select %eq3A_119, %broadcast_in_dim3A_675, %select_n3A_674 : vector<16xi1>, vector<16xf32>
        %jit3A_677 = arith.constant -5.000000e+00 : f32
        %jit3A_678 = arith.constant 5.000000e+00 : f32
        %max3A = vector.broadcast %jit3A_677 : f32 to vector<16xf32>
        %max3A_679 = arith.maximumf %max3A, %select_n3A_676 : vector<16xf32>
        %min3A = vector.broadcast %jit3A_678 : f32 to vector<16xf32>
        %min3A_680 = arith.minimumf %min3A, %max3A_679 : vector<16xf32>
        %exp3A = math.exp %min3A_680 : vector<16xf32>
        %swap3A_681 = arith.index_cast %add3A_626 : i32 to index
        %swap3A_682 = arith.constant 64 : index
        %swap3A_683 = tpu.vector_load %arg24[%swap3A_681, %swap3A_682] {strides = array<i32>} : memref<80x80xf32, #tpu.memory_space<vmem>>, vector<16xf32>,
        tpu.vector_store %arg24[%swap3A_681, %swap3A_682], %exp3A {strides = array<i32>} : memref<80x80xf32, #tpu.memory_space<vmem>>, vector<16xf32>,
        %slice3A = vector.extract_strided_slice %exp3A {offsets = [0], sizes = [1], strides = [1]} : vector<16xf32> to vector<1xf32>
        %squeeze3A = vector.extract %slice3A[0] : f32 from vector<1xf32>
        %broadcast_in_dim3A_684 = vector.broadcast %squeeze3A : f32 to vector<16xf32>
        %get3A_685 = arith.index_cast %add3A_626 : i32 to index
        %get3A_686 = arith.constant 64 : index
        %get3A_687 = tpu.vector_load %arg18[%get3A_685, %get3A_686] {strides = array<i32>} : memref<80x128xf32, #tpu.memory_space<vmem>>, vector<16xf32>,
        %mul3A_688 = arith.mulf %get3A_687, %broadcast_in_dim3A_684 : vector<16xf32>
        %swap3A_689 = arith.index_cast %add3A_626 : i32 to index
        %swap3A_690 = arith.constant 0 : index
        %swap3A_691 = tpu.vector_load %arg24[%swap3A_689, %swap3A_690] {strides = array<i32>} : memref<80x80xf32, #tpu.memory_space<vmem>>, vector<16xf32>,
        tpu.vector_store %arg24[%swap3A_689, %swap3A_690], %mul3A_688 {strides = array<i32>} : memref<80x80xf32, #tpu.memory_space<vmem>>, vector<16xf32>,
        %slice3A_692 = vector.extract_strided_slice %exp3A {offsets = [4], sizes = [1], strides = [1]} : vector<16xf32> to vector<1xf32>
        %squeeze3A_693 = vector.extract %slice3A_692[0] : f32 from vector<1xf32>
        %broadcast_in_dim3A_694 = vector.broadcast %squeeze3A_693 : f32 to vector<16xf32>
        %get3A_695 = arith.index_cast %add3A_626 : i32 to index
        %get3A_696 = arith.constant 80 : index
        %get3A_697 = tpu.vector_load %arg18[%get3A_695, %get3A_696] {strides = array<i32>} : memref<80x128xf32, #tpu.memory_space<vmem>>, vector<16xf32>,
        %mul3A_698 = arith.mulf %get3A_697, %broadcast_in_dim3A_694 : vector<16xf32>
        %swap3A_699 = arith.index_cast %add3A_626 : i32 to index
        %swap3A_700 = arith.constant 16 : index
        %swap3A_701 = tpu.vector_load %arg24[%swap3A_699, %swap3A_700] {strides = array<i32>} : memref<80x80xf32, #tpu.memory_space<vmem>>, vector<16xf32>,
        tpu.vector_store %arg24[%swap3A_699, %swap3A_700], %mul3A_698 {strides = array<i32>} : memref<80x80xf32, #tpu.memory_space<vmem>>, vector<16xf32>,
        %slice3A_702 = vector.extract_strided_slice %exp3A {offsets = [8], sizes = [1], strides = [1]} : vector<16xf32> to vector<1xf32>
        %squeeze3A_703 = vector.extract %slice3A_702[0] : f32 from vector<1xf32>
        %broadcast_in_dim3A_704 = vector.broadcast %squeeze3A_703 : f32 to vector<16xf32>
        %get3A_705 = arith.index_cast %add3A_626 : i32 to index
        %get3A_706 = arith.constant 96 : index
        %get3A_707 = tpu.vector_load %arg18[%get3A_705, %get3A_706] {strides = array<i32>} : memref<80x128xf32, #tpu.memory_space<vmem>>, vector<16xf32>,
        %mul3A_708 = arith.mulf %get3A_707, %broadcast_in_dim3A_704 : vector<16xf32>
        %swap3A_709 = arith.index_cast %add3A_626 : i32 to index
        %swap3A_710 = arith.constant 32 : index
        %swap3A_711 = tpu.vector_load %arg24[%swap3A_709, %swap3A_710] {strides = array<i32>} : memref<80x80xf32, #tpu.memory_space<vmem>>, vector<16xf32>,
        tpu.vector_store %arg24[%swap3A_709, %swap3A_710], %mul3A_708 {strides = array<i32>} : memref<80x80xf32, #tpu.memory_space<vmem>>, vector<16xf32>,
        %slice3A_712 = vector.extract_strided_slice %exp3A {offsets = [12], sizes = [1], strides = [1]} : vector<16xf32> to vector<1xf32>
        %squeeze3A_713 = vector.extract %slice3A_712[0] : f32 from vector<1xf32>
        %broadcast_in_dim3A_714 = vector.broadcast %squeeze3A_713 : f32 to vector<16xf32>
        %get3A_715 = arith.index_cast %add3A_626 : i32 to index
        %get3A_716 = arith.constant 112 : index
        %get3A_717 = tpu.vector_load %arg18[%get3A_715, %get3A_716] {strides = array<i32>} : memref<80x128xf32, #tpu.memory_space<vmem>>, vector<16xf32>,
        %mul3A_718 = arith.mulf %get3A_717, %broadcast_in_dim3A_714 : vector<16xf32>
        %swap3A_719 = arith.index_cast %add3A_626 : i32 to index
        %swap3A_720 = arith.constant 48 : index
        %swap3A_721 = tpu.vector_load %arg24[%swap3A_719, %swap3A_720] {strides = array<i32>} : memref<80x80xf32, #tpu.memory_space<vmem>>, vector<16xf32>,
        tpu.vector_store %arg24[%swap3A_719, %swap3A_720], %mul3A_718 {strides = array<i32>} : memref<80x80xf32, #tpu.memory_space<vmem>>, vector<16xf32>,
        %mul3A_722 = arith.constant 4 : i32
        %mul3A_723 = arith.muli %mul3A_722, %scan3A_621 : i32
        %add3A_724 = arith.constant 1 : i32
        %add3A_725 = arith.addi %mul3A_723, %add3A_724 : i32
        %get3A_726 = arith.index_cast %add3A_725 : i32 to index
        %get3A_727 = arith.constant 0 : index
        %get3A_728 = tpu.vector_load %arg18[%get3A_726, %get3A_727] {strides = array<i32>} : memref<80x128xf32, #tpu.memory_space<vmem>>, vector<16xf32>,
        %get3A_729 = arith.index_cast %add3A_725 : i32 to index
        %get3A_730 = arith.constant 0 : index
        %get3A_731 = tpu.vector_load %arg21[%get3A_729, %get3A_730] {strides = array<i32>} : memref<80x64xf32, #tpu.memory_space<vmem>>, vector<16xf32>,
        %mul3A_732 = arith.mulf %get3A_728, %get3A_731 : vector<16xf32>
        %reduce_sum3A_733 = arith.constant true
        %reduce_sum3A_734 = vector.broadcast %reduce_sum3A_733 : i1 to vector<16xi1>
        %reduce_sum3A_735 = tpu.scan <sum>, %mul3A_732 masked %reduce_sum3A_734 : vector<16xf32>, vector<16xi1> -> vector<16xf32>
        %reduce_sum3A_736 = vector.extract %reduce_sum3A_735[15] : f32 from vector<16xf32>
        %get3A_737 = arith.index_cast %add3A_725 : i32 to index
        %get3A_738 = arith.constant 16 : index
        %get3A_739 = tpu.vector_load %arg18[%get3A_737, %get3A_738] {strides = array<i32>} : memref<80x128xf32, #tpu.memory_space<vmem>>, vector<16xf32>,
        %get3A_740 = arith.index_cast %add3A_725 : i32 to index
        %get3A_741 = arith.constant 16 : index
        %get3A_742 = tpu.vector_load %arg21[%get3A_740, %get3A_741] {strides = array<i32>} : memref<80x64xf32, #tpu.memory_space<vmem>>, vector<16xf32>,
        %mul3A_743 = arith.mulf %get3A_739, %get3A_742 : vector<16xf32>
        %reduce_sum3A_744 = arith.constant true
        %reduce_sum3A_745 = vector.broadcast %reduce_sum3A_744 : i1 to vector<16xi1>
        %reduce_sum3A_746 = tpu.scan <sum>, %mul3A_743 masked %reduce_sum3A_745 : vector<16xf32>, vector<16xi1> -> vector<16xf32>
        %reduce_sum3A_747 = vector.extract %reduce_sum3A_746[15] : f32 from vector<16xf32>
        %get3A_748 = arith.index_cast %add3A_725 : i32 to index
        %get3A_749 = arith.constant 32 : index
        %get3A_750 = tpu.vector_load %arg18[%get3A_748, %get3A_749] {strides = array<i32>} : memref<80x128xf32, #tpu.memory_space<vmem>>, vector<16xf32>,
        %get3A_751 = arith.index_cast %add3A_725 : i32 to index
        %get3A_752 = arith.constant 32 : index
        %get3A_753 = tpu.vector_load %arg21[%get3A_751, %get3A_752] {strides = array<i32>} : memref<80x64xf32, #tpu.memory_space<vmem>>, vector<16xf32>,
        %mul3A_754 = arith.mulf %get3A_750, %get3A_753 : vector<16xf32>
        %reduce_sum3A_755 = arith.constant true
        %reduce_sum3A_756 = vector.broadcast %reduce_sum3A_755 : i1 to vector<16xi1>
        %reduce_sum3A_757 = tpu.scan <sum>, %mul3A_754 masked %reduce_sum3A_756 : vector<16xf32>, vector<16xi1> -> vector<16xf32>
        %reduce_sum3A_758 = vector.extract %reduce_sum3A_757[15] : f32 from vector<16xf32>
        %get3A_759 = arith.index_cast %add3A_725 : i32 to index
        %get3A_760 = arith.constant 48 : index
        %get3A_761 = tpu.vector_load %arg18[%get3A_759, %get3A_760] {strides = array<i32>} : memref<80x128xf32, #tpu.memory_space<vmem>>, vector<16xf32>,
        %get3A_762 = arith.index_cast %add3A_725 : i32 to index
        %get3A_763 = arith.constant 48 : index
        %get3A_764 = tpu.vector_load %arg21[%get3A_762, %get3A_763] {strides = array<i32>} : memref<80x64xf32, #tpu.memory_space<vmem>>, vector<16xf32>,
        %mul3A_765 = arith.mulf %get3A_761, %get3A_764 : vector<16xf32>
        %reduce_sum3A_766 = arith.constant true
        %reduce_sum3A_767 = vector.broadcast %reduce_sum3A_766 : i1 to vector<16xi1>
        %reduce_sum3A_768 = tpu.scan <sum>, %mul3A_765 masked %reduce_sum3A_767 : vector<16xf32>, vector<16xi1> -> vector<16xf32>
        %reduce_sum3A_769 = vector.extract %reduce_sum3A_768[15] : f32 from vector<16xf32>
        %broadcast_in_dim3A_770 = vector.broadcast %reduce_sum3A_736 : f32 to vector<16xf32>
        %broadcast_in_dim3A_771 = vector.broadcast %reduce_sum3A_747 : f32 to vector<16xf32>
        %select_n3A_772 = arith.select %eq3A_51, %broadcast_in_dim3A_771, %broadcast_in_dim3A_770 : vector<16xi1>, vector<16xf32>
        %broadcast_in_dim3A_773 = vector.broadcast %reduce_sum3A_758 : f32 to vector<16xf32>
        %select_n3A_774 = arith.select %eq3A_85, %broadcast_in_dim3A_773, %select_n3A_772 : vector<16xi1>, vector<16xf32>
        %broadcast_in_dim3A_775 = vector.broadcast %reduce_sum3A_769 : f32 to vector<16xf32>
        %select_n3A_776 = arith.select %eq3A_119, %broadcast_in_dim3A_775, %select_n3A_774 : vector<16xi1>, vector<16xf32>
        %jit3A_777 = arith.constant -5.000000e+00 : f32
        %jit3A_778 = arith.constant 5.000000e+00 : f32
        %max3A_779 = vector.broadcast %jit3A_777 : f32 to vector<16xf32>
        %max3A_780 = arith.maximumf %max3A_779, %select_n3A_776 : vector<16xf32>
        %min3A_781 = vector.broadcast %jit3A_778 : f32 to vector<16xf32>
        %min3A_782 = arith.minimumf %min3A_781, %max3A_780 : vector<16xf32>
        %exp3A_783 = math.exp %min3A_782 : vector<16xf32>
        %swap3A_784 = arith.index_cast %add3A_725 : i32 to index
        %swap3A_785 = arith.constant 64 : index
        %swap3A_786 = tpu.vector_load %arg24[%swap3A_784, %swap3A_785] {strides = array<i32>} : memref<80x80xf32, #tpu.memory_space<vmem>>, vector<16xf32>,
        tpu.vector_store %arg24[%swap3A_784, %swap3A_785], %exp3A_783 {strides = array<i32>} : memref<80x80xf32, #tpu.memory_space<vmem>>, vector<16xf32>,
        %slice3A_787 = vector.extract_strided_slice %exp3A_783 {offsets = [0], sizes = [1], strides = [1]} : vector<16xf32> to vector<1xf32>
        %squeeze3A_788 = vector.extract %slice3A_787[0] : f32 from vector<1xf32>
        %broadcast_in_dim3A_789 = vector.broadcast %squeeze3A_788 : f32 to vector<16xf32>
        %get3A_790 = arith.index_cast %add3A_725 : i32 to index
        %get3A_791 = arith.constant 64 : index
        %get3A_792 = tpu.vector_load %arg18[%get3A_790, %get3A_791] {strides = array<i32>} : memref<80x128xf32, #tpu.memory_space<vmem>>, vector<16xf32>,
        %mul3A_793 = arith.mulf %get3A_792, %broadcast_in_dim3A_789 : vector<16xf32>
        %swap3A_794 = arith.index_cast %add3A_725 : i32 to index
        %swap3A_795 = arith.constant 0 : index
        %swap3A_796 = tpu.vector_load %arg24[%swap3A_794, %swap3A_795] {strides = array<i32>} : memref<80x80xf32, #tpu.memory_space<vmem>>, vector<16xf32>,
        tpu.vector_store %arg24[%swap3A_794, %swap3A_795], %mul3A_793 {strides = array<i32>} : memref<80x80xf32, #tpu.memory_space<vmem>>, vector<16xf32>,
        %slice3A_797 = vector.extract_strided_slice %exp3A_783 {offsets = [4], sizes = [1], strides = [1]} : vector<16xf32> to vector<1xf32>
        %squeeze3A_798 = vector.extract %slice3A_797[0] : f32 from vector<1xf32>
        %broadcast_in_dim3A_799 = vector.broadcast %squeeze3A_798 : f32 to vector<16xf32>
        %get3A_800 = arith.index_cast %add3A_725 : i32 to index
        %get3A_801 = arith.constant 80 : index
        %get3A_802 = tpu.vector_load %arg18[%get3A_800, %get3A_801] {strides = array<i32>} : memref<80x128xf32, #tpu.memory_space<vmem>>, vector<16xf32>,
        %mul3A_803 = arith.mulf %get3A_802, %broadcast_in_dim3A_799 : vector<16xf32>
        %swap3A_804 = arith.index_cast %add3A_725 : i32 to index
        %swap3A_805 = arith.constant 16 : index
        %swap3A_806 = tpu.vector_load %arg24[%swap3A_804, %swap3A_805] {strides = array<i32>} : memref<80x80xf32, #tpu.memory_space<vmem>>, vector<16xf32>,
        tpu.vector_store %arg24[%swap3A_804, %swap3A_805], %mul3A_803 {strides = array<i32>} : memref<80x80xf32, #tpu.memory_space<vmem>>, vector<16xf32>,
        %slice3A_807 = vector.extract_strided_slice %exp3A_783 {offsets = [8], sizes = [1], strides = [1]} : vector<16xf32> to vector<1xf32>
        %squeeze3A_808 = vector.extract %slice3A_807[0] : f32 from vector<1xf32>
        %broadcast_in_dim3A_809 = vector.broadcast %squeeze3A_808 : f32 to vector<16xf32>
        %get3A_810 = arith.index_cast %add3A_725 : i32 to index
        %get3A_811 = arith.constant 96 : index
        %get3A_812 = tpu.vector_load %arg18[%get3A_810, %get3A_811] {strides = array<i32>} : memref<80x128xf32, #tpu.memory_space<vmem>>, vector<16xf32>,
        %mul3A_813 = arith.mulf %get3A_812, %broadcast_in_dim3A_809 : vector<16xf32>
        %swap3A_814 = arith.index_cast %add3A_725 : i32 to index
        %swap3A_815 = arith.constant 32 : index
        %swap3A_816 = tpu.vector_load %arg24[%swap3A_814, %swap3A_815] {strides = array<i32>} : memref<80x80xf32, #tpu.memory_space<vmem>>, vector<16xf32>,
        tpu.vector_store %arg24[%swap3A_814, %swap3A_815], %mul3A_813 {strides = array<i32>} : memref<80x80xf32, #tpu.memory_space<vmem>>, vector<16xf32>,
        %slice3A_817 = vector.extract_strided_slice %exp3A_783 {offsets = [12], sizes = [1], strides = [1]} : vector<16xf32> to vector<1xf32>
        %squeeze3A_818 = vector.extract %slice3A_817[0] : f32 from vector<1xf32>
        %broadcast_in_dim3A_819 = vector.broadcast %squeeze3A_818 : f32 to vector<16xf32>
        %get3A_820 = arith.index_cast %add3A_725 : i32 to index
        %get3A_821 = arith.constant 112 : index
        %get3A_822 = tpu.vector_load %arg18[%get3A_820, %get3A_821] {strides = array<i32>} : memref<80x128xf32, #tpu.memory_space<vmem>>, vector<16xf32>,
        %mul3A_823 = arith.mulf %get3A_822, %broadcast_in_dim3A_819 : vector<16xf32>
        %swap3A_824 = arith.index_cast %add3A_725 : i32 to index
        %swap3A_825 = arith.constant 48 : index
        %swap3A_826 = tpu.vector_load %arg24[%swap3A_824, %swap3A_825] {strides = array<i32>} : memref<80x80xf32, #tpu.memory_space<vmem>>, vector<16xf32>,
        tpu.vector_store %arg24[%swap3A_824, %swap3A_825], %mul3A_823 {strides = array<i32>} : memref<80x80xf32, #tpu.memory_space<vmem>>, vector<16xf32>,
        %mul3A_827 = arith.constant 4 : i32
        %mul3A_828 = arith.muli %mul3A_827, %scan3A_621 : i32
        %add3A_829 = arith.constant 2 : i32
        %add3A_830 = arith.addi %mul3A_828, %add3A_829 : i32
        %get3A_831 = arith.index_cast %add3A_830 : i32 to index
        %get3A_832 = arith.constant 0 : index
        %get3A_833 = tpu.vector_load %arg18[%get3A_831, %get3A_832] {strides = array<i32>} : memref<80x128xf32, #tpu.memory_space<vmem>>, vector<16xf32>,
        %get3A_834 = arith.index_cast %add3A_830 : i32 to index
        %get3A_835 = arith.constant 0 : index
        %get3A_836 = tpu.vector_load %arg21[%get3A_834, %get3A_835] {strides = array<i32>} : memref<80x64xf32, #tpu.memory_space<vmem>>, vector<16xf32>,
        %mul3A_837 = arith.mulf %get3A_833, %get3A_836 : vector<16xf32>
        %reduce_sum3A_838 = arith.constant true
        %reduce_sum3A_839 = vector.broadcast %reduce_sum3A_838 : i1 to vector<16xi1>
        %reduce_sum3A_840 = tpu.scan <sum>, %mul3A_837 masked %reduce_sum3A_839 : vector<16xf32>, vector<16xi1> -> vector<16xf32>
        %reduce_sum3A_841 = vector.extract %reduce_sum3A_840[15] : f32 from vector<16xf32>
        %get3A_842 = arith.index_cast %add3A_830 : i32 to index
        %get3A_843 = arith.constant 16 : index
        %get3A_844 = tpu.vector_load %arg18[%get3A_842, %get3A_843] {strides = array<i32>} : memref<80x128xf32, #tpu.memory_space<vmem>>, vector<16xf32>,
        %get3A_845 = arith.index_cast %add3A_830 : i32 to index
        %get3A_846 = arith.constant 16 : index
        %get3A_847 = tpu.vector_load %arg21[%get3A_845, %get3A_846] {strides = array<i32>} : memref<80x64xf32, #tpu.memory_space<vmem>>, vector<16xf32>,
        %mul3A_848 = arith.mulf %get3A_844, %get3A_847 : vector<16xf32>
        %reduce_sum3A_849 = arith.constant true
        %reduce_sum3A_850 = vector.broadcast %reduce_sum3A_849 : i1 to vector<16xi1>
        %reduce_sum3A_851 = tpu.scan <sum>, %mul3A_848 masked %reduce_sum3A_850 : vector<16xf32>, vector<16xi1> -> vector<16xf32>
        %reduce_sum3A_852 = vector.extract %reduce_sum3A_851[15] : f32 from vector<16xf32>
        %get3A_853 = arith.index_cast %add3A_830 : i32 to index
        %get3A_854 = arith.constant 32 : index
        %get3A_855 = tpu.vector_load %arg18[%get3A_853, %get3A_854] {strides = array<i32>} : memref<80x128xf32, #tpu.memory_space<vmem>>, vector<16xf32>,
        %get3A_856 = arith.index_cast %add3A_830 : i32 to index
        %get3A_857 = arith.constant 32 : index
        %get3A_858 = tpu.vector_load %arg21[%get3A_856, %get3A_857] {strides = array<i32>} : memref<80x64xf32, #tpu.memory_space<vmem>>, vector<16xf32>,
        %mul3A_859 = arith.mulf %get3A_855, %get3A_858 : vector<16xf32>
        %reduce_sum3A_860 = arith.constant true
        %reduce_sum3A_861 = vector.broadcast %reduce_sum3A_860 : i1 to vector<16xi1>
        %reduce_sum3A_862 = tpu.scan <sum>, %mul3A_859 masked %reduce_sum3A_861 : vector<16xf32>, vector<16xi1> -> vector<16xf32>
        %reduce_sum3A_863 = vector.extract %reduce_sum3A_862[15] : f32 from vector<16xf32>
        %get3A_864 = arith.index_cast %add3A_830 : i32 to index
        %get3A_865 = arith.constant 48 : index
        %get3A_866 = tpu.vector_load %arg18[%get3A_864, %get3A_865] {strides = array<i32>} : memref<80x128xf32, #tpu.memory_space<vmem>>, vector<16xf32>,
        %get3A_867 = arith.index_cast %add3A_830 : i32 to index
        %get3A_868 = arith.constant 48 : index
        %get3A_869 = tpu.vector_load %arg21[%get3A_867, %get3A_868] {strides = array<i32>} : memref<80x64xf32, #tpu.memory_space<vmem>>, vector<16xf32>,
        %mul3A_870 = arith.mulf %get3A_866, %get3A_869 : vector<16xf32>
        %reduce_sum3A_871 = arith.constant true
        %reduce_sum3A_872 = vector.broadcast %reduce_sum3A_871 : i1 to vector<16xi1>
        %reduce_sum3A_873 = tpu.scan <sum>, %mul3A_870 masked %reduce_sum3A_872 : vector<16xf32>, vector<16xi1> -> vector<16xf32>
        %reduce_sum3A_874 = vector.extract %reduce_sum3A_873[15] : f32 from vector<16xf32>
        %broadcast_in_dim3A_875 = vector.broadcast %reduce_sum3A_841 : f32 to vector<16xf32>
        %broadcast_in_dim3A_876 = vector.broadcast %reduce_sum3A_852 : f32 to vector<16xf32>
        %select_n3A_877 = arith.select %eq3A_51, %broadcast_in_dim3A_876, %broadcast_in_dim3A_875 : vector<16xi1>, vector<16xf32>
        %broadcast_in_dim3A_878 = vector.broadcast %reduce_sum3A_863 : f32 to vector<16xf32>
        %select_n3A_879 = arith.select %eq3A_85, %broadcast_in_dim3A_878, %select_n3A_877 : vector<16xi1>, vector<16xf32>
        %broadcast_in_dim3A_880 = vector.broadcast %reduce_sum3A_874 : f32 to vector<16xf32>
        %select_n3A_881 = arith.select %eq3A_119, %broadcast_in_dim3A_880, %select_n3A_879 : vector<16xi1>, vector<16xf32>
        %jit3A_882 = arith.constant -5.000000e+00 : f32
        %jit3A_883 = arith.constant 5.000000e+00 : f32
        %max3A_884 = vector.broadcast %jit3A_882 : f32 to vector<16xf32>
        %max3A_885 = arith.maximumf %max3A_884, %select_n3A_881 : vector<16xf32>
        %min3A_886 = vector.broadcast %jit3A_883 : f32 to vector<16xf32>
        %min3A_887 = arith.minimumf %min3A_886, %max3A_885 : vector<16xf32>
        %exp3A_888 = math.exp %min3A_887 : vector<16xf32>
        %swap3A_889 = arith.index_cast %add3A_830 : i32 to index
        %swap3A_890 = arith.constant 64 : index
        %swap3A_891 = tpu.vector_load %arg24[%swap3A_889, %swap3A_890] {strides = array<i32>} : memref<80x80xf32, #tpu.memory_space<vmem>>, vector<16xf32>,
        tpu.vector_store %arg24[%swap3A_889, %swap3A_890], %exp3A_888 {strides = array<i32>} : memref<80x80xf32, #tpu.memory_space<vmem>>, vector<16xf32>,
        %slice3A_892 = vector.extract_strided_slice %exp3A_888 {offsets = [0], sizes = [1], strides = [1]} : vector<16xf32> to vector<1xf32>
        %squeeze3A_893 = vector.extract %slice3A_892[0] : f32 from vector<1xf32>
        %broadcast_in_dim3A_894 = vector.broadcast %squeeze3A_893 : f32 to vector<16xf32>
        %get3A_895 = arith.index_cast %add3A_830 : i32 to index
        %get3A_896 = arith.constant 64 : index
        %get3A_897 = tpu.vector_load %arg18[%get3A_895, %get3A_896] {strides = array<i32>} : memref<80x128xf32, #tpu.memory_space<vmem>>, vector<16xf32>,
        %mul3A_898 = arith.mulf %get3A_897, %broadcast_in_dim3A_894 : vector<16xf32>
        %swap3A_899 = arith.index_cast %add3A_830 : i32 to index
        %swap3A_900 = arith.constant 0 : index
        %swap3A_901 = tpu.vector_load %arg24[%swap3A_899, %swap3A_900] {strides = array<i32>} : memref<80x80xf32, #tpu.memory_space<vmem>>, vector<16xf32>,
        tpu.vector_store %arg24[%swap3A_899, %swap3A_900], %mul3A_898 {strides = array<i32>} : memref<80x80xf32, #tpu.memory_space<vmem>>, vector<16xf32>,
        %slice3A_902 = vector.extract_strided_slice %exp3A_888 {offsets = [4], sizes = [1], strides = [1]} : vector<16xf32> to vector<1xf32>
        %squeeze3A_903 = vector.extract %slice3A_902[0] : f32 from vector<1xf32>
        %broadcast_in_dim3A_904 = vector.broadcast %squeeze3A_903 : f32 to vector<16xf32>
        %get3A_905 = arith.index_cast %add3A_830 : i32 to index
        %get3A_906 = arith.constant 80 : index
        %get3A_907 = tpu.vector_load %arg18[%get3A_905, %get3A_906] {strides = array<i32>} : memref<80x128xf32, #tpu.memory_space<vmem>>, vector<16xf32>,
        %mul3A_908 = arith.mulf %get3A_907, %broadcast_in_dim3A_904 : vector<16xf32>
        %swap3A_909 = arith.index_cast %add3A_830 : i32 to index
        %swap3A_910 = arith.constant 16 : index
        %swap3A_911 = tpu.vector_load %arg24[%swap3A_909, %swap3A_910] {strides = array<i32>} : memref<80x80xf32, #tpu.memory_space<vmem>>, vector<16xf32>,
        tpu.vector_store %arg24[%swap3A_909, %swap3A_910], %mul3A_908 {strides = array<i32>} : memref<80x80xf32, #tpu.memory_space<vmem>>, vector<16xf32>,
        %slice3A_912 = vector.extract_strided_slice %exp3A_888 {offsets = [8], sizes = [1], strides = [1]} : vector<16xf32> to vector<1xf32>
        %squeeze3A_913 = vector.extract %slice3A_912[0] : f32 from vector<1xf32>
        %broadcast_in_dim3A_914 = vector.broadcast %squeeze3A_913 : f32 to vector<16xf32>
        %get3A_915 = arith.index_cast %add3A_830 : i32 to index
        %get3A_916 = arith.constant 96 : index
        %get3A_917 = tpu.vector_load %arg18[%get3A_915, %get3A_916] {strides = array<i32>} : memref<80x128xf32, #tpu.memory_space<vmem>>, vector<16xf32>,
        %mul3A_918 = arith.mulf %get3A_917, %broadcast_in_dim3A_914 : vector<16xf32>
        %swap3A_919 = arith.index_cast %add3A_830 : i32 to index
        %swap3A_920 = arith.constant 32 : index
        %swap3A_921 = tpu.vector_load %arg24[%swap3A_919, %swap3A_920] {strides = array<i32>} : memref<80x80xf32, #tpu.memory_space<vmem>>, vector<16xf32>,
        tpu.vector_store %arg24[%swap3A_919, %swap3A_920], %mul3A_918 {strides = array<i32>} : memref<80x80xf32, #tpu.memory_space<vmem>>, vector<16xf32>,
        %slice3A_922 = vector.extract_strided_slice %exp3A_888 {offsets = [12], sizes = [1], strides = [1]} : vector<16xf32> to vector<1xf32>
        %squeeze3A_923 = vector.extract %slice3A_922[0] : f32 from vector<1xf32>
        %broadcast_in_dim3A_924 = vector.broadcast %squeeze3A_923 : f32 to vector<16xf32>
        %get3A_925 = arith.index_cast %add3A_830 : i32 to index
        %get3A_926 = arith.constant 112 : index
        %get3A_927 = tpu.vector_load %arg18[%get3A_925, %get3A_926] {strides = array<i32>} : memref<80x128xf32, #tpu.memory_space<vmem>>, vector<16xf32>,
        %mul3A_928 = arith.mulf %get3A_927, %broadcast_in_dim3A_924 : vector<16xf32>
        %swap3A_929 = arith.index_cast %add3A_830 : i32 to index
        %swap3A_930 = arith.constant 48 : index
        %swap3A_931 = tpu.vector_load %arg24[%swap3A_929, %swap3A_930] {strides = array<i32>} : memref<80x80xf32, #tpu.memory_space<vmem>>, vector<16xf32>,
        tpu.vector_store %arg24[%swap3A_929, %swap3A_930], %mul3A_928 {strides = array<i32>} : memref<80x80xf32, #tpu.memory_space<vmem>>, vector<16xf32>,
        %mul3A_932 = arith.constant 4 : i32
        %mul3A_933 = arith.muli %mul3A_932, %scan3A_621 : i32
        %add3A_934 = arith.constant 3 : i32
        %add3A_935 = arith.addi %mul3A_933, %add3A_934 : i32
        %get3A_936 = arith.index_cast %add3A_935 : i32 to index
        %get3A_937 = arith.constant 0 : index
        %get3A_938 = tpu.vector_load %arg18[%get3A_936, %get3A_937] {strides = array<i32>} : memref<80x128xf32, #tpu.memory_space<vmem>>, vector<16xf32>,
        %get3A_939 = arith.index_cast %add3A_935 : i32 to index
        %get3A_940 = arith.constant 0 : index
        %get3A_941 = tpu.vector_load %arg21[%get3A_939, %get3A_940] {strides = array<i32>} : memref<80x64xf32, #tpu.memory_space<vmem>>, vector<16xf32>,
        %mul3A_942 = arith.mulf %get3A_938, %get3A_941 : vector<16xf32>
        %reduce_sum3A_943 = arith.constant true
        %reduce_sum3A_944 = vector.broadcast %reduce_sum3A_943 : i1 to vector<16xi1>
        %reduce_sum3A_945 = tpu.scan <sum>, %mul3A_942 masked %reduce_sum3A_944 : vector<16xf32>, vector<16xi1> -> vector<16xf32>
        %reduce_sum3A_946 = vector.extract %reduce_sum3A_945[15] : f32 from vector<16xf32>
        %get3A_947 = arith.index_cast %add3A_935 : i32 to index
        %get3A_948 = arith.constant 16 : index
        %get3A_949 = tpu.vector_load %arg18[%get3A_947, %get3A_948] {strides = array<i32>} : memref<80x128xf32, #tpu.memory_space<vmem>>, vector<16xf32>,
        %get3A_950 = arith.index_cast %add3A_935 : i32 to index
        %get3A_951 = arith.constant 16 : index
        %get3A_952 = tpu.vector_load %arg21[%get3A_950, %get3A_951] {strides = array<i32>} : memref<80x64xf32, #tpu.memory_space<vmem>>, vector<16xf32>,
        %mul3A_953 = arith.mulf %get3A_949, %get3A_952 : vector<16xf32>
        %reduce_sum3A_954 = arith.constant true
        %reduce_sum3A_955 = vector.broadcast %reduce_sum3A_954 : i1 to vector<16xi1>
        %reduce_sum3A_956 = tpu.scan <sum>, %mul3A_953 masked %reduce_sum3A_955 : vector<16xf32>, vector<16xi1> -> vector<16xf32>
        %reduce_sum3A_957 = vector.extract %reduce_sum3A_956[15] : f32 from vector<16xf32>
        %get3A_958 = arith.index_cast %add3A_935 : i32 to index
        %get3A_959 = arith.constant 32 : index
        %get3A_960 = tpu.vector_load %arg18[%get3A_958, %get3A_959] {strides = array<i32>} : memref<80x128xf32, #tpu.memory_space<vmem>>, vector<16xf32>,
        %get3A_961 = arith.index_cast %add3A_935 : i32 to index
        %get3A_962 = arith.constant 32 : index
        %get3A_963 = tpu.vector_load %arg21[%get3A_961, %get3A_962] {strides = array<i32>} : memref<80x64xf32, #tpu.memory_space<vmem>>, vector<16xf32>,
        %mul3A_964 = arith.mulf %get3A_960, %get3A_963 : vector<16xf32>
        %reduce_sum3A_965 = arith.constant true
        %reduce_sum3A_966 = vector.broadcast %reduce_sum3A_965 : i1 to vector<16xi1>
        %reduce_sum3A_967 = tpu.scan <sum>, %mul3A_964 masked %reduce_sum3A_966 : vector<16xf32>, vector<16xi1> -> vector<16xf32>
        %reduce_sum3A_968 = vector.extract %reduce_sum3A_967[15] : f32 from vector<16xf32>
        %get3A_969 = arith.index_cast %add3A_935 : i32 to index
        %get3A_970 = arith.constant 48 : index
        %get3A_971 = tpu.vector_load %arg18[%get3A_969, %get3A_970] {strides = array<i32>} : memref<80x128xf32, #tpu.memory_space<vmem>>, vector<16xf32>,
        %get3A_972 = arith.index_cast %add3A_935 : i32 to index
        %get3A_973 = arith.constant 48 : index
        %get3A_974 = tpu.vector_load %arg21[%get3A_972, %get3A_973] {strides = array<i32>} : memref<80x64xf32, #tpu.memory_space<vmem>>, vector<16xf32>,
        %mul3A_975 = arith.mulf %get3A_971, %get3A_974 : vector<16xf32>
        %reduce_sum3A_976 = arith.constant true
        %reduce_sum3A_977 = vector.broadcast %reduce_sum3A_976 : i1 to vector<16xi1>
        %reduce_sum3A_978 = tpu.scan <sum>, %mul3A_975 masked %reduce_sum3A_977 : vector<16xf32>, vector<16xi1> -> vector<16xf32>
        %reduce_sum3A_979 = vector.extract %reduce_sum3A_978[15] : f32 from vector<16xf32>
        %broadcast_in_dim3A_980 = vector.broadcast %reduce_sum3A_946 : f32 to vector<16xf32>
        %broadcast_in_dim3A_981 = vector.broadcast %reduce_sum3A_957 : f32 to vector<16xf32>
        %select_n3A_982 = arith.select %eq3A_51, %broadcast_in_dim3A_981, %broadcast_in_dim3A_980 : vector<16xi1>, vector<16xf32>
        %broadcast_in_dim3A_983 = vector.broadcast %reduce_sum3A_968 : f32 to vector<16xf32>
        %select_n3A_984 = arith.select %eq3A_85, %broadcast_in_dim3A_983, %select_n3A_982 : vector<16xi1>, vector<16xf32>
        %broadcast_in_dim3A_985 = vector.broadcast %reduce_sum3A_979 : f32 to vector<16xf32>
        %select_n3A_986 = arith.select %eq3A_119, %broadcast_in_dim3A_985, %select_n3A_984 : vector<16xi1>, vector<16xf32>
        %jit3A_987 = arith.constant -5.000000e+00 : f32
        %jit3A_988 = arith.constant 5.000000e+00 : f32
        %max3A_989 = vector.broadcast %jit3A_987 : f32 to vector<16xf32>
        %max3A_990 = arith.maximumf %max3A_989, %select_n3A_986 : vector<16xf32>
        %min3A_991 = vector.broadcast %jit3A_988 : f32 to vector<16xf32>
        %min3A_992 = arith.minimumf %min3A_991, %max3A_990 : vector<16xf32>
        %exp3A_993 = math.exp %min3A_992 : vector<16xf32>
        %swap3A_994 = arith.index_cast %add3A_935 : i32 to index
        %swap3A_995 = arith.constant 64 : index
        %swap3A_996 = tpu.vector_load %arg24[%swap3A_994, %swap3A_995] {strides = array<i32>} : memref<80x80xf32, #tpu.memory_space<vmem>>, vector<16xf32>,
        tpu.vector_store %arg24[%swap3A_994, %swap3A_995], %exp3A_993 {strides = array<i32>} : memref<80x80xf32, #tpu.memory_space<vmem>>, vector<16xf32>,
        %slice3A_997 = vector.extract_strided_slice %exp3A_993 {offsets = [0], sizes = [1], strides = [1]} : vector<16xf32> to vector<1xf32>
        %squeeze3A_998 = vector.extract %slice3A_997[0] : f32 from vector<1xf32>
        %broadcast_in_dim3A_999 = vector.broadcast %squeeze3A_998 : f32 to vector<16xf32>
        %get3A_1000 = arith.index_cast %add3A_935 : i32 to index
        %get3A_1001 = arith.constant 64 : index
        %get3A_1002 = tpu.vector_load %arg18[%get3A_1000, %get3A_1001] {strides = array<i32>} : memref<80x128xf32, #tpu.memory_space<vmem>>, vector<16xf32>,
        %mul3A_1003 = arith.mulf %get3A_1002, %broadcast_in_dim3A_999 : vector<16xf32>
        %swap3A_1004 = arith.index_cast %add3A_935 : i32 to index
        %swap3A_1005 = arith.constant 0 : index
        %swap3A_1006 = tpu.vector_load %arg24[%swap3A_1004, %swap3A_1005] {strides = array<i32>} : memref<80x80xf32, #tpu.memory_space<vmem>>, vector<16xf32>,
        tpu.vector_store %arg24[%swap3A_1004, %swap3A_1005], %mul3A_1003 {strides = array<i32>} : memref<80x80xf32, #tpu.memory_space<vmem>>, vector<16xf32>,
        %slice3A_1007 = vector.extract_strided_slice %exp3A_993 {offsets = [4], sizes = [1], strides = [1]} : vector<16xf32> to vector<1xf32>
        %squeeze3A_1008 = vector.extract %slice3A_1007[0] : f32 from vector<1xf32>
        %broadcast_in_dim3A_1009 = vector.broadcast %squeeze3A_1008 : f32 to vector<16xf32>
        %get3A_1010 = arith.index_cast %add3A_935 : i32 to index
        %get3A_1011 = arith.constant 80 : index
        %get3A_1012 = tpu.vector_load %arg18[%get3A_1010, %get3A_1011] {strides = array<i32>} : memref<80x128xf32, #tpu.memory_space<vmem>>, vector<16xf32>,
        %mul3A_1013 = arith.mulf %get3A_1012, %broadcast_in_dim3A_1009 : vector<16xf32>
        %swap3A_1014 = arith.index_cast %add3A_935 : i32 to index
        %swap3A_1015 = arith.constant 16 : index
        %swap3A_1016 = tpu.vector_load %arg24[%swap3A_1014, %swap3A_1015] {strides = array<i32>} : memref<80x80xf32, #tpu.memory_space<vmem>>, vector<16xf32>,
        tpu.vector_store %arg24[%swap3A_1014, %swap3A_1015], %mul3A_1013 {strides = array<i32>} : memref<80x80xf32, #tpu.memory_space<vmem>>, vector<16xf32>,
        %slice3A_1017 = vector.extract_strided_slice %exp3A_993 {offsets = [8], sizes = [1], strides = [1]} : vector<16xf32> to vector<1xf32>
        %squeeze3A_1018 = vector.extract %slice3A_1017[0] : f32 from vector<1xf32>
        %broadcast_in_dim3A_1019 = vector.broadcast %squeeze3A_1018 : f32 to vector<16xf32>
        %get3A_1020 = arith.index_cast %add3A_935 : i32 to index
        %get3A_1021 = arith.constant 96 : index
        %get3A_1022 = tpu.vector_load %arg18[%get3A_1020, %get3A_1021] {strides = array<i32>} : memref<80x128xf32, #tpu.memory_space<vmem>>, vector<16xf32>,
        %mul3A_1023 = arith.mulf %get3A_1022, %broadcast_in_dim3A_1019 : vector<16xf32>
        %swap3A_1024 = arith.index_cast %add3A_935 : i32 to index
        %swap3A_1025 = arith.constant 32 : index
        %swap3A_1026 = tpu.vector_load %arg24[%swap3A_1024, %swap3A_1025] {strides = array<i32>} : memref<80x80xf32, #tpu.memory_space<vmem>>, vector<16xf32>,
        tpu.vector_store %arg24[%swap3A_1024, %swap3A_1025], %mul3A_1023 {strides = array<i32>} : memref<80x80xf32, #tpu.memory_space<vmem>>, vector<16xf32>,
        %slice3A_1027 = vector.extract_strided_slice %exp3A_993 {offsets = [12], sizes = [1], strides = [1]} : vector<16xf32> to vector<1xf32>
        %squeeze3A_1028 = vector.extract %slice3A_1027[0] : f32 from vector<1xf32>
        %broadcast_in_dim3A_1029 = vector.broadcast %squeeze3A_1028 : f32 to vector<16xf32>
        %get3A_1030 = arith.index_cast %add3A_935 : i32 to index
        %get3A_1031 = arith.constant 112 : index
        %get3A_1032 = tpu.vector_load %arg18[%get3A_1030, %get3A_1031] {strides = array<i32>} : memref<80x128xf32, #tpu.memory_space<vmem>>, vector<16xf32>,
        %mul3A_1033 = arith.mulf %get3A_1032, %broadcast_in_dim3A_1029 : vector<16xf32>
        %swap3A_1034 = arith.index_cast %add3A_935 : i32 to index
        %swap3A_1035 = arith.constant 48 : index
        %swap3A_1036 = tpu.vector_load %arg24[%swap3A_1034, %swap3A_1035] {strides = array<i32>} : memref<80x80xf32, #tpu.memory_space<vmem>>, vector<16xf32>,
        tpu.vector_store %arg24[%swap3A_1034, %swap3A_1035], %mul3A_1033 {strides = array<i32>} : memref<80x80xf32, #tpu.memory_space<vmem>>, vector<16xf32>,
        %scan3A_1037 = arith.constant 0 : i32
        scf.yield %scan3A_1037 : i32
      }
      %scan3A_371 = arith.constant 20 : i32
      %dma_start3A_372 = arith.constant 0 : i32
      %dma_start3A_373 = arith.constant 0 : i32
      %dma_start3A_374 = tpu.memref_slice %arg28[%dma_start3A_372, %dma_start3A_373] : memref<10240x80xf32, #tpu.memory_space<vmem_shared>> -> memref<10240x80xf32, #tpu.memory_space<vmem_shared>>
      tpu.enqueue_indirect_dma source(%arg24 : memref<80x80xf32, #tpu.memory_space<vmem>>) target(%dma_start3A_374 : memref<10240x80xf32, #tpu.memory_space<vmem_shared>>) offsets(%arg9 : memref<80xi32, #tpu.memory_space<vmem>>) semaphore(%arg32 : memref<!tpu.dma_semaphore, #tpu.memory_space<semaphore_mem>>) {add = true}
      %gt3A = arith.constant 0 : i32
      %gt3A_375 = arith.cmpi sgt, %scan3A_355, %gt3A : i32
      %convert_element_type3A = arith.extui %gt3A_375 : i1 to i32
      %cond3A = arith.constant 0 : i32
      %cond3A_376 = arith.cmpi ne, %convert_element_type3A, %cond3A : i32
      scf.if %cond3A_376 {
        %dma_wait3A_621 = arith.constant 0 : i32
        %dma_wait3A_622 = arith.constant 0 : i32
        %dma_wait3A_623 = tpu.memref_slice %arg28[%dma_wait3A_621, %dma_wait3A_622] : memref<10240x80xf32, #tpu.memory_space<vmem_shared>> -> memref<10240x80xf32, #tpu.memory_space<vmem_shared>>
        tpu.wait_indirect_dma semaphore(%arg34 : memref<!tpu.dma_semaphore, #tpu.memory_space<semaphore_mem>>) src(%arg26 : memref<80x80xf32, #tpu.memory_space<vmem>>) dst(%dma_wait3A_623 : memref<10240x80xf32, #tpu.memory_space<vmem_shared>>)
      } else {
      }
      %add3A_377 = arith.constant 2 : i32
      %add3A_378 = arith.addi %mul3A_358, %add3A_377 : i32
      %mul3A_379 = arith.constant 80 : i32
      %mul3A_380 = arith.muli %add3A_378, %mul3A_379 : i32
      %add3A_381 = arith.addi %mul3A_26, %mul3A_380 : i32
      "tpu.region"() ({
        %run_scoped3A = tpu.sem_alloc : memref<!tpu.dma_semaphore, #tpu.memory_space<semaphore_mem>>
        %dma_start3A_621 = arith.constant 0 : i32
        %dma_start3A_622 = tpu.memref_slice %arg4[%dma_start3A_621, %add3A_381] : memref<2x320000xi32, #tpu.memory_space<hbm>> -> memref<2x80xi32, #tpu.memory_space<hbm>>
        %dma_start3A_623 = arith.constant 0 : i32
        %dma_start3A_624 = tpu.memref_slice %arg4[%dma_start3A_623, %add3A_381] : memref<2x320000xi32, #tpu.memory_space<hbm>> -> memref<2x80xi32, #tpu.memory_space<hbm>>
        tpu.enqueue_dma source(%dma_start3A_624 : memref<2x80xi32, #tpu.memory_space<hbm>>) target(%arg8 : memref<2x80xi32, #tpu.memory_space<vmem>>) target_semaphore(%run_scoped3A : memref<!tpu.dma_semaphore, #tpu.memory_space<semaphore_mem>>)
        %dma_wait3A_625 = arith.constant 0 : i32
        %dma_wait3A_626 = tpu.memref_slice %arg4[%dma_wait3A_625, %add3A_381] : memref<2x320000xi32, #tpu.memory_space<hbm>> -> memref<2x80xi32, #tpu.memory_space<hbm>>
        %dma_wait3A_627 = arith.constant 0 : i32
        %dma_wait3A_628 = tpu.memref_slice %arg4[%dma_wait3A_627, %add3A_381] : memref<2x320000xi32, #tpu.memory_space<hbm>> -> memref<2x80xi32, #tpu.memory_space<hbm>>
        tpu.wait_dma2 semaphore(%run_scoped3A : memref<!tpu.dma_semaphore, #tpu.memory_space<semaphore_mem>>) src(%dma_wait3A_628 : memref<2x80xi32, #tpu.memory_space<hbm>>) dst(%arg8 : memref<2x80xi32, #tpu.memory_space<vmem>>)
        tpu.yield
      }) : () -> ()
      %get3A_382 = arith.constant 0 : i32
      %get3A_383 = arith.index_cast %get3A_382 : i32 to index
      %get3A_384 = arith.constant 0 : index
      %get3A_385 = tpu.vector_load %arg8[%get3A_383, %get3A_384] {strides = array<i32>} : memref<2x80xi32, #tpu.memory_space<vmem>>, vector<16xi32>,
      %get3A_386 = arith.constant 1 : i32
      %get3A_387 = arith.index_cast %get3A_386 : i32 to index
      %get3A_388 = arith.constant 0 : index
      %get3A_389 = tpu.vector_load %arg8[%get3A_387, %get3A_388] {strides = array<i32>} : memref<2x80xi32, #tpu.memory_space<vmem>>, vector<16xi32>,
      %add3A_390 = vector.broadcast %mul3A_0 : i32 to vector<16xi32>
      %add3A_391 = arith.addi %get3A_385, %add3A_390 : vector<16xi32>
      %swap3A_392 = arith.constant 0 : index
      %swap3A_393 = tpu.vector_load %arg14[%swap3A_392] {strides = array<i32>} : memref<80xi32, #tpu.memory_space<vmem>>, vector<16xi32>,
      tpu.vector_store %arg14[%swap3A_392], %add3A_391 {strides = array<i32>} : memref<80xi32, #tpu.memory_space<vmem>>, vector<16xi32>,
      %add3A_394 = vector.broadcast %mul3A_0 : i32 to vector<16xi32>
      %add3A_395 = arith.addi %get3A_389, %add3A_394 : vector<16xi32>
      %swap3A_396 = arith.constant 0 : index
      %swap3A_397 = tpu.vector_load %arg17[%swap3A_396] {strides = array<i32>} : memref<80xi32, #tpu.memory_space<vmem>>, vector<16xi32>,
      tpu.vector_store %arg17[%swap3A_396], %add3A_395 {strides = array<i32>} : memref<80xi32, #tpu.memory_space<vmem>>, vector<16xi32>,
      %swap3A_398 = arith.constant 0 : index
      %swap3A_399 = tpu.vector_load %arg11[%swap3A_398] {strides = array<i32>} : memref<80xi32, #tpu.memory_space<vmem>>, vector<16xi32>,
      tpu.vector_store %arg11[%swap3A_398], %get3A_389 {strides = array<i32>} : memref<80xi32, #tpu.memory_space<vmem>>, vector<16xi32>,
      %get3A_400 = arith.constant 0 : i32
      %get3A_401 = arith.index_cast %get3A_400 : i32 to index
      %get3A_402 = arith.constant 16 : index
      %get3A_403 = tpu.vector_load %arg8[%get3A_401, %get3A_402] {strides = array<i32>} : memref<2x80xi32, #tpu.memory_space<vmem>>, vector<16xi32>,
      %get3A_404 = arith.constant 1 : i32
      %get3A_405 = arith.index_cast %get3A_404 : i32 to index
      %get3A_406 = arith.constant 16 : index
      %get3A_407 = tpu.vector_load %arg8[%get3A_405, %get3A_406] {strides = array<i32>} : memref<2x80xi32, #tpu.memory_space<vmem>>, vector<16xi32>,
      %add3A_408 = vector.broadcast %mul3A_0 : i32 to vector<16xi32>
      %add3A_409 = arith.addi %get3A_403, %add3A_408 : vector<16xi32>
      %swap3A_410 = arith.constant 16 : index
      %swap3A_411 = tpu.vector_load %arg14[%swap3A_410] {strides = array<i32>} : memref<80xi32, #tpu.memory_space<vmem>>, vector<16xi32>,
      tpu.vector_store %arg14[%swap3A_410], %add3A_409 {strides = array<i32>} : memref<80xi32, #tpu.memory_space<vmem>>, vector<16xi32>,
      %add3A_412 = vector.broadcast %mul3A_0 : i32 to vector<16xi32>
      %add3A_413 = arith.addi %get3A_407, %add3A_412 : vector<16xi32>
      %swap3A_414 = arith.constant 16 : index
      %swap3A_415 = tpu.vector_load %arg17[%swap3A_414] {strides = array<i32>} : memref<80xi32, #tpu.memory_space<vmem>>, vector<16xi32>,
      tpu.vector_store %arg17[%swap3A_414], %add3A_413 {strides = array<i32>} : memref<80xi32, #tpu.memory_space<vmem>>, vector<16xi32>,
      %swap3A_416 = arith.constant 16 : index
      %swap3A_417 = tpu.vector_load %arg11[%swap3A_416] {strides = array<i32>} : memref<80xi32, #tpu.memory_space<vmem>>, vector<16xi32>,
      tpu.vector_store %arg11[%swap3A_416], %get3A_407 {strides = array<i32>} : memref<80xi32, #tpu.memory_space<vmem>>, vector<16xi32>,
      %get3A_418 = arith.constant 0 : i32
      %get3A_419 = arith.index_cast %get3A_418 : i32 to index
      %get3A_420 = arith.constant 32 : index
      %get3A_421 = tpu.vector_load %arg8[%get3A_419, %get3A_420] {strides = array<i32>} : memref<2x80xi32, #tpu.memory_space<vmem>>, vector<16xi32>,
      %get3A_422 = arith.constant 1 : i32
      %get3A_423 = arith.index_cast %get3A_422 : i32 to index
      %get3A_424 = arith.constant 32 : index
      %get3A_425 = tpu.vector_load %arg8[%get3A_423, %get3A_424] {strides = array<i32>} : memref<2x80xi32, #tpu.memory_space<vmem>>, vector<16xi32>,
      %add3A_426 = vector.broadcast %mul3A_0 : i32 to vector<16xi32>
      %add3A_427 = arith.addi %get3A_421, %add3A_426 : vector<16xi32>
      %swap3A_428 = arith.constant 32 : index
      %swap3A_429 = tpu.vector_load %arg14[%swap3A_428] {strides = array<i32>} : memref<80xi32, #tpu.memory_space<vmem>>, vector<16xi32>,
      tpu.vector_store %arg14[%swap3A_428], %add3A_427 {strides = array<i32>} : memref<80xi32, #tpu.memory_space<vmem>>, vector<16xi32>,
      %add3A_430 = vector.broadcast %mul3A_0 : i32 to vector<16xi32>
      %add3A_431 = arith.addi %get3A_425, %add3A_430 : vector<16xi32>
      %swap3A_432 = arith.constant 32 : index
      %swap3A_433 = tpu.vector_load %arg17[%swap3A_432] {strides = array<i32>} : memref<80xi32, #tpu.memory_space<vmem>>, vector<16xi32>,
      tpu.vector_store %arg17[%swap3A_432], %add3A_431 {strides = array<i32>} : memref<80xi32, #tpu.memory_space<vmem>>, vector<16xi32>,
      %swap3A_434 = arith.constant 32 : index
      %swap3A_435 = tpu.vector_load %arg11[%swap3A_434] {strides = array<i32>} : memref<80xi32, #tpu.memory_space<vmem>>, vector<16xi32>,
      tpu.vector_store %arg11[%swap3A_434], %get3A_425 {strides = array<i32>} : memref<80xi32, #tpu.memory_space<vmem>>, vector<16xi32>,
      %get3A_436 = arith.constant 0 : i32
      %get3A_437 = arith.index_cast %get3A_436 : i32 to index
      %get3A_438 = arith.constant 48 : index
      %get3A_439 = tpu.vector_load %arg8[%get3A_437, %get3A_438] {strides = array<i32>} : memref<2x80xi32, #tpu.memory_space<vmem>>, vector<16xi32>,
      %get3A_440 = arith.constant 1 : i32
      %get3A_441 = arith.index_cast %get3A_440 : i32 to index
      %get3A_442 = arith.constant 48 : index
      %get3A_443 = tpu.vector_load %arg8[%get3A_441, %get3A_442] {strides = array<i32>} : memref<2x80xi32, #tpu.memory_space<vmem>>, vector<16xi32>,
      %add3A_444 = vector.broadcast %mul3A_0 : i32 to vector<16xi32>
      %add3A_445 = arith.addi %get3A_439, %add3A_444 : vector<16xi32>
      %swap3A_446 = arith.constant 48 : index
      %swap3A_447 = tpu.vector_load %arg14[%swap3A_446] {strides = array<i32>} : memref<80xi32, #tpu.memory_space<vmem>>, vector<16xi32>,
      tpu.vector_store %arg14[%swap3A_446], %add3A_445 {strides = array<i32>} : memref<80xi32, #tpu.memory_space<vmem>>, vector<16xi32>,
      %add3A_448 = vector.broadcast %mul3A_0 : i32 to vector<16xi32>
      %add3A_449 = arith.addi %get3A_443, %add3A_448 : vector<16xi32>
      %swap3A_450 = arith.constant 48 : index
      %swap3A_451 = tpu.vector_load %arg17[%swap3A_450] {strides = array<i32>} : memref<80xi32, #tpu.memory_space<vmem>>, vector<16xi32>,
      tpu.vector_store %arg17[%swap3A_450], %add3A_449 {strides = array<i32>} : memref<80xi32, #tpu.memory_space<vmem>>, vector<16xi32>,
      %swap3A_452 = arith.constant 48 : index
      %swap3A_453 = tpu.vector_load %arg11[%swap3A_452] {strides = array<i32>} : memref<80xi32, #tpu.memory_space<vmem>>, vector<16xi32>,
      tpu.vector_store %arg11[%swap3A_452], %get3A_443 {strides = array<i32>} : memref<80xi32, #tpu.memory_space<vmem>>, vector<16xi32>,
      %get3A_454 = arith.constant 0 : i32
      %get3A_455 = arith.index_cast %get3A_454 : i32 to index
      %get3A_456 = arith.constant 64 : index
      %get3A_457 = tpu.vector_load %arg8[%get3A_455, %get3A_456] {strides = array<i32>} : memref<2x80xi32, #tpu.memory_space<vmem>>, vector<16xi32>,
      %get3A_458 = arith.constant 1 : i32
      %get3A_459 = arith.index_cast %get3A_458 : i32 to index
      %get3A_460 = arith.constant 64 : index
      %get3A_461 = tpu.vector_load %arg8[%get3A_459, %get3A_460] {strides = array<i32>} : memref<2x80xi32, #tpu.memory_space<vmem>>, vector<16xi32>,
      %add3A_462 = vector.broadcast %mul3A_0 : i32 to vector<16xi32>
      %add3A_463 = arith.addi %get3A_457, %add3A_462 : vector<16xi32>
      %swap3A_464 = arith.constant 64 : index
      %swap3A_465 = tpu.vector_load %arg14[%swap3A_464] {strides = array<i32>} : memref<80xi32, #tpu.memory_space<vmem>>, vector<16xi32>,
      tpu.vector_store %arg14[%swap3A_464], %add3A_463 {strides = array<i32>} : memref<80xi32, #tpu.memory_space<vmem>>, vector<16xi32>,
      %add3A_466 = vector.broadcast %mul3A_0 : i32 to vector<16xi32>
      %add3A_467 = arith.addi %get3A_461, %add3A_466 : vector<16xi32>
      %swap3A_468 = arith.constant 64 : index
      %swap3A_469 = tpu.vector_load %arg17[%swap3A_468] {strides = array<i32>} : memref<80xi32, #tpu.memory_space<vmem>>, vector<16xi32>,
      tpu.vector_store %arg17[%swap3A_468], %add3A_467 {strides = array<i32>} : memref<80xi32, #tpu.memory_space<vmem>>, vector<16xi32>,
      %swap3A_470 = arith.constant 64 : index
      %swap3A_471 = tpu.vector_load %arg11[%swap3A_470] {strides = array<i32>} : memref<80xi32, #tpu.memory_space<vmem>>, vector<16xi32>,
      tpu.vector_store %arg11[%swap3A_470], %get3A_461 {strides = array<i32>} : memref<80xi32, #tpu.memory_space<vmem>>, vector<16xi32>,
      %dma_start3A_472 = arith.constant 0 : i32
      %dma_start3A_473 = arith.constant 0 : i32
      %dma_start3A_474 = tpu.memref_slice %arg3[%dma_start3A_472, %dma_start3A_473] : memref<20000x128xf32, #tpu.memory_space<hbm>> -> memref<20000x128xf32, #tpu.memory_space<hbm>>
      tpu.enqueue_indirect_dma source(%dma_start3A_474 : memref<20000x128xf32, #tpu.memory_space<hbm>>) target(%arg20 : memref<80x128xf32, #tpu.memory_space<vmem>>) offsets(%arg14 : memref<80xi32, #tpu.memory_space<vmem>>) semaphore(%arg31 : memref<!tpu.dma_semaphore, #tpu.memory_space<semaphore_mem>>)
      %dma_start3A_475 = arith.constant 0 : i32
      %dma_start3A_476 = arith.constant 0 : i32
      %dma_start3A_477 = tpu.memref_slice %arg2[%dma_start3A_475, %dma_start3A_476] : memref<20000x64xf32, #tpu.memory_space<hbm>> -> memref<20000x64xf32, #tpu.memory_space<hbm>>
      tpu.enqueue_indirect_dma source(%dma_start3A_477 : memref<20000x64xf32, #tpu.memory_space<hbm>>) target(%arg23 : memref<80x64xf32, #tpu.memory_space<vmem>>) offsets(%arg17 : memref<80xi32, #tpu.memory_space<vmem>>) semaphore(%arg31 : memref<!tpu.dma_semaphore, #tpu.memory_space<semaphore_mem>>)
      %dma_wait3A_478 = arith.constant 0 : i32
      %dma_wait3A_479 = arith.constant 0 : i32
      %dma_wait3A_480 = tpu.memref_slice %arg3[%dma_wait3A_478, %dma_wait3A_479] : memref<20000x128xf32, #tpu.memory_space<hbm>> -> memref<20000x128xf32, #tpu.memory_space<hbm>>
      tpu.wait_indirect_dma semaphore(%arg30 : memref<!tpu.dma_semaphore, #tpu.memory_space<semaphore_mem>>) src(%dma_wait3A_480 : memref<20000x128xf32, #tpu.memory_space<hbm>>) dst(%arg19 : memref<80x128xf32, #tpu.memory_space<vmem>>)
      %dma_wait3A_481 = arith.constant 0 : i32
      %dma_wait3A_482 = arith.constant 0 : i32
      %dma_wait3A_483 = tpu.memref_slice %arg2[%dma_wait3A_481, %dma_wait3A_482] : memref<20000x64xf32, #tpu.memory_space<hbm>> -> memref<20000x64xf32, #tpu.memory_space<hbm>>
      tpu.wait_indirect_dma semaphore(%arg30 : memref<!tpu.dma_semaphore, #tpu.memory_space<semaphore_mem>>) src(%dma_wait3A_483 : memref<20000x64xf32, #tpu.memory_space<hbm>>) dst(%arg22 : memref<80x64xf32, #tpu.memory_space<vmem>>)
      %scan3A_484 = arith.constant 0 : i32
      %scan3A_485 = arith.constant 0 : i32
      %scan3A_486 = arith.constant 20 : i32
      %scan3A_487 = arith.addi %scan3A_485, %scan3A_486 : i32
      %scan3A_488 = arith.constant 1 : i32
      %scan3A_489 = scf.for %scan3A_621 = %scan3A_485 to %scan3A_487 step %scan3A_488 iter_args(%scan3A_622 = %scan3A_484) -> (i32)  : i32 {
        %mul3A_623 = arith.constant 4 : i32
        %mul3A_624 = arith.muli %mul3A_623, %scan3A_621 : i32
        %add3A_625 = arith.constant 0 : i32
        %add3A_626 = arith.addi %mul3A_624, %add3A_625 : i32
        %get3A_627 = arith.index_cast %add3A_626 : i32 to index
        %get3A_628 = arith.constant 0 : index
        %get3A_629 = tpu.vector_load %arg19[%get3A_627, %get3A_628] {strides = array<i32>} : memref<80x128xf32, #tpu.memory_space<vmem>>, vector<16xf32>,
        %get3A_630 = arith.index_cast %add3A_626 : i32 to index
        %get3A_631 = arith.constant 0 : index
        %get3A_632 = tpu.vector_load %arg22[%get3A_630, %get3A_631] {strides = array<i32>} : memref<80x64xf32, #tpu.memory_space<vmem>>, vector<16xf32>,
        %mul3A_633 = arith.mulf %get3A_629, %get3A_632 : vector<16xf32>
        %reduce_sum3A = arith.constant true
        %reduce_sum3A_634 = vector.broadcast %reduce_sum3A : i1 to vector<16xi1>
        %reduce_sum3A_635 = tpu.scan <sum>, %mul3A_633 masked %reduce_sum3A_634 : vector<16xf32>, vector<16xi1> -> vector<16xf32>
        %reduce_sum3A_636 = vector.extract %reduce_sum3A_635[15] : f32 from vector<16xf32>
        %get3A_637 = arith.index_cast %add3A_626 : i32 to index
        %get3A_638 = arith.constant 16 : index
        %get3A_639 = tpu.vector_load %arg19[%get3A_637, %get3A_638] {strides = array<i32>} : memref<80x128xf32, #tpu.memory_space<vmem>>, vector<16xf32>,
        %get3A_640 = arith.index_cast %add3A_626 : i32 to index
        %get3A_641 = arith.constant 16 : index
        %get3A_642 = tpu.vector_load %arg22[%get3A_640, %get3A_641] {strides = array<i32>} : memref<80x64xf32, #tpu.memory_space<vmem>>, vector<16xf32>,
        %mul3A_643 = arith.mulf %get3A_639, %get3A_642 : vector<16xf32>
        %reduce_sum3A_644 = arith.constant true
        %reduce_sum3A_645 = vector.broadcast %reduce_sum3A_644 : i1 to vector<16xi1>
        %reduce_sum3A_646 = tpu.scan <sum>, %mul3A_643 masked %reduce_sum3A_645 : vector<16xf32>, vector<16xi1> -> vector<16xf32>
        %reduce_sum3A_647 = vector.extract %reduce_sum3A_646[15] : f32 from vector<16xf32>
        %get3A_648 = arith.index_cast %add3A_626 : i32 to index
        %get3A_649 = arith.constant 32 : index
        %get3A_650 = tpu.vector_load %arg19[%get3A_648, %get3A_649] {strides = array<i32>} : memref<80x128xf32, #tpu.memory_space<vmem>>, vector<16xf32>,
        %get3A_651 = arith.index_cast %add3A_626 : i32 to index
        %get3A_652 = arith.constant 32 : index
        %get3A_653 = tpu.vector_load %arg22[%get3A_651, %get3A_652] {strides = array<i32>} : memref<80x64xf32, #tpu.memory_space<vmem>>, vector<16xf32>,
        %mul3A_654 = arith.mulf %get3A_650, %get3A_653 : vector<16xf32>
        %reduce_sum3A_655 = arith.constant true
        %reduce_sum3A_656 = vector.broadcast %reduce_sum3A_655 : i1 to vector<16xi1>
        %reduce_sum3A_657 = tpu.scan <sum>, %mul3A_654 masked %reduce_sum3A_656 : vector<16xf32>, vector<16xi1> -> vector<16xf32>
        %reduce_sum3A_658 = vector.extract %reduce_sum3A_657[15] : f32 from vector<16xf32>
        %get3A_659 = arith.index_cast %add3A_626 : i32 to index
        %get3A_660 = arith.constant 48 : index
        %get3A_661 = tpu.vector_load %arg19[%get3A_659, %get3A_660] {strides = array<i32>} : memref<80x128xf32, #tpu.memory_space<vmem>>, vector<16xf32>,
        %get3A_662 = arith.index_cast %add3A_626 : i32 to index
        %get3A_663 = arith.constant 48 : index
        %get3A_664 = tpu.vector_load %arg22[%get3A_662, %get3A_663] {strides = array<i32>} : memref<80x64xf32, #tpu.memory_space<vmem>>, vector<16xf32>,
        %mul3A_665 = arith.mulf %get3A_661, %get3A_664 : vector<16xf32>
        %reduce_sum3A_666 = arith.constant true
        %reduce_sum3A_667 = vector.broadcast %reduce_sum3A_666 : i1 to vector<16xi1>
        %reduce_sum3A_668 = tpu.scan <sum>, %mul3A_665 masked %reduce_sum3A_667 : vector<16xf32>, vector<16xi1> -> vector<16xf32>
        %reduce_sum3A_669 = vector.extract %reduce_sum3A_668[15] : f32 from vector<16xf32>
        %broadcast_in_dim3A_670 = vector.broadcast %reduce_sum3A_636 : f32 to vector<16xf32>
        %broadcast_in_dim3A_671 = vector.broadcast %reduce_sum3A_647 : f32 to vector<16xf32>
        %select_n3A_672 = arith.select %eq3A_51, %broadcast_in_dim3A_671, %broadcast_in_dim3A_670 : vector<16xi1>, vector<16xf32>
        %broadcast_in_dim3A_673 = vector.broadcast %reduce_sum3A_658 : f32 to vector<16xf32>
        %select_n3A_674 = arith.select %eq3A_85, %broadcast_in_dim3A_673, %select_n3A_672 : vector<16xi1>, vector<16xf32>
        %broadcast_in_dim3A_675 = vector.broadcast %reduce_sum3A_669 : f32 to vector<16xf32>
        %select_n3A_676 = arith.select %eq3A_119, %broadcast_in_dim3A_675, %select_n3A_674 : vector<16xi1>, vector<16xf32>
        %jit3A_677 = arith.constant -5.000000e+00 : f32
        %jit3A_678 = arith.constant 5.000000e+00 : f32
        %max3A = vector.broadcast %jit3A_677 : f32 to vector<16xf32>
        %max3A_679 = arith.maximumf %max3A, %select_n3A_676 : vector<16xf32>
        %min3A = vector.broadcast %jit3A_678 : f32 to vector<16xf32>
        %min3A_680 = arith.minimumf %min3A, %max3A_679 : vector<16xf32>
        %exp3A = math.exp %min3A_680 : vector<16xf32>
        %swap3A_681 = arith.index_cast %add3A_626 : i32 to index
        %swap3A_682 = arith.constant 64 : index
        %swap3A_683 = tpu.vector_load %arg25[%swap3A_681, %swap3A_682] {strides = array<i32>} : memref<80x80xf32, #tpu.memory_space<vmem>>, vector<16xf32>,
        tpu.vector_store %arg25[%swap3A_681, %swap3A_682], %exp3A {strides = array<i32>} : memref<80x80xf32, #tpu.memory_space<vmem>>, vector<16xf32>,
        %slice3A = vector.extract_strided_slice %exp3A {offsets = [0], sizes = [1], strides = [1]} : vector<16xf32> to vector<1xf32>
        %squeeze3A = vector.extract %slice3A[0] : f32 from vector<1xf32>
        %broadcast_in_dim3A_684 = vector.broadcast %squeeze3A : f32 to vector<16xf32>
        %get3A_685 = arith.index_cast %add3A_626 : i32 to index
        %get3A_686 = arith.constant 64 : index
        %get3A_687 = tpu.vector_load %arg19[%get3A_685, %get3A_686] {strides = array<i32>} : memref<80x128xf32, #tpu.memory_space<vmem>>, vector<16xf32>,
        %mul3A_688 = arith.mulf %get3A_687, %broadcast_in_dim3A_684 : vector<16xf32>
        %swap3A_689 = arith.index_cast %add3A_626 : i32 to index
        %swap3A_690 = arith.constant 0 : index
        %swap3A_691 = tpu.vector_load %arg25[%swap3A_689, %swap3A_690] {strides = array<i32>} : memref<80x80xf32, #tpu.memory_space<vmem>>, vector<16xf32>,
        tpu.vector_store %arg25[%swap3A_689, %swap3A_690], %mul3A_688 {strides = array<i32>} : memref<80x80xf32, #tpu.memory_space<vmem>>, vector<16xf32>,
        %slice3A_692 = vector.extract_strided_slice %exp3A {offsets = [4], sizes = [1], strides = [1]} : vector<16xf32> to vector<1xf32>
        %squeeze3A_693 = vector.extract %slice3A_692[0] : f32 from vector<1xf32>
        %broadcast_in_dim3A_694 = vector.broadcast %squeeze3A_693 : f32 to vector<16xf32>
        %get3A_695 = arith.index_cast %add3A_626 : i32 to index
        %get3A_696 = arith.constant 80 : index
        %get3A_697 = tpu.vector_load %arg19[%get3A_695, %get3A_696] {strides = array<i32>} : memref<80x128xf32, #tpu.memory_space<vmem>>, vector<16xf32>,
        %mul3A_698 = arith.mulf %get3A_697, %broadcast_in_dim3A_694 : vector<16xf32>
        %swap3A_699 = arith.index_cast %add3A_626 : i32 to index
        %swap3A_700 = arith.constant 16 : index
        %swap3A_701 = tpu.vector_load %arg25[%swap3A_699, %swap3A_700] {strides = array<i32>} : memref<80x80xf32, #tpu.memory_space<vmem>>, vector<16xf32>,
        tpu.vector_store %arg25[%swap3A_699, %swap3A_700], %mul3A_698 {strides = array<i32>} : memref<80x80xf32, #tpu.memory_space<vmem>>, vector<16xf32>,
        %slice3A_702 = vector.extract_strided_slice %exp3A {offsets = [8], sizes = [1], strides = [1]} : vector<16xf32> to vector<1xf32>
        %squeeze3A_703 = vector.extract %slice3A_702[0] : f32 from vector<1xf32>
        %broadcast_in_dim3A_704 = vector.broadcast %squeeze3A_703 : f32 to vector<16xf32>
        %get3A_705 = arith.index_cast %add3A_626 : i32 to index
        %get3A_706 = arith.constant 96 : index
        %get3A_707 = tpu.vector_load %arg19[%get3A_705, %get3A_706] {strides = array<i32>} : memref<80x128xf32, #tpu.memory_space<vmem>>, vector<16xf32>,
        %mul3A_708 = arith.mulf %get3A_707, %broadcast_in_dim3A_704 : vector<16xf32>
        %swap3A_709 = arith.index_cast %add3A_626 : i32 to index
        %swap3A_710 = arith.constant 32 : index
        %swap3A_711 = tpu.vector_load %arg25[%swap3A_709, %swap3A_710] {strides = array<i32>} : memref<80x80xf32, #tpu.memory_space<vmem>>, vector<16xf32>,
        tpu.vector_store %arg25[%swap3A_709, %swap3A_710], %mul3A_708 {strides = array<i32>} : memref<80x80xf32, #tpu.memory_space<vmem>>, vector<16xf32>,
        %slice3A_712 = vector.extract_strided_slice %exp3A {offsets = [12], sizes = [1], strides = [1]} : vector<16xf32> to vector<1xf32>
        %squeeze3A_713 = vector.extract %slice3A_712[0] : f32 from vector<1xf32>
        %broadcast_in_dim3A_714 = vector.broadcast %squeeze3A_713 : f32 to vector<16xf32>
        %get3A_715 = arith.index_cast %add3A_626 : i32 to index
        %get3A_716 = arith.constant 112 : index
        %get3A_717 = tpu.vector_load %arg19[%get3A_715, %get3A_716] {strides = array<i32>} : memref<80x128xf32, #tpu.memory_space<vmem>>, vector<16xf32>,
        %mul3A_718 = arith.mulf %get3A_717, %broadcast_in_dim3A_714 : vector<16xf32>
        %swap3A_719 = arith.index_cast %add3A_626 : i32 to index
        %swap3A_720 = arith.constant 48 : index
        %swap3A_721 = tpu.vector_load %arg25[%swap3A_719, %swap3A_720] {strides = array<i32>} : memref<80x80xf32, #tpu.memory_space<vmem>>, vector<16xf32>,
        tpu.vector_store %arg25[%swap3A_719, %swap3A_720], %mul3A_718 {strides = array<i32>} : memref<80x80xf32, #tpu.memory_space<vmem>>, vector<16xf32>,
        %mul3A_722 = arith.constant 4 : i32
        %mul3A_723 = arith.muli %mul3A_722, %scan3A_621 : i32
        %add3A_724 = arith.constant 1 : i32
        %add3A_725 = arith.addi %mul3A_723, %add3A_724 : i32
        %get3A_726 = arith.index_cast %add3A_725 : i32 to index
        %get3A_727 = arith.constant 0 : index
        %get3A_728 = tpu.vector_load %arg19[%get3A_726, %get3A_727] {strides = array<i32>} : memref<80x128xf32, #tpu.memory_space<vmem>>, vector<16xf32>,
        %get3A_729 = arith.index_cast %add3A_725 : i32 to index
        %get3A_730 = arith.constant 0 : index
        %get3A_731 = tpu.vector_load %arg22[%get3A_729, %get3A_730] {strides = array<i32>} : memref<80x64xf32, #tpu.memory_space<vmem>>, vector<16xf32>,
        %mul3A_732 = arith.mulf %get3A_728, %get3A_731 : vector<16xf32>
        %reduce_sum3A_733 = arith.constant true
        %reduce_sum3A_734 = vector.broadcast %reduce_sum3A_733 : i1 to vector<16xi1>
        %reduce_sum3A_735 = tpu.scan <sum>, %mul3A_732 masked %reduce_sum3A_734 : vector<16xf32>, vector<16xi1> -> vector<16xf32>
        %reduce_sum3A_736 = vector.extract %reduce_sum3A_735[15] : f32 from vector<16xf32>
        %get3A_737 = arith.index_cast %add3A_725 : i32 to index
        %get3A_738 = arith.constant 16 : index
        %get3A_739 = tpu.vector_load %arg19[%get3A_737, %get3A_738] {strides = array<i32>} : memref<80x128xf32, #tpu.memory_space<vmem>>, vector<16xf32>,
        %get3A_740 = arith.index_cast %add3A_725 : i32 to index
        %get3A_741 = arith.constant 16 : index
        %get3A_742 = tpu.vector_load %arg22[%get3A_740, %get3A_741] {strides = array<i32>} : memref<80x64xf32, #tpu.memory_space<vmem>>, vector<16xf32>,
        %mul3A_743 = arith.mulf %get3A_739, %get3A_742 : vector<16xf32>
        %reduce_sum3A_744 = arith.constant true
        %reduce_sum3A_745 = vector.broadcast %reduce_sum3A_744 : i1 to vector<16xi1>
        %reduce_sum3A_746 = tpu.scan <sum>, %mul3A_743 masked %reduce_sum3A_745 : vector<16xf32>, vector<16xi1> -> vector<16xf32>
        %reduce_sum3A_747 = vector.extract %reduce_sum3A_746[15] : f32 from vector<16xf32>
        %get3A_748 = arith.index_cast %add3A_725 : i32 to index
        %get3A_749 = arith.constant 32 : index
        %get3A_750 = tpu.vector_load %arg19[%get3A_748, %get3A_749] {strides = array<i32>} : memref<80x128xf32, #tpu.memory_space<vmem>>, vector<16xf32>,
        %get3A_751 = arith.index_cast %add3A_725 : i32 to index
        %get3A_752 = arith.constant 32 : index
        %get3A_753 = tpu.vector_load %arg22[%get3A_751, %get3A_752] {strides = array<i32>} : memref<80x64xf32, #tpu.memory_space<vmem>>, vector<16xf32>,
        %mul3A_754 = arith.mulf %get3A_750, %get3A_753 : vector<16xf32>
        %reduce_sum3A_755 = arith.constant true
        %reduce_sum3A_756 = vector.broadcast %reduce_sum3A_755 : i1 to vector<16xi1>
        %reduce_sum3A_757 = tpu.scan <sum>, %mul3A_754 masked %reduce_sum3A_756 : vector<16xf32>, vector<16xi1> -> vector<16xf32>
        %reduce_sum3A_758 = vector.extract %reduce_sum3A_757[15] : f32 from vector<16xf32>
        %get3A_759 = arith.index_cast %add3A_725 : i32 to index
        %get3A_760 = arith.constant 48 : index
        %get3A_761 = tpu.vector_load %arg19[%get3A_759, %get3A_760] {strides = array<i32>} : memref<80x128xf32, #tpu.memory_space<vmem>>, vector<16xf32>,
        %get3A_762 = arith.index_cast %add3A_725 : i32 to index
        %get3A_763 = arith.constant 48 : index
        %get3A_764 = tpu.vector_load %arg22[%get3A_762, %get3A_763] {strides = array<i32>} : memref<80x64xf32, #tpu.memory_space<vmem>>, vector<16xf32>,
        %mul3A_765 = arith.mulf %get3A_761, %get3A_764 : vector<16xf32>
        %reduce_sum3A_766 = arith.constant true
        %reduce_sum3A_767 = vector.broadcast %reduce_sum3A_766 : i1 to vector<16xi1>
        %reduce_sum3A_768 = tpu.scan <sum>, %mul3A_765 masked %reduce_sum3A_767 : vector<16xf32>, vector<16xi1> -> vector<16xf32>
        %reduce_sum3A_769 = vector.extract %reduce_sum3A_768[15] : f32 from vector<16xf32>
        %broadcast_in_dim3A_770 = vector.broadcast %reduce_sum3A_736 : f32 to vector<16xf32>
        %broadcast_in_dim3A_771 = vector.broadcast %reduce_sum3A_747 : f32 to vector<16xf32>
        %select_n3A_772 = arith.select %eq3A_51, %broadcast_in_dim3A_771, %broadcast_in_dim3A_770 : vector<16xi1>, vector<16xf32>
        %broadcast_in_dim3A_773 = vector.broadcast %reduce_sum3A_758 : f32 to vector<16xf32>
        %select_n3A_774 = arith.select %eq3A_85, %broadcast_in_dim3A_773, %select_n3A_772 : vector<16xi1>, vector<16xf32>
        %broadcast_in_dim3A_775 = vector.broadcast %reduce_sum3A_769 : f32 to vector<16xf32>
        %select_n3A_776 = arith.select %eq3A_119, %broadcast_in_dim3A_775, %select_n3A_774 : vector<16xi1>, vector<16xf32>
        %jit3A_777 = arith.constant -5.000000e+00 : f32
        %jit3A_778 = arith.constant 5.000000e+00 : f32
        %max3A_779 = vector.broadcast %jit3A_777 : f32 to vector<16xf32>
        %max3A_780 = arith.maximumf %max3A_779, %select_n3A_776 : vector<16xf32>
        %min3A_781 = vector.broadcast %jit3A_778 : f32 to vector<16xf32>
        %min3A_782 = arith.minimumf %min3A_781, %max3A_780 : vector<16xf32>
        %exp3A_783 = math.exp %min3A_782 : vector<16xf32>
        %swap3A_784 = arith.index_cast %add3A_725 : i32 to index
        %swap3A_785 = arith.constant 64 : index
        %swap3A_786 = tpu.vector_load %arg25[%swap3A_784, %swap3A_785] {strides = array<i32>} : memref<80x80xf32, #tpu.memory_space<vmem>>, vector<16xf32>,
        tpu.vector_store %arg25[%swap3A_784, %swap3A_785], %exp3A_783 {strides = array<i32>} : memref<80x80xf32, #tpu.memory_space<vmem>>, vector<16xf32>,
        %slice3A_787 = vector.extract_strided_slice %exp3A_783 {offsets = [0], sizes = [1], strides = [1]} : vector<16xf32> to vector<1xf32>
        %squeeze3A_788 = vector.extract %slice3A_787[0] : f32 from vector<1xf32>
        %broadcast_in_dim3A_789 = vector.broadcast %squeeze3A_788 : f32 to vector<16xf32>
        %get3A_790 = arith.index_cast %add3A_725 : i32 to index
        %get3A_791 = arith.constant 64 : index
        %get3A_792 = tpu.vector_load %arg19[%get3A_790, %get3A_791] {strides = array<i32>} : memref<80x128xf32, #tpu.memory_space<vmem>>, vector<16xf32>,
        %mul3A_793 = arith.mulf %get3A_792, %broadcast_in_dim3A_789 : vector<16xf32>
        %swap3A_794 = arith.index_cast %add3A_725 : i32 to index
        %swap3A_795 = arith.constant 0 : index
        %swap3A_796 = tpu.vector_load %arg25[%swap3A_794, %swap3A_795] {strides = array<i32>} : memref<80x80xf32, #tpu.memory_space<vmem>>, vector<16xf32>,
        tpu.vector_store %arg25[%swap3A_794, %swap3A_795], %mul3A_793 {strides = array<i32>} : memref<80x80xf32, #tpu.memory_space<vmem>>, vector<16xf32>,
        %slice3A_797 = vector.extract_strided_slice %exp3A_783 {offsets = [4], sizes = [1], strides = [1]} : vector<16xf32> to vector<1xf32>
        %squeeze3A_798 = vector.extract %slice3A_797[0] : f32 from vector<1xf32>
        %broadcast_in_dim3A_799 = vector.broadcast %squeeze3A_798 : f32 to vector<16xf32>
        %get3A_800 = arith.index_cast %add3A_725 : i32 to index
        %get3A_801 = arith.constant 80 : index
        %get3A_802 = tpu.vector_load %arg19[%get3A_800, %get3A_801] {strides = array<i32>} : memref<80x128xf32, #tpu.memory_space<vmem>>, vector<16xf32>,
        %mul3A_803 = arith.mulf %get3A_802, %broadcast_in_dim3A_799 : vector<16xf32>
        %swap3A_804 = arith.index_cast %add3A_725 : i32 to index
        %swap3A_805 = arith.constant 16 : index
        %swap3A_806 = tpu.vector_load %arg25[%swap3A_804, %swap3A_805] {strides = array<i32>} : memref<80x80xf32, #tpu.memory_space<vmem>>, vector<16xf32>,
        tpu.vector_store %arg25[%swap3A_804, %swap3A_805], %mul3A_803 {strides = array<i32>} : memref<80x80xf32, #tpu.memory_space<vmem>>, vector<16xf32>,
        %slice3A_807 = vector.extract_strided_slice %exp3A_783 {offsets = [8], sizes = [1], strides = [1]} : vector<16xf32> to vector<1xf32>
        %squeeze3A_808 = vector.extract %slice3A_807[0] : f32 from vector<1xf32>
        %broadcast_in_dim3A_809 = vector.broadcast %squeeze3A_808 : f32 to vector<16xf32>
        %get3A_810 = arith.index_cast %add3A_725 : i32 to index
        %get3A_811 = arith.constant 96 : index
        %get3A_812 = tpu.vector_load %arg19[%get3A_810, %get3A_811] {strides = array<i32>} : memref<80x128xf32, #tpu.memory_space<vmem>>, vector<16xf32>,
        %mul3A_813 = arith.mulf %get3A_812, %broadcast_in_dim3A_809 : vector<16xf32>
        %swap3A_814 = arith.index_cast %add3A_725 : i32 to index
        %swap3A_815 = arith.constant 32 : index
        %swap3A_816 = tpu.vector_load %arg25[%swap3A_814, %swap3A_815] {strides = array<i32>} : memref<80x80xf32, #tpu.memory_space<vmem>>, vector<16xf32>,
        tpu.vector_store %arg25[%swap3A_814, %swap3A_815], %mul3A_813 {strides = array<i32>} : memref<80x80xf32, #tpu.memory_space<vmem>>, vector<16xf32>,
        %slice3A_817 = vector.extract_strided_slice %exp3A_783 {offsets = [12], sizes = [1], strides = [1]} : vector<16xf32> to vector<1xf32>
        %squeeze3A_818 = vector.extract %slice3A_817[0] : f32 from vector<1xf32>
        %broadcast_in_dim3A_819 = vector.broadcast %squeeze3A_818 : f32 to vector<16xf32>
        %get3A_820 = arith.index_cast %add3A_725 : i32 to index
        %get3A_821 = arith.constant 112 : index
        %get3A_822 = tpu.vector_load %arg19[%get3A_820, %get3A_821] {strides = array<i32>} : memref<80x128xf32, #tpu.memory_space<vmem>>, vector<16xf32>,
        %mul3A_823 = arith.mulf %get3A_822, %broadcast_in_dim3A_819 : vector<16xf32>
        %swap3A_824 = arith.index_cast %add3A_725 : i32 to index
        %swap3A_825 = arith.constant 48 : index
        %swap3A_826 = tpu.vector_load %arg25[%swap3A_824, %swap3A_825] {strides = array<i32>} : memref<80x80xf32, #tpu.memory_space<vmem>>, vector<16xf32>,
        tpu.vector_store %arg25[%swap3A_824, %swap3A_825], %mul3A_823 {strides = array<i32>} : memref<80x80xf32, #tpu.memory_space<vmem>>, vector<16xf32>,
        %mul3A_827 = arith.constant 4 : i32
        %mul3A_828 = arith.muli %mul3A_827, %scan3A_621 : i32
        %add3A_829 = arith.constant 2 : i32
        %add3A_830 = arith.addi %mul3A_828, %add3A_829 : i32
        %get3A_831 = arith.index_cast %add3A_830 : i32 to index
        %get3A_832 = arith.constant 0 : index
        %get3A_833 = tpu.vector_load %arg19[%get3A_831, %get3A_832] {strides = array<i32>} : memref<80x128xf32, #tpu.memory_space<vmem>>, vector<16xf32>,
        %get3A_834 = arith.index_cast %add3A_830 : i32 to index
        %get3A_835 = arith.constant 0 : index
        %get3A_836 = tpu.vector_load %arg22[%get3A_834, %get3A_835] {strides = array<i32>} : memref<80x64xf32, #tpu.memory_space<vmem>>, vector<16xf32>,
        %mul3A_837 = arith.mulf %get3A_833, %get3A_836 : vector<16xf32>
        %reduce_sum3A_838 = arith.constant true
        %reduce_sum3A_839 = vector.broadcast %reduce_sum3A_838 : i1 to vector<16xi1>
        %reduce_sum3A_840 = tpu.scan <sum>, %mul3A_837 masked %reduce_sum3A_839 : vector<16xf32>, vector<16xi1> -> vector<16xf32>
        %reduce_sum3A_841 = vector.extract %reduce_sum3A_840[15] : f32 from vector<16xf32>
        %get3A_842 = arith.index_cast %add3A_830 : i32 to index
        %get3A_843 = arith.constant 16 : index
        %get3A_844 = tpu.vector_load %arg19[%get3A_842, %get3A_843] {strides = array<i32>} : memref<80x128xf32, #tpu.memory_space<vmem>>, vector<16xf32>,
        %get3A_845 = arith.index_cast %add3A_830 : i32 to index
        %get3A_846 = arith.constant 16 : index
        %get3A_847 = tpu.vector_load %arg22[%get3A_845, %get3A_846] {strides = array<i32>} : memref<80x64xf32, #tpu.memory_space<vmem>>, vector<16xf32>,
        %mul3A_848 = arith.mulf %get3A_844, %get3A_847 : vector<16xf32>
        %reduce_sum3A_849 = arith.constant true
        %reduce_sum3A_850 = vector.broadcast %reduce_sum3A_849 : i1 to vector<16xi1>
        %reduce_sum3A_851 = tpu.scan <sum>, %mul3A_848 masked %reduce_sum3A_850 : vector<16xf32>, vector<16xi1> -> vector<16xf32>
        %reduce_sum3A_852 = vector.extract %reduce_sum3A_851[15] : f32 from vector<16xf32>
        %get3A_853 = arith.index_cast %add3A_830 : i32 to index
        %get3A_854 = arith.constant 32 : index
        %get3A_855 = tpu.vector_load %arg19[%get3A_853, %get3A_854] {strides = array<i32>} : memref<80x128xf32, #tpu.memory_space<vmem>>, vector<16xf32>,
        %get3A_856 = arith.index_cast %add3A_830 : i32 to index
        %get3A_857 = arith.constant 32 : index
        %get3A_858 = tpu.vector_load %arg22[%get3A_856, %get3A_857] {strides = array<i32>} : memref<80x64xf32, #tpu.memory_space<vmem>>, vector<16xf32>,
        %mul3A_859 = arith.mulf %get3A_855, %get3A_858 : vector<16xf32>
        %reduce_sum3A_860 = arith.constant true
        %reduce_sum3A_861 = vector.broadcast %reduce_sum3A_860 : i1 to vector<16xi1>
        %reduce_sum3A_862 = tpu.scan <sum>, %mul3A_859 masked %reduce_sum3A_861 : vector<16xf32>, vector<16xi1> -> vector<16xf32>
        %reduce_sum3A_863 = vector.extract %reduce_sum3A_862[15] : f32 from vector<16xf32>
        %get3A_864 = arith.index_cast %add3A_830 : i32 to index
        %get3A_865 = arith.constant 48 : index
        %get3A_866 = tpu.vector_load %arg19[%get3A_864, %get3A_865] {strides = array<i32>} : memref<80x128xf32, #tpu.memory_space<vmem>>, vector<16xf32>,
        %get3A_867 = arith.index_cast %add3A_830 : i32 to index
        %get3A_868 = arith.constant 48 : index
        %get3A_869 = tpu.vector_load %arg22[%get3A_867, %get3A_868] {strides = array<i32>} : memref<80x64xf32, #tpu.memory_space<vmem>>, vector<16xf32>,
        %mul3A_870 = arith.mulf %get3A_866, %get3A_869 : vector<16xf32>
        %reduce_sum3A_871 = arith.constant true
        %reduce_sum3A_872 = vector.broadcast %reduce_sum3A_871 : i1 to vector<16xi1>
        %reduce_sum3A_873 = tpu.scan <sum>, %mul3A_870 masked %reduce_sum3A_872 : vector<16xf32>, vector<16xi1> -> vector<16xf32>
        %reduce_sum3A_874 = vector.extract %reduce_sum3A_873[15] : f32 from vector<16xf32>
        %broadcast_in_dim3A_875 = vector.broadcast %reduce_sum3A_841 : f32 to vector<16xf32>
        %broadcast_in_dim3A_876 = vector.broadcast %reduce_sum3A_852 : f32 to vector<16xf32>
        %select_n3A_877 = arith.select %eq3A_51, %broadcast_in_dim3A_876, %broadcast_in_dim3A_875 : vector<16xi1>, vector<16xf32>
        %broadcast_in_dim3A_878 = vector.broadcast %reduce_sum3A_863 : f32 to vector<16xf32>
        %select_n3A_879 = arith.select %eq3A_85, %broadcast_in_dim3A_878, %select_n3A_877 : vector<16xi1>, vector<16xf32>
        %broadcast_in_dim3A_880 = vector.broadcast %reduce_sum3A_874 : f32 to vector<16xf32>
        %select_n3A_881 = arith.select %eq3A_119, %broadcast_in_dim3A_880, %select_n3A_879 : vector<16xi1>, vector<16xf32>
        %jit3A_882 = arith.constant -5.000000e+00 : f32
        %jit3A_883 = arith.constant 5.000000e+00 : f32
        %max3A_884 = vector.broadcast %jit3A_882 : f32 to vector<16xf32>
        %max3A_885 = arith.maximumf %max3A_884, %select_n3A_881 : vector<16xf32>
        %min3A_886 = vector.broadcast %jit3A_883 : f32 to vector<16xf32>
        %min3A_887 = arith.minimumf %min3A_886, %max3A_885 : vector<16xf32>
        %exp3A_888 = math.exp %min3A_887 : vector<16xf32>
        %swap3A_889 = arith.index_cast %add3A_830 : i32 to index
        %swap3A_890 = arith.constant 64 : index
        %swap3A_891 = tpu.vector_load %arg25[%swap3A_889, %swap3A_890] {strides = array<i32>} : memref<80x80xf32, #tpu.memory_space<vmem>>, vector<16xf32>,
        tpu.vector_store %arg25[%swap3A_889, %swap3A_890], %exp3A_888 {strides = array<i32>} : memref<80x80xf32, #tpu.memory_space<vmem>>, vector<16xf32>,
        %slice3A_892 = vector.extract_strided_slice %exp3A_888 {offsets = [0], sizes = [1], strides = [1]} : vector<16xf32> to vector<1xf32>
        %squeeze3A_893 = vector.extract %slice3A_892[0] : f32 from vector<1xf32>
        %broadcast_in_dim3A_894 = vector.broadcast %squeeze3A_893 : f32 to vector<16xf32>
        %get3A_895 = arith.index_cast %add3A_830 : i32 to index
        %get3A_896 = arith.constant 64 : index
        %get3A_897 = tpu.vector_load %arg19[%get3A_895, %get3A_896] {strides = array<i32>} : memref<80x128xf32, #tpu.memory_space<vmem>>, vector<16xf32>,
        %mul3A_898 = arith.mulf %get3A_897, %broadcast_in_dim3A_894 : vector<16xf32>
        %swap3A_899 = arith.index_cast %add3A_830 : i32 to index
        %swap3A_900 = arith.constant 0 : index
        %swap3A_901 = tpu.vector_load %arg25[%swap3A_899, %swap3A_900] {strides = array<i32>} : memref<80x80xf32, #tpu.memory_space<vmem>>, vector<16xf32>,
        tpu.vector_store %arg25[%swap3A_899, %swap3A_900], %mul3A_898 {strides = array<i32>} : memref<80x80xf32, #tpu.memory_space<vmem>>, vector<16xf32>,
        %slice3A_902 = vector.extract_strided_slice %exp3A_888 {offsets = [4], sizes = [1], strides = [1]} : vector<16xf32> to vector<1xf32>
        %squeeze3A_903 = vector.extract %slice3A_902[0] : f32 from vector<1xf32>
        %broadcast_in_dim3A_904 = vector.broadcast %squeeze3A_903 : f32 to vector<16xf32>
        %get3A_905 = arith.index_cast %add3A_830 : i32 to index
        %get3A_906 = arith.constant 80 : index
        %get3A_907 = tpu.vector_load %arg19[%get3A_905, %get3A_906] {strides = array<i32>} : memref<80x128xf32, #tpu.memory_space<vmem>>, vector<16xf32>,
        %mul3A_908 = arith.mulf %get3A_907, %broadcast_in_dim3A_904 : vector<16xf32>
        %swap3A_909 = arith.index_cast %add3A_830 : i32 to index
        %swap3A_910 = arith.constant 16 : index
        %swap3A_911 = tpu.vector_load %arg25[%swap3A_909, %swap3A_910] {strides = array<i32>} : memref<80x80xf32, #tpu.memory_space<vmem>>, vector<16xf32>,
        tpu.vector_store %arg25[%swap3A_909, %swap3A_910], %mul3A_908 {strides = array<i32>} : memref<80x80xf32, #tpu.memory_space<vmem>>, vector<16xf32>,
        %slice3A_912 = vector.extract_strided_slice %exp3A_888 {offsets = [8], sizes = [1], strides = [1]} : vector<16xf32> to vector<1xf32>
        %squeeze3A_913 = vector.extract %slice3A_912[0] : f32 from vector<1xf32>
        %broadcast_in_dim3A_914 = vector.broadcast %squeeze3A_913 : f32 to vector<16xf32>
        %get3A_915 = arith.index_cast %add3A_830 : i32 to index
        %get3A_916 = arith.constant 96 : index
        %get3A_917 = tpu.vector_load %arg19[%get3A_915, %get3A_916] {strides = array<i32>} : memref<80x128xf32, #tpu.memory_space<vmem>>, vector<16xf32>,
        %mul3A_918 = arith.mulf %get3A_917, %broadcast_in_dim3A_914 : vector<16xf32>
        %swap3A_919 = arith.index_cast %add3A_830 : i32 to index
        %swap3A_920 = arith.constant 32 : index
        %swap3A_921 = tpu.vector_load %arg25[%swap3A_919, %swap3A_920] {strides = array<i32>} : memref<80x80xf32, #tpu.memory_space<vmem>>, vector<16xf32>,
        tpu.vector_store %arg25[%swap3A_919, %swap3A_920], %mul3A_918 {strides = array<i32>} : memref<80x80xf32, #tpu.memory_space<vmem>>, vector<16xf32>,
        %slice3A_922 = vector.extract_strided_slice %exp3A_888 {offsets = [12], sizes = [1], strides = [1]} : vector<16xf32> to vector<1xf32>
        %squeeze3A_923 = vector.extract %slice3A_922[0] : f32 from vector<1xf32>
        %broadcast_in_dim3A_924 = vector.broadcast %squeeze3A_923 : f32 to vector<16xf32>
        %get3A_925 = arith.index_cast %add3A_830 : i32 to index
        %get3A_926 = arith.constant 112 : index
        %get3A_927 = tpu.vector_load %arg19[%get3A_925, %get3A_926] {strides = array<i32>} : memref<80x128xf32, #tpu.memory_space<vmem>>, vector<16xf32>,
        %mul3A_928 = arith.mulf %get3A_927, %broadcast_in_dim3A_924 : vector<16xf32>
        %swap3A_929 = arith.index_cast %add3A_830 : i32 to index
        %swap3A_930 = arith.constant 48 : index
        %swap3A_931 = tpu.vector_load %arg25[%swap3A_929, %swap3A_930] {strides = array<i32>} : memref<80x80xf32, #tpu.memory_space<vmem>>, vector<16xf32>,
        tpu.vector_store %arg25[%swap3A_929, %swap3A_930], %mul3A_928 {strides = array<i32>} : memref<80x80xf32, #tpu.memory_space<vmem>>, vector<16xf32>,
        %mul3A_932 = arith.constant 4 : i32
        %mul3A_933 = arith.muli %mul3A_932, %scan3A_621 : i32
        %add3A_934 = arith.constant 3 : i32
        %add3A_935 = arith.addi %mul3A_933, %add3A_934 : i32
        %get3A_936 = arith.index_cast %add3A_935 : i32 to index
        %get3A_937 = arith.constant 0 : index
        %get3A_938 = tpu.vector_load %arg19[%get3A_936, %get3A_937] {strides = array<i32>} : memref<80x128xf32, #tpu.memory_space<vmem>>, vector<16xf32>,
        %get3A_939 = arith.index_cast %add3A_935 : i32 to index
        %get3A_940 = arith.constant 0 : index
        %get3A_941 = tpu.vector_load %arg22[%get3A_939, %get3A_940] {strides = array<i32>} : memref<80x64xf32, #tpu.memory_space<vmem>>, vector<16xf32>,
        %mul3A_942 = arith.mulf %get3A_938, %get3A_941 : vector<16xf32>
        %reduce_sum3A_943 = arith.constant true
        %reduce_sum3A_944 = vector.broadcast %reduce_sum3A_943 : i1 to vector<16xi1>
        %reduce_sum3A_945 = tpu.scan <sum>, %mul3A_942 masked %reduce_sum3A_944 : vector<16xf32>, vector<16xi1> -> vector<16xf32>
        %reduce_sum3A_946 = vector.extract %reduce_sum3A_945[15] : f32 from vector<16xf32>
        %get3A_947 = arith.index_cast %add3A_935 : i32 to index
        %get3A_948 = arith.constant 16 : index
        %get3A_949 = tpu.vector_load %arg19[%get3A_947, %get3A_948] {strides = array<i32>} : memref<80x128xf32, #tpu.memory_space<vmem>>, vector<16xf32>,
        %get3A_950 = arith.index_cast %add3A_935 : i32 to index
        %get3A_951 = arith.constant 16 : index
        %get3A_952 = tpu.vector_load %arg22[%get3A_950, %get3A_951] {strides = array<i32>} : memref<80x64xf32, #tpu.memory_space<vmem>>, vector<16xf32>,
        %mul3A_953 = arith.mulf %get3A_949, %get3A_952 : vector<16xf32>
        %reduce_sum3A_954 = arith.constant true
        %reduce_sum3A_955 = vector.broadcast %reduce_sum3A_954 : i1 to vector<16xi1>
        %reduce_sum3A_956 = tpu.scan <sum>, %mul3A_953 masked %reduce_sum3A_955 : vector<16xf32>, vector<16xi1> -> vector<16xf32>
        %reduce_sum3A_957 = vector.extract %reduce_sum3A_956[15] : f32 from vector<16xf32>
        %get3A_958 = arith.index_cast %add3A_935 : i32 to index
        %get3A_959 = arith.constant 32 : index
        %get3A_960 = tpu.vector_load %arg19[%get3A_958, %get3A_959] {strides = array<i32>} : memref<80x128xf32, #tpu.memory_space<vmem>>, vector<16xf32>,
        %get3A_961 = arith.index_cast %add3A_935 : i32 to index
        %get3A_962 = arith.constant 32 : index
        %get3A_963 = tpu.vector_load %arg22[%get3A_961, %get3A_962] {strides = array<i32>} : memref<80x64xf32, #tpu.memory_space<vmem>>, vector<16xf32>,
        %mul3A_964 = arith.mulf %get3A_960, %get3A_963 : vector<16xf32>
        %reduce_sum3A_965 = arith.constant true
        %reduce_sum3A_966 = vector.broadcast %reduce_sum3A_965 : i1 to vector<16xi1>
        %reduce_sum3A_967 = tpu.scan <sum>, %mul3A_964 masked %reduce_sum3A_966 : vector<16xf32>, vector<16xi1> -> vector<16xf32>
        %reduce_sum3A_968 = vector.extract %reduce_sum3A_967[15] : f32 from vector<16xf32>
        %get3A_969 = arith.index_cast %add3A_935 : i32 to index
        %get3A_970 = arith.constant 48 : index
        %get3A_971 = tpu.vector_load %arg19[%get3A_969, %get3A_970] {strides = array<i32>} : memref<80x128xf32, #tpu.memory_space<vmem>>, vector<16xf32>,
        %get3A_972 = arith.index_cast %add3A_935 : i32 to index
        %get3A_973 = arith.constant 48 : index
        %get3A_974 = tpu.vector_load %arg22[%get3A_972, %get3A_973] {strides = array<i32>} : memref<80x64xf32, #tpu.memory_space<vmem>>, vector<16xf32>,
        %mul3A_975 = arith.mulf %get3A_971, %get3A_974 : vector<16xf32>
        %reduce_sum3A_976 = arith.constant true
        %reduce_sum3A_977 = vector.broadcast %reduce_sum3A_976 : i1 to vector<16xi1>
        %reduce_sum3A_978 = tpu.scan <sum>, %mul3A_975 masked %reduce_sum3A_977 : vector<16xf32>, vector<16xi1> -> vector<16xf32>
        %reduce_sum3A_979 = vector.extract %reduce_sum3A_978[15] : f32 from vector<16xf32>
        %broadcast_in_dim3A_980 = vector.broadcast %reduce_sum3A_946 : f32 to vector<16xf32>
        %broadcast_in_dim3A_981 = vector.broadcast %reduce_sum3A_957 : f32 to vector<16xf32>
        %select_n3A_982 = arith.select %eq3A_51, %broadcast_in_dim3A_981, %broadcast_in_dim3A_980 : vector<16xi1>, vector<16xf32>
        %broadcast_in_dim3A_983 = vector.broadcast %reduce_sum3A_968 : f32 to vector<16xf32>
        %select_n3A_984 = arith.select %eq3A_85, %broadcast_in_dim3A_983, %select_n3A_982 : vector<16xi1>, vector<16xf32>
        %broadcast_in_dim3A_985 = vector.broadcast %reduce_sum3A_979 : f32 to vector<16xf32>
        %select_n3A_986 = arith.select %eq3A_119, %broadcast_in_dim3A_985, %select_n3A_984 : vector<16xi1>, vector<16xf32>
        %jit3A_987 = arith.constant -5.000000e+00 : f32
        %jit3A_988 = arith.constant 5.000000e+00 : f32
        %max3A_989 = vector.broadcast %jit3A_987 : f32 to vector<16xf32>
        %max3A_990 = arith.maximumf %max3A_989, %select_n3A_986 : vector<16xf32>
        %min3A_991 = vector.broadcast %jit3A_988 : f32 to vector<16xf32>
        %min3A_992 = arith.minimumf %min3A_991, %max3A_990 : vector<16xf32>
        %exp3A_993 = math.exp %min3A_992 : vector<16xf32>
        %swap3A_994 = arith.index_cast %add3A_935 : i32 to index
        %swap3A_995 = arith.constant 64 : index
        %swap3A_996 = tpu.vector_load %arg25[%swap3A_994, %swap3A_995] {strides = array<i32>} : memref<80x80xf32, #tpu.memory_space<vmem>>, vector<16xf32>,
        tpu.vector_store %arg25[%swap3A_994, %swap3A_995], %exp3A_993 {strides = array<i32>} : memref<80x80xf32, #tpu.memory_space<vmem>>, vector<16xf32>,
        %slice3A_997 = vector.extract_strided_slice %exp3A_993 {offsets = [0], sizes = [1], strides = [1]} : vector<16xf32> to vector<1xf32>
        %squeeze3A_998 = vector.extract %slice3A_997[0] : f32 from vector<1xf32>
        %broadcast_in_dim3A_999 = vector.broadcast %squeeze3A_998 : f32 to vector<16xf32>
        %get3A_1000 = arith.index_cast %add3A_935 : i32 to index
        %get3A_1001 = arith.constant 64 : index
        %get3A_1002 = tpu.vector_load %arg19[%get3A_1000, %get3A_1001] {strides = array<i32>} : memref<80x128xf32, #tpu.memory_space<vmem>>, vector<16xf32>,
        %mul3A_1003 = arith.mulf %get3A_1002, %broadcast_in_dim3A_999 : vector<16xf32>
        %swap3A_1004 = arith.index_cast %add3A_935 : i32 to index
        %swap3A_1005 = arith.constant 0 : index
        %swap3A_1006 = tpu.vector_load %arg25[%swap3A_1004, %swap3A_1005] {strides = array<i32>} : memref<80x80xf32, #tpu.memory_space<vmem>>, vector<16xf32>,
        tpu.vector_store %arg25[%swap3A_1004, %swap3A_1005], %mul3A_1003 {strides = array<i32>} : memref<80x80xf32, #tpu.memory_space<vmem>>, vector<16xf32>,
        %slice3A_1007 = vector.extract_strided_slice %exp3A_993 {offsets = [4], sizes = [1], strides = [1]} : vector<16xf32> to vector<1xf32>
        %squeeze3A_1008 = vector.extract %slice3A_1007[0] : f32 from vector<1xf32>
        %broadcast_in_dim3A_1009 = vector.broadcast %squeeze3A_1008 : f32 to vector<16xf32>
        %get3A_1010 = arith.index_cast %add3A_935 : i32 to index
        %get3A_1011 = arith.constant 80 : index
        %get3A_1012 = tpu.vector_load %arg19[%get3A_1010, %get3A_1011] {strides = array<i32>} : memref<80x128xf32, #tpu.memory_space<vmem>>, vector<16xf32>,
        %mul3A_1013 = arith.mulf %get3A_1012, %broadcast_in_dim3A_1009 : vector<16xf32>
        %swap3A_1014 = arith.index_cast %add3A_935 : i32 to index
        %swap3A_1015 = arith.constant 16 : index
        %swap3A_1016 = tpu.vector_load %arg25[%swap3A_1014, %swap3A_1015] {strides = array<i32>} : memref<80x80xf32, #tpu.memory_space<vmem>>, vector<16xf32>,
        tpu.vector_store %arg25[%swap3A_1014, %swap3A_1015], %mul3A_1013 {strides = array<i32>} : memref<80x80xf32, #tpu.memory_space<vmem>>, vector<16xf32>,
        %slice3A_1017 = vector.extract_strided_slice %exp3A_993 {offsets = [8], sizes = [1], strides = [1]} : vector<16xf32> to vector<1xf32>
        %squeeze3A_1018 = vector.extract %slice3A_1017[0] : f32 from vector<1xf32>
        %broadcast_in_dim3A_1019 = vector.broadcast %squeeze3A_1018 : f32 to vector<16xf32>
        %get3A_1020 = arith.index_cast %add3A_935 : i32 to index
        %get3A_1021 = arith.constant 96 : index
        %get3A_1022 = tpu.vector_load %arg19[%get3A_1020, %get3A_1021] {strides = array<i32>} : memref<80x128xf32, #tpu.memory_space<vmem>>, vector<16xf32>,
        %mul3A_1023 = arith.mulf %get3A_1022, %broadcast_in_dim3A_1019 : vector<16xf32>
        %swap3A_1024 = arith.index_cast %add3A_935 : i32 to index
        %swap3A_1025 = arith.constant 32 : index
        %swap3A_1026 = tpu.vector_load %arg25[%swap3A_1024, %swap3A_1025] {strides = array<i32>} : memref<80x80xf32, #tpu.memory_space<vmem>>, vector<16xf32>,
        tpu.vector_store %arg25[%swap3A_1024, %swap3A_1025], %mul3A_1023 {strides = array<i32>} : memref<80x80xf32, #tpu.memory_space<vmem>>, vector<16xf32>,
        %slice3A_1027 = vector.extract_strided_slice %exp3A_993 {offsets = [12], sizes = [1], strides = [1]} : vector<16xf32> to vector<1xf32>
        %squeeze3A_1028 = vector.extract %slice3A_1027[0] : f32 from vector<1xf32>
        %broadcast_in_dim3A_1029 = vector.broadcast %squeeze3A_1028 : f32 to vector<16xf32>
        %get3A_1030 = arith.index_cast %add3A_935 : i32 to index
        %get3A_1031 = arith.constant 112 : index
        %get3A_1032 = tpu.vector_load %arg19[%get3A_1030, %get3A_1031] {strides = array<i32>} : memref<80x128xf32, #tpu.memory_space<vmem>>, vector<16xf32>,
        %mul3A_1033 = arith.mulf %get3A_1032, %broadcast_in_dim3A_1029 : vector<16xf32>
        %swap3A_1034 = arith.index_cast %add3A_935 : i32 to index
        %swap3A_1035 = arith.constant 48 : index
        %swap3A_1036 = tpu.vector_load %arg25[%swap3A_1034, %swap3A_1035] {strides = array<i32>} : memref<80x80xf32, #tpu.memory_space<vmem>>, vector<16xf32>,
        tpu.vector_store %arg25[%swap3A_1034, %swap3A_1035], %mul3A_1033 {strides = array<i32>} : memref<80x80xf32, #tpu.memory_space<vmem>>, vector<16xf32>,
        %scan3A_1037 = arith.constant 0 : i32
        scf.yield %scan3A_1037 : i32
      }
      %scan3A_490 = arith.constant 20 : i32
      %dma_start3A_491 = arith.constant 0 : i32
      %dma_start3A_492 = arith.constant 0 : i32
      %dma_start3A_493 = tpu.memref_slice %arg28[%dma_start3A_491, %dma_start3A_492] : memref<10240x80xf32, #tpu.memory_space<vmem_shared>> -> memref<10240x80xf32, #tpu.memory_space<vmem_shared>>
      tpu.enqueue_indirect_dma source(%arg25 : memref<80x80xf32, #tpu.memory_space<vmem>>) target(%dma_start3A_493 : memref<10240x80xf32, #tpu.memory_space<vmem_shared>>) offsets(%arg10 : memref<80xi32, #tpu.memory_space<vmem>>) semaphore(%arg33 : memref<!tpu.dma_semaphore, #tpu.memory_space<semaphore_mem>>) {add = true}
      %dma_wait3A_494 = arith.constant 0 : i32
      %dma_wait3A_495 = arith.constant 0 : i32
      %dma_wait3A_496 = tpu.memref_slice %arg28[%dma_wait3A_494, %dma_wait3A_495] : memref<10240x80xf32, #tpu.memory_space<vmem_shared>> -> memref<10240x80xf32, #tpu.memory_space<vmem_shared>>
      tpu.wait_indirect_dma semaphore(%arg32 : memref<!tpu.dma_semaphore, #tpu.memory_space<semaphore_mem>>) src(%arg24 : memref<80x80xf32, #tpu.memory_space<vmem>>) dst(%dma_wait3A_496 : memref<10240x80xf32, #tpu.memory_space<vmem_shared>>)
      %add3A_497 = arith.constant 1 : i32
      %add3A_498 = arith.addi %mul3A_358, %add3A_497 : i32
      %add3A_499 = arith.constant 2 : i32
      %add3A_500 = arith.addi %add3A_498, %add3A_499 : i32
      %mul3A_501 = arith.constant 80 : i32
      %mul3A_502 = arith.muli %add3A_500, %mul3A_501 : i32
      %add3A_503 = arith.addi %mul3A_26, %mul3A_502 : i32
      "tpu.region"() ({
        %run_scoped3A = tpu.sem_alloc : memref<!tpu.dma_semaphore, #tpu.memory_space<semaphore_mem>>
        %dma_start3A_621 = arith.constant 0 : i32
        %dma_start3A_622 = tpu.memref_slice %arg4[%dma_start3A_621, %add3A_503] : memref<2x320000xi32, #tpu.memory_space<hbm>> -> memref<2x80xi32, #tpu.memory_space<hbm>>
        %dma_start3A_623 = arith.constant 0 : i32
        %dma_start3A_624 = tpu.memref_slice %arg4[%dma_start3A_623, %add3A_503] : memref<2x320000xi32, #tpu.memory_space<hbm>> -> memref<2x80xi32, #tpu.memory_space<hbm>>
        tpu.enqueue_dma source(%dma_start3A_624 : memref<2x80xi32, #tpu.memory_space<hbm>>) target(%arg6 : memref<2x80xi32, #tpu.memory_space<vmem>>) target_semaphore(%run_scoped3A : memref<!tpu.dma_semaphore, #tpu.memory_space<semaphore_mem>>)
        %dma_wait3A_625 = arith.constant 0 : i32
        %dma_wait3A_626 = tpu.memref_slice %arg4[%dma_wait3A_625, %add3A_503] : memref<2x320000xi32, #tpu.memory_space<hbm>> -> memref<2x80xi32, #tpu.memory_space<hbm>>
        %dma_wait3A_627 = arith.constant 0 : i32
        %dma_wait3A_628 = tpu.memref_slice %arg4[%dma_wait3A_627, %add3A_503] : memref<2x320000xi32, #tpu.memory_space<hbm>> -> memref<2x80xi32, #tpu.memory_space<hbm>>
        tpu.wait_dma2 semaphore(%run_scoped3A : memref<!tpu.dma_semaphore, #tpu.memory_space<semaphore_mem>>) src(%dma_wait3A_628 : memref<2x80xi32, #tpu.memory_space<hbm>>) dst(%arg6 : memref<2x80xi32, #tpu.memory_space<vmem>>)
        tpu.yield
      }) : () -> ()
      %get3A_504 = arith.constant 0 : i32
      %get3A_505 = arith.index_cast %get3A_504 : i32 to index
      %get3A_506 = arith.constant 0 : index
      %get3A_507 = tpu.vector_load %arg6[%get3A_505, %get3A_506] {strides = array<i32>} : memref<2x80xi32, #tpu.memory_space<vmem>>, vector<16xi32>,
      %get3A_508 = arith.constant 1 : i32
      %get3A_509 = arith.index_cast %get3A_508 : i32 to index
      %get3A_510 = arith.constant 0 : index
      %get3A_511 = tpu.vector_load %arg6[%get3A_509, %get3A_510] {strides = array<i32>} : memref<2x80xi32, #tpu.memory_space<vmem>>, vector<16xi32>,
      %add3A_512 = vector.broadcast %mul3A_0 : i32 to vector<16xi32>
      %add3A_513 = arith.addi %get3A_507, %add3A_512 : vector<16xi32>
      %swap3A_514 = arith.constant 0 : index
      %swap3A_515 = tpu.vector_load %arg12[%swap3A_514] {strides = array<i32>} : memref<80xi32, #tpu.memory_space<vmem>>, vector<16xi32>,
      tpu.vector_store %arg12[%swap3A_514], %add3A_513 {strides = array<i32>} : memref<80xi32, #tpu.memory_space<vmem>>, vector<16xi32>,
      %add3A_516 = vector.broadcast %mul3A_0 : i32 to vector<16xi32>
      %add3A_517 = arith.addi %get3A_511, %add3A_516 : vector<16xi32>
      %swap3A_518 = arith.constant 0 : index
      %swap3A_519 = tpu.vector_load %arg15[%swap3A_518] {strides = array<i32>} : memref<80xi32, #tpu.memory_space<vmem>>, vector<16xi32>,
      tpu.vector_store %arg15[%swap3A_518], %add3A_517 {strides = array<i32>} : memref<80xi32, #tpu.memory_space<vmem>>, vector<16xi32>,
      %swap3A_520 = arith.constant 0 : index
      %swap3A_521 = tpu.vector_load %arg9[%swap3A_520] {strides = array<i32>} : memref<80xi32, #tpu.memory_space<vmem>>, vector<16xi32>,
      tpu.vector_store %arg9[%swap3A_520], %get3A_511 {strides = array<i32>} : memref<80xi32, #tpu.memory_space<vmem>>, vector<16xi32>,
      %get3A_522 = arith.constant 0 : i32
      %get3A_523 = arith.index_cast %get3A_522 : i32 to index
      %get3A_524 = arith.constant 16 : index
      %get3A_525 = tpu.vector_load %arg6[%get3A_523, %get3A_524] {strides = array<i32>} : memref<2x80xi32, #tpu.memory_space<vmem>>, vector<16xi32>,
      %get3A_526 = arith.constant 1 : i32
      %get3A_527 = arith.index_cast %get3A_526 : i32 to index
      %get3A_528 = arith.constant 16 : index
      %get3A_529 = tpu.vector_load %arg6[%get3A_527, %get3A_528] {strides = array<i32>} : memref<2x80xi32, #tpu.memory_space<vmem>>, vector<16xi32>,
      %add3A_530 = vector.broadcast %mul3A_0 : i32 to vector<16xi32>
      %add3A_531 = arith.addi %get3A_525, %add3A_530 : vector<16xi32>
      %swap3A_532 = arith.constant 16 : index
      %swap3A_533 = tpu.vector_load %arg12[%swap3A_532] {strides = array<i32>} : memref<80xi32, #tpu.memory_space<vmem>>, vector<16xi32>,
      tpu.vector_store %arg12[%swap3A_532], %add3A_531 {strides = array<i32>} : memref<80xi32, #tpu.memory_space<vmem>>, vector<16xi32>,
      %add3A_534 = vector.broadcast %mul3A_0 : i32 to vector<16xi32>
      %add3A_535 = arith.addi %get3A_529, %add3A_534 : vector<16xi32>
      %swap3A_536 = arith.constant 16 : index
      %swap3A_537 = tpu.vector_load %arg15[%swap3A_536] {strides = array<i32>} : memref<80xi32, #tpu.memory_space<vmem>>, vector<16xi32>,
      tpu.vector_store %arg15[%swap3A_536], %add3A_535 {strides = array<i32>} : memref<80xi32, #tpu.memory_space<vmem>>, vector<16xi32>,
      %swap3A_538 = arith.constant 16 : index
      %swap3A_539 = tpu.vector_load %arg9[%swap3A_538] {strides = array<i32>} : memref<80xi32, #tpu.memory_space<vmem>>, vector<16xi32>,
      tpu.vector_store %arg9[%swap3A_538], %get3A_529 {strides = array<i32>} : memref<80xi32, #tpu.memory_space<vmem>>, vector<16xi32>,
      %get3A_540 = arith.constant 0 : i32
      %get3A_541 = arith.index_cast %get3A_540 : i32 to index
      %get3A_542 = arith.constant 32 : index
      %get3A_543 = tpu.vector_load %arg6[%get3A_541, %get3A_542] {strides = array<i32>} : memref<2x80xi32, #tpu.memory_space<vmem>>, vector<16xi32>,
      %get3A_544 = arith.constant 1 : i32
      %get3A_545 = arith.index_cast %get3A_544 : i32 to index
      %get3A_546 = arith.constant 32 : index
      %get3A_547 = tpu.vector_load %arg6[%get3A_545, %get3A_546] {strides = array<i32>} : memref<2x80xi32, #tpu.memory_space<vmem>>, vector<16xi32>,
      %add3A_548 = vector.broadcast %mul3A_0 : i32 to vector<16xi32>
      %add3A_549 = arith.addi %get3A_543, %add3A_548 : vector<16xi32>
      %swap3A_550 = arith.constant 32 : index
      %swap3A_551 = tpu.vector_load %arg12[%swap3A_550] {strides = array<i32>} : memref<80xi32, #tpu.memory_space<vmem>>, vector<16xi32>,
      tpu.vector_store %arg12[%swap3A_550], %add3A_549 {strides = array<i32>} : memref<80xi32, #tpu.memory_space<vmem>>, vector<16xi32>,
      %add3A_552 = vector.broadcast %mul3A_0 : i32 to vector<16xi32>
      %add3A_553 = arith.addi %get3A_547, %add3A_552 : vector<16xi32>
      %swap3A_554 = arith.constant 32 : index
      %swap3A_555 = tpu.vector_load %arg15[%swap3A_554] {strides = array<i32>} : memref<80xi32, #tpu.memory_space<vmem>>, vector<16xi32>,
      tpu.vector_store %arg15[%swap3A_554], %add3A_553 {strides = array<i32>} : memref<80xi32, #tpu.memory_space<vmem>>, vector<16xi32>,
      %swap3A_556 = arith.constant 32 : index
      %swap3A_557 = tpu.vector_load %arg9[%swap3A_556] {strides = array<i32>} : memref<80xi32, #tpu.memory_space<vmem>>, vector<16xi32>,
      tpu.vector_store %arg9[%swap3A_556], %get3A_547 {strides = array<i32>} : memref<80xi32, #tpu.memory_space<vmem>>, vector<16xi32>,
      %get3A_558 = arith.constant 0 : i32
      %get3A_559 = arith.index_cast %get3A_558 : i32 to index
      %get3A_560 = arith.constant 48 : index
      %get3A_561 = tpu.vector_load %arg6[%get3A_559, %get3A_560] {strides = array<i32>} : memref<2x80xi32, #tpu.memory_space<vmem>>, vector<16xi32>,
      %get3A_562 = arith.constant 1 : i32
      %get3A_563 = arith.index_cast %get3A_562 : i32 to index
      %get3A_564 = arith.constant 48 : index
      %get3A_565 = tpu.vector_load %arg6[%get3A_563, %get3A_564] {strides = array<i32>} : memref<2x80xi32, #tpu.memory_space<vmem>>, vector<16xi32>,
      %add3A_566 = vector.broadcast %mul3A_0 : i32 to vector<16xi32>
      %add3A_567 = arith.addi %get3A_561, %add3A_566 : vector<16xi32>
      %swap3A_568 = arith.constant 48 : index
      %swap3A_569 = tpu.vector_load %arg12[%swap3A_568] {strides = array<i32>} : memref<80xi32, #tpu.memory_space<vmem>>, vector<16xi32>,
      tpu.vector_store %arg12[%swap3A_568], %add3A_567 {strides = array<i32>} : memref<80xi32, #tpu.memory_space<vmem>>, vector<16xi32>,
      %add3A_570 = vector.broadcast %mul3A_0 : i32 to vector<16xi32>
      %add3A_571 = arith.addi %get3A_565, %add3A_570 : vector<16xi32>
      %swap3A_572 = arith.constant 48 : index
      %swap3A_573 = tpu.vector_load %arg15[%swap3A_572] {strides = array<i32>} : memref<80xi32, #tpu.memory_space<vmem>>, vector<16xi32>,
      tpu.vector_store %arg15[%swap3A_572], %add3A_571 {strides = array<i32>} : memref<80xi32, #tpu.memory_space<vmem>>, vector<16xi32>,
      %swap3A_574 = arith.constant 48 : index
      %swap3A_575 = tpu.vector_load %arg9[%swap3A_574] {strides = array<i32>} : memref<80xi32, #tpu.memory_space<vmem>>, vector<16xi32>,
      tpu.vector_store %arg9[%swap3A_574], %get3A_565 {strides = array<i32>} : memref<80xi32, #tpu.memory_space<vmem>>, vector<16xi32>,
      %get3A_576 = arith.constant 0 : i32
      %get3A_577 = arith.index_cast %get3A_576 : i32 to index
      %get3A_578 = arith.constant 64 : index
      %get3A_579 = tpu.vector_load %arg6[%get3A_577, %get3A_578] {strides = array<i32>} : memref<2x80xi32, #tpu.memory_space<vmem>>, vector<16xi32>,
      %get3A_580 = arith.constant 1 : i32
      %get3A_581 = arith.index_cast %get3A_580 : i32 to index
      %get3A_582 = arith.constant 64 : index
      %get3A_583 = tpu.vector_load %arg6[%get3A_581, %get3A_582] {strides = array<i32>} : memref<2x80xi32, #tpu.memory_space<vmem>>, vector<16xi32>,
      %add3A_584 = vector.broadcast %mul3A_0 : i32 to vector<16xi32>
      %add3A_585 = arith.addi %get3A_579, %add3A_584 : vector<16xi32>
      %swap3A_586 = arith.constant 64 : index
      %swap3A_587 = tpu.vector_load %arg12[%swap3A_586] {strides = array<i32>} : memref<80xi32, #tpu.memory_space<vmem>>, vector<16xi32>,
      tpu.vector_store %arg12[%swap3A_586], %add3A_585 {strides = array<i32>} : memref<80xi32, #tpu.memory_space<vmem>>, vector<16xi32>,
      %add3A_588 = vector.broadcast %mul3A_0 : i32 to vector<16xi32>
      %add3A_589 = arith.addi %get3A_583, %add3A_588 : vector<16xi32>
      %swap3A_590 = arith.constant 64 : index
      %swap3A_591 = tpu.vector_load %arg15[%swap3A_590] {strides = array<i32>} : memref<80xi32, #tpu.memory_space<vmem>>, vector<16xi32>,
      tpu.vector_store %arg15[%swap3A_590], %add3A_589 {strides = array<i32>} : memref<80xi32, #tpu.memory_space<vmem>>, vector<16xi32>,
      %swap3A_592 = arith.constant 64 : index
      %swap3A_593 = tpu.vector_load %arg9[%swap3A_592] {strides = array<i32>} : memref<80xi32, #tpu.memory_space<vmem>>, vector<16xi32>,
      tpu.vector_store %arg9[%swap3A_592], %get3A_583 {strides = array<i32>} : memref<80xi32, #tpu.memory_space<vmem>>, vector<16xi32>,
      %dma_start3A_594 = arith.constant 0 : i32
      %dma_start3A_595 = arith.constant 0 : i32
      %dma_start3A_596 = tpu.memref_slice %arg3[%dma_start3A_594, %dma_start3A_595] : memref<20000x128xf32, #tpu.memory_space<hbm>> -> memref<20000x128xf32, #tpu.memory_space<hbm>>
      tpu.enqueue_indirect_dma source(%dma_start3A_596 : memref<20000x128xf32, #tpu.memory_space<hbm>>) target(%arg18 : memref<80x128xf32, #tpu.memory_space<vmem>>) offsets(%arg12 : memref<80xi32, #tpu.memory_space<vmem>>) semaphore(%arg29 : memref<!tpu.dma_semaphore, #tpu.memory_space<semaphore_mem>>)
      %dma_start3A_597 = arith.constant 0 : i32
      %dma_start3A_598 = arith.constant 0 : i32
      %dma_start3A_599 = tpu.memref_slice %arg2[%dma_start3A_597, %dma_start3A_598] : memref<20000x64xf32, #tpu.memory_space<hbm>> -> memref<20000x64xf32, #tpu.memory_space<hbm>>
      tpu.enqueue_indirect_dma source(%dma_start3A_599 : memref<20000x64xf32, #tpu.memory_space<hbm>>) target(%arg21 : memref<80x64xf32, #tpu.memory_space<vmem>>) offsets(%arg15 : memref<80xi32, #tpu.memory_space<vmem>>) semaphore(%arg29 : memref<!tpu.dma_semaphore, #tpu.memory_space<semaphore_mem>>)
      %dma_wait3A_600 = arith.constant 0 : i32
      %dma_wait3A_601 = arith.constant 0 : i32
      %dma_wait3A_602 = tpu.memref_slice %arg3[%dma_wait3A_600, %dma_wait3A_601] : memref<20000x128xf32, #tpu.memory_space<hbm>> -> memref<20000x128xf32, #tpu.memory_space<hbm>>
      tpu.wait_indirect_dma semaphore(%arg31 : memref<!tpu.dma_semaphore, #tpu.memory_space<semaphore_mem>>) src(%dma_wait3A_602 : memref<20000x128xf32, #tpu.memory_space<hbm>>) dst(%arg20 : memref<80x128xf32, #tpu.memory_space<vmem>>)
      %dma_wait3A_603 = arith.constant 0 : i32
      %dma_wait3A_604 = arith.constant 0 : i32
      %dma_wait3A_605 = tpu.memref_slice %arg2[%dma_wait3A_603, %dma_wait3A_604] : memref<20000x64xf32, #tpu.memory_space<hbm>> -> memref<20000x64xf32, #tpu.memory_space<hbm>>
      tpu.wait_indirect_dma semaphore(%arg31 : memref<!tpu.dma_semaphore, #tpu.memory_space<semaphore_mem>>) src(%dma_wait3A_605 : memref<20000x64xf32, #tpu.memory_space<hbm>>) dst(%arg23 : memref<80x64xf32, #tpu.memory_space<vmem>>)
      %scan3A_606 = arith.constant 0 : i32
      %scan3A_607 = arith.constant 0 : i32
      %scan3A_608 = arith.constant 20 : i32
      %scan3A_609 = arith.addi %scan3A_607, %scan3A_608 : i32
      %scan3A_610 = arith.constant 1 : i32
      %scan3A_611 = scf.for %scan3A_621 = %scan3A_607 to %scan3A_609 step %scan3A_610 iter_args(%scan3A_622 = %scan3A_606) -> (i32)  : i32 {
        %mul3A_623 = arith.constant 4 : i32
        %mul3A_624 = arith.muli %mul3A_623, %scan3A_621 : i32
        %add3A_625 = arith.constant 0 : i32
        %add3A_626 = arith.addi %mul3A_624, %add3A_625 : i32
        %get3A_627 = arith.index_cast %add3A_626 : i32 to index
        %get3A_628 = arith.constant 0 : index
        %get3A_629 = tpu.vector_load %arg20[%get3A_627, %get3A_628] {strides = array<i32>} : memref<80x128xf32, #tpu.memory_space<vmem>>, vector<16xf32>,
        %get3A_630 = arith.index_cast %add3A_626 : i32 to index
        %get3A_631 = arith.constant 0 : index
        %get3A_632 = tpu.vector_load %arg23[%get3A_630, %get3A_631] {strides = array<i32>} : memref<80x64xf32, #tpu.memory_space<vmem>>, vector<16xf32>,
        %mul3A_633 = arith.mulf %get3A_629, %get3A_632 : vector<16xf32>
        %reduce_sum3A = arith.constant true
        %reduce_sum3A_634 = vector.broadcast %reduce_sum3A : i1 to vector<16xi1>
        %reduce_sum3A_635 = tpu.scan <sum>, %mul3A_633 masked %reduce_sum3A_634 : vector<16xf32>, vector<16xi1> -> vector<16xf32>
        %reduce_sum3A_636 = vector.extract %reduce_sum3A_635[15] : f32 from vector<16xf32>
        %get3A_637 = arith.index_cast %add3A_626 : i32 to index
        %get3A_638 = arith.constant 16 : index
        %get3A_639 = tpu.vector_load %arg20[%get3A_637, %get3A_638] {strides = array<i32>} : memref<80x128xf32, #tpu.memory_space<vmem>>, vector<16xf32>,
        %get3A_640 = arith.index_cast %add3A_626 : i32 to index
        %get3A_641 = arith.constant 16 : index
        %get3A_642 = tpu.vector_load %arg23[%get3A_640, %get3A_641] {strides = array<i32>} : memref<80x64xf32, #tpu.memory_space<vmem>>, vector<16xf32>,
        %mul3A_643 = arith.mulf %get3A_639, %get3A_642 : vector<16xf32>
        %reduce_sum3A_644 = arith.constant true
        %reduce_sum3A_645 = vector.broadcast %reduce_sum3A_644 : i1 to vector<16xi1>
        %reduce_sum3A_646 = tpu.scan <sum>, %mul3A_643 masked %reduce_sum3A_645 : vector<16xf32>, vector<16xi1> -> vector<16xf32>
        %reduce_sum3A_647 = vector.extract %reduce_sum3A_646[15] : f32 from vector<16xf32>
        %get3A_648 = arith.index_cast %add3A_626 : i32 to index
        %get3A_649 = arith.constant 32 : index
        %get3A_650 = tpu.vector_load %arg20[%get3A_648, %get3A_649] {strides = array<i32>} : memref<80x128xf32, #tpu.memory_space<vmem>>, vector<16xf32>,
        %get3A_651 = arith.index_cast %add3A_626 : i32 to index
        %get3A_652 = arith.constant 32 : index
        %get3A_653 = tpu.vector_load %arg23[%get3A_651, %get3A_652] {strides = array<i32>} : memref<80x64xf32, #tpu.memory_space<vmem>>, vector<16xf32>,
        %mul3A_654 = arith.mulf %get3A_650, %get3A_653 : vector<16xf32>
        %reduce_sum3A_655 = arith.constant true
        %reduce_sum3A_656 = vector.broadcast %reduce_sum3A_655 : i1 to vector<16xi1>
        %reduce_sum3A_657 = tpu.scan <sum>, %mul3A_654 masked %reduce_sum3A_656 : vector<16xf32>, vector<16xi1> -> vector<16xf32>
        %reduce_sum3A_658 = vector.extract %reduce_sum3A_657[15] : f32 from vector<16xf32>
        %get3A_659 = arith.index_cast %add3A_626 : i32 to index
        %get3A_660 = arith.constant 48 : index
        %get3A_661 = tpu.vector_load %arg20[%get3A_659, %get3A_660] {strides = array<i32>} : memref<80x128xf32, #tpu.memory_space<vmem>>, vector<16xf32>,
        %get3A_662 = arith.index_cast %add3A_626 : i32 to index
        %get3A_663 = arith.constant 48 : index
        %get3A_664 = tpu.vector_load %arg23[%get3A_662, %get3A_663] {strides = array<i32>} : memref<80x64xf32, #tpu.memory_space<vmem>>, vector<16xf32>,
        %mul3A_665 = arith.mulf %get3A_661, %get3A_664 : vector<16xf32>
        %reduce_sum3A_666 = arith.constant true
        %reduce_sum3A_667 = vector.broadcast %reduce_sum3A_666 : i1 to vector<16xi1>
        %reduce_sum3A_668 = tpu.scan <sum>, %mul3A_665 masked %reduce_sum3A_667 : vector<16xf32>, vector<16xi1> -> vector<16xf32>
        %reduce_sum3A_669 = vector.extract %reduce_sum3A_668[15] : f32 from vector<16xf32>
        %broadcast_in_dim3A_670 = vector.broadcast %reduce_sum3A_636 : f32 to vector<16xf32>
        %broadcast_in_dim3A_671 = vector.broadcast %reduce_sum3A_647 : f32 to vector<16xf32>
        %select_n3A_672 = arith.select %eq3A_51, %broadcast_in_dim3A_671, %broadcast_in_dim3A_670 : vector<16xi1>, vector<16xf32>
        %broadcast_in_dim3A_673 = vector.broadcast %reduce_sum3A_658 : f32 to vector<16xf32>
        %select_n3A_674 = arith.select %eq3A_85, %broadcast_in_dim3A_673, %select_n3A_672 : vector<16xi1>, vector<16xf32>
        %broadcast_in_dim3A_675 = vector.broadcast %reduce_sum3A_669 : f32 to vector<16xf32>
        %select_n3A_676 = arith.select %eq3A_119, %broadcast_in_dim3A_675, %select_n3A_674 : vector<16xi1>, vector<16xf32>
        %jit3A_677 = arith.constant -5.000000e+00 : f32
        %jit3A_678 = arith.constant 5.000000e+00 : f32
        %max3A = vector.broadcast %jit3A_677 : f32 to vector<16xf32>
        %max3A_679 = arith.maximumf %max3A, %select_n3A_676 : vector<16xf32>
        %min3A = vector.broadcast %jit3A_678 : f32 to vector<16xf32>
        %min3A_680 = arith.minimumf %min3A, %max3A_679 : vector<16xf32>
        %exp3A = math.exp %min3A_680 : vector<16xf32>
        %swap3A_681 = arith.index_cast %add3A_626 : i32 to index
        %swap3A_682 = arith.constant 64 : index
        %swap3A_683 = tpu.vector_load %arg26[%swap3A_681, %swap3A_682] {strides = array<i32>} : memref<80x80xf32, #tpu.memory_space<vmem>>, vector<16xf32>,
        tpu.vector_store %arg26[%swap3A_681, %swap3A_682], %exp3A {strides = array<i32>} : memref<80x80xf32, #tpu.memory_space<vmem>>, vector<16xf32>,
        %slice3A = vector.extract_strided_slice %exp3A {offsets = [0], sizes = [1], strides = [1]} : vector<16xf32> to vector<1xf32>
        %squeeze3A = vector.extract %slice3A[0] : f32 from vector<1xf32>
        %broadcast_in_dim3A_684 = vector.broadcast %squeeze3A : f32 to vector<16xf32>
        %get3A_685 = arith.index_cast %add3A_626 : i32 to index
        %get3A_686 = arith.constant 64 : index
        %get3A_687 = tpu.vector_load %arg20[%get3A_685, %get3A_686] {strides = array<i32>} : memref<80x128xf32, #tpu.memory_space<vmem>>, vector<16xf32>,
        %mul3A_688 = arith.mulf %get3A_687, %broadcast_in_dim3A_684 : vector<16xf32>
        %swap3A_689 = arith.index_cast %add3A_626 : i32 to index
        %swap3A_690 = arith.constant 0 : index
        %swap3A_691 = tpu.vector_load %arg26[%swap3A_689, %swap3A_690] {strides = array<i32>} : memref<80x80xf32, #tpu.memory_space<vmem>>, vector<16xf32>,
        tpu.vector_store %arg26[%swap3A_689, %swap3A_690], %mul3A_688 {strides = array<i32>} : memref<80x80xf32, #tpu.memory_space<vmem>>, vector<16xf32>,
        %slice3A_692 = vector.extract_strided_slice %exp3A {offsets = [4], sizes = [1], strides = [1]} : vector<16xf32> to vector<1xf32>
        %squeeze3A_693 = vector.extract %slice3A_692[0] : f32 from vector<1xf32>
        %broadcast_in_dim3A_694 = vector.broadcast %squeeze3A_693 : f32 to vector<16xf32>
        %get3A_695 = arith.index_cast %add3A_626 : i32 to index
        %get3A_696 = arith.constant 80 : index
        %get3A_697 = tpu.vector_load %arg20[%get3A_695, %get3A_696] {strides = array<i32>} : memref<80x128xf32, #tpu.memory_space<vmem>>, vector<16xf32>,
        %mul3A_698 = arith.mulf %get3A_697, %broadcast_in_dim3A_694 : vector<16xf32>
        %swap3A_699 = arith.index_cast %add3A_626 : i32 to index
        %swap3A_700 = arith.constant 16 : index
        %swap3A_701 = tpu.vector_load %arg26[%swap3A_699, %swap3A_700] {strides = array<i32>} : memref<80x80xf32, #tpu.memory_space<vmem>>, vector<16xf32>,
        tpu.vector_store %arg26[%swap3A_699, %swap3A_700], %mul3A_698 {strides = array<i32>} : memref<80x80xf32, #tpu.memory_space<vmem>>, vector<16xf32>,
        %slice3A_702 = vector.extract_strided_slice %exp3A {offsets = [8], sizes = [1], strides = [1]} : vector<16xf32> to vector<1xf32>
        %squeeze3A_703 = vector.extract %slice3A_702[0] : f32 from vector<1xf32>
        %broadcast_in_dim3A_704 = vector.broadcast %squeeze3A_703 : f32 to vector<16xf32>
        %get3A_705 = arith.index_cast %add3A_626 : i32 to index
        %get3A_706 = arith.constant 96 : index
        %get3A_707 = tpu.vector_load %arg20[%get3A_705, %get3A_706] {strides = array<i32>} : memref<80x128xf32, #tpu.memory_space<vmem>>, vector<16xf32>,
        %mul3A_708 = arith.mulf %get3A_707, %broadcast_in_dim3A_704 : vector<16xf32>
        %swap3A_709 = arith.index_cast %add3A_626 : i32 to index
        %swap3A_710 = arith.constant 32 : index
        %swap3A_711 = tpu.vector_load %arg26[%swap3A_709, %swap3A_710] {strides = array<i32>} : memref<80x80xf32, #tpu.memory_space<vmem>>, vector<16xf32>,
        tpu.vector_store %arg26[%swap3A_709, %swap3A_710], %mul3A_708 {strides = array<i32>} : memref<80x80xf32, #tpu.memory_space<vmem>>, vector<16xf32>,
        %slice3A_712 = vector.extract_strided_slice %exp3A {offsets = [12], sizes = [1], strides = [1]} : vector<16xf32> to vector<1xf32>
        %squeeze3A_713 = vector.extract %slice3A_712[0] : f32 from vector<1xf32>
        %broadcast_in_dim3A_714 = vector.broadcast %squeeze3A_713 : f32 to vector<16xf32>
        %get3A_715 = arith.index_cast %add3A_626 : i32 to index
        %get3A_716 = arith.constant 112 : index
        %get3A_717 = tpu.vector_load %arg20[%get3A_715, %get3A_716] {strides = array<i32>} : memref<80x128xf32, #tpu.memory_space<vmem>>, vector<16xf32>,
        %mul3A_718 = arith.mulf %get3A_717, %broadcast_in_dim3A_714 : vector<16xf32>
        %swap3A_719 = arith.index_cast %add3A_626 : i32 to index
        %swap3A_720 = arith.constant 48 : index
        %swap3A_721 = tpu.vector_load %arg26[%swap3A_719, %swap3A_720] {strides = array<i32>} : memref<80x80xf32, #tpu.memory_space<vmem>>, vector<16xf32>,
        tpu.vector_store %arg26[%swap3A_719, %swap3A_720], %mul3A_718 {strides = array<i32>} : memref<80x80xf32, #tpu.memory_space<vmem>>, vector<16xf32>,
        %mul3A_722 = arith.constant 4 : i32
        %mul3A_723 = arith.muli %mul3A_722, %scan3A_621 : i32
        %add3A_724 = arith.constant 1 : i32
        %add3A_725 = arith.addi %mul3A_723, %add3A_724 : i32
        %get3A_726 = arith.index_cast %add3A_725 : i32 to index
        %get3A_727 = arith.constant 0 : index
        %get3A_728 = tpu.vector_load %arg20[%get3A_726, %get3A_727] {strides = array<i32>} : memref<80x128xf32, #tpu.memory_space<vmem>>, vector<16xf32>,
        %get3A_729 = arith.index_cast %add3A_725 : i32 to index
        %get3A_730 = arith.constant 0 : index
        %get3A_731 = tpu.vector_load %arg23[%get3A_729, %get3A_730] {strides = array<i32>} : memref<80x64xf32, #tpu.memory_space<vmem>>, vector<16xf32>,
        %mul3A_732 = arith.mulf %get3A_728, %get3A_731 : vector<16xf32>
        %reduce_sum3A_733 = arith.constant true
        %reduce_sum3A_734 = vector.broadcast %reduce_sum3A_733 : i1 to vector<16xi1>
        %reduce_sum3A_735 = tpu.scan <sum>, %mul3A_732 masked %reduce_sum3A_734 : vector<16xf32>, vector<16xi1> -> vector<16xf32>
        %reduce_sum3A_736 = vector.extract %reduce_sum3A_735[15] : f32 from vector<16xf32>
        %get3A_737 = arith.index_cast %add3A_725 : i32 to index
        %get3A_738 = arith.constant 16 : index
        %get3A_739 = tpu.vector_load %arg20[%get3A_737, %get3A_738] {strides = array<i32>} : memref<80x128xf32, #tpu.memory_space<vmem>>, vector<16xf32>,
        %get3A_740 = arith.index_cast %add3A_725 : i32 to index
        %get3A_741 = arith.constant 16 : index
        %get3A_742 = tpu.vector_load %arg23[%get3A_740, %get3A_741] {strides = array<i32>} : memref<80x64xf32, #tpu.memory_space<vmem>>, vector<16xf32>,
        %mul3A_743 = arith.mulf %get3A_739, %get3A_742 : vector<16xf32>
        %reduce_sum3A_744 = arith.constant true
        %reduce_sum3A_745 = vector.broadcast %reduce_sum3A_744 : i1 to vector<16xi1>
        %reduce_sum3A_746 = tpu.scan <sum>, %mul3A_743 masked %reduce_sum3A_745 : vector<16xf32>, vector<16xi1> -> vector<16xf32>
        %reduce_sum3A_747 = vector.extract %reduce_sum3A_746[15] : f32 from vector<16xf32>
        %get3A_748 = arith.index_cast %add3A_725 : i32 to index
        %get3A_749 = arith.constant 32 : index
        %get3A_750 = tpu.vector_load %arg20[%get3A_748, %get3A_749] {strides = array<i32>} : memref<80x128xf32, #tpu.memory_space<vmem>>, vector<16xf32>,
        %get3A_751 = arith.index_cast %add3A_725 : i32 to index
        %get3A_752 = arith.constant 32 : index
        %get3A_753 = tpu.vector_load %arg23[%get3A_751, %get3A_752] {strides = array<i32>} : memref<80x64xf32, #tpu.memory_space<vmem>>, vector<16xf32>,
        %mul3A_754 = arith.mulf %get3A_750, %get3A_753 : vector<16xf32>
        %reduce_sum3A_755 = arith.constant true
        %reduce_sum3A_756 = vector.broadcast %reduce_sum3A_755 : i1 to vector<16xi1>
        %reduce_sum3A_757 = tpu.scan <sum>, %mul3A_754 masked %reduce_sum3A_756 : vector<16xf32>, vector<16xi1> -> vector<16xf32>
        %reduce_sum3A_758 = vector.extract %reduce_sum3A_757[15] : f32 from vector<16xf32>
        %get3A_759 = arith.index_cast %add3A_725 : i32 to index
        %get3A_760 = arith.constant 48 : index
        %get3A_761 = tpu.vector_load %arg20[%get3A_759, %get3A_760] {strides = array<i32>} : memref<80x128xf32, #tpu.memory_space<vmem>>, vector<16xf32>,
        %get3A_762 = arith.index_cast %add3A_725 : i32 to index
        %get3A_763 = arith.constant 48 : index
        %get3A_764 = tpu.vector_load %arg23[%get3A_762, %get3A_763] {strides = array<i32>} : memref<80x64xf32, #tpu.memory_space<vmem>>, vector<16xf32>,
        %mul3A_765 = arith.mulf %get3A_761, %get3A_764 : vector<16xf32>
        %reduce_sum3A_766 = arith.constant true
        %reduce_sum3A_767 = vector.broadcast %reduce_sum3A_766 : i1 to vector<16xi1>
        %reduce_sum3A_768 = tpu.scan <sum>, %mul3A_765 masked %reduce_sum3A_767 : vector<16xf32>, vector<16xi1> -> vector<16xf32>
        %reduce_sum3A_769 = vector.extract %reduce_sum3A_768[15] : f32 from vector<16xf32>
        %broadcast_in_dim3A_770 = vector.broadcast %reduce_sum3A_736 : f32 to vector<16xf32>
        %broadcast_in_dim3A_771 = vector.broadcast %reduce_sum3A_747 : f32 to vector<16xf32>
        %select_n3A_772 = arith.select %eq3A_51, %broadcast_in_dim3A_771, %broadcast_in_dim3A_770 : vector<16xi1>, vector<16xf32>
        %broadcast_in_dim3A_773 = vector.broadcast %reduce_sum3A_758 : f32 to vector<16xf32>
        %select_n3A_774 = arith.select %eq3A_85, %broadcast_in_dim3A_773, %select_n3A_772 : vector<16xi1>, vector<16xf32>
        %broadcast_in_dim3A_775 = vector.broadcast %reduce_sum3A_769 : f32 to vector<16xf32>
        %select_n3A_776 = arith.select %eq3A_119, %broadcast_in_dim3A_775, %select_n3A_774 : vector<16xi1>, vector<16xf32>
        %jit3A_777 = arith.constant -5.000000e+00 : f32
        %jit3A_778 = arith.constant 5.000000e+00 : f32
        %max3A_779 = vector.broadcast %jit3A_777 : f32 to vector<16xf32>
        %max3A_780 = arith.maximumf %max3A_779, %select_n3A_776 : vector<16xf32>
        %min3A_781 = vector.broadcast %jit3A_778 : f32 to vector<16xf32>
        %min3A_782 = arith.minimumf %min3A_781, %max3A_780 : vector<16xf32>
        %exp3A_783 = math.exp %min3A_782 : vector<16xf32>
        %swap3A_784 = arith.index_cast %add3A_725 : i32 to index
        %swap3A_785 = arith.constant 64 : index
        %swap3A_786 = tpu.vector_load %arg26[%swap3A_784, %swap3A_785] {strides = array<i32>} : memref<80x80xf32, #tpu.memory_space<vmem>>, vector<16xf32>,
        tpu.vector_store %arg26[%swap3A_784, %swap3A_785], %exp3A_783 {strides = array<i32>} : memref<80x80xf32, #tpu.memory_space<vmem>>, vector<16xf32>,
        %slice3A_787 = vector.extract_strided_slice %exp3A_783 {offsets = [0], sizes = [1], strides = [1]} : vector<16xf32> to vector<1xf32>
        %squeeze3A_788 = vector.extract %slice3A_787[0] : f32 from vector<1xf32>
        %broadcast_in_dim3A_789 = vector.broadcast %squeeze3A_788 : f32 to vector<16xf32>
        %get3A_790 = arith.index_cast %add3A_725 : i32 to index
        %get3A_791 = arith.constant 64 : index
        %get3A_792 = tpu.vector_load %arg20[%get3A_790, %get3A_791] {strides = array<i32>} : memref<80x128xf32, #tpu.memory_space<vmem>>, vector<16xf32>,
        %mul3A_793 = arith.mulf %get3A_792, %broadcast_in_dim3A_789 : vector<16xf32>
        %swap3A_794 = arith.index_cast %add3A_725 : i32 to index
        %swap3A_795 = arith.constant 0 : index
        %swap3A_796 = tpu.vector_load %arg26[%swap3A_794, %swap3A_795] {strides = array<i32>} : memref<80x80xf32, #tpu.memory_space<vmem>>, vector<16xf32>,
        tpu.vector_store %arg26[%swap3A_794, %swap3A_795], %mul3A_793 {strides = array<i32>} : memref<80x80xf32, #tpu.memory_space<vmem>>, vector<16xf32>,
        %slice3A_797 = vector.extract_strided_slice %exp3A_783 {offsets = [4], sizes = [1], strides = [1]} : vector<16xf32> to vector<1xf32>
        %squeeze3A_798 = vector.extract %slice3A_797[0] : f32 from vector<1xf32>
        %broadcast_in_dim3A_799 = vector.broadcast %squeeze3A_798 : f32 to vector<16xf32>
        %get3A_800 = arith.index_cast %add3A_725 : i32 to index
        %get3A_801 = arith.constant 80 : index
        %get3A_802 = tpu.vector_load %arg20[%get3A_800, %get3A_801] {strides = array<i32>} : memref<80x128xf32, #tpu.memory_space<vmem>>, vector<16xf32>,
        %mul3A_803 = arith.mulf %get3A_802, %broadcast_in_dim3A_799 : vector<16xf32>
        %swap3A_804 = arith.index_cast %add3A_725 : i32 to index
        %swap3A_805 = arith.constant 16 : index
        %swap3A_806 = tpu.vector_load %arg26[%swap3A_804, %swap3A_805] {strides = array<i32>} : memref<80x80xf32, #tpu.memory_space<vmem>>, vector<16xf32>,
        tpu.vector_store %arg26[%swap3A_804, %swap3A_805], %mul3A_803 {strides = array<i32>} : memref<80x80xf32, #tpu.memory_space<vmem>>, vector<16xf32>,
        %slice3A_807 = vector.extract_strided_slice %exp3A_783 {offsets = [8], sizes = [1], strides = [1]} : vector<16xf32> to vector<1xf32>
        %squeeze3A_808 = vector.extract %slice3A_807[0] : f32 from vector<1xf32>
        %broadcast_in_dim3A_809 = vector.broadcast %squeeze3A_808 : f32 to vector<16xf32>
        %get3A_810 = arith.index_cast %add3A_725 : i32 to index
        %get3A_811 = arith.constant 96 : index
        %get3A_812 = tpu.vector_load %arg20[%get3A_810, %get3A_811] {strides = array<i32>} : memref<80x128xf32, #tpu.memory_space<vmem>>, vector<16xf32>,
        %mul3A_813 = arith.mulf %get3A_812, %broadcast_in_dim3A_809 : vector<16xf32>
        %swap3A_814 = arith.index_cast %add3A_725 : i32 to index
        %swap3A_815 = arith.constant 32 : index
        %swap3A_816 = tpu.vector_load %arg26[%swap3A_814, %swap3A_815] {strides = array<i32>} : memref<80x80xf32, #tpu.memory_space<vmem>>, vector<16xf32>,
        tpu.vector_store %arg26[%swap3A_814, %swap3A_815], %mul3A_813 {strides = array<i32>} : memref<80x80xf32, #tpu.memory_space<vmem>>, vector<16xf32>,
        %slice3A_817 = vector.extract_strided_slice %exp3A_783 {offsets = [12], sizes = [1], strides = [1]} : vector<16xf32> to vector<1xf32>
        %squeeze3A_818 = vector.extract %slice3A_817[0] : f32 from vector<1xf32>
        %broadcast_in_dim3A_819 = vector.broadcast %squeeze3A_818 : f32 to vector<16xf32>
        %get3A_820 = arith.index_cast %add3A_725 : i32 to index
        %get3A_821 = arith.constant 112 : index
        %get3A_822 = tpu.vector_load %arg20[%get3A_820, %get3A_821] {strides = array<i32>} : memref<80x128xf32, #tpu.memory_space<vmem>>, vector<16xf32>,
        %mul3A_823 = arith.mulf %get3A_822, %broadcast_in_dim3A_819 : vector<16xf32>
        %swap3A_824 = arith.index_cast %add3A_725 : i32 to index
        %swap3A_825 = arith.constant 48 : index
        %swap3A_826 = tpu.vector_load %arg26[%swap3A_824, %swap3A_825] {strides = array<i32>} : memref<80x80xf32, #tpu.memory_space<vmem>>, vector<16xf32>,
        tpu.vector_store %arg26[%swap3A_824, %swap3A_825], %mul3A_823 {strides = array<i32>} : memref<80x80xf32, #tpu.memory_space<vmem>>, vector<16xf32>,
        %mul3A_827 = arith.constant 4 : i32
        %mul3A_828 = arith.muli %mul3A_827, %scan3A_621 : i32
        %add3A_829 = arith.constant 2 : i32
        %add3A_830 = arith.addi %mul3A_828, %add3A_829 : i32
        %get3A_831 = arith.index_cast %add3A_830 : i32 to index
        %get3A_832 = arith.constant 0 : index
        %get3A_833 = tpu.vector_load %arg20[%get3A_831, %get3A_832] {strides = array<i32>} : memref<80x128xf32, #tpu.memory_space<vmem>>, vector<16xf32>,
        %get3A_834 = arith.index_cast %add3A_830 : i32 to index
        %get3A_835 = arith.constant 0 : index
        %get3A_836 = tpu.vector_load %arg23[%get3A_834, %get3A_835] {strides = array<i32>} : memref<80x64xf32, #tpu.memory_space<vmem>>, vector<16xf32>,
        %mul3A_837 = arith.mulf %get3A_833, %get3A_836 : vector<16xf32>
        %reduce_sum3A_838 = arith.constant true
        %reduce_sum3A_839 = vector.broadcast %reduce_sum3A_838 : i1 to vector<16xi1>
        %reduce_sum3A_840 = tpu.scan <sum>, %mul3A_837 masked %reduce_sum3A_839 : vector<16xf32>, vector<16xi1> -> vector<16xf32>
        %reduce_sum3A_841 = vector.extract %reduce_sum3A_840[15] : f32 from vector<16xf32>
        %get3A_842 = arith.index_cast %add3A_830 : i32 to index
        %get3A_843 = arith.constant 16 : index
        %get3A_844 = tpu.vector_load %arg20[%get3A_842, %get3A_843] {strides = array<i32>} : memref<80x128xf32, #tpu.memory_space<vmem>>, vector<16xf32>,
        %get3A_845 = arith.index_cast %add3A_830 : i32 to index
        %get3A_846 = arith.constant 16 : index
        %get3A_847 = tpu.vector_load %arg23[%get3A_845, %get3A_846] {strides = array<i32>} : memref<80x64xf32, #tpu.memory_space<vmem>>, vector<16xf32>,
        %mul3A_848 = arith.mulf %get3A_844, %get3A_847 : vector<16xf32>
        %reduce_sum3A_849 = arith.constant true
        %reduce_sum3A_850 = vector.broadcast %reduce_sum3A_849 : i1 to vector<16xi1>
        %reduce_sum3A_851 = tpu.scan <sum>, %mul3A_848 masked %reduce_sum3A_850 : vector<16xf32>, vector<16xi1> -> vector<16xf32>
        %reduce_sum3A_852 = vector.extract %reduce_sum3A_851[15] : f32 from vector<16xf32>
        %get3A_853 = arith.index_cast %add3A_830 : i32 to index
        %get3A_854 = arith.constant 32 : index
        %get3A_855 = tpu.vector_load %arg20[%get3A_853, %get3A_854] {strides = array<i32>} : memref<80x128xf32, #tpu.memory_space<vmem>>, vector<16xf32>,
        %get3A_856 = arith.index_cast %add3A_830 : i32 to index
        %get3A_857 = arith.constant 32 : index
        %get3A_858 = tpu.vector_load %arg23[%get3A_856, %get3A_857] {strides = array<i32>} : memref<80x64xf32, #tpu.memory_space<vmem>>, vector<16xf32>,
        %mul3A_859 = arith.mulf %get3A_855, %get3A_858 : vector<16xf32>
        %reduce_sum3A_860 = arith.constant true
        %reduce_sum3A_861 = vector.broadcast %reduce_sum3A_860 : i1 to vector<16xi1>
        %reduce_sum3A_862 = tpu.scan <sum>, %mul3A_859 masked %reduce_sum3A_861 : vector<16xf32>, vector<16xi1> -> vector<16xf32>
        %reduce_sum3A_863 = vector.extract %reduce_sum3A_862[15] : f32 from vector<16xf32>
        %get3A_864 = arith.index_cast %add3A_830 : i32 to index
        %get3A_865 = arith.constant 48 : index
        %get3A_866 = tpu.vector_load %arg20[%get3A_864, %get3A_865] {strides = array<i32>} : memref<80x128xf32, #tpu.memory_space<vmem>>, vector<16xf32>,
        %get3A_867 = arith.index_cast %add3A_830 : i32 to index
        %get3A_868 = arith.constant 48 : index
        %get3A_869 = tpu.vector_load %arg23[%get3A_867, %get3A_868] {strides = array<i32>} : memref<80x64xf32, #tpu.memory_space<vmem>>, vector<16xf32>,
        %mul3A_870 = arith.mulf %get3A_866, %get3A_869 : vector<16xf32>
        %reduce_sum3A_871 = arith.constant true
        %reduce_sum3A_872 = vector.broadcast %reduce_sum3A_871 : i1 to vector<16xi1>
        %reduce_sum3A_873 = tpu.scan <sum>, %mul3A_870 masked %reduce_sum3A_872 : vector<16xf32>, vector<16xi1> -> vector<16xf32>
        %reduce_sum3A_874 = vector.extract %reduce_sum3A_873[15] : f32 from vector<16xf32>
        %broadcast_in_dim3A_875 = vector.broadcast %reduce_sum3A_841 : f32 to vector<16xf32>
        %broadcast_in_dim3A_876 = vector.broadcast %reduce_sum3A_852 : f32 to vector<16xf32>
        %select_n3A_877 = arith.select %eq3A_51, %broadcast_in_dim3A_876, %broadcast_in_dim3A_875 : vector<16xi1>, vector<16xf32>
        %broadcast_in_dim3A_878 = vector.broadcast %reduce_sum3A_863 : f32 to vector<16xf32>
        %select_n3A_879 = arith.select %eq3A_85, %broadcast_in_dim3A_878, %select_n3A_877 : vector<16xi1>, vector<16xf32>
        %broadcast_in_dim3A_880 = vector.broadcast %reduce_sum3A_874 : f32 to vector<16xf32>
        %select_n3A_881 = arith.select %eq3A_119, %broadcast_in_dim3A_880, %select_n3A_879 : vector<16xi1>, vector<16xf32>
        %jit3A_882 = arith.constant -5.000000e+00 : f32
        %jit3A_883 = arith.constant 5.000000e+00 : f32
        %max3A_884 = vector.broadcast %jit3A_882 : f32 to vector<16xf32>
        %max3A_885 = arith.maximumf %max3A_884, %select_n3A_881 : vector<16xf32>
        %min3A_886 = vector.broadcast %jit3A_883 : f32 to vector<16xf32>
        %min3A_887 = arith.minimumf %min3A_886, %max3A_885 : vector<16xf32>
        %exp3A_888 = math.exp %min3A_887 : vector<16xf32>
        %swap3A_889 = arith.index_cast %add3A_830 : i32 to index
        %swap3A_890 = arith.constant 64 : index
        %swap3A_891 = tpu.vector_load %arg26[%swap3A_889, %swap3A_890] {strides = array<i32>} : memref<80x80xf32, #tpu.memory_space<vmem>>, vector<16xf32>,
        tpu.vector_store %arg26[%swap3A_889, %swap3A_890], %exp3A_888 {strides = array<i32>} : memref<80x80xf32, #tpu.memory_space<vmem>>, vector<16xf32>,
        %slice3A_892 = vector.extract_strided_slice %exp3A_888 {offsets = [0], sizes = [1], strides = [1]} : vector<16xf32> to vector<1xf32>
        %squeeze3A_893 = vector.extract %slice3A_892[0] : f32 from vector<1xf32>
        %broadcast_in_dim3A_894 = vector.broadcast %squeeze3A_893 : f32 to vector<16xf32>
        %get3A_895 = arith.index_cast %add3A_830 : i32 to index
        %get3A_896 = arith.constant 64 : index
        %get3A_897 = tpu.vector_load %arg20[%get3A_895, %get3A_896] {strides = array<i32>} : memref<80x128xf32, #tpu.memory_space<vmem>>, vector<16xf32>,
        %mul3A_898 = arith.mulf %get3A_897, %broadcast_in_dim3A_894 : vector<16xf32>
        %swap3A_899 = arith.index_cast %add3A_830 : i32 to index
        %swap3A_900 = arith.constant 0 : index
        %swap3A_901 = tpu.vector_load %arg26[%swap3A_899, %swap3A_900] {strides = array<i32>} : memref<80x80xf32, #tpu.memory_space<vmem>>, vector<16xf32>,
        tpu.vector_store %arg26[%swap3A_899, %swap3A_900], %mul3A_898 {strides = array<i32>} : memref<80x80xf32, #tpu.memory_space<vmem>>, vector<16xf32>,
        %slice3A_902 = vector.extract_strided_slice %exp3A_888 {offsets = [4], sizes = [1], strides = [1]} : vector<16xf32> to vector<1xf32>
        %squeeze3A_903 = vector.extract %slice3A_902[0] : f32 from vector<1xf32>
        %broadcast_in_dim3A_904 = vector.broadcast %squeeze3A_903 : f32 to vector<16xf32>
        %get3A_905 = arith.index_cast %add3A_830 : i32 to index
        %get3A_906 = arith.constant 80 : index
        %get3A_907 = tpu.vector_load %arg20[%get3A_905, %get3A_906] {strides = array<i32>} : memref<80x128xf32, #tpu.memory_space<vmem>>, vector<16xf32>,
        %mul3A_908 = arith.mulf %get3A_907, %broadcast_in_dim3A_904 : vector<16xf32>
        %swap3A_909 = arith.index_cast %add3A_830 : i32 to index
        %swap3A_910 = arith.constant 16 : index
        %swap3A_911 = tpu.vector_load %arg26[%swap3A_909, %swap3A_910] {strides = array<i32>} : memref<80x80xf32, #tpu.memory_space<vmem>>, vector<16xf32>,
        tpu.vector_store %arg26[%swap3A_909, %swap3A_910], %mul3A_908 {strides = array<i32>} : memref<80x80xf32, #tpu.memory_space<vmem>>, vector<16xf32>,
        %slice3A_912 = vector.extract_strided_slice %exp3A_888 {offsets = [8], sizes = [1], strides = [1]} : vector<16xf32> to vector<1xf32>
        %squeeze3A_913 = vector.extract %slice3A_912[0] : f32 from vector<1xf32>
        %broadcast_in_dim3A_914 = vector.broadcast %squeeze3A_913 : f32 to vector<16xf32>
        %get3A_915 = arith.index_cast %add3A_830 : i32 to index
        %get3A_916 = arith.constant 96 : index
        %get3A_917 = tpu.vector_load %arg20[%get3A_915, %get3A_916] {strides = array<i32>} : memref<80x128xf32, #tpu.memory_space<vmem>>, vector<16xf32>,
        %mul3A_918 = arith.mulf %get3A_917, %broadcast_in_dim3A_914 : vector<16xf32>
        %swap3A_919 = arith.index_cast %add3A_830 : i32 to index
        %swap3A_920 = arith.constant 32 : index
        %swap3A_921 = tpu.vector_load %arg26[%swap3A_919, %swap3A_920] {strides = array<i32>} : memref<80x80xf32, #tpu.memory_space<vmem>>, vector<16xf32>,
        tpu.vector_store %arg26[%swap3A_919, %swap3A_920], %mul3A_918 {strides = array<i32>} : memref<80x80xf32, #tpu.memory_space<vmem>>, vector<16xf32>,
        %slice3A_922 = vector.extract_strided_slice %exp3A_888 {offsets = [12], sizes = [1], strides = [1]} : vector<16xf32> to vector<1xf32>
        %squeeze3A_923 = vector.extract %slice3A_922[0] : f32 from vector<1xf32>
        %broadcast_in_dim3A_924 = vector.broadcast %squeeze3A_923 : f32 to vector<16xf32>
        %get3A_925 = arith.index_cast %add3A_830 : i32 to index
        %get3A_926 = arith.constant 112 : index
        %get3A_927 = tpu.vector_load %arg20[%get3A_925, %get3A_926] {strides = array<i32>} : memref<80x128xf32, #tpu.memory_space<vmem>>, vector<16xf32>,
        %mul3A_928 = arith.mulf %get3A_927, %broadcast_in_dim3A_924 : vector<16xf32>
        %swap3A_929 = arith.index_cast %add3A_830 : i32 to index
        %swap3A_930 = arith.constant 48 : index
        %swap3A_931 = tpu.vector_load %arg26[%swap3A_929, %swap3A_930] {strides = array<i32>} : memref<80x80xf32, #tpu.memory_space<vmem>>, vector<16xf32>,
        tpu.vector_store %arg26[%swap3A_929, %swap3A_930], %mul3A_928 {strides = array<i32>} : memref<80x80xf32, #tpu.memory_space<vmem>>, vector<16xf32>,
        %mul3A_932 = arith.constant 4 : i32
        %mul3A_933 = arith.muli %mul3A_932, %scan3A_621 : i32
        %add3A_934 = arith.constant 3 : i32
        %add3A_935 = arith.addi %mul3A_933, %add3A_934 : i32
        %get3A_936 = arith.index_cast %add3A_935 : i32 to index
        %get3A_937 = arith.constant 0 : index
        %get3A_938 = tpu.vector_load %arg20[%get3A_936, %get3A_937] {strides = array<i32>} : memref<80x128xf32, #tpu.memory_space<vmem>>, vector<16xf32>,
        %get3A_939 = arith.index_cast %add3A_935 : i32 to index
        %get3A_940 = arith.constant 0 : index
        %get3A_941 = tpu.vector_load %arg23[%get3A_939, %get3A_940] {strides = array<i32>} : memref<80x64xf32, #tpu.memory_space<vmem>>, vector<16xf32>,
        %mul3A_942 = arith.mulf %get3A_938, %get3A_941 : vector<16xf32>
        %reduce_sum3A_943 = arith.constant true
        %reduce_sum3A_944 = vector.broadcast %reduce_sum3A_943 : i1 to vector<16xi1>
        %reduce_sum3A_945 = tpu.scan <sum>, %mul3A_942 masked %reduce_sum3A_944 : vector<16xf32>, vector<16xi1> -> vector<16xf32>
        %reduce_sum3A_946 = vector.extract %reduce_sum3A_945[15] : f32 from vector<16xf32>
        %get3A_947 = arith.index_cast %add3A_935 : i32 to index
        %get3A_948 = arith.constant 16 : index
        %get3A_949 = tpu.vector_load %arg20[%get3A_947, %get3A_948] {strides = array<i32>} : memref<80x128xf32, #tpu.memory_space<vmem>>, vector<16xf32>,
        %get3A_950 = arith.index_cast %add3A_935 : i32 to index
        %get3A_951 = arith.constant 16 : index
        %get3A_952 = tpu.vector_load %arg23[%get3A_950, %get3A_951] {strides = array<i32>} : memref<80x64xf32, #tpu.memory_space<vmem>>, vector<16xf32>,
        %mul3A_953 = arith.mulf %get3A_949, %get3A_952 : vector<16xf32>
        %reduce_sum3A_954 = arith.constant true
        %reduce_sum3A_955 = vector.broadcast %reduce_sum3A_954 : i1 to vector<16xi1>
        %reduce_sum3A_956 = tpu.scan <sum>, %mul3A_953 masked %reduce_sum3A_955 : vector<16xf32>, vector<16xi1> -> vector<16xf32>
        %reduce_sum3A_957 = vector.extract %reduce_sum3A_956[15] : f32 from vector<16xf32>
        %get3A_958 = arith.index_cast %add3A_935 : i32 to index
        %get3A_959 = arith.constant 32 : index
        %get3A_960 = tpu.vector_load %arg20[%get3A_958, %get3A_959] {strides = array<i32>} : memref<80x128xf32, #tpu.memory_space<vmem>>, vector<16xf32>,
        %get3A_961 = arith.index_cast %add3A_935 : i32 to index
        %get3A_962 = arith.constant 32 : index
        %get3A_963 = tpu.vector_load %arg23[%get3A_961, %get3A_962] {strides = array<i32>} : memref<80x64xf32, #tpu.memory_space<vmem>>, vector<16xf32>,
        %mul3A_964 = arith.mulf %get3A_960, %get3A_963 : vector<16xf32>
        %reduce_sum3A_965 = arith.constant true
        %reduce_sum3A_966 = vector.broadcast %reduce_sum3A_965 : i1 to vector<16xi1>
        %reduce_sum3A_967 = tpu.scan <sum>, %mul3A_964 masked %reduce_sum3A_966 : vector<16xf32>, vector<16xi1> -> vector<16xf32>
        %reduce_sum3A_968 = vector.extract %reduce_sum3A_967[15] : f32 from vector<16xf32>
        %get3A_969 = arith.index_cast %add3A_935 : i32 to index
        %get3A_970 = arith.constant 48 : index
        %get3A_971 = tpu.vector_load %arg20[%get3A_969, %get3A_970] {strides = array<i32>} : memref<80x128xf32, #tpu.memory_space<vmem>>, vector<16xf32>,
        %get3A_972 = arith.index_cast %add3A_935 : i32 to index
        %get3A_973 = arith.constant 48 : index
        %get3A_974 = tpu.vector_load %arg23[%get3A_972, %get3A_973] {strides = array<i32>} : memref<80x64xf32, #tpu.memory_space<vmem>>, vector<16xf32>,
        %mul3A_975 = arith.mulf %get3A_971, %get3A_974 : vector<16xf32>
        %reduce_sum3A_976 = arith.constant true
        %reduce_sum3A_977 = vector.broadcast %reduce_sum3A_976 : i1 to vector<16xi1>
        %reduce_sum3A_978 = tpu.scan <sum>, %mul3A_975 masked %reduce_sum3A_977 : vector<16xf32>, vector<16xi1> -> vector<16xf32>
        %reduce_sum3A_979 = vector.extract %reduce_sum3A_978[15] : f32 from vector<16xf32>
        %broadcast_in_dim3A_980 = vector.broadcast %reduce_sum3A_946 : f32 to vector<16xf32>
        %broadcast_in_dim3A_981 = vector.broadcast %reduce_sum3A_957 : f32 to vector<16xf32>
        %select_n3A_982 = arith.select %eq3A_51, %broadcast_in_dim3A_981, %broadcast_in_dim3A_980 : vector<16xi1>, vector<16xf32>
        %broadcast_in_dim3A_983 = vector.broadcast %reduce_sum3A_968 : f32 to vector<16xf32>
        %select_n3A_984 = arith.select %eq3A_85, %broadcast_in_dim3A_983, %select_n3A_982 : vector<16xi1>, vector<16xf32>
        %broadcast_in_dim3A_985 = vector.broadcast %reduce_sum3A_979 : f32 to vector<16xf32>
        %select_n3A_986 = arith.select %eq3A_119, %broadcast_in_dim3A_985, %select_n3A_984 : vector<16xi1>, vector<16xf32>
        %jit3A_987 = arith.constant -5.000000e+00 : f32
        %jit3A_988 = arith.constant 5.000000e+00 : f32
        %max3A_989 = vector.broadcast %jit3A_987 : f32 to vector<16xf32>
        %max3A_990 = arith.maximumf %max3A_989, %select_n3A_986 : vector<16xf32>
        %min3A_991 = vector.broadcast %jit3A_988 : f32 to vector<16xf32>
        %min3A_992 = arith.minimumf %min3A_991, %max3A_990 : vector<16xf32>
        %exp3A_993 = math.exp %min3A_992 : vector<16xf32>
        %swap3A_994 = arith.index_cast %add3A_935 : i32 to index
        %swap3A_995 = arith.constant 64 : index
        %swap3A_996 = tpu.vector_load %arg26[%swap3A_994, %swap3A_995] {strides = array<i32>} : memref<80x80xf32, #tpu.memory_space<vmem>>, vector<16xf32>,
        tpu.vector_store %arg26[%swap3A_994, %swap3A_995], %exp3A_993 {strides = array<i32>} : memref<80x80xf32, #tpu.memory_space<vmem>>, vector<16xf32>,
        %slice3A_997 = vector.extract_strided_slice %exp3A_993 {offsets = [0], sizes = [1], strides = [1]} : vector<16xf32> to vector<1xf32>
        %squeeze3A_998 = vector.extract %slice3A_997[0] : f32 from vector<1xf32>
        %broadcast_in_dim3A_999 = vector.broadcast %squeeze3A_998 : f32 to vector<16xf32>
        %get3A_1000 = arith.index_cast %add3A_935 : i32 to index
        %get3A_1001 = arith.constant 64 : index
        %get3A_1002 = tpu.vector_load %arg20[%get3A_1000, %get3A_1001] {strides = array<i32>} : memref<80x128xf32, #tpu.memory_space<vmem>>, vector<16xf32>,
        %mul3A_1003 = arith.mulf %get3A_1002, %broadcast_in_dim3A_999 : vector<16xf32>
        %swap3A_1004 = arith.index_cast %add3A_935 : i32 to index
        %swap3A_1005 = arith.constant 0 : index
        %swap3A_1006 = tpu.vector_load %arg26[%swap3A_1004, %swap3A_1005] {strides = array<i32>} : memref<80x80xf32, #tpu.memory_space<vmem>>, vector<16xf32>,
        tpu.vector_store %arg26[%swap3A_1004, %swap3A_1005], %mul3A_1003 {strides = array<i32>} : memref<80x80xf32, #tpu.memory_space<vmem>>, vector<16xf32>,
        %slice3A_1007 = vector.extract_strided_slice %exp3A_993 {offsets = [4], sizes = [1], strides = [1]} : vector<16xf32> to vector<1xf32>
        %squeeze3A_1008 = vector.extract %slice3A_1007[0] : f32 from vector<1xf32>
        %broadcast_in_dim3A_1009 = vector.broadcast %squeeze3A_1008 : f32 to vector<16xf32>
        %get3A_1010 = arith.index_cast %add3A_935 : i32 to index
        %get3A_1011 = arith.constant 80 : index
        %get3A_1012 = tpu.vector_load %arg20[%get3A_1010, %get3A_1011] {strides = array<i32>} : memref<80x128xf32, #tpu.memory_space<vmem>>, vector<16xf32>,
        %mul3A_1013 = arith.mulf %get3A_1012, %broadcast_in_dim3A_1009 : vector<16xf32>
        %swap3A_1014 = arith.index_cast %add3A_935 : i32 to index
        %swap3A_1015 = arith.constant 16 : index
        %swap3A_1016 = tpu.vector_load %arg26[%swap3A_1014, %swap3A_1015] {strides = array<i32>} : memref<80x80xf32, #tpu.memory_space<vmem>>, vector<16xf32>,
        tpu.vector_store %arg26[%swap3A_1014, %swap3A_1015], %mul3A_1013 {strides = array<i32>} : memref<80x80xf32, #tpu.memory_space<vmem>>, vector<16xf32>,
        %slice3A_1017 = vector.extract_strided_slice %exp3A_993 {offsets = [8], sizes = [1], strides = [1]} : vector<16xf32> to vector<1xf32>
        %squeeze3A_1018 = vector.extract %slice3A_1017[0] : f32 from vector<1xf32>
        %broadcast_in_dim3A_1019 = vector.broadcast %squeeze3A_1018 : f32 to vector<16xf32>
        %get3A_1020 = arith.index_cast %add3A_935 : i32 to index
        %get3A_1021 = arith.constant 96 : index
        %get3A_1022 = tpu.vector_load %arg20[%get3A_1020, %get3A_1021] {strides = array<i32>} : memref<80x128xf32, #tpu.memory_space<vmem>>, vector<16xf32>,
        %mul3A_1023 = arith.mulf %get3A_1022, %broadcast_in_dim3A_1019 : vector<16xf32>
        %swap3A_1024 = arith.index_cast %add3A_935 : i32 to index
        %swap3A_1025 = arith.constant 32 : index
        %swap3A_1026 = tpu.vector_load %arg26[%swap3A_1024, %swap3A_1025] {strides = array<i32>} : memref<80x80xf32, #tpu.memory_space<vmem>>, vector<16xf32>,
        tpu.vector_store %arg26[%swap3A_1024, %swap3A_1025], %mul3A_1023 {strides = array<i32>} : memref<80x80xf32, #tpu.memory_space<vmem>>, vector<16xf32>,
        %slice3A_1027 = vector.extract_strided_slice %exp3A_993 {offsets = [12], sizes = [1], strides = [1]} : vector<16xf32> to vector<1xf32>
        %squeeze3A_1028 = vector.extract %slice3A_1027[0] : f32 from vector<1xf32>
        %broadcast_in_dim3A_1029 = vector.broadcast %squeeze3A_1028 : f32 to vector<16xf32>
        %get3A_1030 = arith.index_cast %add3A_935 : i32 to index
        %get3A_1031 = arith.constant 112 : index
        %get3A_1032 = tpu.vector_load %arg20[%get3A_1030, %get3A_1031] {strides = array<i32>} : memref<80x128xf32, #tpu.memory_space<vmem>>, vector<16xf32>,
        %mul3A_1033 = arith.mulf %get3A_1032, %broadcast_in_dim3A_1029 : vector<16xf32>
        %swap3A_1034 = arith.index_cast %add3A_935 : i32 to index
        %swap3A_1035 = arith.constant 48 : index
        %swap3A_1036 = tpu.vector_load %arg26[%swap3A_1034, %swap3A_1035] {strides = array<i32>} : memref<80x80xf32, #tpu.memory_space<vmem>>, vector<16xf32>,
        tpu.vector_store %arg26[%swap3A_1034, %swap3A_1035], %mul3A_1033 {strides = array<i32>} : memref<80x80xf32, #tpu.memory_space<vmem>>, vector<16xf32>,
        %scan3A_1037 = arith.constant 0 : i32
        scf.yield %scan3A_1037 : i32
      }
      %scan3A_612 = arith.constant 20 : i32
      %dma_start3A_613 = arith.constant 0 : i32
      %dma_start3A_614 = arith.constant 0 : i32
      %dma_start3A_615 = tpu.memref_slice %arg28[%dma_start3A_613, %dma_start3A_614] : memref<10240x80xf32, #tpu.memory_space<vmem_shared>> -> memref<10240x80xf32, #tpu.memory_space<vmem_shared>>
      tpu.enqueue_indirect_dma source(%arg26 : memref<80x80xf32, #tpu.memory_space<vmem>>) target(%dma_start3A_615 : memref<10240x80xf32, #tpu.memory_space<vmem_shared>>) offsets(%arg11 : memref<80xi32, #tpu.memory_space<vmem>>) semaphore(%arg34 : memref<!tpu.dma_semaphore, #tpu.memory_space<semaphore_mem>>) {add = true}
      %lt3A = arith.constant 82 : i32
      %lt3A_616 = arith.cmpi slt, %scan3A_355, %lt3A : i32
      %convert_element_type3A_617 = arith.extui %lt3A_616 : i1 to i32
      %cond3A_618 = arith.constant 0 : i32
      %cond3A_619 = arith.cmpi ne, %convert_element_type3A_617, %cond3A_618 : i32
      scf.if %cond3A_619 {
        %dma_wait3A_621 = arith.constant 0 : i32
        %dma_wait3A_622 = arith.constant 0 : i32
        %dma_wait3A_623 = tpu.memref_slice %arg28[%dma_wait3A_621, %dma_wait3A_622] : memref<10240x80xf32, #tpu.memory_space<vmem_shared>> -> memref<10240x80xf32, #tpu.memory_space<vmem_shared>>
        tpu.wait_indirect_dma semaphore(%arg33 : memref<!tpu.dma_semaphore, #tpu.memory_space<semaphore_mem>>) src(%arg25 : memref<80x80xf32, #tpu.memory_space<vmem>>) dst(%dma_wait3A_623 : memref<10240x80xf32, #tpu.memory_space<vmem_shared>>)
        %add3A_624 = arith.constant 2 : i32
        %add3A_625 = arith.addi %mul3A_358, %add3A_624 : i32
        %add3A_626 = arith.constant 2 : i32
        %add3A_627 = arith.addi %add3A_625, %add3A_626 : i32
        %mul3A_628 = arith.constant 80 : i32
        %mul3A_629 = arith.muli %add3A_627, %mul3A_628 : i32
        %add3A_630 = arith.addi %mul3A_26, %mul3A_629 : i32
        "tpu.region"() ({
          %run_scoped3A = tpu.sem_alloc : memref<!tpu.dma_semaphore, #tpu.memory_space<semaphore_mem>>
          %dma_start3A_727 = arith.constant 0 : i32
          %dma_start3A_728 = tpu.memref_slice %arg4[%dma_start3A_727, %add3A_630] : memref<2x320000xi32, #tpu.memory_space<hbm>> -> memref<2x80xi32, #tpu.memory_space<hbm>>
          %dma_start3A_729 = arith.constant 0 : i32
          %dma_start3A_730 = tpu.memref_slice %arg4[%dma_start3A_729, %add3A_630] : memref<2x320000xi32, #tpu.memory_space<hbm>> -> memref<2x80xi32, #tpu.memory_space<hbm>>
          tpu.enqueue_dma source(%dma_start3A_730 : memref<2x80xi32, #tpu.memory_space<hbm>>) target(%arg7 : memref<2x80xi32, #tpu.memory_space<vmem>>) target_semaphore(%run_scoped3A : memref<!tpu.dma_semaphore, #tpu.memory_space<semaphore_mem>>)
          %dma_wait3A_731 = arith.constant 0 : i32
          %dma_wait3A_732 = tpu.memref_slice %arg4[%dma_wait3A_731, %add3A_630] : memref<2x320000xi32, #tpu.memory_space<hbm>> -> memref<2x80xi32, #tpu.memory_space<hbm>>
          %dma_wait3A_733 = arith.constant 0 : i32
          %dma_wait3A_734 = tpu.memref_slice %arg4[%dma_wait3A_733, %add3A_630] : memref<2x320000xi32, #tpu.memory_space<hbm>> -> memref<2x80xi32, #tpu.memory_space<hbm>>
          tpu.wait_dma2 semaphore(%run_scoped3A : memref<!tpu.dma_semaphore, #tpu.memory_space<semaphore_mem>>) src(%dma_wait3A_734 : memref<2x80xi32, #tpu.memory_space<hbm>>) dst(%arg7 : memref<2x80xi32, #tpu.memory_space<vmem>>)
          tpu.yield
        }) : () -> ()
        %get3A_631 = arith.constant 0 : i32
        %get3A_632 = arith.index_cast %get3A_631 : i32 to index
        %get3A_633 = arith.constant 0 : index
        %get3A_634 = tpu.vector_load %arg7[%get3A_632, %get3A_633] {strides = array<i32>} : memref<2x80xi32, #tpu.memory_space<vmem>>, vector<16xi32>,
        %get3A_635 = arith.constant 1 : i32
        %get3A_636 = arith.index_cast %get3A_635 : i32 to index
        %get3A_637 = arith.constant 0 : index
        %get3A_638 = tpu.vector_load %arg7[%get3A_636, %get3A_637] {strides = array<i32>} : memref<2x80xi32, #tpu.memory_space<vmem>>, vector<16xi32>,
        %add3A_639 = vector.broadcast %mul3A_0 : i32 to vector<16xi32>
        %add3A_640 = arith.addi %get3A_634, %add3A_639 : vector<16xi32>
        %swap3A_641 = arith.constant 0 : index
        %swap3A_642 = tpu.vector_load %arg13[%swap3A_641] {strides = array<i32>} : memref<80xi32, #tpu.memory_space<vmem>>, vector<16xi32>,
        tpu.vector_store %arg13[%swap3A_641], %add3A_640 {strides = array<i32>} : memref<80xi32, #tpu.memory_space<vmem>>, vector<16xi32>,
        %add3A_643 = vector.broadcast %mul3A_0 : i32 to vector<16xi32>
        %add3A_644 = arith.addi %get3A_638, %add3A_643 : vector<16xi32>
        %swap3A_645 = arith.constant 0 : index
        %swap3A_646 = tpu.vector_load %arg16[%swap3A_645] {strides = array<i32>} : memref<80xi32, #tpu.memory_space<vmem>>, vector<16xi32>,
        tpu.vector_store %arg16[%swap3A_645], %add3A_644 {strides = array<i32>} : memref<80xi32, #tpu.memory_space<vmem>>, vector<16xi32>,
        %swap3A_647 = arith.constant 0 : index
        %swap3A_648 = tpu.vector_load %arg10[%swap3A_647] {strides = array<i32>} : memref<80xi32, #tpu.memory_space<vmem>>, vector<16xi32>,
        tpu.vector_store %arg10[%swap3A_647], %get3A_638 {strides = array<i32>} : memref<80xi32, #tpu.memory_space<vmem>>, vector<16xi32>,
        %get3A_649 = arith.constant 0 : i32
        %get3A_650 = arith.index_cast %get3A_649 : i32 to index
        %get3A_651 = arith.constant 16 : index
        %get3A_652 = tpu.vector_load %arg7[%get3A_650, %get3A_651] {strides = array<i32>} : memref<2x80xi32, #tpu.memory_space<vmem>>, vector<16xi32>,
        %get3A_653 = arith.constant 1 : i32
        %get3A_654 = arith.index_cast %get3A_653 : i32 to index
        %get3A_655 = arith.constant 16 : index
        %get3A_656 = tpu.vector_load %arg7[%get3A_654, %get3A_655] {strides = array<i32>} : memref<2x80xi32, #tpu.memory_space<vmem>>, vector<16xi32>,
        %add3A_657 = vector.broadcast %mul3A_0 : i32 to vector<16xi32>
        %add3A_658 = arith.addi %get3A_652, %add3A_657 : vector<16xi32>
        %swap3A_659 = arith.constant 16 : index
        %swap3A_660 = tpu.vector_load %arg13[%swap3A_659] {strides = array<i32>} : memref<80xi32, #tpu.memory_space<vmem>>, vector<16xi32>,
        tpu.vector_store %arg13[%swap3A_659], %add3A_658 {strides = array<i32>} : memref<80xi32, #tpu.memory_space<vmem>>, vector<16xi32>,
        %add3A_661 = vector.broadcast %mul3A_0 : i32 to vector<16xi32>
        %add3A_662 = arith.addi %get3A_656, %add3A_661 : vector<16xi32>
        %swap3A_663 = arith.constant 16 : index
        %swap3A_664 = tpu.vector_load %arg16[%swap3A_663] {strides = array<i32>} : memref<80xi32, #tpu.memory_space<vmem>>, vector<16xi32>,
        tpu.vector_store %arg16[%swap3A_663], %add3A_662 {strides = array<i32>} : memref<80xi32, #tpu.memory_space<vmem>>, vector<16xi32>,
        %swap3A_665 = arith.constant 16 : index
        %swap3A_666 = tpu.vector_load %arg10[%swap3A_665] {strides = array<i32>} : memref<80xi32, #tpu.memory_space<vmem>>, vector<16xi32>,
        tpu.vector_store %arg10[%swap3A_665], %get3A_656 {strides = array<i32>} : memref<80xi32, #tpu.memory_space<vmem>>, vector<16xi32>,
        %get3A_667 = arith.constant 0 : i32
        %get3A_668 = arith.index_cast %get3A_667 : i32 to index
        %get3A_669 = arith.constant 32 : index
        %get3A_670 = tpu.vector_load %arg7[%get3A_668, %get3A_669] {strides = array<i32>} : memref<2x80xi32, #tpu.memory_space<vmem>>, vector<16xi32>,
        %get3A_671 = arith.constant 1 : i32
        %get3A_672 = arith.index_cast %get3A_671 : i32 to index
        %get3A_673 = arith.constant 32 : index
        %get3A_674 = tpu.vector_load %arg7[%get3A_672, %get3A_673] {strides = array<i32>} : memref<2x80xi32, #tpu.memory_space<vmem>>, vector<16xi32>,
        %add3A_675 = vector.broadcast %mul3A_0 : i32 to vector<16xi32>
        %add3A_676 = arith.addi %get3A_670, %add3A_675 : vector<16xi32>
        %swap3A_677 = arith.constant 32 : index
        %swap3A_678 = tpu.vector_load %arg13[%swap3A_677] {strides = array<i32>} : memref<80xi32, #tpu.memory_space<vmem>>, vector<16xi32>,
        tpu.vector_store %arg13[%swap3A_677], %add3A_676 {strides = array<i32>} : memref<80xi32, #tpu.memory_space<vmem>>, vector<16xi32>,
        %add3A_679 = vector.broadcast %mul3A_0 : i32 to vector<16xi32>
        %add3A_680 = arith.addi %get3A_674, %add3A_679 : vector<16xi32>
        %swap3A_681 = arith.constant 32 : index
        %swap3A_682 = tpu.vector_load %arg16[%swap3A_681] {strides = array<i32>} : memref<80xi32, #tpu.memory_space<vmem>>, vector<16xi32>,
        tpu.vector_store %arg16[%swap3A_681], %add3A_680 {strides = array<i32>} : memref<80xi32, #tpu.memory_space<vmem>>, vector<16xi32>,
        %swap3A_683 = arith.constant 32 : index
        %swap3A_684 = tpu.vector_load %arg10[%swap3A_683] {strides = array<i32>} : memref<80xi32, #tpu.memory_space<vmem>>, vector<16xi32>,
        tpu.vector_store %arg10[%swap3A_683], %get3A_674 {strides = array<i32>} : memref<80xi32, #tpu.memory_space<vmem>>, vector<16xi32>,
        %get3A_685 = arith.constant 0 : i32
        %get3A_686 = arith.index_cast %get3A_685 : i32 to index
        %get3A_687 = arith.constant 48 : index
        %get3A_688 = tpu.vector_load %arg7[%get3A_686, %get3A_687] {strides = array<i32>} : memref<2x80xi32, #tpu.memory_space<vmem>>, vector<16xi32>,
        %get3A_689 = arith.constant 1 : i32
        %get3A_690 = arith.index_cast %get3A_689 : i32 to index
        %get3A_691 = arith.constant 48 : index
        %get3A_692 = tpu.vector_load %arg7[%get3A_690, %get3A_691] {strides = array<i32>} : memref<2x80xi32, #tpu.memory_space<vmem>>, vector<16xi32>,
        %add3A_693 = vector.broadcast %mul3A_0 : i32 to vector<16xi32>
        %add3A_694 = arith.addi %get3A_688, %add3A_693 : vector<16xi32>
        %swap3A_695 = arith.constant 48 : index
        %swap3A_696 = tpu.vector_load %arg13[%swap3A_695] {strides = array<i32>} : memref<80xi32, #tpu.memory_space<vmem>>, vector<16xi32>,
        tpu.vector_store %arg13[%swap3A_695], %add3A_694 {strides = array<i32>} : memref<80xi32, #tpu.memory_space<vmem>>, vector<16xi32>,
        %add3A_697 = vector.broadcast %mul3A_0 : i32 to vector<16xi32>
        %add3A_698 = arith.addi %get3A_692, %add3A_697 : vector<16xi32>
        %swap3A_699 = arith.constant 48 : index
        %swap3A_700 = tpu.vector_load %arg16[%swap3A_699] {strides = array<i32>} : memref<80xi32, #tpu.memory_space<vmem>>, vector<16xi32>,
        tpu.vector_store %arg16[%swap3A_699], %add3A_698 {strides = array<i32>} : memref<80xi32, #tpu.memory_space<vmem>>, vector<16xi32>,
        %swap3A_701 = arith.constant 48 : index
        %swap3A_702 = tpu.vector_load %arg10[%swap3A_701] {strides = array<i32>} : memref<80xi32, #tpu.memory_space<vmem>>, vector<16xi32>,
        tpu.vector_store %arg10[%swap3A_701], %get3A_692 {strides = array<i32>} : memref<80xi32, #tpu.memory_space<vmem>>, vector<16xi32>,
        %get3A_703 = arith.constant 0 : i32
        %get3A_704 = arith.index_cast %get3A_703 : i32 to index
        %get3A_705 = arith.constant 64 : index
        %get3A_706 = tpu.vector_load %arg7[%get3A_704, %get3A_705] {strides = array<i32>} : memref<2x80xi32, #tpu.memory_space<vmem>>, vector<16xi32>,
        %get3A_707 = arith.constant 1 : i32
        %get3A_708 = arith.index_cast %get3A_707 : i32 to index
        %get3A_709 = arith.constant 64 : index
        %get3A_710 = tpu.vector_load %arg7[%get3A_708, %get3A_709] {strides = array<i32>} : memref<2x80xi32, #tpu.memory_space<vmem>>, vector<16xi32>,
        %add3A_711 = vector.broadcast %mul3A_0 : i32 to vector<16xi32>
        %add3A_712 = arith.addi %get3A_706, %add3A_711 : vector<16xi32>
        %swap3A_713 = arith.constant 64 : index
        %swap3A_714 = tpu.vector_load %arg13[%swap3A_713] {strides = array<i32>} : memref<80xi32, #tpu.memory_space<vmem>>, vector<16xi32>,
        tpu.vector_store %arg13[%swap3A_713], %add3A_712 {strides = array<i32>} : memref<80xi32, #tpu.memory_space<vmem>>, vector<16xi32>,
        %add3A_715 = vector.broadcast %mul3A_0 : i32 to vector<16xi32>
        %add3A_716 = arith.addi %get3A_710, %add3A_715 : vector<16xi32>
        %swap3A_717 = arith.constant 64 : index
        %swap3A_718 = tpu.vector_load %arg16[%swap3A_717] {strides = array<i32>} : memref<80xi32, #tpu.memory_space<vmem>>, vector<16xi32>,
        tpu.vector_store %arg16[%swap3A_717], %add3A_716 {strides = array<i32>} : memref<80xi32, #tpu.memory_space<vmem>>, vector<16xi32>,
        %swap3A_719 = arith.constant 64 : index
        %swap3A_720 = tpu.vector_load %arg10[%swap3A_719] {strides = array<i32>} : memref<80xi32, #tpu.memory_space<vmem>>, vector<16xi32>,
        tpu.vector_store %arg10[%swap3A_719], %get3A_710 {strides = array<i32>} : memref<80xi32, #tpu.memory_space<vmem>>, vector<16xi32>,
        %dma_start3A_721 = arith.constant 0 : i32
        %dma_start3A_722 = arith.constant 0 : i32
        %dma_start3A_723 = tpu.memref_slice %arg3[%dma_start3A_721, %dma_start3A_722] : memref<20000x128xf32, #tpu.memory_space<hbm>> -> memref<20000x128xf32, #tpu.memory_space<hbm>>
        tpu.enqueue_indirect_dma source(%dma_start3A_723 : memref<20000x128xf32, #tpu.memory_space<hbm>>) target(%arg19 : memref<80x128xf32, #tpu.memory_space<vmem>>) offsets(%arg13 : memref<80xi32, #tpu.memory_space<vmem>>) semaphore(%arg30 : memref<!tpu.dma_semaphore, #tpu.memory_space<semaphore_mem>>)
        %dma_start3A_724 = arith.constant 0 : i32
        %dma_start3A_725 = arith.constant 0 : i32
        %dma_start3A_726 = tpu.memref_slice %arg2[%dma_start3A_724, %dma_start3A_725] : memref<20000x64xf32, #tpu.memory_space<hbm>> -> memref<20000x64xf32, #tpu.memory_space<hbm>>
        tpu.enqueue_indirect_dma source(%dma_start3A_726 : memref<20000x64xf32, #tpu.memory_space<hbm>>) target(%arg22 : memref<80x64xf32, #tpu.memory_space<vmem>>) offsets(%arg16 : memref<80xi32, #tpu.memory_space<vmem>>) semaphore(%arg30 : memref<!tpu.dma_semaphore, #tpu.memory_space<semaphore_mem>>)
      } else {
      }
      %scan3A_620 = arith.constant 0 : i32
      scf.yield %scan3A_620 : i32
    }
    %scan3A_319 = arith.constant 83 : i32
    %dma_wait3A = arith.constant 0 : i32
    %dma_wait3A_320 = arith.constant 0 : i32
    %dma_wait3A_321 = tpu.memref_slice %arg3[%dma_wait3A, %dma_wait3A_320] : memref<20000x128xf32, #tpu.memory_space<hbm>> -> memref<20000x128xf32, #tpu.memory_space<hbm>>
    tpu.wait_indirect_dma semaphore(%arg29 : memref<!tpu.dma_semaphore, #tpu.memory_space<semaphore_mem>>) src(%dma_wait3A_321 : memref<20000x128xf32, #tpu.memory_space<hbm>>) dst(%arg18 : memref<80x128xf32, #tpu.memory_space<vmem>>)
    %dma_wait3A_322 = arith.constant 0 : i32
    %dma_wait3A_323 = arith.constant 0 : i32
    %dma_wait3A_324 = tpu.memref_slice %arg2[%dma_wait3A_322, %dma_wait3A_323] : memref<20000x64xf32, #tpu.memory_space<hbm>> -> memref<20000x64xf32, #tpu.memory_space<hbm>>
    tpu.wait_indirect_dma semaphore(%arg29 : memref<!tpu.dma_semaphore, #tpu.memory_space<semaphore_mem>>) src(%dma_wait3A_324 : memref<20000x64xf32, #tpu.memory_space<hbm>>) dst(%arg21 : memref<80x64xf32, #tpu.memory_space<vmem>>)
    %scan3A_325 = arith.constant 0 : i32
    %scan3A_326 = arith.constant 0 : i32
    %scan3A_327 = arith.constant 20 : i32
    %scan3A_328 = arith.addi %scan3A_326, %scan3A_327 : i32
    %scan3A_329 = arith.constant 1 : i32
    %scan3A_330 = scf.for %scan3A_355 = %scan3A_326 to %scan3A_328 step %scan3A_329 iter_args(%scan3A_356 = %scan3A_325) -> (i32)  : i32 {
      %mul3A_357 = arith.constant 4 : i32
      %mul3A_358 = arith.muli %mul3A_357, %scan3A_355 : i32
      %add3A_359 = arith.constant 0 : i32
      %add3A_360 = arith.addi %mul3A_358, %add3A_359 : i32
      %get3A_361 = arith.index_cast %add3A_360 : i32 to index
      %get3A_362 = arith.constant 0 : index
      %get3A_363 = tpu.vector_load %arg18[%get3A_361, %get3A_362] {strides = array<i32>} : memref<80x128xf32, #tpu.memory_space<vmem>>, vector<16xf32>,
      %get3A_364 = arith.index_cast %add3A_360 : i32 to index
      %get3A_365 = arith.constant 0 : index
      %get3A_366 = tpu.vector_load %arg21[%get3A_364, %get3A_365] {strides = array<i32>} : memref<80x64xf32, #tpu.memory_space<vmem>>, vector<16xf32>,
      %mul3A_367 = arith.mulf %get3A_363, %get3A_366 : vector<16xf32>
      %reduce_sum3A = arith.constant true
      %reduce_sum3A_368 = vector.broadcast %reduce_sum3A : i1 to vector<16xi1>
      %reduce_sum3A_369 = tpu.scan <sum>, %mul3A_367 masked %reduce_sum3A_368 : vector<16xf32>, vector<16xi1> -> vector<16xf32>
      %reduce_sum3A_370 = vector.extract %reduce_sum3A_369[15] : f32 from vector<16xf32>
      %get3A_371 = arith.index_cast %add3A_360 : i32 to index
      %get3A_372 = arith.constant 16 : index
      %get3A_373 = tpu.vector_load %arg18[%get3A_371, %get3A_372] {strides = array<i32>} : memref<80x128xf32, #tpu.memory_space<vmem>>, vector<16xf32>,
      %get3A_374 = arith.index_cast %add3A_360 : i32 to index
      %get3A_375 = arith.constant 16 : index
      %get3A_376 = tpu.vector_load %arg21[%get3A_374, %get3A_375] {strides = array<i32>} : memref<80x64xf32, #tpu.memory_space<vmem>>, vector<16xf32>,
      %mul3A_377 = arith.mulf %get3A_373, %get3A_376 : vector<16xf32>
      %reduce_sum3A_378 = arith.constant true
      %reduce_sum3A_379 = vector.broadcast %reduce_sum3A_378 : i1 to vector<16xi1>
      %reduce_sum3A_380 = tpu.scan <sum>, %mul3A_377 masked %reduce_sum3A_379 : vector<16xf32>, vector<16xi1> -> vector<16xf32>
      %reduce_sum3A_381 = vector.extract %reduce_sum3A_380[15] : f32 from vector<16xf32>
      %get3A_382 = arith.index_cast %add3A_360 : i32 to index
      %get3A_383 = arith.constant 32 : index
      %get3A_384 = tpu.vector_load %arg18[%get3A_382, %get3A_383] {strides = array<i32>} : memref<80x128xf32, #tpu.memory_space<vmem>>, vector<16xf32>,
      %get3A_385 = arith.index_cast %add3A_360 : i32 to index
      %get3A_386 = arith.constant 32 : index
      %get3A_387 = tpu.vector_load %arg21[%get3A_385, %get3A_386] {strides = array<i32>} : memref<80x64xf32, #tpu.memory_space<vmem>>, vector<16xf32>,
      %mul3A_388 = arith.mulf %get3A_384, %get3A_387 : vector<16xf32>
      %reduce_sum3A_389 = arith.constant true
      %reduce_sum3A_390 = vector.broadcast %reduce_sum3A_389 : i1 to vector<16xi1>
      %reduce_sum3A_391 = tpu.scan <sum>, %mul3A_388 masked %reduce_sum3A_390 : vector<16xf32>, vector<16xi1> -> vector<16xf32>
      %reduce_sum3A_392 = vector.extract %reduce_sum3A_391[15] : f32 from vector<16xf32>
      %get3A_393 = arith.index_cast %add3A_360 : i32 to index
      %get3A_394 = arith.constant 48 : index
      %get3A_395 = tpu.vector_load %arg18[%get3A_393, %get3A_394] {strides = array<i32>} : memref<80x128xf32, #tpu.memory_space<vmem>>, vector<16xf32>,
      %get3A_396 = arith.index_cast %add3A_360 : i32 to index
      %get3A_397 = arith.constant 48 : index
      %get3A_398 = tpu.vector_load %arg21[%get3A_396, %get3A_397] {strides = array<i32>} : memref<80x64xf32, #tpu.memory_space<vmem>>, vector<16xf32>,
      %mul3A_399 = arith.mulf %get3A_395, %get3A_398 : vector<16xf32>
      %reduce_sum3A_400 = arith.constant true
      %reduce_sum3A_401 = vector.broadcast %reduce_sum3A_400 : i1 to vector<16xi1>
      %reduce_sum3A_402 = tpu.scan <sum>, %mul3A_399 masked %reduce_sum3A_401 : vector<16xf32>, vector<16xi1> -> vector<16xf32>
      %reduce_sum3A_403 = vector.extract %reduce_sum3A_402[15] : f32 from vector<16xf32>
      %broadcast_in_dim3A_404 = vector.broadcast %reduce_sum3A_370 : f32 to vector<16xf32>
      %broadcast_in_dim3A_405 = vector.broadcast %reduce_sum3A_381 : f32 to vector<16xf32>
      %select_n3A_406 = arith.select %eq3A_51, %broadcast_in_dim3A_405, %broadcast_in_dim3A_404 : vector<16xi1>, vector<16xf32>
      %broadcast_in_dim3A_407 = vector.broadcast %reduce_sum3A_392 : f32 to vector<16xf32>
      %select_n3A_408 = arith.select %eq3A_85, %broadcast_in_dim3A_407, %select_n3A_406 : vector<16xi1>, vector<16xf32>
      %broadcast_in_dim3A_409 = vector.broadcast %reduce_sum3A_403 : f32 to vector<16xf32>
      %select_n3A_410 = arith.select %eq3A_119, %broadcast_in_dim3A_409, %select_n3A_408 : vector<16xi1>, vector<16xf32>
      %jit3A_411 = arith.constant -5.000000e+00 : f32
      %jit3A_412 = arith.constant 5.000000e+00 : f32
      %max3A = vector.broadcast %jit3A_411 : f32 to vector<16xf32>
      %max3A_413 = arith.maximumf %max3A, %select_n3A_410 : vector<16xf32>
      %min3A = vector.broadcast %jit3A_412 : f32 to vector<16xf32>
      %min3A_414 = arith.minimumf %min3A, %max3A_413 : vector<16xf32>
      %exp3A = math.exp %min3A_414 : vector<16xf32>
      %swap3A_415 = arith.index_cast %add3A_360 : i32 to index
      %swap3A_416 = arith.constant 64 : index
      %swap3A_417 = tpu.vector_load %arg24[%swap3A_415, %swap3A_416] {strides = array<i32>} : memref<80x80xf32, #tpu.memory_space<vmem>>, vector<16xf32>,
      tpu.vector_store %arg24[%swap3A_415, %swap3A_416], %exp3A {strides = array<i32>} : memref<80x80xf32, #tpu.memory_space<vmem>>, vector<16xf32>,
      %slice3A = vector.extract_strided_slice %exp3A {offsets = [0], sizes = [1], strides = [1]} : vector<16xf32> to vector<1xf32>
      %squeeze3A = vector.extract %slice3A[0] : f32 from vector<1xf32>
      %broadcast_in_dim3A_418 = vector.broadcast %squeeze3A : f32 to vector<16xf32>
      %get3A_419 = arith.index_cast %add3A_360 : i32 to index
      %get3A_420 = arith.constant 64 : index
      %get3A_421 = tpu.vector_load %arg18[%get3A_419, %get3A_420] {strides = array<i32>} : memref<80x128xf32, #tpu.memory_space<vmem>>, vector<16xf32>,
      %mul3A_422 = arith.mulf %get3A_421, %broadcast_in_dim3A_418 : vector<16xf32>
      %swap3A_423 = arith.index_cast %add3A_360 : i32 to index
      %swap3A_424 = arith.constant 0 : index
      %swap3A_425 = tpu.vector_load %arg24[%swap3A_423, %swap3A_424] {strides = array<i32>} : memref<80x80xf32, #tpu.memory_space<vmem>>, vector<16xf32>,
      tpu.vector_store %arg24[%swap3A_423, %swap3A_424], %mul3A_422 {strides = array<i32>} : memref<80x80xf32, #tpu.memory_space<vmem>>, vector<16xf32>,
      %slice3A_426 = vector.extract_strided_slice %exp3A {offsets = [4], sizes = [1], strides = [1]} : vector<16xf32> to vector<1xf32>
      %squeeze3A_427 = vector.extract %slice3A_426[0] : f32 from vector<1xf32>
      %broadcast_in_dim3A_428 = vector.broadcast %squeeze3A_427 : f32 to vector<16xf32>
      %get3A_429 = arith.index_cast %add3A_360 : i32 to index
      %get3A_430 = arith.constant 80 : index
      %get3A_431 = tpu.vector_load %arg18[%get3A_429, %get3A_430] {strides = array<i32>} : memref<80x128xf32, #tpu.memory_space<vmem>>, vector<16xf32>,
      %mul3A_432 = arith.mulf %get3A_431, %broadcast_in_dim3A_428 : vector<16xf32>
      %swap3A_433 = arith.index_cast %add3A_360 : i32 to index
      %swap3A_434 = arith.constant 16 : index
      %swap3A_435 = tpu.vector_load %arg24[%swap3A_433, %swap3A_434] {strides = array<i32>} : memref<80x80xf32, #tpu.memory_space<vmem>>, vector<16xf32>,
      tpu.vector_store %arg24[%swap3A_433, %swap3A_434], %mul3A_432 {strides = array<i32>} : memref<80x80xf32, #tpu.memory_space<vmem>>, vector<16xf32>,
      %slice3A_436 = vector.extract_strided_slice %exp3A {offsets = [8], sizes = [1], strides = [1]} : vector<16xf32> to vector<1xf32>
      %squeeze3A_437 = vector.extract %slice3A_436[0] : f32 from vector<1xf32>
      %broadcast_in_dim3A_438 = vector.broadcast %squeeze3A_437 : f32 to vector<16xf32>
      %get3A_439 = arith.index_cast %add3A_360 : i32 to index
      %get3A_440 = arith.constant 96 : index
      %get3A_441 = tpu.vector_load %arg18[%get3A_439, %get3A_440] {strides = array<i32>} : memref<80x128xf32, #tpu.memory_space<vmem>>, vector<16xf32>,
      %mul3A_442 = arith.mulf %get3A_441, %broadcast_in_dim3A_438 : vector<16xf32>
      %swap3A_443 = arith.index_cast %add3A_360 : i32 to index
      %swap3A_444 = arith.constant 32 : index
      %swap3A_445 = tpu.vector_load %arg24[%swap3A_443, %swap3A_444] {strides = array<i32>} : memref<80x80xf32, #tpu.memory_space<vmem>>, vector<16xf32>,
      tpu.vector_store %arg24[%swap3A_443, %swap3A_444], %mul3A_442 {strides = array<i32>} : memref<80x80xf32, #tpu.memory_space<vmem>>, vector<16xf32>,
      %slice3A_446 = vector.extract_strided_slice %exp3A {offsets = [12], sizes = [1], strides = [1]} : vector<16xf32> to vector<1xf32>
      %squeeze3A_447 = vector.extract %slice3A_446[0] : f32 from vector<1xf32>
      %broadcast_in_dim3A_448 = vector.broadcast %squeeze3A_447 : f32 to vector<16xf32>
      %get3A_449 = arith.index_cast %add3A_360 : i32 to index
      %get3A_450 = arith.constant 112 : index
      %get3A_451 = tpu.vector_load %arg18[%get3A_449, %get3A_450] {strides = array<i32>} : memref<80x128xf32, #tpu.memory_space<vmem>>, vector<16xf32>,
      %mul3A_452 = arith.mulf %get3A_451, %broadcast_in_dim3A_448 : vector<16xf32>
      %swap3A_453 = arith.index_cast %add3A_360 : i32 to index
      %swap3A_454 = arith.constant 48 : index
      %swap3A_455 = tpu.vector_load %arg24[%swap3A_453, %swap3A_454] {strides = array<i32>} : memref<80x80xf32, #tpu.memory_space<vmem>>, vector<16xf32>,
      tpu.vector_store %arg24[%swap3A_453, %swap3A_454], %mul3A_452 {strides = array<i32>} : memref<80x80xf32, #tpu.memory_space<vmem>>, vector<16xf32>,
      %mul3A_456 = arith.constant 4 : i32
      %mul3A_457 = arith.muli %mul3A_456, %scan3A_355 : i32
      %add3A_458 = arith.constant 1 : i32
      %add3A_459 = arith.addi %mul3A_457, %add3A_458 : i32
      %get3A_460 = arith.index_cast %add3A_459 : i32 to index
      %get3A_461 = arith.constant 0 : index
      %get3A_462 = tpu.vector_load %arg18[%get3A_460, %get3A_461] {strides = array<i32>} : memref<80x128xf32, #tpu.memory_space<vmem>>, vector<16xf32>,
      %get3A_463 = arith.index_cast %add3A_459 : i32 to index
      %get3A_464 = arith.constant 0 : index
      %get3A_465 = tpu.vector_load %arg21[%get3A_463, %get3A_464] {strides = array<i32>} : memref<80x64xf32, #tpu.memory_space<vmem>>, vector<16xf32>,
      %mul3A_466 = arith.mulf %get3A_462, %get3A_465 : vector<16xf32>
      %reduce_sum3A_467 = arith.constant true
      %reduce_sum3A_468 = vector.broadcast %reduce_sum3A_467 : i1 to vector<16xi1>
      %reduce_sum3A_469 = tpu.scan <sum>, %mul3A_466 masked %reduce_sum3A_468 : vector<16xf32>, vector<16xi1> -> vector<16xf32>
      %reduce_sum3A_470 = vector.extract %reduce_sum3A_469[15] : f32 from vector<16xf32>
      %get3A_471 = arith.index_cast %add3A_459 : i32 to index
      %get3A_472 = arith.constant 16 : index
      %get3A_473 = tpu.vector_load %arg18[%get3A_471, %get3A_472] {strides = array<i32>} : memref<80x128xf32, #tpu.memory_space<vmem>>, vector<16xf32>,
      %get3A_474 = arith.index_cast %add3A_459 : i32 to index
      %get3A_475 = arith.constant 16 : index
      %get3A_476 = tpu.vector_load %arg21[%get3A_474, %get3A_475] {strides = array<i32>} : memref<80x64xf32, #tpu.memory_space<vmem>>, vector<16xf32>,
      %mul3A_477 = arith.mulf %get3A_473, %get3A_476 : vector<16xf32>
      %reduce_sum3A_478 = arith.constant true
      %reduce_sum3A_479 = vector.broadcast %reduce_sum3A_478 : i1 to vector<16xi1>
      %reduce_sum3A_480 = tpu.scan <sum>, %mul3A_477 masked %reduce_sum3A_479 : vector<16xf32>, vector<16xi1> -> vector<16xf32>
      %reduce_sum3A_481 = vector.extract %reduce_sum3A_480[15] : f32 from vector<16xf32>
      %get3A_482 = arith.index_cast %add3A_459 : i32 to index
      %get3A_483 = arith.constant 32 : index
      %get3A_484 = tpu.vector_load %arg18[%get3A_482, %get3A_483] {strides = array<i32>} : memref<80x128xf32, #tpu.memory_space<vmem>>, vector<16xf32>,
      %get3A_485 = arith.index_cast %add3A_459 : i32 to index
      %get3A_486 = arith.constant 32 : index
      %get3A_487 = tpu.vector_load %arg21[%get3A_485, %get3A_486] {strides = array<i32>} : memref<80x64xf32, #tpu.memory_space<vmem>>, vector<16xf32>,
      %mul3A_488 = arith.mulf %get3A_484, %get3A_487 : vector<16xf32>
      %reduce_sum3A_489 = arith.constant true
      %reduce_sum3A_490 = vector.broadcast %reduce_sum3A_489 : i1 to vector<16xi1>
      %reduce_sum3A_491 = tpu.scan <sum>, %mul3A_488 masked %reduce_sum3A_490 : vector<16xf32>, vector<16xi1> -> vector<16xf32>
      %reduce_sum3A_492 = vector.extract %reduce_sum3A_491[15] : f32 from vector<16xf32>
      %get3A_493 = arith.index_cast %add3A_459 : i32 to index
      %get3A_494 = arith.constant 48 : index
      %get3A_495 = tpu.vector_load %arg18[%get3A_493, %get3A_494] {strides = array<i32>} : memref<80x128xf32, #tpu.memory_space<vmem>>, vector<16xf32>,
      %get3A_496 = arith.index_cast %add3A_459 : i32 to index
      %get3A_497 = arith.constant 48 : index
      %get3A_498 = tpu.vector_load %arg21[%get3A_496, %get3A_497] {strides = array<i32>} : memref<80x64xf32, #tpu.memory_space<vmem>>, vector<16xf32>,
      %mul3A_499 = arith.mulf %get3A_495, %get3A_498 : vector<16xf32>
      %reduce_sum3A_500 = arith.constant true
      %reduce_sum3A_501 = vector.broadcast %reduce_sum3A_500 : i1 to vector<16xi1>
      %reduce_sum3A_502 = tpu.scan <sum>, %mul3A_499 masked %reduce_sum3A_501 : vector<16xf32>, vector<16xi1> -> vector<16xf32>
      %reduce_sum3A_503 = vector.extract %reduce_sum3A_502[15] : f32 from vector<16xf32>
      %broadcast_in_dim3A_504 = vector.broadcast %reduce_sum3A_470 : f32 to vector<16xf32>
      %broadcast_in_dim3A_505 = vector.broadcast %reduce_sum3A_481 : f32 to vector<16xf32>
      %select_n3A_506 = arith.select %eq3A_51, %broadcast_in_dim3A_505, %broadcast_in_dim3A_504 : vector<16xi1>, vector<16xf32>
      %broadcast_in_dim3A_507 = vector.broadcast %reduce_sum3A_492 : f32 to vector<16xf32>
      %select_n3A_508 = arith.select %eq3A_85, %broadcast_in_dim3A_507, %select_n3A_506 : vector<16xi1>, vector<16xf32>
      %broadcast_in_dim3A_509 = vector.broadcast %reduce_sum3A_503 : f32 to vector<16xf32>
      %select_n3A_510 = arith.select %eq3A_119, %broadcast_in_dim3A_509, %select_n3A_508 : vector<16xi1>, vector<16xf32>
      %jit3A_511 = arith.constant -5.000000e+00 : f32
      %jit3A_512 = arith.constant 5.000000e+00 : f32
      %max3A_513 = vector.broadcast %jit3A_511 : f32 to vector<16xf32>
      %max3A_514 = arith.maximumf %max3A_513, %select_n3A_510 : vector<16xf32>
      %min3A_515 = vector.broadcast %jit3A_512 : f32 to vector<16xf32>
      %min3A_516 = arith.minimumf %min3A_515, %max3A_514 : vector<16xf32>
      %exp3A_517 = math.exp %min3A_516 : vector<16xf32>
      %swap3A_518 = arith.index_cast %add3A_459 : i32 to index
      %swap3A_519 = arith.constant 64 : index
      %swap3A_520 = tpu.vector_load %arg24[%swap3A_518, %swap3A_519] {strides = array<i32>} : memref<80x80xf32, #tpu.memory_space<vmem>>, vector<16xf32>,
      tpu.vector_store %arg24[%swap3A_518, %swap3A_519], %exp3A_517 {strides = array<i32>} : memref<80x80xf32, #tpu.memory_space<vmem>>, vector<16xf32>,
      %slice3A_521 = vector.extract_strided_slice %exp3A_517 {offsets = [0], sizes = [1], strides = [1]} : vector<16xf32> to vector<1xf32>
      %squeeze3A_522 = vector.extract %slice3A_521[0] : f32 from vector<1xf32>
      %broadcast_in_dim3A_523 = vector.broadcast %squeeze3A_522 : f32 to vector<16xf32>
      %get3A_524 = arith.index_cast %add3A_459 : i32 to index
      %get3A_525 = arith.constant 64 : index
      %get3A_526 = tpu.vector_load %arg18[%get3A_524, %get3A_525] {strides = array<i32>} : memref<80x128xf32, #tpu.memory_space<vmem>>, vector<16xf32>,
      %mul3A_527 = arith.mulf %get3A_526, %broadcast_in_dim3A_523 : vector<16xf32>
      %swap3A_528 = arith.index_cast %add3A_459 : i32 to index
      %swap3A_529 = arith.constant 0 : index
      %swap3A_530 = tpu.vector_load %arg24[%swap3A_528, %swap3A_529] {strides = array<i32>} : memref<80x80xf32, #tpu.memory_space<vmem>>, vector<16xf32>,
      tpu.vector_store %arg24[%swap3A_528, %swap3A_529], %mul3A_527 {strides = array<i32>} : memref<80x80xf32, #tpu.memory_space<vmem>>, vector<16xf32>,
      %slice3A_531 = vector.extract_strided_slice %exp3A_517 {offsets = [4], sizes = [1], strides = [1]} : vector<16xf32> to vector<1xf32>
      %squeeze3A_532 = vector.extract %slice3A_531[0] : f32 from vector<1xf32>
      %broadcast_in_dim3A_533 = vector.broadcast %squeeze3A_532 : f32 to vector<16xf32>
      %get3A_534 = arith.index_cast %add3A_459 : i32 to index
      %get3A_535 = arith.constant 80 : index
      %get3A_536 = tpu.vector_load %arg18[%get3A_534, %get3A_535] {strides = array<i32>} : memref<80x128xf32, #tpu.memory_space<vmem>>, vector<16xf32>,
      %mul3A_537 = arith.mulf %get3A_536, %broadcast_in_dim3A_533 : vector<16xf32>
      %swap3A_538 = arith.index_cast %add3A_459 : i32 to index
      %swap3A_539 = arith.constant 16 : index
      %swap3A_540 = tpu.vector_load %arg24[%swap3A_538, %swap3A_539] {strides = array<i32>} : memref<80x80xf32, #tpu.memory_space<vmem>>, vector<16xf32>,
      tpu.vector_store %arg24[%swap3A_538, %swap3A_539], %mul3A_537 {strides = array<i32>} : memref<80x80xf32, #tpu.memory_space<vmem>>, vector<16xf32>,
      %slice3A_541 = vector.extract_strided_slice %exp3A_517 {offsets = [8], sizes = [1], strides = [1]} : vector<16xf32> to vector<1xf32>
      %squeeze3A_542 = vector.extract %slice3A_541[0] : f32 from vector<1xf32>
      %broadcast_in_dim3A_543 = vector.broadcast %squeeze3A_542 : f32 to vector<16xf32>
      %get3A_544 = arith.index_cast %add3A_459 : i32 to index
      %get3A_545 = arith.constant 96 : index
      %get3A_546 = tpu.vector_load %arg18[%get3A_544, %get3A_545] {strides = array<i32>} : memref<80x128xf32, #tpu.memory_space<vmem>>, vector<16xf32>,
      %mul3A_547 = arith.mulf %get3A_546, %broadcast_in_dim3A_543 : vector<16xf32>
      %swap3A_548 = arith.index_cast %add3A_459 : i32 to index
      %swap3A_549 = arith.constant 32 : index
      %swap3A_550 = tpu.vector_load %arg24[%swap3A_548, %swap3A_549] {strides = array<i32>} : memref<80x80xf32, #tpu.memory_space<vmem>>, vector<16xf32>,
      tpu.vector_store %arg24[%swap3A_548, %swap3A_549], %mul3A_547 {strides = array<i32>} : memref<80x80xf32, #tpu.memory_space<vmem>>, vector<16xf32>,
      %slice3A_551 = vector.extract_strided_slice %exp3A_517 {offsets = [12], sizes = [1], strides = [1]} : vector<16xf32> to vector<1xf32>
      %squeeze3A_552 = vector.extract %slice3A_551[0] : f32 from vector<1xf32>
      %broadcast_in_dim3A_553 = vector.broadcast %squeeze3A_552 : f32 to vector<16xf32>
      %get3A_554 = arith.index_cast %add3A_459 : i32 to index
      %get3A_555 = arith.constant 112 : index
      %get3A_556 = tpu.vector_load %arg18[%get3A_554, %get3A_555] {strides = array<i32>} : memref<80x128xf32, #tpu.memory_space<vmem>>, vector<16xf32>,
      %mul3A_557 = arith.mulf %get3A_556, %broadcast_in_dim3A_553 : vector<16xf32>
      %swap3A_558 = arith.index_cast %add3A_459 : i32 to index
      %swap3A_559 = arith.constant 48 : index
      %swap3A_560 = tpu.vector_load %arg24[%swap3A_558, %swap3A_559] {strides = array<i32>} : memref<80x80xf32, #tpu.memory_space<vmem>>, vector<16xf32>,
      tpu.vector_store %arg24[%swap3A_558, %swap3A_559], %mul3A_557 {strides = array<i32>} : memref<80x80xf32, #tpu.memory_space<vmem>>, vector<16xf32>,
      %mul3A_561 = arith.constant 4 : i32
      %mul3A_562 = arith.muli %mul3A_561, %scan3A_355 : i32
      %add3A_563 = arith.constant 2 : i32
      %add3A_564 = arith.addi %mul3A_562, %add3A_563 : i32
      %get3A_565 = arith.index_cast %add3A_564 : i32 to index
      %get3A_566 = arith.constant 0 : index
      %get3A_567 = tpu.vector_load %arg18[%get3A_565, %get3A_566] {strides = array<i32>} : memref<80x128xf32, #tpu.memory_space<vmem>>, vector<16xf32>,
      %get3A_568 = arith.index_cast %add3A_564 : i32 to index
      %get3A_569 = arith.constant 0 : index
      %get3A_570 = tpu.vector_load %arg21[%get3A_568, %get3A_569] {strides = array<i32>} : memref<80x64xf32, #tpu.memory_space<vmem>>, vector<16xf32>,
      %mul3A_571 = arith.mulf %get3A_567, %get3A_570 : vector<16xf32>
      %reduce_sum3A_572 = arith.constant true
      %reduce_sum3A_573 = vector.broadcast %reduce_sum3A_572 : i1 to vector<16xi1>
      %reduce_sum3A_574 = tpu.scan <sum>, %mul3A_571 masked %reduce_sum3A_573 : vector<16xf32>, vector<16xi1> -> vector<16xf32>
      %reduce_sum3A_575 = vector.extract %reduce_sum3A_574[15] : f32 from vector<16xf32>
      %get3A_576 = arith.index_cast %add3A_564 : i32 to index
      %get3A_577 = arith.constant 16 : index
      %get3A_578 = tpu.vector_load %arg18[%get3A_576, %get3A_577] {strides = array<i32>} : memref<80x128xf32, #tpu.memory_space<vmem>>, vector<16xf32>,
      %get3A_579 = arith.index_cast %add3A_564 : i32 to index
      %get3A_580 = arith.constant 16 : index
      %get3A_581 = tpu.vector_load %arg21[%get3A_579, %get3A_580] {strides = array<i32>} : memref<80x64xf32, #tpu.memory_space<vmem>>, vector<16xf32>,
      %mul3A_582 = arith.mulf %get3A_578, %get3A_581 : vector<16xf32>
      %reduce_sum3A_583 = arith.constant true
      %reduce_sum3A_584 = vector.broadcast %reduce_sum3A_583 : i1 to vector<16xi1>
      %reduce_sum3A_585 = tpu.scan <sum>, %mul3A_582 masked %reduce_sum3A_584 : vector<16xf32>, vector<16xi1> -> vector<16xf32>
      %reduce_sum3A_586 = vector.extract %reduce_sum3A_585[15] : f32 from vector<16xf32>
      %get3A_587 = arith.index_cast %add3A_564 : i32 to index
      %get3A_588 = arith.constant 32 : index
      %get3A_589 = tpu.vector_load %arg18[%get3A_587, %get3A_588] {strides = array<i32>} : memref<80x128xf32, #tpu.memory_space<vmem>>, vector<16xf32>,
      %get3A_590 = arith.index_cast %add3A_564 : i32 to index
      %get3A_591 = arith.constant 32 : index
      %get3A_592 = tpu.vector_load %arg21[%get3A_590, %get3A_591] {strides = array<i32>} : memref<80x64xf32, #tpu.memory_space<vmem>>, vector<16xf32>,
      %mul3A_593 = arith.mulf %get3A_589, %get3A_592 : vector<16xf32>
      %reduce_sum3A_594 = arith.constant true
      %reduce_sum3A_595 = vector.broadcast %reduce_sum3A_594 : i1 to vector<16xi1>
      %reduce_sum3A_596 = tpu.scan <sum>, %mul3A_593 masked %reduce_sum3A_595 : vector<16xf32>, vector<16xi1> -> vector<16xf32>
      %reduce_sum3A_597 = vector.extract %reduce_sum3A_596[15] : f32 from vector<16xf32>
      %get3A_598 = arith.index_cast %add3A_564 : i32 to index
      %get3A_599 = arith.constant 48 : index
      %get3A_600 = tpu.vector_load %arg18[%get3A_598, %get3A_599] {strides = array<i32>} : memref<80x128xf32, #tpu.memory_space<vmem>>, vector<16xf32>,
      %get3A_601 = arith.index_cast %add3A_564 : i32 to index
      %get3A_602 = arith.constant 48 : index
      %get3A_603 = tpu.vector_load %arg21[%get3A_601, %get3A_602] {strides = array<i32>} : memref<80x64xf32, #tpu.memory_space<vmem>>, vector<16xf32>,
      %mul3A_604 = arith.mulf %get3A_600, %get3A_603 : vector<16xf32>
      %reduce_sum3A_605 = arith.constant true
      %reduce_sum3A_606 = vector.broadcast %reduce_sum3A_605 : i1 to vector<16xi1>
      %reduce_sum3A_607 = tpu.scan <sum>, %mul3A_604 masked %reduce_sum3A_606 : vector<16xf32>, vector<16xi1> -> vector<16xf32>
      %reduce_sum3A_608 = vector.extract %reduce_sum3A_607[15] : f32 from vector<16xf32>
      %broadcast_in_dim3A_609 = vector.broadcast %reduce_sum3A_575 : f32 to vector<16xf32>
      %broadcast_in_dim3A_610 = vector.broadcast %reduce_sum3A_586 : f32 to vector<16xf32>
      %select_n3A_611 = arith.select %eq3A_51, %broadcast_in_dim3A_610, %broadcast_in_dim3A_609 : vector<16xi1>, vector<16xf32>
      %broadcast_in_dim3A_612 = vector.broadcast %reduce_sum3A_597 : f32 to vector<16xf32>
      %select_n3A_613 = arith.select %eq3A_85, %broadcast_in_dim3A_612, %select_n3A_611 : vector<16xi1>, vector<16xf32>
      %broadcast_in_dim3A_614 = vector.broadcast %reduce_sum3A_608 : f32 to vector<16xf32>
      %select_n3A_615 = arith.select %eq3A_119, %broadcast_in_dim3A_614, %select_n3A_613 : vector<16xi1>, vector<16xf32>
      %jit3A_616 = arith.constant -5.000000e+00 : f32
      %jit3A_617 = arith.constant 5.000000e+00 : f32
      %max3A_618 = vector.broadcast %jit3A_616 : f32 to vector<16xf32>
      %max3A_619 = arith.maximumf %max3A_618, %select_n3A_615 : vector<16xf32>
      %min3A_620 = vector.broadcast %jit3A_617 : f32 to vector<16xf32>
      %min3A_621 = arith.minimumf %min3A_620, %max3A_619 : vector<16xf32>
      %exp3A_622 = math.exp %min3A_621 : vector<16xf32>
      %swap3A_623 = arith.index_cast %add3A_564 : i32 to index
      %swap3A_624 = arith.constant 64 : index
      %swap3A_625 = tpu.vector_load %arg24[%swap3A_623, %swap3A_624] {strides = array<i32>} : memref<80x80xf32, #tpu.memory_space<vmem>>, vector<16xf32>,
      tpu.vector_store %arg24[%swap3A_623, %swap3A_624], %exp3A_622 {strides = array<i32>} : memref<80x80xf32, #tpu.memory_space<vmem>>, vector<16xf32>,
      %slice3A_626 = vector.extract_strided_slice %exp3A_622 {offsets = [0], sizes = [1], strides = [1]} : vector<16xf32> to vector<1xf32>
      %squeeze3A_627 = vector.extract %slice3A_626[0] : f32 from vector<1xf32>
      %broadcast_in_dim3A_628 = vector.broadcast %squeeze3A_627 : f32 to vector<16xf32>
      %get3A_629 = arith.index_cast %add3A_564 : i32 to index
      %get3A_630 = arith.constant 64 : index
      %get3A_631 = tpu.vector_load %arg18[%get3A_629, %get3A_630] {strides = array<i32>} : memref<80x128xf32, #tpu.memory_space<vmem>>, vector<16xf32>,
      %mul3A_632 = arith.mulf %get3A_631, %broadcast_in_dim3A_628 : vector<16xf32>
      %swap3A_633 = arith.index_cast %add3A_564 : i32 to index
      %swap3A_634 = arith.constant 0 : index
      %swap3A_635 = tpu.vector_load %arg24[%swap3A_633, %swap3A_634] {strides = array<i32>} : memref<80x80xf32, #tpu.memory_space<vmem>>, vector<16xf32>,
      tpu.vector_store %arg24[%swap3A_633, %swap3A_634], %mul3A_632 {strides = array<i32>} : memref<80x80xf32, #tpu.memory_space<vmem>>, vector<16xf32>,
      %slice3A_636 = vector.extract_strided_slice %exp3A_622 {offsets = [4], sizes = [1], strides = [1]} : vector<16xf32> to vector<1xf32>
      %squeeze3A_637 = vector.extract %slice3A_636[0] : f32 from vector<1xf32>
      %broadcast_in_dim3A_638 = vector.broadcast %squeeze3A_637 : f32 to vector<16xf32>
      %get3A_639 = arith.index_cast %add3A_564 : i32 to index
      %get3A_640 = arith.constant 80 : index
      %get3A_641 = tpu.vector_load %arg18[%get3A_639, %get3A_640] {strides = array<i32>} : memref<80x128xf32, #tpu.memory_space<vmem>>, vector<16xf32>,
      %mul3A_642 = arith.mulf %get3A_641, %broadcast_in_dim3A_638 : vector<16xf32>
      %swap3A_643 = arith.index_cast %add3A_564 : i32 to index
      %swap3A_644 = arith.constant 16 : index
      %swap3A_645 = tpu.vector_load %arg24[%swap3A_643, %swap3A_644] {strides = array<i32>} : memref<80x80xf32, #tpu.memory_space<vmem>>, vector<16xf32>,
      tpu.vector_store %arg24[%swap3A_643, %swap3A_644], %mul3A_642 {strides = array<i32>} : memref<80x80xf32, #tpu.memory_space<vmem>>, vector<16xf32>,
      %slice3A_646 = vector.extract_strided_slice %exp3A_622 {offsets = [8], sizes = [1], strides = [1]} : vector<16xf32> to vector<1xf32>
      %squeeze3A_647 = vector.extract %slice3A_646[0] : f32 from vector<1xf32>
      %broadcast_in_dim3A_648 = vector.broadcast %squeeze3A_647 : f32 to vector<16xf32>
      %get3A_649 = arith.index_cast %add3A_564 : i32 to index
      %get3A_650 = arith.constant 96 : index
      %get3A_651 = tpu.vector_load %arg18[%get3A_649, %get3A_650] {strides = array<i32>} : memref<80x128xf32, #tpu.memory_space<vmem>>, vector<16xf32>,
      %mul3A_652 = arith.mulf %get3A_651, %broadcast_in_dim3A_648 : vector<16xf32>
      %swap3A_653 = arith.index_cast %add3A_564 : i32 to index
      %swap3A_654 = arith.constant 32 : index
      %swap3A_655 = tpu.vector_load %arg24[%swap3A_653, %swap3A_654] {strides = array<i32>} : memref<80x80xf32, #tpu.memory_space<vmem>>, vector<16xf32>,
      tpu.vector_store %arg24[%swap3A_653, %swap3A_654], %mul3A_652 {strides = array<i32>} : memref<80x80xf32, #tpu.memory_space<vmem>>, vector<16xf32>,
      %slice3A_656 = vector.extract_strided_slice %exp3A_622 {offsets = [12], sizes = [1], strides = [1]} : vector<16xf32> to vector<1xf32>
      %squeeze3A_657 = vector.extract %slice3A_656[0] : f32 from vector<1xf32>
      %broadcast_in_dim3A_658 = vector.broadcast %squeeze3A_657 : f32 to vector<16xf32>
      %get3A_659 = arith.index_cast %add3A_564 : i32 to index
      %get3A_660 = arith.constant 112 : index
      %get3A_661 = tpu.vector_load %arg18[%get3A_659, %get3A_660] {strides = array<i32>} : memref<80x128xf32, #tpu.memory_space<vmem>>, vector<16xf32>,
      %mul3A_662 = arith.mulf %get3A_661, %broadcast_in_dim3A_658 : vector<16xf32>
      %swap3A_663 = arith.index_cast %add3A_564 : i32 to index
      %swap3A_664 = arith.constant 48 : index
      %swap3A_665 = tpu.vector_load %arg24[%swap3A_663, %swap3A_664] {strides = array<i32>} : memref<80x80xf32, #tpu.memory_space<vmem>>, vector<16xf32>,
      tpu.vector_store %arg24[%swap3A_663, %swap3A_664], %mul3A_662 {strides = array<i32>} : memref<80x80xf32, #tpu.memory_space<vmem>>, vector<16xf32>,
      %mul3A_666 = arith.constant 4 : i32
      %mul3A_667 = arith.muli %mul3A_666, %scan3A_355 : i32
      %add3A_668 = arith.constant 3 : i32
      %add3A_669 = arith.addi %mul3A_667, %add3A_668 : i32
      %get3A_670 = arith.index_cast %add3A_669 : i32 to index
      %get3A_671 = arith.constant 0 : index
      %get3A_672 = tpu.vector_load %arg18[%get3A_670, %get3A_671] {strides = array<i32>} : memref<80x128xf32, #tpu.memory_space<vmem>>, vector<16xf32>,
      %get3A_673 = arith.index_cast %add3A_669 : i32 to index
      %get3A_674 = arith.constant 0 : index
      %get3A_675 = tpu.vector_load %arg21[%get3A_673, %get3A_674] {strides = array<i32>} : memref<80x64xf32, #tpu.memory_space<vmem>>, vector<16xf32>,
      %mul3A_676 = arith.mulf %get3A_672, %get3A_675 : vector<16xf32>
      %reduce_sum3A_677 = arith.constant true
      %reduce_sum3A_678 = vector.broadcast %reduce_sum3A_677 : i1 to vector<16xi1>
      %reduce_sum3A_679 = tpu.scan <sum>, %mul3A_676 masked %reduce_sum3A_678 : vector<16xf32>, vector<16xi1> -> vector<16xf32>
      %reduce_sum3A_680 = vector.extract %reduce_sum3A_679[15] : f32 from vector<16xf32>
      %get3A_681 = arith.index_cast %add3A_669 : i32 to index
      %get3A_682 = arith.constant 16 : index
      %get3A_683 = tpu.vector_load %arg18[%get3A_681, %get3A_682] {strides = array<i32>} : memref<80x128xf32, #tpu.memory_space<vmem>>, vector<16xf32>,
      %get3A_684 = arith.index_cast %add3A_669 : i32 to index
      %get3A_685 = arith.constant 16 : index
      %get3A_686 = tpu.vector_load %arg21[%get3A_684, %get3A_685] {strides = array<i32>} : memref<80x64xf32, #tpu.memory_space<vmem>>, vector<16xf32>,
      %mul3A_687 = arith.mulf %get3A_683, %get3A_686 : vector<16xf32>
      %reduce_sum3A_688 = arith.constant true
      %reduce_sum3A_689 = vector.broadcast %reduce_sum3A_688 : i1 to vector<16xi1>
      %reduce_sum3A_690 = tpu.scan <sum>, %mul3A_687 masked %reduce_sum3A_689 : vector<16xf32>, vector<16xi1> -> vector<16xf32>
      %reduce_sum3A_691 = vector.extract %reduce_sum3A_690[15] : f32 from vector<16xf32>
      %get3A_692 = arith.index_cast %add3A_669 : i32 to index
      %get3A_693 = arith.constant 32 : index
      %get3A_694 = tpu.vector_load %arg18[%get3A_692, %get3A_693] {strides = array<i32>} : memref<80x128xf32, #tpu.memory_space<vmem>>, vector<16xf32>,
      %get3A_695 = arith.index_cast %add3A_669 : i32 to index
      %get3A_696 = arith.constant 32 : index
      %get3A_697 = tpu.vector_load %arg21[%get3A_695, %get3A_696] {strides = array<i32>} : memref<80x64xf32, #tpu.memory_space<vmem>>, vector<16xf32>,
      %mul3A_698 = arith.mulf %get3A_694, %get3A_697 : vector<16xf32>
      %reduce_sum3A_699 = arith.constant true
      %reduce_sum3A_700 = vector.broadcast %reduce_sum3A_699 : i1 to vector<16xi1>
      %reduce_sum3A_701 = tpu.scan <sum>, %mul3A_698 masked %reduce_sum3A_700 : vector<16xf32>, vector<16xi1> -> vector<16xf32>
      %reduce_sum3A_702 = vector.extract %reduce_sum3A_701[15] : f32 from vector<16xf32>
      %get3A_703 = arith.index_cast %add3A_669 : i32 to index
      %get3A_704 = arith.constant 48 : index
      %get3A_705 = tpu.vector_load %arg18[%get3A_703, %get3A_704] {strides = array<i32>} : memref<80x128xf32, #tpu.memory_space<vmem>>, vector<16xf32>,
      %get3A_706 = arith.index_cast %add3A_669 : i32 to index
      %get3A_707 = arith.constant 48 : index
      %get3A_708 = tpu.vector_load %arg21[%get3A_706, %get3A_707] {strides = array<i32>} : memref<80x64xf32, #tpu.memory_space<vmem>>, vector<16xf32>,
      %mul3A_709 = arith.mulf %get3A_705, %get3A_708 : vector<16xf32>
      %reduce_sum3A_710 = arith.constant true
      %reduce_sum3A_711 = vector.broadcast %reduce_sum3A_710 : i1 to vector<16xi1>
      %reduce_sum3A_712 = tpu.scan <sum>, %mul3A_709 masked %reduce_sum3A_711 : vector<16xf32>, vector<16xi1> -> vector<16xf32>
      %reduce_sum3A_713 = vector.extract %reduce_sum3A_712[15] : f32 from vector<16xf32>
      %broadcast_in_dim3A_714 = vector.broadcast %reduce_sum3A_680 : f32 to vector<16xf32>
      %broadcast_in_dim3A_715 = vector.broadcast %reduce_sum3A_691 : f32 to vector<16xf32>
      %select_n3A_716 = arith.select %eq3A_51, %broadcast_in_dim3A_715, %broadcast_in_dim3A_714 : vector<16xi1>, vector<16xf32>
      %broadcast_in_dim3A_717 = vector.broadcast %reduce_sum3A_702 : f32 to vector<16xf32>
      %select_n3A_718 = arith.select %eq3A_85, %broadcast_in_dim3A_717, %select_n3A_716 : vector<16xi1>, vector<16xf32>
      %broadcast_in_dim3A_719 = vector.broadcast %reduce_sum3A_713 : f32 to vector<16xf32>
      %select_n3A_720 = arith.select %eq3A_119, %broadcast_in_dim3A_719, %select_n3A_718 : vector<16xi1>, vector<16xf32>
      %jit3A_721 = arith.constant -5.000000e+00 : f32
      %jit3A_722 = arith.constant 5.000000e+00 : f32
      %max3A_723 = vector.broadcast %jit3A_721 : f32 to vector<16xf32>
      %max3A_724 = arith.maximumf %max3A_723, %select_n3A_720 : vector<16xf32>
      %min3A_725 = vector.broadcast %jit3A_722 : f32 to vector<16xf32>
      %min3A_726 = arith.minimumf %min3A_725, %max3A_724 : vector<16xf32>
      %exp3A_727 = math.exp %min3A_726 : vector<16xf32>
      %swap3A_728 = arith.index_cast %add3A_669 : i32 to index
      %swap3A_729 = arith.constant 64 : index
      %swap3A_730 = tpu.vector_load %arg24[%swap3A_728, %swap3A_729] {strides = array<i32>} : memref<80x80xf32, #tpu.memory_space<vmem>>, vector<16xf32>,
      tpu.vector_store %arg24[%swap3A_728, %swap3A_729], %exp3A_727 {strides = array<i32>} : memref<80x80xf32, #tpu.memory_space<vmem>>, vector<16xf32>,
      %slice3A_731 = vector.extract_strided_slice %exp3A_727 {offsets = [0], sizes = [1], strides = [1]} : vector<16xf32> to vector<1xf32>
      %squeeze3A_732 = vector.extract %slice3A_731[0] : f32 from vector<1xf32>
      %broadcast_in_dim3A_733 = vector.broadcast %squeeze3A_732 : f32 to vector<16xf32>
      %get3A_734 = arith.index_cast %add3A_669 : i32 to index
      %get3A_735 = arith.constant 64 : index
      %get3A_736 = tpu.vector_load %arg18[%get3A_734, %get3A_735] {strides = array<i32>} : memref<80x128xf32, #tpu.memory_space<vmem>>, vector<16xf32>,
      %mul3A_737 = arith.mulf %get3A_736, %broadcast_in_dim3A_733 : vector<16xf32>
      %swap3A_738 = arith.index_cast %add3A_669 : i32 to index
      %swap3A_739 = arith.constant 0 : index
      %swap3A_740 = tpu.vector_load %arg24[%swap3A_738, %swap3A_739] {strides = array<i32>} : memref<80x80xf32, #tpu.memory_space<vmem>>, vector<16xf32>,
      tpu.vector_store %arg24[%swap3A_738, %swap3A_739], %mul3A_737 {strides = array<i32>} : memref<80x80xf32, #tpu.memory_space<vmem>>, vector<16xf32>,
      %slice3A_741 = vector.extract_strided_slice %exp3A_727 {offsets = [4], sizes = [1], strides = [1]} : vector<16xf32> to vector<1xf32>
      %squeeze3A_742 = vector.extract %slice3A_741[0] : f32 from vector<1xf32>
      %broadcast_in_dim3A_743 = vector.broadcast %squeeze3A_742 : f32 to vector<16xf32>
      %get3A_744 = arith.index_cast %add3A_669 : i32 to index
      %get3A_745 = arith.constant 80 : index
      %get3A_746 = tpu.vector_load %arg18[%get3A_744, %get3A_745] {strides = array<i32>} : memref<80x128xf32, #tpu.memory_space<vmem>>, vector<16xf32>,
      %mul3A_747 = arith.mulf %get3A_746, %broadcast_in_dim3A_743 : vector<16xf32>
      %swap3A_748 = arith.index_cast %add3A_669 : i32 to index
      %swap3A_749 = arith.constant 16 : index
      %swap3A_750 = tpu.vector_load %arg24[%swap3A_748, %swap3A_749] {strides = array<i32>} : memref<80x80xf32, #tpu.memory_space<vmem>>, vector<16xf32>,
      tpu.vector_store %arg24[%swap3A_748, %swap3A_749], %mul3A_747 {strides = array<i32>} : memref<80x80xf32, #tpu.memory_space<vmem>>, vector<16xf32>,
      %slice3A_751 = vector.extract_strided_slice %exp3A_727 {offsets = [8], sizes = [1], strides = [1]} : vector<16xf32> to vector<1xf32>
      %squeeze3A_752 = vector.extract %slice3A_751[0] : f32 from vector<1xf32>
      %broadcast_in_dim3A_753 = vector.broadcast %squeeze3A_752 : f32 to vector<16xf32>
      %get3A_754 = arith.index_cast %add3A_669 : i32 to index
      %get3A_755 = arith.constant 96 : index
      %get3A_756 = tpu.vector_load %arg18[%get3A_754, %get3A_755] {strides = array<i32>} : memref<80x128xf32, #tpu.memory_space<vmem>>, vector<16xf32>,
      %mul3A_757 = arith.mulf %get3A_756, %broadcast_in_dim3A_753 : vector<16xf32>
      %swap3A_758 = arith.index_cast %add3A_669 : i32 to index
      %swap3A_759 = arith.constant 32 : index
      %swap3A_760 = tpu.vector_load %arg24[%swap3A_758, %swap3A_759] {strides = array<i32>} : memref<80x80xf32, #tpu.memory_space<vmem>>, vector<16xf32>,
      tpu.vector_store %arg24[%swap3A_758, %swap3A_759], %mul3A_757 {strides = array<i32>} : memref<80x80xf32, #tpu.memory_space<vmem>>, vector<16xf32>,
      %slice3A_761 = vector.extract_strided_slice %exp3A_727 {offsets = [12], sizes = [1], strides = [1]} : vector<16xf32> to vector<1xf32>
      %squeeze3A_762 = vector.extract %slice3A_761[0] : f32 from vector<1xf32>
      %broadcast_in_dim3A_763 = vector.broadcast %squeeze3A_762 : f32 to vector<16xf32>
      %get3A_764 = arith.index_cast %add3A_669 : i32 to index
      %get3A_765 = arith.constant 112 : index
      %get3A_766 = tpu.vector_load %arg18[%get3A_764, %get3A_765] {strides = array<i32>} : memref<80x128xf32, #tpu.memory_space<vmem>>, vector<16xf32>,
      %mul3A_767 = arith.mulf %get3A_766, %broadcast_in_dim3A_763 : vector<16xf32>
      %swap3A_768 = arith.index_cast %add3A_669 : i32 to index
      %swap3A_769 = arith.constant 48 : index
      %swap3A_770 = tpu.vector_load %arg24[%swap3A_768, %swap3A_769] {strides = array<i32>} : memref<80x80xf32, #tpu.memory_space<vmem>>, vector<16xf32>,
      tpu.vector_store %arg24[%swap3A_768, %swap3A_769], %mul3A_767 {strides = array<i32>} : memref<80x80xf32, #tpu.memory_space<vmem>>, vector<16xf32>,
      %scan3A_771 = arith.constant 0 : i32
      scf.yield %scan3A_771 : i32
    }
    %scan3A_331 = arith.constant 20 : i32
    %dma_start3A_332 = arith.constant 0 : i32
    %dma_start3A_333 = arith.constant 0 : i32
    %dma_start3A_334 = tpu.memref_slice %arg28[%dma_start3A_332, %dma_start3A_333] : memref<10240x80xf32, #tpu.memory_space<vmem_shared>> -> memref<10240x80xf32, #tpu.memory_space<vmem_shared>>
    tpu.enqueue_indirect_dma source(%arg24 : memref<80x80xf32, #tpu.memory_space<vmem>>) target(%dma_start3A_334 : memref<10240x80xf32, #tpu.memory_space<vmem_shared>>) offsets(%arg9 : memref<80xi32, #tpu.memory_space<vmem>>) semaphore(%arg32 : memref<!tpu.dma_semaphore, #tpu.memory_space<semaphore_mem>>) {add = true}
    %dma_wait3A_335 = arith.constant 0 : i32
    %dma_wait3A_336 = arith.constant 0 : i32
    %dma_wait3A_337 = tpu.memref_slice %arg28[%dma_wait3A_335, %dma_wait3A_336] : memref<10240x80xf32, #tpu.memory_space<vmem_shared>> -> memref<10240x80xf32, #tpu.memory_space<vmem_shared>>
    tpu.wait_indirect_dma semaphore(%arg32 : memref<!tpu.dma_semaphore, #tpu.memory_space<semaphore_mem>>) src(%arg24 : memref<80x80xf32, #tpu.memory_space<vmem>>) dst(%dma_wait3A_337 : memref<10240x80xf32, #tpu.memory_space<vmem_shared>>)
    %dma_wait3A_338 = arith.constant 0 : i32
    %dma_wait3A_339 = arith.constant 0 : i32
    %dma_wait3A_340 = tpu.memref_slice %arg28[%dma_wait3A_338, %dma_wait3A_339] : memref<10240x80xf32, #tpu.memory_space<vmem_shared>> -> memref<10240x80xf32, #tpu.memory_space<vmem_shared>>
    tpu.wait_indirect_dma semaphore(%arg33 : memref<!tpu.dma_semaphore, #tpu.memory_space<semaphore_mem>>) src(%arg25 : memref<80x80xf32, #tpu.memory_space<vmem>>) dst(%dma_wait3A_340 : memref<10240x80xf32, #tpu.memory_space<vmem_shared>>)
    %dma_wait3A_341 = arith.constant 0 : i32
    %dma_wait3A_342 = arith.constant 0 : i32
    %dma_wait3A_343 = tpu.memref_slice %arg28[%dma_wait3A_341, %dma_wait3A_342] : memref<10240x80xf32, #tpu.memory_space<vmem_shared>> -> memref<10240x80xf32, #tpu.memory_space<vmem_shared>>
    tpu.wait_indirect_dma semaphore(%arg34 : memref<!tpu.dma_semaphore, #tpu.memory_space<semaphore_mem>>) src(%arg26 : memref<80x80xf32, #tpu.memory_space<vmem>>) dst(%dma_wait3A_343 : memref<10240x80xf32, #tpu.memory_space<vmem_shared>>)
    %barrier3A_344 = arith.constant 0 : index
    tpu.barrier barrier_id(%barrier3A_344)
    %add3A_345 = arith.constant 0 : i32
    %add3A_346 = arith.addi %mul3A_9, %add3A_345 : i32
    "tpu.region"() ({
      %run_scoped3A = tpu.sem_alloc : memref<!tpu.dma_semaphore, #tpu.memory_space<semaphore_mem>>
      %dma_start3A_355 = arith.constant 0 : i32
      %dma_start3A_356 = tpu.memref_slice %arg5[%arg0, %add3A_346, %dma_start3A_355] : memref<2x10240x80xf32, #tpu.memory_space<hbm>> -> memref<1x128x80xf32, #tpu.memory_space<hbm>>
      %dma_start3A_357 = tpu.memref_squeeze %dma_start3A_356 : memref<1x128x80xf32, #tpu.memory_space<hbm>> -> memref<128x80xf32, #tpu.memory_space<hbm>>
      %dma_start3A_358 = arith.constant 0 : i32
      %dma_start3A_359 = tpu.memref_slice %arg28[%add3A_346, %dma_start3A_358] : memref<10240x80xf32, #tpu.memory_space<vmem_shared>> -> memref<128x80xf32, #tpu.memory_space<vmem_shared>>
      tpu.enqueue_dma source(%dma_start3A_359 : memref<128x80xf32, #tpu.memory_space<vmem_shared>>) target(%dma_start3A_357 : memref<128x80xf32, #tpu.memory_space<hbm>>) target_semaphore(%run_scoped3A : memref<!tpu.dma_semaphore, #tpu.memory_space<semaphore_mem>>)
      %dma_wait3A_360 = arith.constant 0 : i32
      %dma_wait3A_361 = tpu.memref_slice %arg5[%arg0, %add3A_346, %dma_wait3A_360] : memref<2x10240x80xf32, #tpu.memory_space<hbm>> -> memref<1x128x80xf32, #tpu.memory_space<hbm>>
      %dma_wait3A_362 = tpu.memref_squeeze %dma_wait3A_361 : memref<1x128x80xf32, #tpu.memory_space<hbm>> -> memref<128x80xf32, #tpu.memory_space<hbm>>
      %dma_wait3A_363 = arith.constant 0 : i32
      %dma_wait3A_364 = tpu.memref_slice %arg28[%add3A_346, %dma_wait3A_363] : memref<10240x80xf32, #tpu.memory_space<vmem_shared>> -> memref<128x80xf32, #tpu.memory_space<vmem_shared>>
      tpu.wait_dma2 semaphore(%run_scoped3A : memref<!tpu.dma_semaphore, #tpu.memory_space<semaphore_mem>>) src(%dma_wait3A_364 : memref<128x80xf32, #tpu.memory_space<vmem_shared>>) dst(%dma_wait3A_362 : memref<128x80xf32, #tpu.memory_space<hbm>>)
      tpu.yield
    }) : () -> ()
    %add3A_347 = arith.constant 128 : i32
    %add3A_348 = arith.addi %mul3A_9, %add3A_347 : i32
    "tpu.region"() ({
      %run_scoped3A = tpu.sem_alloc : memref<!tpu.dma_semaphore, #tpu.memory_space<semaphore_mem>>
      %dma_start3A_355 = arith.constant 0 : i32
      %dma_start3A_356 = tpu.memref_slice %arg5[%arg0, %add3A_348, %dma_start3A_355] : memref<2x10240x80xf32, #tpu.memory_space<hbm>> -> memref<1x128x80xf32, #tpu.memory_space<hbm>>
      %dma_start3A_357 = tpu.memref_squeeze %dma_start3A_356 : memref<1x128x80xf32, #tpu.memory_space<hbm>> -> memref<128x80xf32, #tpu.memory_space<hbm>>
      %dma_start3A_358 = arith.constant 0 : i32
      %dma_start3A_359 = tpu.memref_slice %arg28[%add3A_348, %dma_start3A_358] : memref<10240x80xf32, #tpu.memory_space<vmem_shared>> -> memref<128x80xf32, #tpu.memory_space<vmem_shared>>
      tpu.enqueue_dma source(%dma_start3A_359 : memref<128x80xf32, #tpu.memory_space<vmem_shared>>) target(%dma_start3A_357 : memref<128x80xf32, #tpu.memory_space<hbm>>) target_semaphore(%run_scoped3A : memref<!tpu.dma_semaphore, #tpu.memory_space<semaphore_mem>>)
      %dma_wait3A_360 = arith.constant 0 : i32
      %dma_wait3A_361 = tpu.memref_slice %arg5[%arg0, %add3A_348, %dma_wait3A_360] : memref<2x10240x80xf32, #tpu.memory_space<hbm>> -> memref<1x128x80xf32, #tpu.memory_space<hbm>>
      %dma_wait3A_362 = tpu.memref_squeeze %dma_wait3A_361 : memref<1x128x80xf32, #tpu.memory_space<hbm>> -> memref<128x80xf32, #tpu.memory_space<hbm>>
      %dma_wait3A_363 = arith.constant 0 : i32
      %dma_wait3A_364 = tpu.memref_slice %arg28[%add3A_348, %dma_wait3A_363] : memref<10240x80xf32, #tpu.memory_space<vmem_shared>> -> memref<128x80xf32, #tpu.memory_space<vmem_shared>>
      tpu.wait_dma2 semaphore(%run_scoped3A : memref<!tpu.dma_semaphore, #tpu.memory_space<semaphore_mem>>) src(%dma_wait3A_364 : memref<128x80xf32, #tpu.memory_space<vmem_shared>>) dst(%dma_wait3A_362 : memref<128x80xf32, #tpu.memory_space<hbm>>)
      tpu.yield
    }) : () -> ()
    %add3A_349 = arith.constant 256 : i32
    %add3A_350 = arith.addi %mul3A_9, %add3A_349 : i32
    "tpu.region"() ({
      %run_scoped3A = tpu.sem_alloc : memref<!tpu.dma_semaphore, #tpu.memory_space<semaphore_mem>>
      %dma_start3A_355 = arith.constant 0 : i32
      %dma_start3A_356 = tpu.memref_slice %arg5[%arg0, %add3A_350, %dma_start3A_355] : memref<2x10240x80xf32, #tpu.memory_space<hbm>> -> memref<1x128x80xf32, #tpu.memory_space<hbm>>
      %dma_start3A_357 = tpu.memref_squeeze %dma_start3A_356 : memref<1x128x80xf32, #tpu.memory_space<hbm>> -> memref<128x80xf32, #tpu.memory_space<hbm>>
      %dma_start3A_358 = arith.constant 0 : i32
      %dma_start3A_359 = tpu.memref_slice %arg28[%add3A_350, %dma_start3A_358] : memref<10240x80xf32, #tpu.memory_space<vmem_shared>> -> memref<128x80xf32, #tpu.memory_space<vmem_shared>>
      tpu.enqueue_dma source(%dma_start3A_359 : memref<128x80xf32, #tpu.memory_space<vmem_shared>>) target(%dma_start3A_357 : memref<128x80xf32, #tpu.memory_space<hbm>>) target_semaphore(%run_scoped3A : memref<!tpu.dma_semaphore, #tpu.memory_space<semaphore_mem>>)
      %dma_wait3A_360 = arith.constant 0 : i32
      %dma_wait3A_361 = tpu.memref_slice %arg5[%arg0, %add3A_350, %dma_wait3A_360] : memref<2x10240x80xf32, #tpu.memory_space<hbm>> -> memref<1x128x80xf32, #tpu.memory_space<hbm>>
      %dma_wait3A_362 = tpu.memref_squeeze %dma_wait3A_361 : memref<1x128x80xf32, #tpu.memory_space<hbm>> -> memref<128x80xf32, #tpu.memory_space<hbm>>
      %dma_wait3A_363 = arith.constant 0 : i32
      %dma_wait3A_364 = tpu.memref_slice %arg28[%add3A_350, %dma_wait3A_363] : memref<10240x80xf32, #tpu.memory_space<vmem_shared>> -> memref<128x80xf32, #tpu.memory_space<vmem_shared>>
      tpu.wait_dma2 semaphore(%run_scoped3A : memref<!tpu.dma_semaphore, #tpu.memory_space<semaphore_mem>>) src(%dma_wait3A_364 : memref<128x80xf32, #tpu.memory_space<vmem_shared>>) dst(%dma_wait3A_362 : memref<128x80xf32, #tpu.memory_space<hbm>>)
      tpu.yield
    }) : () -> ()
    %add3A_351 = arith.constant 384 : i32
    %add3A_352 = arith.addi %mul3A_9, %add3A_351 : i32
    "tpu.region"() ({
      %run_scoped3A = tpu.sem_alloc : memref<!tpu.dma_semaphore, #tpu.memory_space<semaphore_mem>>
      %dma_start3A_355 = arith.constant 0 : i32
      %dma_start3A_356 = tpu.memref_slice %arg5[%arg0, %add3A_352, %dma_start3A_355] : memref<2x10240x80xf32, #tpu.memory_space<hbm>> -> memref<1x128x80xf32, #tpu.memory_space<hbm>>
      %dma_start3A_357 = tpu.memref_squeeze %dma_start3A_356 : memref<1x128x80xf32, #tpu.memory_space<hbm>> -> memref<128x80xf32, #tpu.memory_space<hbm>>
      %dma_start3A_358 = arith.constant 0 : i32
      %dma_start3A_359 = tpu.memref_slice %arg28[%add3A_352, %dma_start3A_358] : memref<10240x80xf32, #tpu.memory_space<vmem_shared>> -> memref<128x80xf32, #tpu.memory_space<vmem_shared>>
      tpu.enqueue_dma source(%dma_start3A_359 : memref<128x80xf32, #tpu.memory_space<vmem_shared>>) target(%dma_start3A_357 : memref<128x80xf32, #tpu.memory_space<hbm>>) target_semaphore(%run_scoped3A : memref<!tpu.dma_semaphore, #tpu.memory_space<semaphore_mem>>)
      %dma_wait3A_360 = arith.constant 0 : i32
      %dma_wait3A_361 = tpu.memref_slice %arg5[%arg0, %add3A_352, %dma_wait3A_360] : memref<2x10240x80xf32, #tpu.memory_space<hbm>> -> memref<1x128x80xf32, #tpu.memory_space<hbm>>
      %dma_wait3A_362 = tpu.memref_squeeze %dma_wait3A_361 : memref<1x128x80xf32, #tpu.memory_space<hbm>> -> memref<128x80xf32, #tpu.memory_space<hbm>>
      %dma_wait3A_363 = arith.constant 0 : i32
      %dma_wait3A_364 = tpu.memref_slice %arg28[%add3A_352, %dma_wait3A_363] : memref<10240x80xf32, #tpu.memory_space<vmem_shared>> -> memref<128x80xf32, #tpu.memory_space<vmem_shared>>
      tpu.wait_dma2 semaphore(%run_scoped3A : memref<!tpu.dma_semaphore, #tpu.memory_space<semaphore_mem>>) src(%dma_wait3A_364 : memref<128x80xf32, #tpu.memory_space<vmem_shared>>) dst(%dma_wait3A_362 : memref<128x80xf32, #tpu.memory_space<hbm>>)
      tpu.yield
    }) : () -> ()
    %add3A_353 = arith.constant 512 : i32
    %add3A_354 = arith.addi %mul3A_9, %add3A_353 : i32
    "tpu.region"() ({
      %run_scoped3A = tpu.sem_alloc : memref<!tpu.dma_semaphore, #tpu.memory_space<semaphore_mem>>
      %dma_start3A_355 = arith.constant 0 : i32
      %dma_start3A_356 = tpu.memref_slice %arg5[%arg0, %add3A_354, %dma_start3A_355] : memref<2x10240x80xf32, #tpu.memory_space<hbm>> -> memref<1x128x80xf32, #tpu.memory_space<hbm>>
      %dma_start3A_357 = tpu.memref_squeeze %dma_start3A_356 : memref<1x128x80xf32, #tpu.memory_space<hbm>> -> memref<128x80xf32, #tpu.memory_space<hbm>>
      %dma_start3A_358 = arith.constant 0 : i32
      %dma_start3A_359 = tpu.memref_slice %arg28[%add3A_354, %dma_start3A_358] : memref<10240x80xf32, #tpu.memory_space<vmem_shared>> -> memref<128x80xf32, #tpu.memory_space<vmem_shared>>
      tpu.enqueue_dma source(%dma_start3A_359 : memref<128x80xf32, #tpu.memory_space<vmem_shared>>) target(%dma_start3A_357 : memref<128x80xf32, #tpu.memory_space<hbm>>) target_semaphore(%run_scoped3A : memref<!tpu.dma_semaphore, #tpu.memory_space<semaphore_mem>>)
      %dma_wait3A_360 = arith.constant 0 : i32
      %dma_wait3A_361 = tpu.memref_slice %arg5[%arg0, %add3A_354, %dma_wait3A_360] : memref<2x10240x80xf32, #tpu.memory_space<hbm>> -> memref<1x128x80xf32, #tpu.memory_space<hbm>>
      %dma_wait3A_362 = tpu.memref_squeeze %dma_wait3A_361 : memref<1x128x80xf32, #tpu.memory_space<hbm>> -> memref<128x80xf32, #tpu.memory_space<hbm>>
      %dma_wait3A_363 = arith.constant 0 : i32
      %dma_wait3A_364 = tpu.memref_slice %arg28[%add3A_354, %dma_wait3A_363] : memref<10240x80xf32, #tpu.memory_space<vmem_shared>> -> memref<128x80xf32, #tpu.memory_space<vmem_shared>>
      tpu.wait_dma2 semaphore(%run_scoped3A : memref<!tpu.dma_semaphore, #tpu.memory_space<semaphore_mem>>) src(%dma_wait3A_364 : memref<128x80xf32, #tpu.memory_space<vmem_shared>>) dst(%dma_wait3A_362 : memref<128x80xf32, #tpu.memory_space<hbm>>)
      tpu.yield
    }) : () -> ()
    return
  }
}

module attributes {stable_mosaic.version = 14 : i64} {
  func.func @_qkv_body(%arg0: i32, %arg1: i32, %arg2: memref<1000x128xf32, #tpu.memory_space<vmem>>, %arg3: memref<1x128x64xf32, #tpu.memory_space<vmem>>, %arg4: memref<1x128x64xf32, #tpu.memory_space<vmem>>, %arg5: memref<1x128x64xf32, #tpu.memory_space<vmem>>, %arg6: memref<1000x64xf32, #tpu.memory_space<vmem>>, %arg7: memref<1000x128xf32, #tpu.memory_space<vmem>>) attributes {dimension_semantics = [#tpu.dimension_semantics<arbitrary>, #tpu.dimension_semantics<arbitrary>], iteration_bounds = array<i64: 10, 2>, scalar_prefetch = 0 : i64, scratch_operands = 0 : i64, tpu.core_type = #tpu.core_type<tc>, window_params = [{transform_indices = @transform_0, window_bounds = array<i64: 1000, 128>}, {transform_indices = @transform_1, window_bounds = array<i64: 1, 128, 64>}, {transform_indices = @transform_2, window_bounds = array<i64: 1, 128, 64>}, {transform_indices = @transform_3, window_bounds = array<i64: 1, 128, 64>}, {transform_indices = @transform_4, window_bounds = array<i64: 1000, 64>}, {transform_indices = @transform_5, window_bounds = array<i64: 1000, 128>}]} {
    %get3A = arith.constant 0 : index
    %get3A_0 = arith.constant 0 : index
    %get3A_1 = vector.load %arg2[%get3A, %get3A_0] : memref<1000x128xf32, #tpu.memory_space<vmem>>, vector<1000x128xf32>
    %get3A_2 = arith.constant 0 : index
    %get3A_3 = arith.constant 0 : index
    %get3A_4 = arith.constant 0 : index
    %get3A_5 = vector.load %arg3[%get3A_2, %get3A_3, %get3A_4] : memref<1x128x64xf32, #tpu.memory_space<vmem>>, vector<1x128x64xf32>
    %squeeze3A = vector.shape_cast %get3A_5 : vector<1x128x64xf32> to vector<128x64xf32>
    %dot_general3A = arith.constant dense<0.000000e+00> : vector<1000x64xf32>
    %dot_general3A_6 = tpu.matmul %get3A_1, %squeeze3A, %dot_general3A {dimension_numbers = #tpu.dot_dimension_numbers<[1], [0], [0], [1], [0, 0, 1, 1], [], []>, transpose_lhs_hint = false} : vector<1000x128xf32>, vector<128x64xf32>, vector<1000x64xf32> -> vector<1000x64xf32>
    %swap3A = arith.constant 0 : index
    %swap3A_7 = arith.constant 0 : index
    %swap3A_8 = vector.load %arg6[%swap3A, %swap3A_7] : memref<1000x64xf32, #tpu.memory_space<vmem>>, vector<1000x64xf32>
    tpu.vector_store %arg6[%swap3A, %swap3A_7], %dot_general3A_6 {strides = array<i32>} : memref<1000x64xf32, #tpu.memory_space<vmem>>, vector<1000x64xf32>,
    %get3A_9 = arith.constant 0 : index
    %get3A_10 = arith.constant 0 : index
    %get3A_11 = arith.constant 0 : index
    %get3A_12 = vector.load %arg4[%get3A_9, %get3A_10, %get3A_11] : memref<1x128x64xf32, #tpu.memory_space<vmem>>, vector<1x128x64xf32>
    %squeeze3A_13 = vector.shape_cast %get3A_12 : vector<1x128x64xf32> to vector<128x64xf32>
    %dot_general3A_14 = arith.constant dense<0.000000e+00> : vector<1000x64xf32>
    %dot_general3A_15 = tpu.matmul %get3A_1, %squeeze3A_13, %dot_general3A_14 {dimension_numbers = #tpu.dot_dimension_numbers<[1], [0], [0], [1], [0, 0, 1, 1], [], []>, transpose_lhs_hint = false} : vector<1000x128xf32>, vector<128x64xf32>, vector<1000x64xf32> -> vector<1000x64xf32>
    %get3A_16 = arith.constant 0 : index
    %get3A_17 = arith.constant 0 : index
    %get3A_18 = arith.constant 0 : index
    %get3A_19 = vector.load %arg5[%get3A_16, %get3A_17, %get3A_18] : memref<1x128x64xf32, #tpu.memory_space<vmem>>, vector<1x128x64xf32>
    %squeeze3A_20 = vector.shape_cast %get3A_19 : vector<1x128x64xf32> to vector<128x64xf32>
    %dot_general3A_21 = arith.constant dense<0.000000e+00> : vector<1000x64xf32>
    %dot_general3A_22 = tpu.matmul %get3A_1, %squeeze3A_20, %dot_general3A_21 {dimension_numbers = #tpu.dot_dimension_numbers<[1], [0], [0], [1], [0, 0, 1, 1], [], []>, transpose_lhs_hint = false} : vector<1000x128xf32>, vector<128x64xf32>, vector<1000x64xf32> -> vector<1000x64xf32>
    %concatenate3A = tpu.concatenate %dot_general3A_15, %dot_general3A_22 in 1 : vector<1000x64xf32>, vector<1000x64xf32> -> vector<1000x128xf32>
    %swap3A_23 = arith.constant 0 : index
    %swap3A_24 = arith.constant 0 : index
    %swap3A_25 = vector.load %arg7[%swap3A_23, %swap3A_24] : memref<1000x128xf32, #tpu.memory_space<vmem>>, vector<1000x128xf32>
    tpu.vector_store %arg7[%swap3A_23, %swap3A_24], %concatenate3A {strides = array<i32>} : memref<1000x128xf32, #tpu.memory_space<vmem>>, vector<1000x128xf32>,
    return
  }
  func.func @transform_0(%arg0: i32, %arg1: i32) -> (i32, i32) {
    %c0_i32 = arith.constant 0 : i32
    %c0_i32_0 = arith.constant 0 : i32
    return %arg0, %c0_i32 : i32, i32
  }
  func.func @transform_1(%arg0: i32, %arg1: i32) -> (i32, i32, i32) {
    %c0_i32 = arith.constant 0 : i32
    %c0_i32_0 = arith.constant 0 : i32
    %c0_i32_1 = arith.constant 0 : i32
    return %arg1, %c0_i32, %c0_i32_0 : i32, i32, i32
  }
  func.func @transform_2(%arg0: i32, %arg1: i32) -> (i32, i32, i32) {
    %c0_i32 = arith.constant 0 : i32
    %c0_i32_0 = arith.constant 0 : i32
    %c0_i32_1 = arith.constant 0 : i32
    return %arg1, %c0_i32, %c0_i32_0 : i32, i32, i32
  }
  func.func @transform_3(%arg0: i32, %arg1: i32) -> (i32, i32, i32) {
    %c0_i32 = arith.constant 0 : i32
    %c0_i32_0 = arith.constant 0 : i32
    %c0_i32_1 = arith.constant 0 : i32
    return %arg1, %c0_i32, %c0_i32_0 : i32, i32, i32
  }
  func.func @transform_4(%arg0: i32, %arg1: i32) -> (i32, i32) {
    %mul3A = arith.constant 10 : i32
    %mul3A_0 = arith.muli %arg1, %mul3A : i32
    %add3A = arith.addi %mul3A_0, %arg0 : i32
    %c0_i32 = arith.constant 0 : i32
    %c0_i32_1 = arith.constant 0 : i32
    return %add3A, %c0_i32 : i32, i32
  }
  func.func @transform_5(%arg0: i32, %arg1: i32) -> (i32, i32) {
    %mul3A = arith.constant 10 : i32
    %mul3A_0 = arith.muli %arg1, %mul3A : i32
    %add3A = arith.addi %mul3A_0, %arg0 : i32
    %c0_i32 = arith.constant 0 : i32
    %c0_i32_1 = arith.constant 0 : i32
    return %add3A, %c0_i32 : i32, i32
  }
}

module attributes {stable_mosaic.version = 14 : i64} {
  func.func @_comb_body(%arg0: i32, %arg1: memref<1x1000x80xf32, #tpu.memory_space<vmem>>, %arg2: memref<1x1000x80xf32, #tpu.memory_space<vmem>>, %arg3: memref<16x64xf32, #tpu.memory_space<vmem>>, %arg4: memref<1000x128xf32, #tpu.memory_space<vmem>>) attributes {dimension_semantics = [#tpu.dimension_semantics<arbitrary>], iteration_bounds = array<i64: 10>, scalar_prefetch = 0 : i64, scratch_operands = 0 : i64, tpu.core_type = #tpu.core_type<tc>, window_params = [{transform_indices = @transform_0, window_bounds = array<i64: 1, 1000, 80>}, {transform_indices = @transform_1, window_bounds = array<i64: 1, 1000, 80>}, {pipeline_mode = #tpu.pipeline_mode<synchronous>, transform_indices = @transform_2, window_bounds = array<i64: 16, 64>}, {transform_indices = @transform_3, window_bounds = array<i64: 1000, 128>}]} {
    %get3A = arith.constant 0 : index
    %get3A_0 = arith.constant 0 : index
    %get3A_1 = vector.load %arg3[%get3A, %get3A_0] : memref<16x64xf32, #tpu.memory_space<vmem>>, vector<16x64xf32>
    %get3A_2 = arith.constant 0 : index
    %get3A_3 = arith.constant 0 : index
    %get3A_4 = arith.constant 0 : index
    %get3A_5 = vector.load %arg1[%get3A_2, %get3A_3, %get3A_4] : memref<1x1000x80xf32, #tpu.memory_space<vmem>>, vector<1x1000x80xf32>
    %squeeze3A = vector.shape_cast %get3A_5 : vector<1x1000x80xf32> to vector<1000x80xf32>
    %get3A_6 = arith.constant 0 : index
    %get3A_7 = arith.constant 0 : index
    %get3A_8 = arith.constant 0 : index
    %get3A_9 = vector.load %arg2[%get3A_6, %get3A_7, %get3A_8] : memref<1x1000x80xf32, #tpu.memory_space<vmem>>, vector<1x1000x80xf32>
    %squeeze3A_10 = vector.shape_cast %get3A_9 : vector<1x1000x80xf32> to vector<1000x80xf32>
    %slice3A = vector.extract_strided_slice %squeeze3A {offsets = [0, 64], sizes = [1000, 16], strides = [1, 1]} : vector<1000x80xf32> to vector<1000x16xf32>
    %dot_general3A = arith.constant dense<0.000000e+00> : vector<1000x64xf32>
    %dot_general3A_11 = tpu.matmul %slice3A, %get3A_1, %dot_general3A {dimension_numbers = #tpu.dot_dimension_numbers<[1], [0], [0], [1], [0, 0, 1, 1], [], []>, transpose_lhs_hint = false} : vector<1000x16xf32>, vector<16x64xf32>, vector<1000x64xf32> -> vector<1000x64xf32>
    %slice3A_12 = vector.extract_strided_slice %squeeze3A_10 {offsets = [0, 64], sizes = [1000, 16], strides = [1, 1]} : vector<1000x80xf32> to vector<1000x16xf32>
    %dot_general3A_13 = arith.constant dense<0.000000e+00> : vector<1000x64xf32>
    %dot_general3A_14 = tpu.matmul %slice3A_12, %get3A_1, %dot_general3A_13 {dimension_numbers = #tpu.dot_dimension_numbers<[1], [0], [0], [1], [0, 0, 1, 1], [], []>, transpose_lhs_hint = false} : vector<1000x16xf32>, vector<16x64xf32>, vector<1000x64xf32> -> vector<1000x64xf32>
    %slice3A_15 = vector.extract_strided_slice %squeeze3A {offsets = [0, 0], sizes = [1000, 64], strides = [1, 1]} : vector<1000x80xf32> to vector<1000x64xf32>
    %div3A = arith.divf %slice3A_15, %dot_general3A_11 : vector<1000x64xf32>
    %slice3A_16 = vector.extract_strided_slice %squeeze3A_10 {offsets = [0, 0], sizes = [1000, 64], strides = [1, 1]} : vector<1000x80xf32> to vector<1000x64xf32>
    %div3A_17 = arith.divf %slice3A_16, %dot_general3A_14 : vector<1000x64xf32>
    %concatenate3A = tpu.concatenate %div3A, %div3A_17 in 1 : vector<1000x64xf32>, vector<1000x64xf32> -> vector<1000x128xf32>
    %swap3A = arith.constant 0 : index
    %swap3A_18 = arith.constant 0 : index
    %swap3A_19 = vector.load %arg4[%swap3A, %swap3A_18] : memref<1000x128xf32, #tpu.memory_space<vmem>>, vector<1000x128xf32>
    tpu.vector_store %arg4[%swap3A, %swap3A_18], %concatenate3A {strides = array<i32>} : memref<1000x128xf32, #tpu.memory_space<vmem>>, vector<1000x128xf32>,
    return
  }
  func.func @transform_0(%arg0: i32) -> (i32, i32, i32) {
    %c0_i32 = arith.constant 0 : i32
    %c0_i32_0 = arith.constant 0 : i32
    %c0_i32_1 = arith.constant 0 : i32
    return %c0_i32, %arg0, %c0_i32_0 : i32, i32, i32
  }
  func.func @transform_1(%arg0: i32) -> (i32, i32, i32) {
    %c1_i32 = arith.constant 1 : i32
    %c0_i32 = arith.constant 0 : i32
    %c0_i32_0 = arith.constant 0 : i32
    return %c1_i32, %arg0, %c0_i32 : i32, i32, i32
  }
  func.func @transform_2(%arg0: i32) -> (i32, i32) {
    %c0_i32 = arith.constant 0 : i32
    %c0_i32_0 = arith.constant 0 : i32
    %c0_i32_1 = arith.constant 0 : i32
    return %c0_i32, %c0_i32_0 : i32, i32
  }
  func.func @transform_3(%arg0: i32) -> (i32, i32) {
    %c0_i32 = arith.constant 0 : i32
    %c0_i32_0 = arith.constant 0 : i32
    return %arg0, %c0_i32 : i32, i32
  }
}

</mosaic_0001>

<sc_bundles>
// kernel: kernel.5.cloned.1.call-start
scs
__scs_entry_jumppad:
0x0: {  	(pc) =	sbr.rel $0x88, $3  }
0x1: {  	(tag) =	ssettag $0x0;
	lr =	simm.s32 $0x1  }
0x2: {  	[smem:$0x3F9C] =	sst lr;
	_ =	strace $0xD0000000  }
0x3: {  	_ = 	snop  }
0x4: {  	_ = 	snop  }
0x5: {  	_ = 	snop  }
0x6: {  	_ = 	snop  }
0x7: {  	_ = 	snop  }
__scs_overlays_trampoline_lowered:
0x8: {  	[smem:$0x3FAB] =	sst s0  }
0x9: {  	[smem:$0x3FAC] =	sst s1  }
0xa: {  	[smem:$0x3FAD] =	sst s2  }
0xb: {  	[smem:$0x3FAE] =	sst s3  }
0xc: {  	[smem:$0x3FAF] =	sst s4  }
0xd: {  	[smem:$0x3FB0] =	sst s5  }
0xe: {  	[smem:$0x3FB1] =	sst s6  }
0xf: {  	[smem:$0x3FB2] =	sst s7  }
0x10: {  	[smem:$0x3FB3] =	sst s8  }
0x11: {  	[smem:$0x3FB4] =	sst s9;
	s0 =	simm.s32 @!p0 $0x0  }
0x12: {  	s1 =	sld [smem:$0x3F9A];
	s0 =	simm.s32 @p0 $0x1  }
0x13: {  	[smem:$0x3FB5] =	sst s0;
	s0 =	simm.s32 @!p1 $0x0  }
0x14: {  	s2 =	sld [smem:$0x3F99];
	s0 =	simm.s32 @p1 $0x1  }
0x15: {  	[smem:$0x3FB6] =	sst s0;
	s0 =	simm.s32 @!p2 $0x0  }
0x16: {  	s3 =	sld [smem:$0x3FDB];
	s0 =	simm.s32 @p2 $0x1  }
0x17: {  	s4 =	simm.s32 $0x1BF5;
	[smem:$0x3FB8] =	sst s0  }
0x18: {  	s0 =	sld [smem:$0x3F9B];
	_ =	swait.ge [sflag:s4], $0x0  }
0x19: {  	s7 =	sld [smem:$0x3F9C]  }
0x1a: {  	s8 =	sadd.s32 $0xFFFFE003, lr  }
0x1b: {  	s9 =	sadd.s32 $0xFFFFFEF7, lr;
	s5 =	simm.s32 $0xFFFFFFFF;
	p2 =	slt.u32 s8, $0xFFFFF086  }
0x1c: {  	p1 =	slt.u32 s9, $0xF7A;
	s5 =	simm.s32 @!p2 $0x0  }
0x1d: {  	s5 =	simm.s32 @p1 $0x1;
	p0 =	seq.s32 s7, s2  }
0x1e: {  	s7 =	smul.u32 @!p0 $0xF7A, s2;
	p2 =	seq.s32 @!p0 s5, $0x0  }
0x1f: {  	s9 =	smul.u32 $0xF7A, s1;
	s8 =	simm.s32 @!p0 $0x1BF5;
	p2 =	por !p2, p0  }
0x20: {  	[sflag:s8] =	ssyncset.s32 @!p0 $0xFFFFF086;
	s6 =	sadd.s32 @!p0 s3, s7;
	s7 =	simm.s32 @!p0 $0x108  }
0x21: {  	s3 =	sadd.s32 s3, s9;
	s6 =	sadd.s32 @!p0 $0x88, s6;
	s7 =	simm.s32 @p2 $0x1082  }
0x22: {  	[simem:s7], [sflag:s8] =	dma.local @!p0 [hbm:s6], $0xF7A  }
0x23: {  	s9 =	sor.u32 $0xD0000000, s2;
	s6 =	simm.s32 $0x108;
	_ =	swait.ge @!p0 [sflag:s8], $0x0  }
0x24: {  	s3 =	sadd.s32 $0x88, s3;
	s6 =	simm.s32 @!p1 $0x1082;
	[sflag:s4] =	ssyncset.s32 $0xFFFFF086  }
0x25: {  	[simem:s6], [sflag:s4] =	dma.local [hbm:s3], $0xF7A  }
0x26: {  	[smem:$0x3F9C] =	sst s1;
	(tag) =	ssettag s2;
	_ =	strace s9  }
0x27: {  	s1 =	sld [smem:$0x3FAC]  }
0x28: {  	s2 =	sld [smem:$0x3FAD]  }
0x29: {  	s4 =	sld [smem:$0x3FAF]  }
0x2a: {  	p0 =	seq.s32 s5, $0x0;
	s5 =	sld [smem:$0x3FB0]  }
0x2b: {  	s6 =	sld [smem:$0x3FB1]  }
0x2c: {  	s7 =	sld [smem:$0x3FB2]  }
0x2d: {  	s3 =	simm.s32 $0x108;
	s8 =	sld [smem:$0x3FB3]  }
0x2e: {  	s3 =	simm.s32 @!p0 $0x1082;
	s9 =	sld [smem:$0x3FB4]  }
0x2f: {  	lr =	sadd.s32 s0, s3;
	s0 =	sld [smem:$0x3FAB]  }
0x30: {  	s3 =	sld [smem:$0x3FAE]  }
0x31: {  	[smem:$0x3FB7] =	sst s10  }
0x32: {  	s10 =	sld [smem:$0x3FB5];
	_ =	sdelay $0x3  }
0x33: {  	p0 =	seq.s32 s10, $0x1;
	s10 =	sld [smem:$0x3FB7];
	_ =	sdelay $0x3  }
0x34: {  	[smem:$0x3FB7] =	sst s10  }
0x35: {  	s10 =	sld [smem:$0x3FB6];
	_ =	sdelay $0x3  }
0x36: {  	p1 =	seq.s32 s10, $0x1;
	s10 =	sld [smem:$0x3FB7];
	_ =	sdelay $0x3  }
0x37: {  	[smem:$0x3FB7] =	sst s10  }
0x38: {  	s10 =	sld [smem:$0x3FB8]  }
0x39: {  	_ = 	snop;
	(pc) =	sbr.ind lr, $3  }
0x3a: {  	_ = 	snop  }
0x3b: {  	_ = 	snop  }
0x3c: {  	p2 =	seq.s32 s10, $0x1;
	s10 =	sld [smem:$0x3FB7]  }
0x3d: {  	_ =	shalt  }
0x3e: {  	_ =	shalt  }
0x3f: {  	_ =	shalt  }
0x40: {  	_ =	shalt  }
0x41: {  	_ =	shalt  }
0x42: {  	_ =	shalt  }
0x43: {  	_ =	shalt  }
0x44: {  	_ =	shalt  }
0x45: {  	_ =	shalt  }
0x46: {  	_ =	shalt  }
0x47: {  	_ =	shalt  }
0x48: {  	_ =	shalt  }
0x49: {  	_ =	shalt  }
0x4a: {  	_ =	shalt  }
0x4b: {  	_ =	shalt  }
0x4c: {  	_ =	shalt  }
0x4d: {  	_ =	shalt  }
0x4e: {  	_ =	shalt  }
0x4f: {  	_ =	shalt  }
0x50: {  	_ =	shalt  }
0x51: {  	_ =	shalt  }
0x52: {  	_ =	shalt  }
0x53: {  	_ =	shalt  }
0x54: {  	_ =	shalt  }
0x55: {  	_ =	shalt  }
0x56: {  	_ =	shalt  }
0x57: {  	_ =	shalt  }
0x58: {  	_ =	shalt  }
0x59: {  	_ =	shalt  }
0x5a: {  	_ =	shalt  }
0x5b: {  	_ =	shalt  }
0x5c: {  	_ =	shalt  }
0x5d: {  	_ =	shalt  }
0x5e: {  	_ =	shalt  }
0x5f: {  	_ =	shalt  }
0x60: {  	_ =	shalt  }
0x61: {  	_ =	shalt  }
0x62: {  	_ =	shalt  }
0x63: {  	_ =	shalt  }
0x64: {  	_ =	shalt  }
0x65: {  	_ =	shalt  }
0x66: {  	_ =	shalt  }
0x67: {  	_ =	shalt  }
0x68: {  	_ =	shalt  }
0x69: {  	_ =	shalt  }
0x6a: {  	_ =	shalt  }
0x6b: {  	_ =	shalt  }
0x6c: {  	_ =	shalt  }
0x6d: {  	_ =	shalt  }
0x6e: {  	_ =	shalt  }
0x6f: {  	_ =	shalt  }
0x70: {  	_ =	shalt  }
0x71: {  	_ =	shalt  }
0x72: {  	_ =	shalt  }
0x73: {  	_ =	shalt  }
0x74: {  	_ =	shalt  }
0x75: {  	_ =	shalt  }
0x76: {  	_ =	shalt  }
0x77: {  	_ =	shalt  }
0x78: {  	_ =	shalt  }
0x79: {  	_ =	shalt  }
0x7a: {  	_ =	shalt  }
0x7b: {  	_ =	shalt  }
0x7c: {  	_ =	shalt  }
0x7d: {  	_ =	shalt  }
0x7e: {  	_ =	shalt  }
0x7f: {  	_ =	shalt  }
0x80: {  	_ =	shalt  }
0x81: {  	_ =	shalt  }
0x82: {  	_ =	shalt  }
0x83: {  	_ =	shalt  }
0x84: {  	_ =	shalt  }
0x85: {  	_ =	shalt  }
0x86: {  	_ =	shalt  }
0x87: {  	_ =	shalt  }
.Lfunc_end0:
.L_simem_size_0:
called_computation_lowered:
.L_overlay_start_0:
0x88: {  	s2 =	sld [smem:$0x3FD9]  }
0x89: {  	s3 =	sld [smem:$0x3FFE];
	_ =	sdelay $0x1  }
0x8a: {  	s1 =	srdreg.scid  }
0x8b: {  	s0 =	sand.u32 $0x1, s1  }
0x8c: {  	s17 =	sshll.u32 s0, $0xA;
	s2 =	sadd.s32 s3, s2  }
0x8d: {  	s2 =	sadd.s32 s2, s17  }
0x8e: {  	[smem:$0x3FC3] =	sst s2  }
0x8f: {  	_ = 	snop  }
0x90: {  	s2 =	sld [smem:$0x3FD0];
	(tm) =	ssettm $0x1  }
0x91: {  	s18 =	sld [smem:$0x3FFB];
	_ =	sdelay $0x3  }
0x92: {  	_ =	strace s18  }
0x93: {  	s3 =	sld [smem:$0x3FFC];
	_ =	sdelay $0x3  }
0x94: {  	_ =	strace s3  }
0x95: {  	s3 =	sld [smem:$0x3FFD];
	_ =	sdelay $0x3  }
0x96: {  	_ =	strace s3  }
0x97: {  	_ =	strace $0x8FFFFFFF  }
0x98: {  	s19 =	sld [smem:$0x3FDB];
	_ =	sdelay $0x1  }
0x99: {  	s4 =	simm.s32 $_scs_section_size  }
0x9a: {  	s5 =	simm.s32 $_size__tile_overlayer_lowered;
	s6 =	simm.s32 $_tile_overlayer_lowered  }
0x9b: {  	s22 =	simm.s32 $0x1BFF;
	s21 =	sshll.u32 s6, $0x1;
	s3 =	sadd.s32 s4, s19  }
0x9c: {  	s7 =	simm.s32 $0x0;
	s20 =	sshll.u32 s5, $0x1;
	s5 =	sadd.s32 s21, s3  }
0x9d: {  	[timem:s7], [sflag:s22] =	dma.local [hbm:s5], s20  }
0x9e: {  	_ =	swait.ge [sflag:s22], s20  }
0x9f: {  	s4 =	ssub.s32 $0x0, s20;
	[sflag:s22] =	ssyncset.done $0x0  }
0xa0: {  	[sflag:s22] =	ssyncadd.s32 s4;
	_ =	sdelay $0x1  }
0xa1: {  	s23 =	simm.s32 $0x1B8B  }
0xa2: {  	_ =	swait.ge [sflag:s23], $0x1  }
0xa3: {  	[sflag:s23] =	ssyncset.done $0x0  }
0xa4: {  	s25 =	simm.s32 $0x1B8E;
	s24 =	sld [smem:$0x3FFE];
	[sflag:s23] =	ssyncadd.s32 $0xFFFFFFFF  }
0xa5: {  	s26 =	simm.s32 $execute0_lowered;
	[smem:$0x3FD2] =	sst s25  }
0xa6: {  	s5 =	sshll.u32 s26, $0x1;
	_ =	strace $0x80000046;
	[dreg:$0x1] =	wrdreg $0xFFFFFFFF  }
0xa7: {  	s28 =	simm.s32 $_size_execute0_lowered;
	s3 =	sadd.s32 s3, s5;
	[dreg:$0x0] =	wrdreg $0x0  }
0xa8: {  	s5 =	sshll.u32 s28, $0x1;
	[dreg:$0x2] =	wrdreg s3  }
0xa9: {  	[dreg:$0x3] =	wrdreg s5  }
0xaa: {  	[dreg:$0x4] =	wrdreg $0xC0  }
0xab: {  	_ =	task [dreg:s7], $0x5FFFF  }
0xac: {  	[dreg:$0x1] =	wrdreg $0xFFFFFFFF  }
0xad: {  	[dreg:$0x0] =	wrdreg $0x60  }
0xae: {  	[dreg:$0x2] =	wrdreg s2  }
0xaf: {  	[dreg:$0x3] =	wrdreg s24  }
0xb0: {  	[dreg:$0x4] =	wrdreg $0x11CB00  }
0xb1: {  	[dreg:$0x5] =	wrdreg $0x9  }
0xb2: {  	_ =	task.clear_ibuf [dreg:s7], $0x6FFFF;
	_ =	strace $0x90000046  }
0xb3: {  	s29 =	simm.s32 $0x9;
	_ =	strace $0x80000048  }
0xb4: {  	_ =	swait.ge [sflag:s29], $0x1  }
0xb5: {  	[sflag:s29] =	ssyncadd.s32 $0xFFFFFFFF  }
0xb6: {  	_ =	strace $0x90000048  }
0xb7: {  	_ =	sfence  }
0xb8: {  	s30 =	sld [smem:$0x0];
	_ =	sdelay $0x2  }
0xb9: {  	s31 =	sshll.u32 s1, $0xD;
	s1 =	sshrl.u32 s1, $0x2  }
0xba: {  	s3 =	sand.u32 $0x4000, s31;
	s1 =	sadd.s32 s1, s30  }
0xbb: {  	s0 =	sor.u32 s3, s0;
	s1 =	sshll.u32 s1, $0x11  }
0xbc: {  	s0 =	sor.u32 s1, s0  }
0xbd: {  	s0 =	sadd.s32 $0x8F2B, s0  }
0xbe: {  	[sflag:s0] =	ssyncadd.remote.s32 $0x1  }
0xbf: {  	_ =	sfence.sel $0xFFFF  }
0xc0: {  	[dreg:$0x0] =	wrdreg $0xFFFFFFFF;
	(pc) =	sbr.abs _section_cstart, $3  }
0xc1: {  	[dreg:$0x1] =	wrdreg $0xFFFFFFFF  }
0xc2: {  	_ =	task.clear_ibuf [dreg:s7], $0x2FFFF;
	_ =	strace $0x9FFFFFFF  }
0xc3: {  	(tm) =	ssettm $0x7FFFFFFF  }
tec
execute0_lowered:
.L_overlay_start_1:
0x0: {  	(tag) =	ssettag $0x1  }
0x1: {  	s1 =	rddreg [dreg:$0x0]  }
0x2: {  	s0 =	rddreg [dreg:$0x1]  }
0x3: {  	s2 =	rddreg [dreg:$0x2];
	s3 =	simm.s32 $0x0  }
0x4: {  	s22 =	srdreg.scid;
	s13 =	stileid.u32;
	s29 =	simm.s32 $0xA4B0  }
0x5: {  	s30 =	simm.s32 $0x2;
	s31 =	simm.s32 $0x4;
	[smem:$0x7FF] =	sst s3  }
0x6: {  	s5 =	sadd.s32 $0xC00, s0;
	s3 =	sand.u32 $0x1, s22;
	s4 =	smul.u32 $0x32000, s13  }
0x7: {  	s6 =	sadd.s32 $0x4EE00, s0;
	s0 =	sadd.s32 $0x62800, s0;
	s9 =	smul.u32 $0xC800, s13  }
0x8: {  	s13 =	smul.u32 $0x4E20, s13;
	_ =	strace $0x80000047;
	s7 =	ssub.s32 $0x2, s3  }
0x9: {  	s8 =	sshrl.u32 s7, $0x1;
	s10 =	sshrl.u32 s4, $0x2;
	s4 =	smul.u32 $0x2710, s3  }
0xa: {  	s25 =	sadd.s32 s9, s2;
	s3 =	smul.u32 $0xC8000, s3;
	s17 =	sadd.s32 $0x2800, s9  }
0xb: {  	s20 =	sadd.s32 $0x5000, s9;
	s14 =	sadd.s32 $0x7800, s9;
	s21 =	sadd.s32 $0xA0, s13  }
0xc: {  	s22 =	sadd.s32 $0xF0, s13;
	s7 =	ssub.s32 s7, s8;
	s23 =	sadd.s32 s10, s2  }
0xd: {  	s8 =	simm.s32 $0x4E200;
	[dreg:$0x4] =	wrdreg s25;
	s10 =	sadd.s32 $0x1900, s23  }
0xe: {  	s15 =	sadd.s32 $0x3200, s23;
	s16 =	sadd.s32 $0x4B00, s23;
	s11 =	sadd.s32 $0x6400, s23  }
0xf: {  	s18 =	sadd.s32 s9, s3;
	s12 =	sadd.s32 s3, s17;
	[dreg:$0x5] =	wrdreg s10  }
0x10: {  	s24 =	sadd.s32 s3, s20;
	s9 =	sadd.s32 $0xA000, s9;
	[dreg:$0x6] =	wrdreg s15  }
0x11: {  	s28 =	sadd.s32 $0x7D00, s23;
	s17 =	sadd.s32 s17, s2;
	[dreg:$0x7] =	wrdreg s16  }
0x12: {  	s7 =	smax.u32 s7, $0x1;
	v0 =	vmov s4;
	s4 =	simm.s32 $0x3;
	[dreg:$0x8] =	wrdreg s11  }
0x13: {  	s11 =	sshrl.u32 s18, $0x3;
	s12 =	sshrl.u32 s12, $0x3;
	s15 =	sadd.s32 s3, s14  }
0x14: {  	s3 =	sadd.s32 s3, s9;
	[dreg:$0xe] =	wrdreg s28;
	s18 =	sadd.s32 s20, s2  }
0x15: {  	s9 =	sadd.s32 s9, s2;
	[dreg:$0x12] =	wrdreg s7;
	s10 =	simm.s32 $0x4B0  }
0x16: {  	s7 =	simm.s32 $0xD1B0;
	s11 =	sadd.s32 s0, s11;
	s19 =	sadd.s32 s0, s12  }
0x17: {  	s12 =	sshrl.u32 s24, $0x3;
	s26 =	sshrl.u32 s15, $0x3;
	s3 =	sshrl.u32 s3, $0x3  }
0x18: {  	s15 =	sshrl.u32 s13, $0x3;
	s20 =	sshrl.u32 s18, $0x3;
	[dreg:$0x9] =	wrdreg s11  }
0x19: {  	s18 =	simm.s32 $0x1E0;
	[dreg:$0xa] =	wrdreg s19;
	s12 =	sadd.s32 s0, s12  }
0x1a: {  	s16 =	sadd.s32 s6, s15;
	s19 =	sadd.s32 s14, s2;
	[dreg:$0x14] =	wrdreg s20  }
0x1b: {  	s11 =	simm.s32 $0x7CB0;
	s20 =	simm.s32 $0x230;
	[dreg:$0xb] =	wrdreg s12  }
0x1c: {  	s14 =	simm.s32 $0x5;
	s12 =	sadd.s32 s0, s26;
	[dreg:$0x11] =	wrdreg s16  }
0x1d: {  	s0 =	sadd.s32 s0, s3;
	s3 =	sadd.s32 $0x9600, s23;
	[dreg:$0xc] =	wrdreg s12  }
0x1e: {  	s24 =	sshrl.u32 s19, $0x3;
	s26 =	sshrl.u32 s9, $0x3;
	[dreg:$0xd] =	wrdreg s0  }
0x1f: {  	s28 =	sadd.s32 $0xA, s16;
	s9 =	simm.s32 $0x2D0;
	[dreg:$0xf] =	wrdreg s3  }
0x20: {  	s19 =	simm.s32 $0xB8B0;
	s16 =	simm.s32 $0x0;
	[dreg:$0x15] =	wrdreg s24  }
0x21: {  	s12 =	sadd.s32 $0xAF00, s23;
	s23 =	sadd.s32 $0x140, s13;
	[dreg:$0x16] =	wrdreg s26  }
0x22: {  	s0 =	sshrl.u32 s17, $0x3;
	[dreg:$0x17] =	wrdreg s28;
	s3 =	simm.s32 $0x50  }
0x23: {  	v1 =	vimm.f32 $0.0e+00;
	s17 =	simm.s32 $0x1;
	s13 =	simm.s32 $0xEAB0;
	[dreg:$0x10] =	wrdreg s12  }
0x24: {  	vm0 =	vmmov $0xf;
	vm1 =	vmmov $0xff;
	vm2 =	vmmov $0xfff;
	[dreg:$0x13] =	wrdreg s0;
	s0 =	simm.s32 $0x7;
	s12 =	simm.s32 $0x280  }
.LBB2_1:
0x25: {  	[dreg:$0x18] =	wrdreg s16;
	s16 =	simm.s32 $0x140;
	s15 =	simm.s32 $0x0  }
.LBB2_2:
0x26: {  	p0 =	sne.s32 s16, $0x62C0;
	[tilespmem:s15+$0x103F0] =	vst v1;
	s24 =	smov.u32 s16;
	s16 =	sadd.s32 $0x140, s16  }
.Ltmp0:
0x27: {  	[tilespmem:s15+$0x103E0] =	vst v1;
	(pc) =	sbr.rel @p0 .LBB2_2-.Ltmp0, $4  }
0x28: {  	[tilespmem:s15+$0x103D0] =	vst v1  }
0x29: {  	[tilespmem:s15+$0x103B0] =	vst v1  }
0x2a: {  	[tilespmem:s15+$0x103C0] =	vst v1  }
0x2b: {  	s15 =	sshra.s32 s24, $0x2  }
0x2c: {  	[tilespmem:s15+$0x103F0] =	vst v1  }
0x2d: {  	[tilespmem:s15+$0x103E0] =	vst v1  }
0x2e: {  	[tilespmem:s15+$0x103D0] =	vst v1  }
0x2f: {  	[tilespmem:s15+$0x103B0] =	vst v1  }
0x30: {  	[tilespmem:s15+$0x103C0] =	vst v1;
	s16 =	simm.s32 $0x103B0  }
0x31: {  	[spmem:s25] =	stream.linear.scatter [tilespmem:s16], [sflag:$0x7], $0x1900, $0x38;
	[tilespmem:$0x1E4B0] =	vst v63  }
0x32: {  	_ =	swait.ge [sflag:s0], $0x1900  }
0x33: {  	[sflag:s0] =	ssyncset.done $0x0  }
0x34: {  	s26 =	rddreg [dreg:$0x5];
	[sflag:s0] =	ssyncadd.s32 $0xFFFFE700  }
0x35: {  	[spmem:s26] =	stream.linear.scatter [tilespmem:s16], [sflag:$0x7], $0x1900, $0x38;
	[tilespmem:$0x1E4B0] =	vst v63  }
0x36: {  	_ =	swait.ge [sflag:s0], $0x1900  }
0x37: {  	[sflag:s0] =	ssyncset.done $0x0  }
0x38: {  	s28 =	rddreg [dreg:$0x6];
	[sflag:s0] =	ssyncadd.s32 $0xFFFFE700  }
0x39: {  	[spmem:s28] =	stream.linear.scatter [tilespmem:s16], [sflag:$0x7], $0x1900, $0x38;
	[tilespmem:$0x1E4B0] =	vst v63  }
0x3a: {  	_ =	swait.ge [sflag:s0], $0x1900  }
0x3b: {  	[sflag:s0] =	ssyncset.done $0x0  }
0x3c: {  	s24 =	rddreg [dreg:$0x7];
	[sflag:s0] =	ssyncadd.s32 $0xFFFFE700  }
0x3d: {  	[spmem:s24] =	stream.linear.scatter [tilespmem:s16], [sflag:$0x7], $0x1900, $0x38;
	[tilespmem:$0x1E4B0] =	vst v63  }
0x3e: {  	_ =	swait.ge [sflag:s0], $0x1900  }
0x3f: {  	[sflag:s0] =	ssyncset.done $0x0  }
0x40: {  	s25 =	rddreg [dreg:$0x8];
	[sflag:s0] =	ssyncadd.s32 $0xFFFFE700  }
0x41: {  	[spmem:s25] =	stream.linear.scatter [tilespmem:s16], [sflag:$0x7], $0x1900, $0x38;
	[tilespmem:$0x1E4B0] =	vst v63  }
0x42: {  	_ =	swait.ge [sflag:s0], $0x1900  }
0x43: {  	[sflag:s0] =	ssyncset.done $0x0  }
0x44: {  	s26 =	rddreg [dreg:$0xe];
	[sflag:s0] =	ssyncadd.s32 $0xFFFFE700  }
0x45: {  	[spmem:s26] =	stream.linear.scatter [tilespmem:s16], [sflag:$0x7], $0x1900, $0x38;
	[tilespmem:$0x1E4B0] =	vst v63  }
0x46: {  	_ =	swait.ge [sflag:s0], $0x1900  }
0x47: {  	[sflag:s0] =	ssyncset.done $0x0  }
0x48: {  	s28 =	rddreg [dreg:$0xf];
	[sflag:s0] =	ssyncadd.s32 $0xFFFFE700  }
0x49: {  	[spmem:s28] =	stream.linear.scatter [tilespmem:s16], [sflag:$0x7], $0x1900, $0x38;
	[tilespmem:$0x1E4B0] =	vst v63  }
0x4a: {  	_ =	swait.ge [sflag:s0], $0x1900  }
0x4b: {  	[sflag:s0] =	ssyncset.done $0x0  }
0x4c: {  	s24 =	rddreg [dreg:$0x10];
	[sflag:s0] =	ssyncadd.s32 $0xFFFFE700  }
0x4d: {  	[spmem:s24] =	stream.linear.scatter [tilespmem:s16], [sflag:$0x7], $0x1900, $0x38;
	[tilespmem:$0x1E4B0] =	vst v63  }
0x4e: {  	_ =	swait.ge [sflag:s0], $0x1900  }
0x4f: {  	[sflag:s0] =	ssyncset.done $0x0  }
0x50: {  	[sflag:s0] =	ssyncadd.s32 $0xFFFFE700  }
0x51: {  	[bflag:$0x0] =	sbarrier.arrive $0xFFFF  }
0x52: {  	s15 =	simm.s32 $0x0;
	s25 =	rddreg [dreg:$0x11]  }
0x53: {  	[tilespmem:s15], [sflag:$0x7] =	stream.strided.gather [hbm4b:s25+s3], $0xA0, s8, s3, $0x38;
	[tilespmem:$0x1E4B0] =	vst v63  }
0x54: {  	_ =	swait.ge [sflag:s0], $0xA0  }
0x55: {  	[sflag:s0] =	ssyncset.done $0x0  }
0x56: {  	[sflag:s0] =	ssyncadd.s32 $0xFFFFFF60  }
0x57: {  	v2 =	vld [tilespmem:$0x0]  }
0x58: {  	v3 =	vld [tilespmem:$0x50]  }
0x59: {  	v5 =	vld [tilespmem:$0x60];
	_ =	sdelay $0x1  }
0x5a: {  	v4 =	vld [tilespmem:$0x10]  }
0x5b: {  	v55 =	vld [tilespmem:$0x90]  }
0x5c: {  	[tilespmem:$0x1E0] =	vst v3  }
0x5d: {  	v6 =	vld [tilespmem:$0x20];
	v2 =	vadd.s32 v0, v2;
	[tilespmem:$0x1F0] =	vst v5  }
0x5e: {  	[tilespmem:$0x2D0] =	vst v2;
	v2 =	vadd.s32 v0, v3  }
0x5f: {  	[tilespmem:$0x3C0] =	vst v2;
	v2 =	vld [tilespmem:$0x70]  }
0x60: {  	v51 =	vld [tilespmem:$0x30];
	[tilespmem:$0x220] =	vst v55;
	v3 =	vadd.s32 v0, v4  }
0x61: {  	[tilespmem:$0x2E0] =	vst v3;
	v3 =	vadd.s32 v0, v5  }
0x62: {  	v52 =	vadd.s32 v0, v6;
	[tilespmem:$0x3D0] =	vst v3;
	v3 =	vld [tilespmem:$0x80]  }
0x63: {  	v54 =	vld [tilespmem:$0x40];
	[tilespmem:$0x2F0] =	vst v52  }
0x64: {  	v53 =	vadd.s32 v0, v2;
	[tilespmem:$0x200] =	vst v2  }
0x65: {  	v2 =	vadd.s32 v0, v51;
	[tilespmem:$0x3E0] =	vst v53  }
0x66: {  	[tilespmem:$0x300] =	vst v2  }
0x67: {  	v2 =	vadd.s32 v0, v3;
	[tilespmem:$0x210] =	vst v3  }
0x68: {  	[tilespmem:$0x3F0] =	vst v2;
	v2 =	vadd.s32 v0, v54  }
0x69: {  	[tilespmem:$0x310] =	vst v2;
	v2 =	vadd.s32 v0, v55  }
0x6a: {  	[tilespmem:$0x400] =	vst v2  }
0x6b: {  	[tilespmem:s10], [sflag:$0x1] =	stream.indirect.gather [hbm4b:s5+s3], $0x80, s9, s3, $0xb8;
	[tilespmem:$0x1E4B0] =	vst v63  }
0x6c: {  	s26 =	simm.s32 $0x3C0  }
0x6d: {  	[tilespmem:s11], [sflag:$0x1] =	stream.indirect.gather [hbm4b:s1+s3], $0x40, s26, s3, $0xb8;
	[tilespmem:$0x1E4B0] =	vst v63  }
0x6e: {  	s24 =	simm.s32 $0xA0;
	s28 =	rddreg [dreg:$0x17]  }
0x6f: {  	[tilespmem:s24], [sflag:$0x7] =	stream.strided.gather [hbm4b:s28+s3], $0xA0, s8, s3, $0x38;
	[tilespmem:$0x1E4B0] =	vst v63  }
0x70: {  	_ =	swait.ge [sflag:s0], $0xA0  }
0x71: {  	[sflag:s0] =	ssyncset.done $0x0  }
0x72: {  	[sflag:s0] =	ssyncadd.s32 $0xFFFFFF60  }
0x73: {  	v2 =	vld [tilespmem:$0xA0]  }
0x74: {  	v3 =	vld [tilespmem:$0xF0]  }
0x75: {  	v57 =	vld [tilespmem:$0x100];
	_ =	sdelay $0x1  }
0x76: {  	v56 =	vld [tilespmem:$0xB0]  }
0x77: {  	v63 =	vld [tilespmem:$0x130]  }
0x78: {  	[tilespmem:$0x230] =	vst v3  }
0x79: {  	v58 =	vld [tilespmem:$0xC0];
	v2 =	vadd.s32 v0, v2;
	[tilespmem:$0x240] =	vst v57  }
0x7a: {  	[tilespmem:$0x320] =	vst v2;
	v2 =	vadd.s32 v0, v3  }
0x7b: {  	[tilespmem:$0x410] =	vst v2;
	v2 =	vld [tilespmem:$0x110]  }
0x7c: {  	v59 =	vld [tilespmem:$0xD0];
	[tilespmem:$0x270] =	vst v63;
	v3 =	vadd.s32 v0, v56  }
0x7d: {  	[tilespmem:$0x330] =	vst v3;
	v3 =	vadd.s32 v0, v57  }
0x7e: {  	v60 =	vadd.s32 v0, v58;
	[tilespmem:$0x420] =	vst v3;
	v3 =	vld [tilespmem:$0x120]  }
0x7f: {  	v62 =	vld [tilespmem:$0xE0];
	[tilespmem:$0x340] =	vst v60  }
0x80: {  	v61 =	vadd.s32 v0, v2;
	[tilespmem:$0x250] =	vst v2  }
0x81: {  	v2 =	vadd.s32 v0, v59;
	[tilespmem:$0x430] =	vst v61  }
0x82: {  	[tilespmem:$0x350] =	vst v2  }
0x83: {  	v2 =	vadd.s32 v0, v3;
	[tilespmem:$0x260] =	vst v3  }
0x84: {  	[tilespmem:$0x440] =	vst v2;
	v2 =	vadd.s32 v0, v62  }
0x85: {  	[tilespmem:$0x360] =	vst v2;
	v2 =	vadd.s32 v0, v63  }
0x86: {  	s25 =	simm.s32 $0x2CB0;
	s24 =	simm.s32 $0x320;
	[tilespmem:$0x450] =	vst v2  }
0x87: {  	[tilespmem:s25], [sflag:$0x2] =	stream.indirect.gather [hbm4b:s5+s3], $0x80, s24, s3, $0xb8;
	[tilespmem:$0x1E4B0] =	vst v63  }
0x88: {  	s26 =	simm.s32 $0x410;
	s28 =	simm.s32 $0x90B0  }
0x89: {  	[tilespmem:s28], [sflag:$0x2] =	stream.indirect.gather [hbm4b:s1+s3], $0x40, s26, s3, $0xb8;
	[tilespmem:$0x1E4B0] =	vst v63  }
.LBB2_4:
0x8a: {  	_ =	swait.ge [sflag:s17], $0x2800  }
0x8b: {  	[sflag:s17] =	ssyncset.done $0x0  }
0x8c: {  	[sflag:s17] =	ssyncadd.s32 $0xFFFFD800  }
0x8d: {  	_ =	swait.ge [sflag:s17], $0x1400  }
0x8e: {  	s16 =	simm.s32 $0x3C0;
	[sflag:s17] =	ssyncset.done $0x0  }
0x8f: {  	s24 =	simm.s32 $0xB950;
	s25 =	simm.s32 $0x5B0;
	[sflag:s17] =	ssyncadd.s32 $0xFFFFEC00  }
.LBB2_5:
0x90: {  	v2 =	vld [tilespmem:s25+$0xFFFFFF00]  }
0x91: {  	v4 =	vld [tilespmem:s25+$0xFFFFFF10]  }
0x92: {  	v6 =	vld [tilespmem:s25+$0xFFFFFF20]  }
0x93: {  	s26 =	sshra.s32 s16, $0x2;
	v8 =	vld [tilespmem:s25+$0xFFFFFF30]  }
0x94: {  	v3 =	vld [tilespmem:s26+$0x7BC0]  }
0x95: {  	v5 =	vld [tilespmem:s26+$0x7BD0]  }
0x96: {  	v7 =	vld [tilespmem:s26+$0x7BE0]  }
0x97: {  	v9 =	vld [tilespmem:s26+$0x7BF0];
	_ =	sdelay $0x1  }
0x98: {  	v2 =	vmul.f32 v3, v2  }
0x99: {  	v3 =	vmul.f32 v5, v4  }
0x9a: {  	(xrf2) =	vadd.scan.msk.f32 $0xffff, v2;
	v2 =	vmul.f32 v7, v6  }
0x9b: {  	(xrf2) =	vadd.scan.msk.f32 $0xffff, v3;
	v3 =	vmul.f32 v9, v8  }
0x9c: {  	(xrf2) =	vadd.scan.msk.f32 $0xffff, v2  }
0x9d: {  	(xrf2) =	vadd.scan.msk.f32 $0xffff, v3;
	_ =	sdelay $0x6  }
0x9e: {  	v2, _, _ =	vpop (xrf2)  }
0x9f: {  	v3, _, _ =	vpop (xrf2)  }
0xa0: {  	v2 =	vbroadcast v2, $0xF;
	v26, _, _ =	vpop (xrf2);
	v3 =	vbroadcast v3, $0xF  }
0xa1: {  	v27, _, _ =	vpop (xrf2);
	v4 =	vbroadcast v26, $0xF  }
0xa2: {  	v2 =	vsel vm0, v2, v3;
	v3 =	vbroadcast v27, $0xF  }
0xa3: {  	v2 =	vsel vm1, v2, v4  }
0xa4: {  	v2 =	vsel vm2, v2, v3  }
0xa5: {  	v2 =	vmax.f32 v2, $-5.000000000e+00  }
0xa6: {  	v2 =	vmin.f32 v2, $5.000000000e+00  }
0xa7: {  	v2 =	vmul.f32 $1.442695020e+00, v2;
	_ =	sdelay $0x1  }
0xa8: {  	(erf) = vpow2.f32 v2;
	_ =	sdelay $0x8  }
0xa9: {  	v2 =	vpop (erf)  }
0xaa: {  	[tilespmem:s24+$0xFFFFFFA0] =	vst v2  }
0xab: {  	v3 =	vld [tilespmem:s25+$0xFFFFFF40];
	_ =	sdelay $0x2  }
0xac: {  	v28 =	vbroadcast v2, $0x0;
	_ =	sdelay $0x1  }
0xad: {  	v3 =	vmul.f32 v28, v3;
	_ =	sdelay $0x1  }
0xae: {  	[tilespmem:s24+$0xFFFFFF60] =	vst v3  }
0xaf: {  	v3 =	vld [tilespmem:s25+$0xFFFFFF50];
	_ =	sdelay $0x2  }
0xb0: {  	v29 =	vbroadcast v2, $0x4;
	_ =	sdelay $0x1  }
0xb1: {  	v3 =	vmul.f32 v29, v3;
	_ =	sdelay $0x1  }
0xb2: {  	[tilespmem:s24+$0xFFFFFF70] =	vst v3  }
0xb3: {  	v3 =	vld [tilespmem:s25+$0xFFFFFF60];
	_ =	sdelay $0x2  }
0xb4: {  	v30 =	vbroadcast v2, $0x8;
	_ =	sdelay $0x1  }
0xb5: {  	v3 =	vmul.f32 v30, v3;
	_ =	sdelay $0x1  }
0xb6: {  	[tilespmem:s24+$0xFFFFFF80] =	vst v3  }
0xb7: {  	v3 =	vld [tilespmem:s25+$0xFFFFFF70];
	_ =	sdelay $0x2  }
0xb8: {  	v2 =	vbroadcast v2, $0xC;
	_ =	sdelay $0x1  }
0xb9: {  	v2 =	vmul.f32 v2, v3;
	_ =	sdelay $0x1  }
0xba: {  	[tilespmem:s24+$0xFFFFFF90] =	vst v2  }
0xbb: {  	v2 =	vld [tilespmem:s25+$0xFFFFFF80]  }
0xbc: {  	v3 =	vld [tilespmem:s26+$0x7C00]  }
0xbd: {  	v31 =	vld [tilespmem:s25+$0xFFFFFF90]  }
0xbe: {  	v32 =	vld [tilespmem:s26+$0x7C10]  }
0xbf: {  	v33 =	vld [tilespmem:s25+$0xFFFFFFA0]  }
0xc0: {  	v34 =	vld [tilespmem:s26+$0x7C20]  }
0xc1: {  	v35 =	vld [tilespmem:s25+$0xFFFFFFB0]  }
0xc2: {  	v36 =	vld [tilespmem:s26+$0x7C30];
	_ =	sdelay $0x1  }
0xc3: {  	v2 =	vmul.f32 v3, v2  }
0xc4: {  	v3 =	vmul.f32 v32, v31  }
0xc5: {  	(xrf2) =	vadd.scan.msk.f32 $0xffff, v2;
	v2 =	vmul.f32 v34, v33  }
0xc6: {  	(xrf2) =	vadd.scan.msk.f32 $0xffff, v3;
	v3 =	vmul.f32 v36, v35  }
0xc7: {  	(xrf2) =	vadd.scan.msk.f32 $0xffff, v2  }
0xc8: {  	(xrf2) =	vadd.scan.msk.f32 $0xffff, v3;
	_ =	sdelay $0x6  }
0xc9: {  	v2, _, _ =	vpop (xrf2)  }
0xca: {  	v3, _, _ =	vpop (xrf2)  }
0xcb: {  	v2 =	vbroadcast v2, $0xF;
	v37, _, _ =	vpop (xrf2);
	v3 =	vbroadcast v3, $0xF  }
0xcc: {  	v38, _, _ =	vpop (xrf2);
	v4 =	vbroadcast v37, $0xF  }
0xcd: {  	v2 =	vsel vm0, v2, v3;
	v3 =	vbroadcast v38, $0xF  }
0xce: {  	v2 =	vsel vm1, v2, v4  }
0xcf: {  	v2 =	vsel vm2, v2, v3  }
0xd0: {  	v2 =	vmax.f32 v2, $-5.000000000e+00  }
0xd1: {  	v2 =	vmin.f32 v2, $5.000000000e+00  }
0xd2: {  	v2 =	vmul.f32 $1.442695020e+00, v2;
	_ =	sdelay $0x1  }
0xd3: {  	(erf) = vpow2.f32 v2;
	_ =	sdelay $0x8  }
0xd4: {  	v2 =	vpop (erf)  }
0xd5: {  	[tilespmem:s24+$0xFFFFFFF0] =	vst v2  }
0xd6: {  	v3 =	vld [tilespmem:s25+$0xFFFFFFC0];
	_ =	sdelay $0x2  }
0xd7: {  	v39 =	vbroadcast v2, $0x0;
	_ =	sdelay $0x1  }
0xd8: {  	v3 =	vmul.f32 v39, v3;
	_ =	sdelay $0x1  }
0xd9: {  	[tilespmem:s24+$0xFFFFFFB0] =	vst v3  }
0xda: {  	v3 =	vld [tilespmem:s25+$0xFFFFFFD0];
	_ =	sdelay $0x2  }
0xdb: {  	v40 =	vbroadcast v2, $0x4;
	_ =	sdelay $0x1  }
0xdc: {  	v3 =	vmul.f32 v40, v3;
	_ =	sdelay $0x1  }
0xdd: {  	[tilespmem:s24+$0xFFFFFFC0] =	vst v3  }
0xde: {  	v3 =	vld [tilespmem:s25+$0xFFFFFFE0];
	_ =	sdelay $0x2  }
0xdf: {  	v41 =	vbroadcast v2, $0x8;
	_ =	sdelay $0x1  }
0xe0: {  	v3 =	vmul.f32 v41, v3;
	_ =	sdelay $0x1  }
0xe1: {  	[tilespmem:s24+$0xFFFFFFD0] =	vst v3  }
0xe2: {  	v3 =	vld [tilespmem:s25+$0xFFFFFFF0];
	_ =	sdelay $0x2  }
0xe3: {  	v2 =	vbroadcast v2, $0xC;
	_ =	sdelay $0x1  }
0xe4: {  	v2 =	vmul.f32 v2, v3;
	_ =	sdelay $0x1  }
0xe5: {  	[tilespmem:s24+$0xFFFFFFE0] =	vst v2  }
0xe6: {  	v2 =	vld [tilespmem:s25+$0x0]  }
0xe7: {  	v3 =	vld [tilespmem:s26+$0x7C40]  }
0xe8: {  	v42 =	vld [tilespmem:s25+$0x10]  }
0xe9: {  	v43 =	vld [tilespmem:s26+$0x7C50]  }
0xea: {  	v44 =	vld [tilespmem:s25+$0x20]  }
0xeb: {  	v45 =	vld [tilespmem:s26+$0x7C60]  }
0xec: {  	v46 =	vld [tilespmem:s25+$0x30]  }
0xed: {  	v47 =	vld [tilespmem:s26+$0x7C70];
	_ =	sdelay $0x1  }
0xee: {  	v2 =	vmul.f32 v3, v2  }
0xef: {  	v3 =	vmul.f32 v43, v42  }
0xf0: {  	(xrf2) =	vadd.scan.msk.f32 $0xffff, v2;
	v2 =	vmul.f32 v45, v44  }
0xf1: {  	(xrf2) =	vadd.scan.msk.f32 $0xffff, v3;
	v3 =	vmul.f32 v47, v46  }
0xf2: {  	(xrf2) =	vadd.scan.msk.f32 $0xffff, v2  }
0xf3: {  	(xrf2) =	vadd.scan.msk.f32 $0xffff, v3;
	_ =	sdelay $0x6  }
0xf4: {  	v2, _, _ =	vpop (xrf2)  }
0xf5: {  	v3, _, _ =	vpop (xrf2)  }
0xf6: {  	v2 =	vbroadcast v2, $0xF;
	v48, _, _ =	vpop (xrf2);
	v3 =	vbroadcast v3, $0xF  }
0xf7: {  	v49, _, _ =	vpop (xrf2);
	v4 =	vbroadcast v48, $0xF  }
0xf8: {  	v2 =	vsel vm0, v2, v3;
	v3 =	vbroadcast v49, $0xF  }
0xf9: {  	v2 =	vsel vm1, v2, v4  }
0xfa: {  	v2 =	vsel vm2, v2, v3  }
0xfb: {  	v2 =	vmax.f32 v2, $-5.000000000e+00  }
0xfc: {  	v2 =	vmin.f32 v2, $5.000000000e+00  }
0xfd: {  	v2 =	vmul.f32 $1.442695020e+00, v2;
	_ =	sdelay $0x1  }
0xfe: {  	(erf) = vpow2.f32 v2;
	_ =	sdelay $0x8  }
0xff: {  	v2 =	vpop (erf)  }
0x100: {  	[tilespmem:s24+$0x40] =	vst v2  }
0x101: {  	v3 =	vld [tilespmem:s25+$0x40];
	_ =	sdelay $0x2  }
0x102: {  	v50 =	vbroadcast v2, $0x0;
	_ =	sdelay $0x1  }
0x103: {  	v3 =	vmul.f32 v50, v3;
	_ =	sdelay $0x1  }
0x104: {  	[tilespmem:s24+$0x0] =	vst v3  }
0x105: {  	v3 =	vld [tilespmem:s25+$0x50];
	_ =	sdelay $0x2  }
0x106: {  	v51 =	vbroadcast v2, $0x4;
	_ =	sdelay $0x1  }
0x107: {  	v3 =	vmul.f32 v51, v3;
	_ =	sdelay $0x1  }
0x108: {  	[tilespmem:s24+$0x10] =	vst v3  }
0x109: {  	v3 =	vld [tilespmem:s25+$0x60];
	_ =	sdelay $0x2  }
0x10a: {  	v52 =	vbroadcast v2, $0x8;
	_ =	sdelay $0x1  }
0x10b: {  	v3 =	vmul.f32 v52, v3;
	_ =	sdelay $0x1  }
0x10c: {  	[tilespmem:s24+$0x20] =	vst v3  }
0x10d: {  	v3 =	vld [tilespmem:s25+$0x70];
	_ =	sdelay $0x2  }
0x10e: {  	v2 =	vbroadcast v2, $0xC;
	_ =	sdelay $0x1  }
0x10f: {  	v2 =	vmul.f32 v2, v3;
	_ =	sdelay $0x1  }
0x110: {  	[tilespmem:s24+$0x30] =	vst v2  }
0x111: {  	v2 =	vld [tilespmem:s25+$0x80]  }
0x112: {  	v3 =	vld [tilespmem:s26+$0x7C80]  }
0x113: {  	v53 =	vld [tilespmem:s25+$0x90]  }
0x114: {  	v54 =	vld [tilespmem:s26+$0x7C90]  }
0x115: {  	v55 =	vld [tilespmem:s25+$0xA0]  }
0x116: {  	v56 =	vld [tilespmem:s26+$0x7CA0]  }
0x117: {  	v57 =	vld [tilespmem:s25+$0xB0]  }
0x118: {  	v58 =	vld [tilespmem:s26+$0x7CB0];
	_ =	sdelay $0x1  }
0x119: {  	v2 =	vmul.f32 v3, v2  }
0x11a: {  	v3 =	vmul.f32 v54, v53  }
0x11b: {  	(xrf2) =	vadd.scan.msk.f32 $0xffff, v2;
	v2 =	vmul.f32 v56, v55  }
0x11c: {  	(xrf2) =	vadd.scan.msk.f32 $0xffff, v3;
	v3 =	vmul.f32 v58, v57  }
0x11d: {  	(xrf2) =	vadd.scan.msk.f32 $0xffff, v2  }
0x11e: {  	(xrf2) =	vadd.scan.msk.f32 $0xffff, v3;
	_ =	sdelay $0x6  }
0x11f: {  	v2, _, _ =	vpop (xrf2)  }
0x120: {  	v3, _, _ =	vpop (xrf2)  }
0x121: {  	v2 =	vbroadcast v2, $0xF;
	v59, _, _ =	vpop (xrf2);
	v3 =	vbroadcast v3, $0xF  }
0x122: {  	v60, _, _ =	vpop (xrf2);
	v4 =	vbroadcast v59, $0xF  }
0x123: {  	v2 =	vsel vm0, v2, v3;
	v3 =	vbroadcast v60, $0xF  }
0x124: {  	v2 =	vsel vm1, v2, v4  }
0x125: {  	v2 =	vsel vm2, v2, v3  }
0x126: {  	v2 =	vmax.f32 v2, $-5.000000000e+00  }
0x127: {  	v2 =	vmin.f32 v2, $5.000000000e+00  }
0x128: {  	v2 =	vmul.f32 $1.442695020e+00, v2;
	_ =	sdelay $0x1  }
0x129: {  	(erf) = vpow2.f32 v2;
	_ =	sdelay $0x8  }
0x12a: {  	v2 =	vpop (erf)  }
0x12b: {  	[tilespmem:s24+$0x90] =	vst v2  }
0x12c: {  	v3 =	vld [tilespmem:s25+$0xC0];
	_ =	sdelay $0x2  }
0x12d: {  	v61 =	vbroadcast v2, $0x0;
	_ =	sdelay $0x1  }
0x12e: {  	v3 =	vmul.f32 v61, v3;
	_ =	sdelay $0x1  }
0x12f: {  	[tilespmem:s24+$0x50] =	vst v3  }
0x130: {  	v3 =	vld [tilespmem:s25+$0xD0];
	_ =	sdelay $0x2  }
0x131: {  	v62 =	vbroadcast v2, $0x4;
	_ =	sdelay $0x1  }
0x132: {  	v3 =	vmul.f32 v62, v3;
	_ =	sdelay $0x1  }
0x133: {  	[tilespmem:s24+$0x60] =	vst v3  }
0x134: {  	v3 =	vld [tilespmem:s25+$0xE0];
	_ =	sdelay $0x2  }
0x135: {  	v63 =	vbroadcast v2, $0x8;
	_ =	sdelay $0x1  }
0x136: {  	v3 =	vmul.f32 v63, v3;
	_ =	sdelay $0x1  }
0x137: {  	[tilespmem:s24+$0x70] =	vst v3  }
0x138: {  	v3 =	vld [tilespmem:s25+$0xF0];
	_ =	sdelay $0x1  }
0x139: {  	p0 =	sne.s32 s16, $0x4FC0  }
.Ltmp1:
0x13a: {  	v2 =	vbroadcast v2, $0xC;
	(pc) =	sbr.rel @p0 .LBB2_5-.Ltmp1, $3  }
0x13b: {  	_ = 	snop  }
0x13c: {  	v2 =	vmul.f32 v2, v3;
	_ =	sdelay $0x1  }
0x13d: {  	s16 =	sadd.s32 $0x400, s16;
	s25 =	sadd.s32 $0x200, s25;
	[tilespmem:s24+$0x80] =	vst v2;
	s24 =	sadd.s32 $0x140, s24  }
0x13e: {  	[spmem:s2] =	stream.indirect.scatter.add.f32 [tilespmem:s19], [sflag:$0x4], $0x50, s18, s3, $0xb8;
	[tilespmem:$0x1E4B0] =	vst v63  }
0x13f: {  	p0 =	seq.s32 s15, $0x0;
	s16 =	smul.u32 $0xF0, s15  }
0x140: {  	s24 =	simm.s32 @!p0 $0x6  }
0x141: {  	_ =	swait.ge @!p0 [sflag:s24], $0x1900;
	s25 =	sadd.s32 s16, s21  }
0x142: {  	[sflag:s24] =	ssyncset.done @!p0 $0x0;
	s25 =	sshrl.u32 s25, $0x3  }
0x143: {  	s28 =	simm.s32 $0x140;
	[sflag:s24] =	ssyncadd.s32 @!p0 $0xFFFFE700;
	s26 =	sadd.s32 s6, s25  }
0x144: {  	[tilespmem:s28], [sflag:$0x7] =	stream.strided.gather [hbm4b:s26+s3], $0xA0, s8, s3, $0x38;
	[tilespmem:$0x1E4B0] =	vst v63  }
0x145: {  	_ =	swait.ge [sflag:s0], $0xA0  }
0x146: {  	[sflag:s0] =	ssyncset.done $0x0  }
0x147: {  	[sflag:s0] =	ssyncadd.s32 $0xFFFFFF60  }
0x148: {  	v2 =	vld [tilespmem:$0x140]  }
0x149: {  	v3 =	vld [tilespmem:$0x190]  }
0x14a: {  	v5 =	vld [tilespmem:$0x1A0];
	_ =	sdelay $0x1  }
0x14b: {  	v4 =	vld [tilespmem:$0x150]  }
0x14c: {  	v63 =	vld [tilespmem:$0x1D0]  }
0x14d: {  	[tilespmem:$0x280] =	vst v3  }
0x14e: {  	v6 =	vld [tilespmem:$0x160];
	v2 =	vadd.s32 v0, v2;
	[tilespmem:$0x290] =	vst v5  }
0x14f: {  	[tilespmem:$0x370] =	vst v2;
	v2 =	vadd.s32 v0, v3  }
0x150: {  	[tilespmem:$0x460] =	vst v2;
	v2 =	vld [tilespmem:$0x1B0]  }
0x151: {  	v59 =	vld [tilespmem:$0x170];
	[tilespmem:$0x2C0] =	vst v63;
	v3 =	vadd.s32 v0, v4  }
0x152: {  	[tilespmem:$0x380] =	vst v3;
	v3 =	vadd.s32 v0, v5  }
0x153: {  	v60 =	vadd.s32 v0, v6;
	[tilespmem:$0x470] =	vst v3;
	v3 =	vld [tilespmem:$0x1C0]  }
0x154: {  	v62 =	vld [tilespmem:$0x180];
	[tilespmem:$0x390] =	vst v60  }
0x155: {  	v61 =	vadd.s32 v0, v2;
	[tilespmem:$0x2A0] =	vst v2  }
0x156: {  	v2 =	vadd.s32 v0, v59;
	[tilespmem:$0x480] =	vst v61  }
0x157: {  	[tilespmem:$0x3A0] =	vst v2  }
0x158: {  	v2 =	vadd.s32 v0, v3;
	[tilespmem:$0x2B0] =	vst v3  }
0x159: {  	[tilespmem:$0x490] =	vst v2;
	v2 =	vadd.s32 v0, v62  }
0x15a: {  	[tilespmem:$0x3B0] =	vst v2;
	v2 =	vadd.s32 v0, v63  }
0x15b: {  	s25 =	simm.s32 $0x370;
	s26 =	simm.s32 $0x54B0;
	[tilespmem:$0x4A0] =	vst v2  }
0x15c: {  	[tilespmem:s26], [sflag:$0x3] =	stream.indirect.gather [hbm4b:s5+s3], $0x80, s25, s3, $0xb8;
	[tilespmem:$0x1E4B0] =	vst v63  }
0x15d: {  	s28 =	simm.s32 $0x460  }
0x15e: {  	[tilespmem:s29], [sflag:$0x3] =	stream.indirect.gather [hbm4b:s1+s3], $0x40, s28, s3, $0xb8;
	[tilespmem:$0x1E4B0] =	vst v63  }
0x15f: {  	_ =	swait.ge [sflag:s30], $0x2800  }
0x160: {  	[sflag:s30] =	ssyncset.done $0x0  }
0x161: {  	[sflag:s30] =	ssyncadd.s32 $0xFFFFD800  }
0x162: {  	_ =	swait.ge [sflag:s30], $0x1400  }
0x163: {  	s24 =	simm.s32 $0x3C0;
	[sflag:s30] =	ssyncset.done $0x0  }
0x164: {  	s25 =	simm.s32 $0xD250;
	s26 =	simm.s32 $0x2DB0;
	[sflag:s30] =	ssyncadd.s32 $0xFFFFEC00  }
.LBB2_7:
0x165: {  	v2 =	vld [tilespmem:s26+$0xFFFFFF00]  }
0x166: {  	v4 =	vld [tilespmem:s26+$0xFFFFFF10]  }
0x167: {  	v6 =	vld [tilespmem:s26+$0xFFFFFF20]  }
0x168: {  	s28 =	sshra.s32 s24, $0x2;
	v8 =	vld [tilespmem:s26+$0xFFFFFF30]  }
0x169: {  	v3 =	vld [tilespmem:s28+$0x8FC0]  }
0x16a: {  	v5 =	vld [tilespmem:s28+$0x8FD0]  }
0x16b: {  	v7 =	vld [tilespmem:s28+$0x8FE0]  }
0x16c: {  	v9 =	vld [tilespmem:s28+$0x8FF0];
	_ =	sdelay $0x1  }
0x16d: {  	v2 =	vmul.f32 v3, v2  }
0x16e: {  	v3 =	vmul.f32 v5, v4  }
0x16f: {  	(xrf2) =	vadd.scan.msk.f32 $0xffff, v2;
	v2 =	vmul.f32 v7, v6  }
0x170: {  	(xrf2) =	vadd.scan.msk.f32 $0xffff, v3;
	v3 =	vmul.f32 v9, v8  }
0x171: {  	(xrf2) =	vadd.scan.msk.f32 $0xffff, v2  }
0x172: {  	(xrf2) =	vadd.scan.msk.f32 $0xffff, v3;
	_ =	sdelay $0x6  }
0x173: {  	v2, _, _ =	vpop (xrf2)  }
0x174: {  	v3, _, _ =	vpop (xrf2)  }
0x175: {  	v2 =	vbroadcast v2, $0xF;
	v26, _, _ =	vpop (xrf2);
	v3 =	vbroadcast v3, $0xF  }
0x176: {  	v27, _, _ =	vpop (xrf2);
	v4 =	vbroadcast v26, $0xF  }
0x177: {  	v2 =	vsel vm0, v2, v3;
	v3 =	vbroadcast v27, $0xF  }
0x178: {  	v2 =	vsel vm1, v2, v4  }
0x179: {  	v2 =	vsel vm2, v2, v3  }
0x17a: {  	v2 =	vmax.f32 v2, $-5.000000000e+00  }
0x17b: {  	v2 =	vmin.f32 v2, $5.000000000e+00  }
0x17c: {  	v2 =	vmul.f32 $1.442695020e+00, v2;
	_ =	sdelay $0x1  }
0x17d: {  	(erf) = vpow2.f32 v2;
	_ =	sdelay $0x8  }
0x17e: {  	v2 =	vpop (erf)  }
0x17f: {  	[tilespmem:s25+$0xFFFFFFA0] =	vst v2  }
0x180: {  	v3 =	vld [tilespmem:s26+$0xFFFFFF40];
	_ =	sdelay $0x2  }
0x181: {  	v28 =	vbroadcast v2, $0x0;
	_ =	sdelay $0x1  }
0x182: {  	v3 =	vmul.f32 v28, v3;
	_ =	sdelay $0x1  }
0x183: {  	[tilespmem:s25+$0xFFFFFF60] =	vst v3  }
0x184: {  	v3 =	vld [tilespmem:s26+$0xFFFFFF50];
	_ =	sdelay $0x2  }
0x185: {  	v29 =	vbroadcast v2, $0x4;
	_ =	sdelay $0x1  }
0x186: {  	v3 =	vmul.f32 v29, v3;
	_ =	sdelay $0x1  }
0x187: {  	[tilespmem:s25+$0xFFFFFF70] =	vst v3  }
0x188: {  	v3 =	vld [tilespmem:s26+$0xFFFFFF60];
	_ =	sdelay $0x2  }
0x189: {  	v30 =	vbroadcast v2, $0x8;
	_ =	sdelay $0x1  }
0x18a: {  	v3 =	vmul.f32 v30, v3;
	_ =	sdelay $0x1  }
0x18b: {  	[tilespmem:s25+$0xFFFFFF80] =	vst v3  }
0x18c: {  	v3 =	vld [tilespmem:s26+$0xFFFFFF70];
	_ =	sdelay $0x2  }
0x18d: {  	v2 =	vbroadcast v2, $0xC;
	_ =	sdelay $0x1  }
0x18e: {  	v2 =	vmul.f32 v2, v3;
	_ =	sdelay $0x1  }
0x18f: {  	[tilespmem:s25+$0xFFFFFF90] =	vst v2  }
0x190: {  	v2 =	vld [tilespmem:s26+$0xFFFFFF80]  }
0x191: {  	v3 =	vld [tilespmem:s28+$0x9000]  }
0x192: {  	v31 =	vld [tilespmem:s26+$0xFFFFFF90]  }
0x193: {  	v32 =	vld [tilespmem:s28+$0x9010]  }
0x194: {  	v33 =	vld [tilespmem:s26+$0xFFFFFFA0]  }
0x195: {  	v34 =	vld [tilespmem:s28+$0x9020]  }
0x196: {  	v35 =	vld [tilespmem:s26+$0xFFFFFFB0]  }
0x197: {  	v36 =	vld [tilespmem:s28+$0x9030];
	_ =	sdelay $0x1  }
0x198: {  	v2 =	vmul.f32 v3, v2  }
0x199: {  	v3 =	vmul.f32 v32, v31  }
0x19a: {  	(xrf2) =	vadd.scan.msk.f32 $0xffff, v2;
	v2 =	vmul.f32 v34, v33  }
0x19b: {  	(xrf2) =	vadd.scan.msk.f32 $0xffff, v3;
	v3 =	vmul.f32 v36, v35  }
0x19c: {  	(xrf2) =	vadd.scan.msk.f32 $0xffff, v2  }
0x19d: {  	(xrf2) =	vadd.scan.msk.f32 $0xffff, v3;
	_ =	sdelay $0x6  }
0x19e: {  	v2, _, _ =	vpop (xrf2)  }
0x19f: {  	v3, _, _ =	vpop (xrf2)  }
0x1a0: {  	v2 =	vbroadcast v2, $0xF;
	v37, _, _ =	vpop (xrf2);
	v3 =	vbroadcast v3, $0xF  }
0x1a1: {  	v38, _, _ =	vpop (xrf2);
	v4 =	vbroadcast v37, $0xF  }
0x1a2: {  	v2 =	vsel vm0, v2, v3;
	v3 =	vbroadcast v38, $0xF  }
0x1a3: {  	v2 =	vsel vm1, v2, v4  }
0x1a4: {  	v2 =	vsel vm2, v2, v3  }
0x1a5: {  	v2 =	vmax.f32 v2, $-5.000000000e+00  }
0x1a6: {  	v2 =	vmin.f32 v2, $5.000000000e+00  }
0x1a7: {  	v2 =	vmul.f32 $1.442695020e+00, v2;
	_ =	sdelay $0x1  }
0x1a8: {  	(erf) = vpow2.f32 v2;
	_ =	sdelay $0x8  }
0x1a9: {  	v2 =	vpop (erf)  }
0x1aa: {  	[tilespmem:s25+$0xFFFFFFF0] =	vst v2  }
0x1ab: {  	v3 =	vld [tilespmem:s26+$0xFFFFFFC0];
	_ =	sdelay $0x2  }
0x1ac: {  	v39 =	vbroadcast v2, $0x0;
	_ =	sdelay $0x1  }
0x1ad: {  	v3 =	vmul.f32 v39, v3;
	_ =	sdelay $0x1  }
0x1ae: {  	[tilespmem:s25+$0xFFFFFFB0] =	vst v3  }
0x1af: {  	v3 =	vld [tilespmem:s26+$0xFFFFFFD0];
	_ =	sdelay $0x2  }
0x1b0: {  	v40 =	vbroadcast v2, $0x4;
	_ =	sdelay $0x1  }
0x1b1: {  	v3 =	vmul.f32 v40, v3;
	_ =	sdelay $0x1  }
0x1b2: {  	[tilespmem:s25+$0xFFFFFFC0] =	vst v3  }
0x1b3: {  	v3 =	vld [tilespmem:s26+$0xFFFFFFE0];
	_ =	sdelay $0x2  }
0x1b4: {  	v41 =	vbroadcast v2, $0x8;
	_ =	sdelay $0x1  }
0x1b5: {  	v3 =	vmul.f32 v41, v3;
	_ =	sdelay $0x1  }
0x1b6: {  	[tilespmem:s25+$0xFFFFFFD0] =	vst v3  }
0x1b7: {  	v3 =	vld [tilespmem:s26+$0xFFFFFFF0];
	_ =	sdelay $0x2  }
0x1b8: {  	v2 =	vbroadcast v2, $0xC;
	_ =	sdelay $0x1  }
0x1b9: {  	v2 =	vmul.f32 v2, v3;
	_ =	sdelay $0x1  }
0x1ba: {  	[tilespmem:s25+$0xFFFFFFE0] =	vst v2  }
0x1bb: {  	v2 =	vld [tilespmem:s26+$0x0]  }
0x1bc: {  	v3 =	vld [tilespmem:s28+$0x9040]  }
0x1bd: {  	v42 =	vld [tilespmem:s26+$0x10]  }
0x1be: {  	v43 =	vld [tilespmem:s28+$0x9050]  }
0x1bf: {  	v44 =	vld [tilespmem:s26+$0x20]  }
0x1c0: {  	v45 =	vld [tilespmem:s28+$0x9060]  }
0x1c1: {  	v46 =	vld [tilespmem:s26+$0x30]  }
0x1c2: {  	v47 =	vld [tilespmem:s28+$0x9070];
	_ =	sdelay $0x1  }
0x1c3: {  	v2 =	vmul.f32 v3, v2  }
0x1c4: {  	v3 =	vmul.f32 v43, v42  }
0x1c5: {  	(xrf2) =	vadd.scan.msk.f32 $0xffff, v2;
	v2 =	vmul.f32 v45, v44  }
0x1c6: {  	(xrf2) =	vadd.scan.msk.f32 $0xffff, v3;
	v3 =	vmul.f32 v47, v46  }
0x1c7: {  	(xrf2) =	vadd.scan.msk.f32 $0xffff, v2  }
0x1c8: {  	(xrf2) =	vadd.scan.msk.f32 $0xffff, v3;
	_ =	sdelay $0x6  }
0x1c9: {  	v2, _, _ =	vpop (xrf2)  }
0x1ca: {  	v3, _, _ =	vpop (xrf2)  }
0x1cb: {  	v2 =	vbroadcast v2, $0xF;
	v48, _, _ =	vpop (xrf2);
	v3 =	vbroadcast v3, $0xF  }
0x1cc: {  	v49, _, _ =	vpop (xrf2);
	v4 =	vbroadcast v48, $0xF  }
0x1cd: {  	v2 =	vsel vm0, v2, v3;
	v3 =	vbroadcast v49, $0xF  }
0x1ce: {  	v2 =	vsel vm1, v2, v4  }
0x1cf: {  	v2 =	vsel vm2, v2, v3  }
0x1d0: {  	v2 =	vmax.f32 v2, $-5.000000000e+00  }
0x1d1: {  	v2 =	vmin.f32 v2, $5.000000000e+00  }
0x1d2: {  	v2 =	vmul.f32 $1.442695020e+00, v2;
	_ =	sdelay $0x1  }
0x1d3: {  	(erf) = vpow2.f32 v2;
	_ =	sdelay $0x8  }
0x1d4: {  	v2 =	vpop (erf)  }
0x1d5: {  	[tilespmem:s25+$0x40] =	vst v2  }
0x1d6: {  	v3 =	vld [tilespmem:s26+$0x40];
	_ =	sdelay $0x2  }
0x1d7: {  	v50 =	vbroadcast v2, $0x0;
	_ =	sdelay $0x1  }
0x1d8: {  	v3 =	vmul.f32 v50, v3;
	_ =	sdelay $0x1  }
0x1d9: {  	[tilespmem:s25+$0x0] =	vst v3  }
0x1da: {  	v3 =	vld [tilespmem:s26+$0x50];
	_ =	sdelay $0x2  }
0x1db: {  	v51 =	vbroadcast v2, $0x4;
	_ =	sdelay $0x1  }
0x1dc: {  	v3 =	vmul.f32 v51, v3;
	_ =	sdelay $0x1  }
0x1dd: {  	[tilespmem:s25+$0x10] =	vst v3  }
0x1de: {  	v3 =	vld [tilespmem:s26+$0x60];
	_ =	sdelay $0x2  }
0x1df: {  	v52 =	vbroadcast v2, $0x8;
	_ =	sdelay $0x1  }
0x1e0: {  	v3 =	vmul.f32 v52, v3;
	_ =	sdelay $0x1  }
0x1e1: {  	[tilespmem:s25+$0x20] =	vst v3  }
0x1e2: {  	v3 =	vld [tilespmem:s26+$0x70];
	_ =	sdelay $0x2  }
0x1e3: {  	v2 =	vbroadcast v2, $0xC;
	_ =	sdelay $0x1  }
0x1e4: {  	v2 =	vmul.f32 v2, v3;
	_ =	sdelay $0x1  }
0x1e5: {  	[tilespmem:s25+$0x30] =	vst v2  }
0x1e6: {  	v2 =	vld [tilespmem:s26+$0x80]  }
0x1e7: {  	v3 =	vld [tilespmem:s28+$0x9080]  }
0x1e8: {  	v53 =	vld [tilespmem:s26+$0x90]  }
0x1e9: {  	v54 =	vld [tilespmem:s28+$0x9090]  }
0x1ea: {  	v55 =	vld [tilespmem:s26+$0xA0]  }
0x1eb: {  	v56 =	vld [tilespmem:s28+$0x90A0]  }
0x1ec: {  	v57 =	vld [tilespmem:s26+$0xB0]  }
0x1ed: {  	v58 =	vld [tilespmem:s28+$0x90B0];
	_ =	sdelay $0x1  }
0x1ee: {  	v2 =	vmul.f32 v3, v2  }
0x1ef: {  	v3 =	vmul.f32 v54, v53  }
0x1f0: {  	(xrf2) =	vadd.scan.msk.f32 $0xffff, v2;
	v2 =	vmul.f32 v56, v55  }
0x1f1: {  	(xrf2) =	vadd.scan.msk.f32 $0xffff, v3;
	v3 =	vmul.f32 v58, v57  }
0x1f2: {  	(xrf2) =	vadd.scan.msk.f32 $0xffff, v2  }
0x1f3: {  	(xrf2) =	vadd.scan.msk.f32 $0xffff, v3;
	_ =	sdelay $0x6  }
0x1f4: {  	v2, _, _ =	vpop (xrf2)  }
0x1f5: {  	v3, _, _ =	vpop (xrf2)  }
0x1f6: {  	v2 =	vbroadcast v2, $0xF;
	v59, _, _ =	vpop (xrf2);
	v3 =	vbroadcast v3, $0xF  }
0x1f7: {  	v60, _, _ =	vpop (xrf2);
	v4 =	vbroadcast v59, $0xF  }
0x1f8: {  	v2 =	vsel vm0, v2, v3;
	v3 =	vbroadcast v60, $0xF  }
0x1f9: {  	v2 =	vsel vm1, v2, v4  }
0x1fa: {  	v2 =	vsel vm2, v2, v3  }
0x1fb: {  	v2 =	vmax.f32 v2, $-5.000000000e+00  }
0x1fc: {  	v2 =	vmin.f32 v2, $5.000000000e+00  }
0x1fd: {  	v2 =	vmul.f32 $1.442695020e+00, v2;
	_ =	sdelay $0x1  }
0x1fe: {  	(erf) = vpow2.f32 v2;
	_ =	sdelay $0x8  }
0x1ff: {  	v2 =	vpop (erf)  }
0x200: {  	[tilespmem:s25+$0x90] =	vst v2  }
0x201: {  	v3 =	vld [tilespmem:s26+$0xC0];
	_ =	sdelay $0x2  }
0x202: {  	v61 =	vbroadcast v2, $0x0;
	_ =	sdelay $0x1  }
0x203: {  	v3 =	vmul.f32 v61, v3;
	_ =	sdelay $0x1  }
0x204: {  	[tilespmem:s25+$0x50] =	vst v3  }
0x205: {  	v3 =	vld [tilespmem:s26+$0xD0];
	_ =	sdelay $0x2  }
0x206: {  	v62 =	vbroadcast v2, $0x4;
	_ =	sdelay $0x1  }
0x207: {  	v3 =	vmul.f32 v62, v3;
	_ =	sdelay $0x1  }
0x208: {  	[tilespmem:s25+$0x60] =	vst v3  }
0x209: {  	v3 =	vld [tilespmem:s26+$0xE0];
	_ =	sdelay $0x2  }
0x20a: {  	v63 =	vbroadcast v2, $0x8;
	_ =	sdelay $0x1  }
0x20b: {  	v3 =	vmul.f32 v63, v3;
	_ =	sdelay $0x1  }
0x20c: {  	[tilespmem:s25+$0x70] =	vst v3  }
0x20d: {  	v3 =	vld [tilespmem:s26+$0xF0];
	_ =	sdelay $0x1  }
0x20e: {  	p0 =	sne.s32 s24, $0x4FC0  }
.Ltmp2:
0x20f: {  	v2 =	vbroadcast v2, $0xC;
	(pc) =	sbr.rel @p0 .LBB2_7-.Ltmp2, $3  }
0x210: {  	_ = 	snop  }
0x211: {  	v2 =	vmul.f32 v2, v3;
	_ =	sdelay $0x1  }
0x212: {  	s24 =	sadd.s32 $0x400, s24;
	s26 =	sadd.s32 $0x200, s26;
	[tilespmem:s25+$0x80] =	vst v2;
	s25 =	sadd.s32 $0x140, s25  }
0x213: {  	[spmem:s2] =	stream.indirect.scatter.add.f32 [tilespmem:s7], [sflag:$0x5], $0x50, s20, s3, $0xb8;
	[tilespmem:$0x1E4B0] =	vst v63  }
0x214: {  	s24 =	sadd.s32 s16, s22;
	_ =	swait.ge [sflag:s31], $0x1900  }
0x215: {  	s24 =	sshrl.u32 s24, $0x3;
	[sflag:s31] =	ssyncset.done $0x0  }
0x216: {  	s25 =	simm.s32 $0x0;
	s24 =	sadd.s32 s6, s24;
	[sflag:s31] =	ssyncadd.s32 $0xFFFFE700  }
0x217: {  	[tilespmem:s25], [sflag:$0x7] =	stream.strided.gather [hbm4b:s24+s3], $0xA0, s8, s3, $0x38;
	[tilespmem:$0x1E4B0] =	vst v63  }
0x218: {  	_ =	swait.ge [sflag:s0], $0xA0  }
0x219: {  	[sflag:s0] =	ssyncset.done $0x0  }
0x21a: {  	[sflag:s0] =	ssyncadd.s32 $0xFFFFFF60  }
0x21b: {  	v2 =	vld [tilespmem:$0x0]  }
0x21c: {  	v3 =	vld [tilespmem:$0x50]  }
0x21d: {  	v5 =	vld [tilespmem:$0x60];
	_ =	sdelay $0x1  }
0x21e: {  	v4 =	vld [tilespmem:$0x10]  }
0x21f: {  	v63 =	vld [tilespmem:$0x90]  }
0x220: {  	[tilespmem:$0x1E0] =	vst v3  }
0x221: {  	v6 =	vld [tilespmem:$0x20];
	v2 =	vadd.s32 v0, v2;
	[tilespmem:$0x1F0] =	vst v5  }
0x222: {  	[tilespmem:$0x2D0] =	vst v2;
	v2 =	vadd.s32 v0, v3  }
0x223: {  	[tilespmem:$0x3C0] =	vst v2;
	v2 =	vld [tilespmem:$0x70]  }
0x224: {  	v59 =	vld [tilespmem:$0x30];
	[tilespmem:$0x220] =	vst v63;
	v3 =	vadd.s32 v0, v4  }
0x225: {  	[tilespmem:$0x2E0] =	vst v3;
	v3 =	vadd.s32 v0, v5  }
0x226: {  	v60 =	vadd.s32 v0, v6;
	[tilespmem:$0x3D0] =	vst v3;
	v3 =	vld [tilespmem:$0x80]  }
0x227: {  	v62 =	vld [tilespmem:$0x40];
	[tilespmem:$0x2F0] =	vst v60  }
0x228: {  	v61 =	vadd.s32 v0, v2;
	[tilespmem:$0x200] =	vst v2  }
0x229: {  	v2 =	vadd.s32 v0, v59;
	[tilespmem:$0x3E0] =	vst v61  }
0x22a: {  	[tilespmem:$0x300] =	vst v2  }
0x22b: {  	v2 =	vadd.s32 v0, v3;
	[tilespmem:$0x210] =	vst v3  }
0x22c: {  	[tilespmem:$0x3F0] =	vst v2;
	v2 =	vadd.s32 v0, v62  }
0x22d: {  	[tilespmem:$0x310] =	vst v2;
	v2 =	vadd.s32 v0, v63  }
0x22e: {  	[tilespmem:$0x400] =	vst v2  }
0x22f: {  	[tilespmem:s10], [sflag:$0x1] =	stream.indirect.gather [hbm4b:s5+s3], $0x80, s9, s3, $0xb8;
	[tilespmem:$0x1E4B0] =	vst v63  }
0x230: {  	s24 =	simm.s32 $0x3C0  }
0x231: {  	[tilespmem:s11], [sflag:$0x1] =	stream.indirect.gather [hbm4b:s1+s3], $0x40, s24, s3, $0xb8;
	[tilespmem:$0x1E4B0] =	vst v63  }
0x232: {  	_ =	swait.ge [sflag:s4], $0x2800  }
0x233: {  	[sflag:s4] =	ssyncset.done $0x0  }
0x234: {  	[sflag:s4] =	ssyncadd.s32 $0xFFFFD800  }
0x235: {  	_ =	swait.ge [sflag:s4], $0x1400  }
0x236: {  	[sflag:s4] =	ssyncset.done $0x0  }
0x237: {  	s26 =	simm.s32 $0x55B0;
	s25 =	simm.s32 $0xEB50;
	[sflag:s4] =	ssyncadd.s32 $0xFFFFEC00  }
.LBB2_9:
0x238: {  	v2 =	vld [tilespmem:s26+$0xFFFFFF00]  }
0x239: {  	v4 =	vld [tilespmem:s26+$0xFFFFFF10]  }
0x23a: {  	v6 =	vld [tilespmem:s26+$0xFFFFFF20]  }
0x23b: {  	s28 =	sshra.s32 s24, $0x2;
	v8 =	vld [tilespmem:s26+$0xFFFFFF30]  }
0x23c: {  	v3 =	vld [tilespmem:s28+$0xA3C0]  }
0x23d: {  	v5 =	vld [tilespmem:s28+$0xA3D0]  }
0x23e: {  	v7 =	vld [tilespmem:s28+$0xA3E0]  }
0x23f: {  	v9 =	vld [tilespmem:s28+$0xA3F0];
	_ =	sdelay $0x1  }
0x240: {  	v2 =	vmul.f32 v3, v2  }
0x241: {  	v3 =	vmul.f32 v5, v4  }
0x242: {  	(xrf2) =	vadd.scan.msk.f32 $0xffff, v2;
	v2 =	vmul.f32 v7, v6  }
0x243: {  	(xrf2) =	vadd.scan.msk.f32 $0xffff, v3;
	v3 =	vmul.f32 v9, v8  }
0x244: {  	(xrf2) =	vadd.scan.msk.f32 $0xffff, v2  }
0x245: {  	(xrf2) =	vadd.scan.msk.f32 $0xffff, v3;
	_ =	sdelay $0x6  }
0x246: {  	v2, _, _ =	vpop (xrf2)  }
0x247: {  	v3, _, _ =	vpop (xrf2)  }
0x248: {  	v2 =	vbroadcast v2, $0xF;
	v26, _, _ =	vpop (xrf2);
	v3 =	vbroadcast v3, $0xF  }
0x249: {  	v27, _, _ =	vpop (xrf2);
	v4 =	vbroadcast v26, $0xF  }
0x24a: {  	v2 =	vsel vm0, v2, v3;
	v3 =	vbroadcast v27, $0xF  }
0x24b: {  	v2 =	vsel vm1, v2, v4  }
0x24c: {  	v2 =	vsel vm2, v2, v3  }
0x24d: {  	v2 =	vmax.f32 v2, $-5.000000000e+00  }
0x24e: {  	v2 =	vmin.f32 v2, $5.000000000e+00  }
0x24f: {  	v2 =	vmul.f32 $1.442695020e+00, v2;
	_ =	sdelay $0x1  }
0x250: {  	(erf) = vpow2.f32 v2;
	_ =	sdelay $0x8  }
0x251: {  	v2 =	vpop (erf)  }
0x252: {  	[tilespmem:s25+$0xFFFFFFA0] =	vst v2  }
0x253: {  	v3 =	vld [tilespmem:s26+$0xFFFFFF40];
	_ =	sdelay $0x2  }
0x254: {  	v28 =	vbroadcast v2, $0x0;
	_ =	sdelay $0x1  }
0x255: {  	v3 =	vmul.f32 v28, v3;
	_ =	sdelay $0x1  }
0x256: {  	[tilespmem:s25+$0xFFFFFF60] =	vst v3  }
0x257: {  	v3 =	vld [tilespmem:s26+$0xFFFFFF50];
	_ =	sdelay $0x2  }
0x258: {  	v29 =	vbroadcast v2, $0x4;
	_ =	sdelay $0x1  }
0x259: {  	v3 =	vmul.f32 v29, v3;
	_ =	sdelay $0x1  }
0x25a: {  	[tilespmem:s25+$0xFFFFFF70] =	vst v3  }
0x25b: {  	v3 =	vld [tilespmem:s26+$0xFFFFFF60];
	_ =	sdelay $0x2  }
0x25c: {  	v30 =	vbroadcast v2, $0x8;
	_ =	sdelay $0x1  }
0x25d: {  	v3 =	vmul.f32 v30, v3;
	_ =	sdelay $0x1  }
0x25e: {  	[tilespmem:s25+$0xFFFFFF80] =	vst v3  }
0x25f: {  	v3 =	vld [tilespmem:s26+$0xFFFFFF70];
	_ =	sdelay $0x2  }
0x260: {  	v2 =	vbroadcast v2, $0xC;
	_ =	sdelay $0x1  }
0x261: {  	v2 =	vmul.f32 v2, v3;
	_ =	sdelay $0x1  }
0x262: {  	[tilespmem:s25+$0xFFFFFF90] =	vst v2  }
0x263: {  	v2 =	vld [tilespmem:s26+$0xFFFFFF80]  }
0x264: {  	v3 =	vld [tilespmem:s28+$0xA400]  }
0x265: {  	v31 =	vld [tilespmem:s26+$0xFFFFFF90]  }
0x266: {  	v32 =	vld [tilespmem:s28+$0xA410]  }
0x267: {  	v33 =	vld [tilespmem:s26+$0xFFFFFFA0]  }
0x268: {  	v34 =	vld [tilespmem:s28+$0xA420]  }
0x269: {  	v35 =	vld [tilespmem:s26+$0xFFFFFFB0]  }
0x26a: {  	v36 =	vld [tilespmem:s28+$0xA430];
	_ =	sdelay $0x1  }
0x26b: {  	v2 =	vmul.f32 v3, v2  }
0x26c: {  	v3 =	vmul.f32 v32, v31  }
0x26d: {  	(xrf2) =	vadd.scan.msk.f32 $0xffff, v2;
	v2 =	vmul.f32 v34, v33  }
0x26e: {  	(xrf2) =	vadd.scan.msk.f32 $0xffff, v3;
	v3 =	vmul.f32 v36, v35  }
0x26f: {  	(xrf2) =	vadd.scan.msk.f32 $0xffff, v2  }
0x270: {  	(xrf2) =	vadd.scan.msk.f32 $0xffff, v3;
	_ =	sdelay $0x6  }
0x271: {  	v2, _, _ =	vpop (xrf2)  }
0x272: {  	v3, _, _ =	vpop (xrf2)  }
0x273: {  	v2 =	vbroadcast v2, $0xF;
	v37, _, _ =	vpop (xrf2);
	v3 =	vbroadcast v3, $0xF  }
0x274: {  	v38, _, _ =	vpop (xrf2);
	v4 =	vbroadcast v37, $0xF  }
0x275: {  	v2 =	vsel vm0, v2, v3;
	v3 =	vbroadcast v38, $0xF  }
0x276: {  	v2 =	vsel vm1, v2, v4  }
0x277: {  	v2 =	vsel vm2, v2, v3  }
0x278: {  	v2 =	vmax.f32 v2, $-5.000000000e+00  }
0x279: {  	v2 =	vmin.f32 v2, $5.000000000e+00  }
0x27a: {  	v2 =	vmul.f32 $1.442695020e+00, v2;
	_ =	sdelay $0x1  }
0x27b: {  	(erf) = vpow2.f32 v2;
	_ =	sdelay $0x8  }
0x27c: {  	v2 =	vpop (erf)  }
0x27d: {  	[tilespmem:s25+$0xFFFFFFF0] =	vst v2  }
0x27e: {  	v3 =	vld [tilespmem:s26+$0xFFFFFFC0];
	_ =	sdelay $0x2  }
0x27f: {  	v39 =	vbroadcast v2, $0x0;
	_ =	sdelay $0x1  }
0x280: {  	v3 =	vmul.f32 v39, v3;
	_ =	sdelay $0x1  }
0x281: {  	[tilespmem:s25+$0xFFFFFFB0] =	vst v3  }
0x282: {  	v3 =	vld [tilespmem:s26+$0xFFFFFFD0];
	_ =	sdelay $0x2  }
0x283: {  	v40 =	vbroadcast v2, $0x4;
	_ =	sdelay $0x1  }
0x284: {  	v3 =	vmul.f32 v40, v3;
	_ =	sdelay $0x1  }
0x285: {  	[tilespmem:s25+$0xFFFFFFC0] =	vst v3  }
0x286: {  	v3 =	vld [tilespmem:s26+$0xFFFFFFE0];
	_ =	sdelay $0x2  }
0x287: {  	v41 =	vbroadcast v2, $0x8;
	_ =	sdelay $0x1  }
0x288: {  	v3 =	vmul.f32 v41, v3;
	_ =	sdelay $0x1  }
0x289: {  	[tilespmem:s25+$0xFFFFFFD0] =	vst v3  }
0x28a: {  	v3 =	vld [tilespmem:s26+$0xFFFFFFF0];
	_ =	sdelay $0x2  }
0x28b: {  	v2 =	vbroadcast v2, $0xC;
	_ =	sdelay $0x1  }
0x28c: {  	v2 =	vmul.f32 v2, v3;
	_ =	sdelay $0x1  }
0x28d: {  	[tilespmem:s25+$0xFFFFFFE0] =	vst v2  }
0x28e: {  	v2 =	vld [tilespmem:s26+$0x0]  }
0x28f: {  	v3 =	vld [tilespmem:s28+$0xA440]  }
0x290: {  	v42 =	vld [tilespmem:s26+$0x10]  }
0x291: {  	v43 =	vld [tilespmem:s28+$0xA450]  }
0x292: {  	v44 =	vld [tilespmem:s26+$0x20]  }
0x293: {  	v45 =	vld [tilespmem:s28+$0xA460]  }
0x294: {  	v46 =	vld [tilespmem:s26+$0x30]  }
0x295: {  	v47 =	vld [tilespmem:s28+$0xA470];
	_ =	sdelay $0x1  }
0x296: {  	v2 =	vmul.f32 v3, v2  }
0x297: {  	v3 =	vmul.f32 v43, v42  }
0x298: {  	(xrf2) =	vadd.scan.msk.f32 $0xffff, v2;
	v2 =	vmul.f32 v45, v44  }
0x299: {  	(xrf2) =	vadd.scan.msk.f32 $0xffff, v3;
	v3 =	vmul.f32 v47, v46  }
0x29a: {  	(xrf2) =	vadd.scan.msk.f32 $0xffff, v2  }
0x29b: {  	(xrf2) =	vadd.scan.msk.f32 $0xffff, v3;
	_ =	sdelay $0x6  }
0x29c: {  	v2, _, _ =	vpop (xrf2)  }
0x29d: {  	v3, _, _ =	vpop (xrf2)  }
0x29e: {  	v2 =	vbroadcast v2, $0xF;
	v48, _, _ =	vpop (xrf2);
	v3 =	vbroadcast v3, $0xF  }
0x29f: {  	v49, _, _ =	vpop (xrf2);
	v4 =	vbroadcast v48, $0xF  }
0x2a0: {  	v2 =	vsel vm0, v2, v3;
	v3 =	vbroadcast v49, $0xF  }
0x2a1: {  	v2 =	vsel vm1, v2, v4  }
0x2a2: {  	v2 =	vsel vm2, v2, v3  }
0x2a3: {  	v2 =	vmax.f32 v2, $-5.000000000e+00  }
0x2a4: {  	v2 =	vmin.f32 v2, $5.000000000e+00  }
0x2a5: {  	v2 =	vmul.f32 $1.442695020e+00, v2;
	_ =	sdelay $0x1  }
0x2a6: {  	(erf) = vpow2.f32 v2;
	_ =	sdelay $0x8  }
0x2a7: {  	v2 =	vpop (erf)  }
0x2a8: {  	[tilespmem:s25+$0x40] =	vst v2  }
0x2a9: {  	v3 =	vld [tilespmem:s26+$0x40];
	_ =	sdelay $0x2  }
0x2aa: {  	v50 =	vbroadcast v2, $0x0;
	_ =	sdelay $0x1  }
0x2ab: {  	v3 =	vmul.f32 v50, v3;
	_ =	sdelay $0x1  }
0x2ac: {  	[tilespmem:s25+$0x0] =	vst v3  }
0x2ad: {  	v3 =	vld [tilespmem:s26+$0x50];
	_ =	sdelay $0x2  }
0x2ae: {  	v51 =	vbroadcast v2, $0x4;
	_ =	sdelay $0x1  }
0x2af: {  	v3 =	vmul.f32 v51, v3;
	_ =	sdelay $0x1  }
0x2b0: {  	[tilespmem:s25+$0x10] =	vst v3  }
0x2b1: {  	v3 =	vld [tilespmem:s26+$0x60];
	_ =	sdelay $0x2  }
0x2b2: {  	v52 =	vbroadcast v2, $0x8;
	_ =	sdelay $0x1  }
0x2b3: {  	v3 =	vmul.f32 v52, v3;
	_ =	sdelay $0x1  }
0x2b4: {  	[tilespmem:s25+$0x20] =	vst v3  }
0x2b5: {  	v3 =	vld [tilespmem:s26+$0x70];
	_ =	sdelay $0x2  }
0x2b6: {  	v2 =	vbroadcast v2, $0xC;
	_ =	sdelay $0x1  }
0x2b7: {  	v2 =	vmul.f32 v2, v3;
	_ =	sdelay $0x1  }
0x2b8: {  	[tilespmem:s25+$0x30] =	vst v2  }
0x2b9: {  	v2 =	vld [tilespmem:s26+$0x80]  }
0x2ba: {  	v3 =	vld [tilespmem:s28+$0xA480]  }
0x2bb: {  	v53 =	vld [tilespmem:s26+$0x90]  }
0x2bc: {  	v54 =	vld [tilespmem:s28+$0xA490]  }
0x2bd: {  	v55 =	vld [tilespmem:s26+$0xA0]  }
0x2be: {  	v56 =	vld [tilespmem:s28+$0xA4A0]  }
0x2bf: {  	v57 =	vld [tilespmem:s26+$0xB0]  }
0x2c0: {  	v58 =	vld [tilespmem:s28+$0xA4B0];
	_ =	sdelay $0x1  }
0x2c1: {  	v2 =	vmul.f32 v3, v2  }
0x2c2: {  	v3 =	vmul.f32 v54, v53  }
0x2c3: {  	(xrf2) =	vadd.scan.msk.f32 $0xffff, v2;
	v2 =	vmul.f32 v56, v55  }
0x2c4: {  	(xrf2) =	vadd.scan.msk.f32 $0xffff, v3;
	v3 =	vmul.f32 v58, v57  }
0x2c5: {  	(xrf2) =	vadd.scan.msk.f32 $0xffff, v2  }
0x2c6: {  	(xrf2) =	vadd.scan.msk.f32 $0xffff, v3;
	_ =	sdelay $0x6  }
0x2c7: {  	v2, _, _ =	vpop (xrf2)  }
0x2c8: {  	v3, _, _ =	vpop (xrf2)  }
0x2c9: {  	v2 =	vbroadcast v2, $0xF;
	v59, _, _ =	vpop (xrf2);
	v3 =	vbroadcast v3, $0xF  }
0x2ca: {  	v60, _, _ =	vpop (xrf2);
	v4 =	vbroadcast v59, $0xF  }
0x2cb: {  	v2 =	vsel vm0, v2, v3;
	v3 =	vbroadcast v60, $0xF  }
0x2cc: {  	v2 =	vsel vm1, v2, v4  }
0x2cd: {  	v2 =	vsel vm2, v2, v3  }
0x2ce: {  	v2 =	vmax.f32 v2, $-5.000000000e+00  }
0x2cf: {  	v2 =	vmin.f32 v2, $5.000000000e+00  }
0x2d0: {  	v2 =	vmul.f32 $1.442695020e+00, v2;
	_ =	sdelay $0x1  }
0x2d1: {  	(erf) = vpow2.f32 v2;
	_ =	sdelay $0x8  }
0x2d2: {  	v2 =	vpop (erf)  }
0x2d3: {  	[tilespmem:s25+$0x90] =	vst v2  }
0x2d4: {  	v3 =	vld [tilespmem:s26+$0xC0];
	_ =	sdelay $0x2  }
0x2d5: {  	v61 =	vbroadcast v2, $0x0;
	_ =	sdelay $0x1  }
0x2d6: {  	v3 =	vmul.f32 v61, v3;
	_ =	sdelay $0x1  }
0x2d7: {  	[tilespmem:s25+$0x50] =	vst v3  }
0x2d8: {  	v3 =	vld [tilespmem:s26+$0xD0];
	_ =	sdelay $0x2  }
0x2d9: {  	v62 =	vbroadcast v2, $0x4;
	_ =	sdelay $0x1  }
0x2da: {  	v3 =	vmul.f32 v62, v3;
	_ =	sdelay $0x1  }
0x2db: {  	[tilespmem:s25+$0x60] =	vst v3  }
0x2dc: {  	v3 =	vld [tilespmem:s26+$0xE0];
	_ =	sdelay $0x2  }
0x2dd: {  	v63 =	vbroadcast v2, $0x8;
	_ =	sdelay $0x1  }
0x2de: {  	v3 =	vmul.f32 v63, v3;
	_ =	sdelay $0x1  }
0x2df: {  	[tilespmem:s25+$0x70] =	vst v3  }
0x2e0: {  	v3 =	vld [tilespmem:s26+$0xF0];
	_ =	sdelay $0x1  }
0x2e1: {  	p0 =	sne.s32 s24, $0x4FC0  }
.Ltmp3:
0x2e2: {  	v2 =	vbroadcast v2, $0xC;
	(pc) =	sbr.rel @p0 .LBB2_9-.Ltmp3, $3  }
0x2e3: {  	_ = 	snop  }
0x2e4: {  	v2 =	vmul.f32 v2, v3;
	_ =	sdelay $0x1  }
0x2e5: {  	s24 =	sadd.s32 $0x400, s24;
	s26 =	sadd.s32 $0x200, s26;
	[tilespmem:s25+$0x80] =	vst v2;
	s25 =	sadd.s32 $0x140, s25  }
0x2e6: {  	p0 =	seq.s32 s15, $0x52  }
.Ltmp4:
0x2e7: {  	_ = 	snop;
	(pc) =	sbr.rel @p0 .LBB2_12-.Ltmp4, $2  }
0x2e8: {  	_ =	sdelay $0x2  }
0x2e9: {  	[spmem:s2] =	stream.indirect.scatter.add.f32 [tilespmem:s13], [sflag:$0x6], $0x50, s12, s3, $0xb8;
	[tilespmem:$0x1E4B0] =	vst v63  }
0x2ea: {  	_ =	swait.ge [sflag:s14], $0x1900;
	s16 =	sadd.s32 s16, s23  }
0x2eb: {  	[sflag:s14] =	ssyncset.done $0x0;
	s16 =	sshrl.u32 s16, $0x3  }
0x2ec: {  	s24 =	simm.s32 $0xA0;
	[sflag:s14] =	ssyncadd.s32 $0xFFFFE700;
	s16 =	sadd.s32 s6, s16  }
0x2ed: {  	[tilespmem:s24], [sflag:$0x7] =	stream.strided.gather [hbm4b:s16+s3], $0xA0, s8, s3, $0x38;
	[tilespmem:$0x1E4B0] =	vst v63  }
0x2ee: {  	_ =	swait.ge [sflag:s0], $0xA0  }
0x2ef: {  	[sflag:s0] =	ssyncset.done $0x0  }
0x2f0: {  	[sflag:s0] =	ssyncadd.s32 $0xFFFFFF60  }
0x2f1: {  	v2 =	vld [tilespmem:$0xA0]  }
0x2f2: {  	v3 =	vld [tilespmem:$0xF0]  }
0x2f3: {  	v5 =	vld [tilespmem:$0x100];
	_ =	sdelay $0x1  }
0x2f4: {  	v4 =	vld [tilespmem:$0xB0]  }
0x2f5: {  	v63 =	vld [tilespmem:$0x130]  }
0x2f6: {  	[tilespmem:$0x230] =	vst v3  }
0x2f7: {  	v6 =	vld [tilespmem:$0xC0];
	v2 =	vadd.s32 v0, v2;
	[tilespmem:$0x240] =	vst v5  }
0x2f8: {  	[tilespmem:$0x320] =	vst v2;
	v2 =	vadd.s32 v0, v3  }
0x2f9: {  	[tilespmem:$0x410] =	vst v2;
	v2 =	vld [tilespmem:$0x110]  }
0x2fa: {  	v59 =	vld [tilespmem:$0xD0];
	[tilespmem:$0x270] =	vst v63;
	v3 =	vadd.s32 v0, v4  }
0x2fb: {  	[tilespmem:$0x330] =	vst v3;
	v3 =	vadd.s32 v0, v5  }
0x2fc: {  	v60 =	vadd.s32 v0, v6;
	[tilespmem:$0x420] =	vst v3;
	v3 =	vld [tilespmem:$0x120]  }
0x2fd: {  	v62 =	vld [tilespmem:$0xE0];
	[tilespmem:$0x340] =	vst v60  }
0x2fe: {  	v61 =	vadd.s32 v0, v2;
	[tilespmem:$0x250] =	vst v2  }
0x2ff: {  	v2 =	vadd.s32 v0, v59;
	[tilespmem:$0x430] =	vst v61  }
0x300: {  	[tilespmem:$0x350] =	vst v2  }
0x301: {  	v2 =	vadd.s32 v0, v3;
	[tilespmem:$0x260] =	vst v3  }
0x302: {  	[tilespmem:$0x440] =	vst v2;
	v2 =	vadd.s32 v0, v62  }
.Ltmp5:
0x303: {  	[tilespmem:$0x360] =	vst v2;
	v2 =	vadd.s32 v0, v63;
	(pc) =	sbr.rel .LBB2_4-.Ltmp5, $4  }
0x304: {  	s25 =	simm.s32 $0x2CB0;
	s24 =	simm.s32 $0x320;
	[tilespmem:$0x450] =	vst v2  }
0x305: {  	[tilespmem:s25], [sflag:$0x2] =	stream.indirect.gather [hbm4b:s5+s3], $0x80, s24, s3, $0xb8;
	[tilespmem:$0x1E4B0] =	vst v63  }
0x306: {  	s26 =	simm.s32 $0x410;
	s28 =	simm.s32 $0x90B0;
	s15 =	sadd.s32 $0x1, s15  }
0x307: {  	[tilespmem:s28], [sflag:$0x2] =	stream.indirect.gather [hbm4b:s1+s3], $0x40, s26, s3, $0xb8;
	[tilespmem:$0x1E4B0] =	vst v63  }
.LBB2_12:
0x308: {  	_ =	swait.ge [sflag:s17], $0x2800  }
0x309: {  	[sflag:s17] =	ssyncset.done $0x0  }
0x30a: {  	[sflag:s17] =	ssyncadd.s32 $0xFFFFD800  }
0x30b: {  	_ =	swait.ge [sflag:s17], $0x1400  }
0x30c: {  	s15 =	simm.s32 $0x3C0;
	[sflag:s17] =	ssyncset.done $0x0  }
0x30d: {  	s16 =	simm.s32 $0xB950;
	s24 =	simm.s32 $0x5B0;
	[sflag:s17] =	ssyncadd.s32 $0xFFFFEC00  }
.LBB2_13:
0x30e: {  	v2 =	vld [tilespmem:s24+$0xFFFFFF00]  }
0x30f: {  	v4 =	vld [tilespmem:s24+$0xFFFFFF10]  }
0x310: {  	v6 =	vld [tilespmem:s24+$0xFFFFFF20]  }
0x311: {  	s25 =	sshra.s32 s15, $0x2;
	v8 =	vld [tilespmem:s24+$0xFFFFFF30]  }
0x312: {  	v3 =	vld [tilespmem:s25+$0x7BC0]  }
0x313: {  	v5 =	vld [tilespmem:s25+$0x7BD0]  }
0x314: {  	v7 =	vld [tilespmem:s25+$0x7BE0]  }
0x315: {  	v9 =	vld [tilespmem:s25+$0x7BF0];
	_ =	sdelay $0x1  }
0x316: {  	v2 =	vmul.f32 v3, v2  }
0x317: {  	v3 =	vmul.f32 v5, v4  }
0x318: {  	(xrf2) =	vadd.scan.msk.f32 $0xffff, v2;
	v2 =	vmul.f32 v7, v6  }
0x319: {  	(xrf2) =	vadd.scan.msk.f32 $0xffff, v3;
	v3 =	vmul.f32 v9, v8  }
0x31a: {  	(xrf2) =	vadd.scan.msk.f32 $0xffff, v2  }
0x31b: {  	(xrf2) =	vadd.scan.msk.f32 $0xffff, v3;
	_ =	sdelay $0x6  }
0x31c: {  	v2, _, _ =	vpop (xrf2)  }
0x31d: {  	v3, _, _ =	vpop (xrf2)  }
0x31e: {  	v2 =	vbroadcast v2, $0xF;
	v26, _, _ =	vpop (xrf2);
	v3 =	vbroadcast v3, $0xF  }
0x31f: {  	v27, _, _ =	vpop (xrf2);
	v4 =	vbroadcast v26, $0xF  }
0x320: {  	v2 =	vsel vm0, v2, v3;
	v3 =	vbroadcast v27, $0xF  }
0x321: {  	v2 =	vsel vm1, v2, v4  }
0x322: {  	v2 =	vsel vm2, v2, v3  }
0x323: {  	v2 =	vmax.f32 v2, $-5.000000000e+00  }
0x324: {  	v2 =	vmin.f32 v2, $5.000000000e+00  }
0x325: {  	v2 =	vmul.f32 $1.442695020e+00, v2;
	_ =	sdelay $0x1  }
0x326: {  	(erf) = vpow2.f32 v2;
	_ =	sdelay $0x8  }
0x327: {  	v2 =	vpop (erf)  }
0x328: {  	[tilespmem:s16+$0xFFFFFFA0] =	vst v2  }
0x329: {  	v3 =	vld [tilespmem:s24+$0xFFFFFF40];
	_ =	sdelay $0x2  }
0x32a: {  	v28 =	vbroadcast v2, $0x0;
	_ =	sdelay $0x1  }
0x32b: {  	v3 =	vmul.f32 v28, v3;
	_ =	sdelay $0x1  }
0x32c: {  	[tilespmem:s16+$0xFFFFFF60] =	vst v3  }
0x32d: {  	v3 =	vld [tilespmem:s24+$0xFFFFFF50];
	_ =	sdelay $0x2  }
0x32e: {  	v29 =	vbroadcast v2, $0x4;
	_ =	sdelay $0x1  }
0x32f: {  	v3 =	vmul.f32 v29, v3;
	_ =	sdelay $0x1  }
0x330: {  	[tilespmem:s16+$0xFFFFFF70] =	vst v3  }
0x331: {  	v3 =	vld [tilespmem:s24+$0xFFFFFF60];
	_ =	sdelay $0x2  }
0x332: {  	v30 =	vbroadcast v2, $0x8;
	_ =	sdelay $0x1  }
0x333: {  	v3 =	vmul.f32 v30, v3;
	_ =	sdelay $0x1  }
0x334: {  	[tilespmem:s16+$0xFFFFFF80] =	vst v3  }
0x335: {  	v3 =	vld [tilespmem:s24+$0xFFFFFF70];
	_ =	sdelay $0x2  }
0x336: {  	v2 =	vbroadcast v2, $0xC;
	_ =	sdelay $0x1  }
0x337: {  	v2 =	vmul.f32 v2, v3;
	_ =	sdelay $0x1  }
0x338: {  	[tilespmem:s16+$0xFFFFFF90] =	vst v2  }
0x339: {  	v2 =	vld [tilespmem:s24+$0xFFFFFF80]  }
0x33a: {  	v3 =	vld [tilespmem:s25+$0x7C00]  }
0x33b: {  	v31 =	vld [tilespmem:s24+$0xFFFFFF90]  }
0x33c: {  	v32 =	vld [tilespmem:s25+$0x7C10]  }
0x33d: {  	v33 =	vld [tilespmem:s24+$0xFFFFFFA0]  }
0x33e: {  	v34 =	vld [tilespmem:s25+$0x7C20]  }
0x33f: {  	v35 =	vld [tilespmem:s24+$0xFFFFFFB0]  }
0x340: {  	v36 =	vld [tilespmem:s25+$0x7C30];
	_ =	sdelay $0x1  }
0x341: {  	v2 =	vmul.f32 v3, v2  }
0x342: {  	v3 =	vmul.f32 v32, v31  }
0x343: {  	(xrf2) =	vadd.scan.msk.f32 $0xffff, v2;
	v2 =	vmul.f32 v34, v33  }
0x344: {  	(xrf2) =	vadd.scan.msk.f32 $0xffff, v3;
	v3 =	vmul.f32 v36, v35  }
0x345: {  	(xrf2) =	vadd.scan.msk.f32 $0xffff, v2  }
0x346: {  	(xrf2) =	vadd.scan.msk.f32 $0xffff, v3;
	_ =	sdelay $0x6  }
0x347: {  	v2, _, _ =	vpop (xrf2)  }
0x348: {  	v3, _, _ =	vpop (xrf2)  }
0x349: {  	v2 =	vbroadcast v2, $0xF;
	v37, _, _ =	vpop (xrf2);
	v3 =	vbroadcast v3, $0xF  }
0x34a: {  	v38, _, _ =	vpop (xrf2);
	v4 =	vbroadcast v37, $0xF  }
0x34b: {  	v2 =	vsel vm0, v2, v3;
	v3 =	vbroadcast v38, $0xF  }
0x34c: {  	v2 =	vsel vm1, v2, v4  }
0x34d: {  	v2 =	vsel vm2, v2, v3  }
0x34e: {  	v2 =	vmax.f32 v2, $-5.000000000e+00  }
0x34f: {  	v2 =	vmin.f32 v2, $5.000000000e+00  }
0x350: {  	v2 =	vmul.f32 $1.442695020e+00, v2;
	_ =	sdelay $0x1  }
0x351: {  	(erf) = vpow2.f32 v2;
	_ =	sdelay $0x8  }
0x352: {  	v2 =	vpop (erf)  }
0x353: {  	[tilespmem:s16+$0xFFFFFFF0] =	vst v2  }
0x354: {  	v3 =	vld [tilespmem:s24+$0xFFFFFFC0];
	_ =	sdelay $0x2  }
0x355: {  	v39 =	vbroadcast v2, $0x0;
	_ =	sdelay $0x1  }
0x356: {  	v3 =	vmul.f32 v39, v3;
	_ =	sdelay $0x1  }
0x357: {  	[tilespmem:s16+$0xFFFFFFB0] =	vst v3  }
0x358: {  	v3 =	vld [tilespmem:s24+$0xFFFFFFD0];
	_ =	sdelay $0x2  }
0x359: {  	v40 =	vbroadcast v2, $0x4;
	_ =	sdelay $0x1  }
0x35a: {  	v3 =	vmul.f32 v40, v3;
	_ =	sdelay $0x1  }
0x35b: {  	[tilespmem:s16+$0xFFFFFFC0] =	vst v3  }
0x35c: {  	v3 =	vld [tilespmem:s24+$0xFFFFFFE0];
	_ =	sdelay $0x2  }
0x35d: {  	v41 =	vbroadcast v2, $0x8;
	_ =	sdelay $0x1  }
0x35e: {  	v3 =	vmul.f32 v41, v3;
	_ =	sdelay $0x1  }
0x35f: {  	[tilespmem:s16+$0xFFFFFFD0] =	vst v3  }
0x360: {  	v3 =	vld [tilespmem:s24+$0xFFFFFFF0];
	_ =	sdelay $0x2  }
0x361: {  	v2 =	vbroadcast v2, $0xC;
	_ =	sdelay $0x1  }
0x362: {  	v2 =	vmul.f32 v2, v3;
	_ =	sdelay $0x1  }
0x363: {  	[tilespmem:s16+$0xFFFFFFE0] =	vst v2  }
0x364: {  	v2 =	vld [tilespmem:s24+$0x0]  }
0x365: {  	v3 =	vld [tilespmem:s25+$0x7C40]  }
0x366: {  	v42 =	vld [tilespmem:s24+$0x10]  }
0x367: {  	v43 =	vld [tilespmem:s25+$0x7C50]  }
0x368: {  	v44 =	vld [tilespmem:s24+$0x20]  }
0x369: {  	v45 =	vld [tilespmem:s25+$0x7C60]  }
0x36a: {  	v46 =	vld [tilespmem:s24+$0x30]  }
0x36b: {  	v47 =	vld [tilespmem:s25+$0x7C70];
	_ =	sdelay $0x1  }
0x36c: {  	v2 =	vmul.f32 v3, v2  }
0x36d: {  	v3 =	vmul.f32 v43, v42  }
0x36e: {  	(xrf2) =	vadd.scan.msk.f32 $0xffff, v2;
	v2 =	vmul.f32 v45, v44  }
0x36f: {  	(xrf2) =	vadd.scan.msk.f32 $0xffff, v3;
	v3 =	vmul.f32 v47, v46  }
0x370: {  	(xrf2) =	vadd.scan.msk.f32 $0xffff, v2  }
0x371: {  	(xrf2) =	vadd.scan.msk.f32 $0xffff, v3;
	_ =	sdelay $0x6  }
0x372: {  	v2, _, _ =	vpop (xrf2)  }
0x373: {  	v3, _, _ =	vpop (xrf2)  }
0x374: {  	v2 =	vbroadcast v2, $0xF;
	v48, _, _ =	vpop (xrf2);
	v3 =	vbroadcast v3, $0xF  }
0x375: {  	v49, _, _ =	vpop (xrf2);
	v4 =	vbroadcast v48, $0xF  }
0x376: {  	v2 =	vsel vm0, v2, v3;
	v3 =	vbroadcast v49, $0xF  }
0x377: {  	v2 =	vsel vm1, v2, v4  }
0x378: {  	v2 =	vsel vm2, v2, v3  }
0x379: {  	v2 =	vmax.f32 v2, $-5.000000000e+00  }
0x37a: {  	v2 =	vmin.f32 v2, $5.000000000e+00  }
0x37b: {  	v2 =	vmul.f32 $1.442695020e+00, v2;
	_ =	sdelay $0x1  }
0x37c: {  	(erf) = vpow2.f32 v2;
	_ =	sdelay $0x8  }
0x37d: {  	v2 =	vpop (erf)  }
0x37e: {  	[tilespmem:s16+$0x40] =	vst v2  }
0x37f: {  	v3 =	vld [tilespmem:s24+$0x40];
	_ =	sdelay $0x2  }
0x380: {  	v50 =	vbroadcast v2, $0x0;
	_ =	sdelay $0x1  }
0x381: {  	v3 =	vmul.f32 v50, v3;
	_ =	sdelay $0x1  }
0x382: {  	[tilespmem:s16+$0x0] =	vst v3  }
0x383: {  	v3 =	vld [tilespmem:s24+$0x50];
	_ =	sdelay $0x2  }
0x384: {  	v51 =	vbroadcast v2, $0x4;
	_ =	sdelay $0x1  }
0x385: {  	v3 =	vmul.f32 v51, v3;
	_ =	sdelay $0x1  }
0x386: {  	[tilespmem:s16+$0x10] =	vst v3  }
0x387: {  	v3 =	vld [tilespmem:s24+$0x60];
	_ =	sdelay $0x2  }
0x388: {  	v52 =	vbroadcast v2, $0x8;
	_ =	sdelay $0x1  }
0x389: {  	v3 =	vmul.f32 v52, v3;
	_ =	sdelay $0x1  }
0x38a: {  	[tilespmem:s16+$0x20] =	vst v3  }
0x38b: {  	v3 =	vld [tilespmem:s24+$0x70];
	_ =	sdelay $0x2  }
0x38c: {  	v2 =	vbroadcast v2, $0xC;
	_ =	sdelay $0x1  }
0x38d: {  	v2 =	vmul.f32 v2, v3;
	_ =	sdelay $0x1  }
0x38e: {  	[tilespmem:s16+$0x30] =	vst v2  }
0x38f: {  	v2 =	vld [tilespmem:s24+$0x80]  }
0x390: {  	v3 =	vld [tilespmem:s25+$0x7C80]  }
0x391: {  	v53 =	vld [tilespmem:s24+$0x90]  }
0x392: {  	v54 =	vld [tilespmem:s25+$0x7C90]  }
0x393: {  	v55 =	vld [tilespmem:s24+$0xA0]  }
0x394: {  	v56 =	vld [tilespmem:s25+$0x7CA0]  }
0x395: {  	v57 =	vld [tilespmem:s24+$0xB0]  }
0x396: {  	v58 =	vld [tilespmem:s25+$0x7CB0];
	_ =	sdelay $0x1  }
0x397: {  	v2 =	vmul.f32 v3, v2  }
0x398: {  	v3 =	vmul.f32 v54, v53  }
0x399: {  	(xrf2) =	vadd.scan.msk.f32 $0xffff, v2;
	v2 =	vmul.f32 v56, v55  }
0x39a: {  	(xrf2) =	vadd.scan.msk.f32 $0xffff, v3;
	v3 =	vmul.f32 v58, v57  }
0x39b: {  	(xrf2) =	vadd.scan.msk.f32 $0xffff, v2  }
0x39c: {  	(xrf2) =	vadd.scan.msk.f32 $0xffff, v3;
	_ =	sdelay $0x6  }
0x39d: {  	v2, _, _ =	vpop (xrf2)  }
0x39e: {  	v3, _, _ =	vpop (xrf2)  }
0x39f: {  	v2 =	vbroadcast v2, $0xF;
	v59, _, _ =	vpop (xrf2);
	v3 =	vbroadcast v3, $0xF  }
0x3a0: {  	v60, _, _ =	vpop (xrf2);
	v4 =	vbroadcast v59, $0xF  }
0x3a1: {  	v2 =	vsel vm0, v2, v3;
	v3 =	vbroadcast v60, $0xF  }
0x3a2: {  	v2 =	vsel vm1, v2, v4  }
0x3a3: {  	v2 =	vsel vm2, v2, v3  }
0x3a4: {  	v2 =	vmax.f32 v2, $-5.000000000e+00  }
0x3a5: {  	v2 =	vmin.f32 v2, $5.000000000e+00  }
0x3a6: {  	v2 =	vmul.f32 $1.442695020e+00, v2;
	_ =	sdelay $0x1  }
0x3a7: {  	(erf) = vpow2.f32 v2;
	_ =	sdelay $0x8  }
0x3a8: {  	v2 =	vpop (erf)  }
0x3a9: {  	[tilespmem:s16+$0x90] =	vst v2  }
0x3aa: {  	v3 =	vld [tilespmem:s24+$0xC0];
	_ =	sdelay $0x2  }
0x3ab: {  	v61 =	vbroadcast v2, $0x0;
	_ =	sdelay $0x1  }
0x3ac: {  	v3 =	vmul.f32 v61, v3;
	_ =	sdelay $0x1  }
0x3ad: {  	[tilespmem:s16+$0x50] =	vst v3  }
0x3ae: {  	v3 =	vld [tilespmem:s24+$0xD0];
	_ =	sdelay $0x2  }
0x3af: {  	v62 =	vbroadcast v2, $0x4;
	_ =	sdelay $0x1  }
0x3b0: {  	v3 =	vmul.f32 v62, v3;
	_ =	sdelay $0x1  }
0x3b1: {  	[tilespmem:s16+$0x60] =	vst v3  }
0x3b2: {  	v3 =	vld [tilespmem:s24+$0xE0];
	_ =	sdelay $0x2  }
0x3b3: {  	v63 =	vbroadcast v2, $0x8;
	_ =	sdelay $0x1  }
0x3b4: {  	v3 =	vmul.f32 v63, v3;
	_ =	sdelay $0x1  }
0x3b5: {  	[tilespmem:s16+$0x70] =	vst v3  }
0x3b6: {  	v3 =	vld [tilespmem:s24+$0xF0];
	_ =	sdelay $0x1  }
0x3b7: {  	p0 =	sne.s32 s15, $0x4FC0  }
.Ltmp6:
0x3b8: {  	v2 =	vbroadcast v2, $0xC;
	(pc) =	sbr.rel @p0 .LBB2_13-.Ltmp6, $3  }
0x3b9: {  	_ = 	snop  }
0x3ba: {  	v2 =	vmul.f32 v2, v3;
	_ =	sdelay $0x1  }
0x3bb: {  	s15 =	sadd.s32 $0x400, s15;
	s24 =	sadd.s32 $0x200, s24;
	[tilespmem:s16+$0x80] =	vst v2;
	s16 =	sadd.s32 $0x140, s16  }
0x3bc: {  	[spmem:s2] =	stream.indirect.scatter.add.f32 [tilespmem:s19], [sflag:$0x4], $0x50, s18, s3, $0xb8;
	[tilespmem:$0x1E4B0] =	vst v63  }
0x3bd: {  	_ =	swait.ge [sflag:s31], $0x1900  }
0x3be: {  	[sflag:s31] =	ssyncset.done $0x0  }
0x3bf: {  	[sflag:s31] =	ssyncadd.s32 $0xFFFFE700  }
0x3c0: {  	_ =	swait.ge [sflag:s14], $0x1900  }
0x3c1: {  	[sflag:s14] =	ssyncset.done $0x0  }
0x3c2: {  	s15 =	simm.s32 $0x6;
	[sflag:s14] =	ssyncadd.s32 $0xFFFFE700  }
0x3c3: {  	_ =	swait.ge [sflag:s15], $0x1900  }
0x3c4: {  	[sflag:s15] =	ssyncset.done $0x0  }
0x3c5: {  	[sflag:s15] =	ssyncadd.s32 $0xFFFFE700  }
0x3c6: {  	s25 =	stileid.u32;
	[bflag:$0x0] =	sbarrier.arrive $0xFFFF  }
0x3c7: {  	s15 =	sshll.u32 s25, $0x6;
	s25 =	rddreg [dreg:$0x4]  }
0x3c8: {  	s15 =	sor.u32 $0x1C07, s15;
	s24 =	rddreg [dreg:$0x9];
	s16 =	sshrl.u32 s25, $0x3  }
0x3c9: {  	[hbm:s24], [sflag:s15] =	dma.local [spmem:s16], $0x500  }
0x3ca: {  	_ =	swait.ge [sflag:s0], $0x500  }
0x3cb: {  	[sflag:s0] =	ssyncset.done $0x0;
	s26 =	rddreg [dreg:$0xa]  }
0x3cc: {  	s28 =	rddreg [dreg:$0x13];
	[sflag:s0] =	ssyncadd.s32 $0xFFFFFB00  }
0x3cd: {  	[hbm:s26], [sflag:s15] =	dma.local [spmem:s28], $0x500  }
0x3ce: {  	_ =	swait.ge [sflag:s0], $0x500  }
0x3cf: {  	[sflag:s0] =	ssyncset.done $0x0;
	s26 =	rddreg [dreg:$0xb]  }
0x3d0: {  	s28 =	rddreg [dreg:$0x14];
	[sflag:s0] =	ssyncadd.s32 $0xFFFFFB00  }
0x3d1: {  	[hbm:s26], [sflag:s15] =	dma.local [spmem:s28], $0x500  }
0x3d2: {  	_ =	swait.ge [sflag:s0], $0x500  }
0x3d3: {  	[sflag:s0] =	ssyncset.done $0x0;
	s26 =	rddreg [dreg:$0xc]  }
0x3d4: {  	s28 =	rddreg [dreg:$0x15];
	[sflag:s0] =	ssyncadd.s32 $0xFFFFFB00  }
0x3d5: {  	[hbm:s26], [sflag:s15] =	dma.local [spmem:s28], $0x500  }
0x3d6: {  	_ =	swait.ge [sflag:s0], $0x500  }
0x3d7: {  	[sflag:s0] =	ssyncset.done $0x0;
	s26 =	rddreg [dreg:$0xd]  }
0x3d8: {  	s28 =	rddreg [dreg:$0x16];
	[sflag:s0] =	ssyncadd.s32 $0xFFFFFB00  }
0x3d9: {  	[hbm:s26], [sflag:s15] =	dma.local [spmem:s28], $0x500  }
0x3da: {  	_ =	swait.ge [sflag:s0], $0x500  }
0x3db: {  	s26 =	rddreg [dreg:$0x18]  }
0x3dc: {  	s28 =	rddreg [dreg:$0x12];
	s16 =	sadd.s32 $0x1, s26  }
0x3dd: {  	p0 =	sne.s32 s16, s28  }
.Ltmp7:
0x3de: {  	_ = 	snop;
	(pc) =	sbr.rel @p0 .LBB2_1-.Ltmp7, $3  }
0x3df: {  	_ =	sdelay $0x1  }
0x3e0: {  	[sflag:s0] =	ssyncset.done $0x0  }
0x3e1: {  	[sflag:s0] =	ssyncadd.s32 $0xFFFFFB00  }
0x3e2: {  	_ =	sfence.sel $0x180000  }
0x3e3: {  	[bflag:$0x0] =	sbarrier.arrive $0xFFFF  }
0x3e4: {  	_ =	strace $0x90000047  }
0x3e5: {  	s0 =	stileid.u32;
	[bflag:$0x2] =	sbarrier.arrive $0xFFFF  }
0x3e6: {  	p0 =	sne.s32 s0, $0x0;
	s0 =	rddreg [dreg:$0x3]  }
0x3e7: {  	s0 =	sadd.s32 @!p0 $0x100000, s0  }
0x3e8: {  	[sflag:s0] =	ssyncadd.tile.s32 @!p0 $0x1;
	_ =	shalt  }
.Lfunc_end2:
_tile_overlayer_lowered:
.L_overlay_start_2:
0x3e9: {  	(tag) =	ssettag $0x2  }
0x3ea: {  	s0 =	rddreg [dreg:$0x0];
	s2 =	stileid.u32  }
0x3eb: {  	s1 =	rddreg [dreg:$0x1];
	p0 =	sne.s32 s2, $0x0  }
0x3ec: {  	s3 =	rddreg [dreg:$0x2];
	[bflag:$0x3] =	sbarrier.arrive $0xFFFF;
	s2 =	simm.s32 @!p0 $0x1C07  }
0x3ed: {  	[timem:s3], [sflag:s2] =	dma.local @!p0 [hbm:s0], s1  }
0x3ee: {  	s0 =	simm.s32 @!p0 $0x7  }
0x3ef: {  	_ =	swait.ge @!p0 [sflag:s0], s1  }
0x3f0: {  	s1 =	ssub.s32 @!p0 $0x0, s1;
	[sflag:s0] =	ssyncset.done @!p0 $0x0  }
0x3f1: {  	[sflag:s0] =	ssyncadd.s32 @!p0 s1  }
0x3f2: {  	[bflag:$0x3] =	sbarrier.arrive $0xFFFF  }
0x3f3: {  	_ =	shalt  }

</sc_bundles>
